<compile_context>
chip_gen: v7x
topology: tpu7x:2x2x1
jax: 0.10.2.dev20260603
libtpu: 0.0.44.dev20260713+nightly
codegen_flags: <defaults>
</compile_context>

<pallas_src>
import functools

import jax
import jax.numpy as jnp
from jax import lax
from jax.experimental import pallas as pl
from jax.experimental.pallas import tpu as pltpu
from jax.experimental.pallas import tpu_sc as plsc

H = W = 48
P = H * W
B = 16
R = B * P
C = 64
PAD = 64
_EB = 2



def _enc_body(x_ref, w1_ref, b1_ref, w2_ref, b2_ref, w3_ref, b3_ref,
              out_ref, lrp_ref, p1_ref, p0_ref):
    col = lax.broadcasted_iota(jnp.int32, (P, 1), 0) % W
    mask_l = (col >= 1).astype(jnp.float32)
    mask_r = (col <= W - 2).astype(jnp.float32)

    def conv1(p_ref, w_ref, bias):
        acc = jnp.zeros((P, C), jnp.float32)
        for dx in (-1, 0, 1):
            s = jnp.zeros((P, C), jnp.float32)
            for dy in (-1, 0, 1):
                t = (dy + 1) * 3 + (dx + 1)
                sl = p_ref[pl.ds(PAD + dy * W + dx, P), :]
                s = s + jnp.dot(sl, w_ref[t], preferred_element_type=jnp.float32)
            if dx == -1:
                s = s * mask_l
            elif dx == 1:
                s = s * mask_r
            acc = acc + s
        return acc + bias

    def conv_big(w_ref, bias):
        acc = jnp.zeros((P, C), jnp.float32)
        for dx in (-1, 0, 1):
            s = jnp.zeros((P, C), jnp.float32)
            for dy in (-1, 0, 1):
                t = (dy + 1) * 3 + (dx + 1)
                sl = p0_ref[pl.ds(PAD + dy * W + dx, P), :].astype(jnp.bfloat16)
                wt = w_ref[t].astype(jnp.bfloat16)
                s = s + jnp.dot(sl, wt, preferred_element_type=jnp.float32)
            if dx == -1:
                s = s * mask_l
            elif dx == 1:
                s = s * mask_r
            acc = acc + s
        return acc + bias

    p0_ref[pl.ds(0, PAD), :] = jnp.zeros((PAD, C), jnp.float32)
    p0_ref[pl.ds(P + PAD, PAD), :] = jnp.zeros((PAD, C), jnp.float32)
    p1_ref[...] = jnp.zeros_like(p1_ref)

    for bi in range(_EB):
        rows = jnp.transpose(x_ref[bi].reshape(3, P), (1, 0))
        lrp_ref[bi] = jnp.pad(rows, ((0, 0), (0, 5)))
        p1_ref[pl.ds(PAD, P), :] = rows
        x = jnp.maximum(conv1(p1_ref, w1_ref, b1_ref[...]), 0.0)

        p0_ref[pl.ds(PAD, P), :] = x
        y = jnp.maximum(conv_big(w2_ref, b2_ref[...]), 0.0)

        p0_ref[pl.ds(PAD, P), :] = y
        y = conv_big(w3_ref, b3_ref[...])

        out_ref[bi] = x + y


def _encoder(lr, w1, b1, w2, b2, w3, b3):
    full = lambda s: pl.BlockSpec(s, lambda b: (0,) * len(s))
    return pl.pallas_call(
        _enc_body,
        grid=(B // _EB,),
        in_specs=[
            pl.BlockSpec((_EB, 3, H, W), lambda b: (b, 0, 0, 0)),
            full((9, 3, C)), full((1, C)),
            full((9, C, C)), full((1, C)),
            full((9, C, C)), full((1, C)),
        ],
        out_specs=[
            pl.BlockSpec((_EB, P, C), lambda b: (b, 0, 0)),
            pl.BlockSpec((_EB, P, 8), lambda b: (b, 0, 0)),
        ],
        out_shape=[
            jax.ShapeDtypeStruct((B, P, C), jnp.float32),
            jax.ShapeDtypeStruct((B, P, 8), jnp.float32),
        ],
        scratch_shapes=[
            pltpu.VMEM((P + 2 * PAD, 3), jnp.float32),
            pltpu.VMEM((P + 2 * PAD, C), jnp.float32),
        ],
        compiler_params=pltpu.CompilerParams(
            dimension_semantics=("parallel",)),
    )(lr, w1, b1, w2, b2, w3, b3)



_NC = 2
_NS = 16
_NW = _NC * _NS
_RPW = R // _NW
_CHUNK = 128
_NCH = _RPW // _CHUNK


_SC_PARAMS = pltpu.CompilerParams(use_tc_tiling_on_sc=False)


def _sc_gather(feat_flat, lr_pad, idx_all):

    @functools.partial(
        pl.kernel,
        mesh=plsc.VectorSubcoreMesh(core_axis_name="c", subcore_axis_name="s"),
        out_type=[
            jax.ShapeDtypeStruct((R, C), jnp.float32),
            jax.ShapeDtypeStruct((4, R, 8), jnp.float32),
        ],
        scratch_types=[
            pltpu.VMEM((5, _NCH, _CHUNK), jnp.int32),
            pltpu.VMEM((_RPW, C), jnp.float32),
            pltpu.VMEM((4, _RPW, 8), jnp.float32),
            pltpu.SemaphoreType.DMA,
        ],
        compiler_params=_SC_PARAMS,
    )
    def k(feat_hbm, lr_hbm, idxa_hbm, qfeat_hbm, taps_hbm,
          idxa_v, rows_v, tap_v, sem):
        wid = lax.axis_index("s") * _NC + lax.axis_index("c")
        base = wid * _RPW
        for t in range(5):
            pltpu.sync_copy(idxa_hbm.at[t, wid], idxa_v.at[t])
        cps = []
        for j in range(_NCH):
            cps.append(pltpu.async_copy(
                feat_hbm.at[idxa_v.at[0, j]],
                rows_v.at[pl.ds(j * _CHUNK, _CHUNK)], sem))
        for t in range(4):
            for j in range(_NCH):
                cps.append(pltpu.async_copy(
                    lr_hbm.at[idxa_v.at[1 + t, j]],
                    tap_v.at[t, pl.ds(j * _CHUNK, _CHUNK)], sem))
        for cp in cps:
            cp.wait()
        pltpu.sync_copy(rows_v, qfeat_hbm.at[pl.ds(base, _RPW)])
        for t in range(4):
            pltpu.sync_copy(tap_v.at[t], taps_hbm.at[t, pl.ds(base, _RPW)])

    return k(feat_flat, lr_pad, idx_all)



_TILE = 2048


def _mlp_body(qf_ref, ew_ref, taps_ref,
              c1, cb1, c2, cb2, c3, cb3,
              l1, lb1, l2, lb2, l3, lb3,
              h1, hb1, h2, hb2, h3, hb3, h4, hb4, h5, hb5,
              pred_ref, prob_ref):
    qf = qf_ref[...]
    ew = ew_ref[...]
    ex = ew[:, 0:4]
    qfh = qf.astype(jnp.bfloat16)
    exh = ex.astype(jnp.bfloat16)

    def dotf(a, b):
        return jnp.dot(a, b, preferred_element_type=jnp.float32)

    def dot(a, b):
        return jnp.dot(a.astype(jnp.bfloat16), b,
                       preferred_element_type=jnp.float32)

    def doth(a, b, bias):
        h = jnp.dot(a, b, preferred_element_type=jnp.float32)
        return jnp.maximum(h.astype(jnp.bfloat16) + bias.astype(jnp.bfloat16), 0)

    def first(w_ref, bias, lowp):
        if lowp:
            h = (jnp.dot(qfh, w_ref[:C], preferred_element_type=jnp.float32)
                 + jnp.dot(exh, w_ref[C:], preferred_element_type=jnp.float32))
            return jnp.maximum(h.astype(jnp.bfloat16) + bias.astype(jnp.bfloat16), 0)
        h = dotf(qf, w_ref[:C]) + dotf(ex, w_ref[C:])
        return jnp.maximum(h + bias, 0.0)

    hc = first(c1, cb1[...], False)
    hc = jnp.maximum(dotf(hc, c2[...]) + cb2[...], 0.0)
    logits = dotf(hc, c3[...]) + cb3[...]

    hl = first(l1, lb1[...], True)
    hl = doth(hl, l2[...], lb2[...])
    light = dot(hl, l3[...]) + lb3[...]

    hh = first(h1, hb1[...], True)
    hh = doth(hh, h2[...], hb2[...])
    hh = doth(hh, h3[...], hb3[...])
    hh = doth(hh, h4[...], hb4[...])
    heavy = dot(hh, h5[...]) + hb5[...]

    d = logits[:, 1:2] - logits[:, 0:1]
    p1 = 1.0 / (1.0 + jnp.exp(-d))
    p0 = 1.0 - p1
    prob_ref[...] = jnp.concatenate([p0, p1], axis=1)

    res = (ew[:, 4:5] * taps_ref[0, :, 0:3] + ew[:, 5:6] * taps_ref[1, :, 0:3]
           + ew[:, 6:7] * taps_ref[2, :, 0:3] + ew[:, 7:8] * taps_ref[3, :, 0:3])
    pred_ref[...] = p0 * light + p1 * heavy + res


def _mlp(q_feat, ew, taps, cls_p, light_p, heavy_p):
    n = R // _TILE
    full = lambda s: pl.BlockSpec(s, lambda i: (0,) * len(s))
    wspecs = []
    wvals = []
    for p_list, lowp in ((cls_p, False), (light_p, True), (heavy_p, True)):
        for j in range(0, len(p_list), 2):
            wv, bv = p_list[j], p_list[j + 1]
            wvals += [wv.astype(jnp.bfloat16) if lowp else wv,
                      bv.reshape(1, -1)]
            wspecs += [full(wv.shape), full((1, bv.shape[0]))]
    return pl.pallas_call(
        _mlp_body,
        grid=(n,),
        in_specs=[
            pl.BlockSpec((_TILE, C), lambda i: (i, 0)),
            pl.BlockSpec((_TILE, 8), lambda i: (i, 0)),
            pl.BlockSpec((4, _TILE, 8), lambda i: (0, i, 0)),
        ] + wspecs,
        out_specs=[
            pl.BlockSpec((_TILE, 3), lambda i: (i, 0)),
            pl.BlockSpec((_TILE, 2), lambda i: (i, 0)),
        ],
        out_shape=[
            jax.ShapeDtypeStruct((R, 3), jnp.float32),
            jax.ShapeDtypeStruct((R, 2), jnp.float32),
        ],
        compiler_params=pltpu.CompilerParams(
            dimension_semantics=("parallel",)),
    )(q_feat, ew, taps, *wvals)



def kernel(lr, coord, cell, enc_params, cls_params, light_params, heavy_params):
    cy, cx = coord[..., 0], coord[..., 1]
    y = ((cy + 1.0) * H - 1.0) / 2.0
    x = ((cx + 1.0) * W - 1.0) / 2.0
    yi = jnp.clip(jnp.round(y), 0, H - 1).astype(jnp.int32)
    xi = jnp.clip(jnp.round(x), 0, W - 1).astype(jnp.int32)
    bbase = (jnp.arange(B, dtype=jnp.int32) * P)[:, None]

    y0 = jnp.floor(y)
    x0 = jnp.floor(x)
    wy1 = y - y0
    wx1 = x - x0
    y0c = jnp.clip(y0, 0, H - 1).astype(jnp.int32)
    y1c = jnp.clip(y0 + 1.0, 0, H - 1).astype(jnp.int32)
    x0c = jnp.clip(x0, 0, W - 1).astype(jnp.int32)
    x1c = jnp.clip(x0 + 1.0, 0, W - 1).astype(jnp.int32)
    idx_all = jnp.stack([
        bbase + yi * W + xi,
        bbase + y0c * W + x0c, bbase + y0c * W + x1c,
        bbase + y1c * W + x0c, bbase + y1c * W + x1c],
        0).reshape(5, _NW, _NCH, _CHUNK)

    qy = ((yi.astype(jnp.float32) + 0.5) / H) * 2.0 - 1.0
    qx = ((xi.astype(jnp.float32) + 0.5) / W) * 2.0 - 1.0
    ew = jnp.stack([
        (cy - qy) * H, (cx - qx) * W,
        cell[..., 0] * H, cell[..., 1] * W,
        (1 - wy1) * (1 - wx1), (1 - wy1) * wx1,
        wy1 * (1 - wx1), wy1 * wx1], -1).reshape(R, 8)

    w1, b1, w2, b2, w3, b3 = enc_params
    w1r = jnp.transpose(w1, (2, 3, 1, 0)).reshape(9, 3, C)
    w2r = jnp.transpose(w2, (2, 3, 1, 0)).reshape(9, C, C)
    w3r = jnp.transpose(w3, (2, 3, 1, 0)).reshape(9, C, C)
    feat, lr_pad8 = _encoder(lr, w1r, b1.reshape(1, C), w2r, b2.reshape(1, C),
                             w3r, b3.reshape(1, C))
    feat_flat = feat.reshape(R, C)
    lr_pad = lr_pad8.reshape(R, 8)

    q_feat, taps = _sc_gather(feat_flat, lr_pad, idx_all)

    pred_flat, prob_flat = _mlp(q_feat, ew, taps,
                                cls_params, light_params, heavy_params)
    return pred_flat.reshape(B, P, 3), prob_flat.reshape(B, P, 2)

# --- scband reference (transcript-rebuilt; emitter-appended) ---
"""Pipeline reference for scband-pcsr-61100204753040 (READ-ONLY COPY).

The authoritative reference and input builder live on the scoring server;
editing this copy changes nothing except your own understanding.
"""

import jax, jax.numpy as jnp
import numpy as np


def make_coord(H, W):
    ys = ((jnp.arange(H, dtype=jnp.float32) + 0.5) / H) * 2 - 1
    xs = ((jnp.arange(W, dtype=jnp.float32) + 0.5) / W) * 2 - 1
    gy, gx = jnp.meshgrid(ys, xs, indexing='ij')
    return jnp.stack([gy, gx], -1)  # [H, W, 2] in (y, x) order


def conv2d(x, w, b):
    out = jax.lax.conv_general_dilated(x, w, (1, 1), 'SAME', dimension_numbers=('NCHW', 'OIHW', 'NCHW'))
    return out + b[None, :, None, None]


def encoder(lr, p):
    w1, b1, w2, b2, w3, b3 = p
    x = jax.nn.relu(conv2d(lr, w1, b1))
    y = jax.nn.relu(conv2d(x, w2, b2))
    y = conv2d(y, w3, b3)
    return x + y


def grid_sample(img, coord_yx, mode):
    # img: [B, C, H, W]; coord_yx: [B, Q, 2] in (y, x) normalized [-1, 1].
    # Equivalent to torch F.grid_sample(img, coord_yx.flip(-1), padding_mode='border', align_corners=False)
    B, C, H, W = img.shape
    y = ((coord_yx[..., 0] + 1) * H - 1) / 2
    x = ((coord_yx[..., 1] + 1) * W - 1) / 2
    g = jax.vmap(lambda im, a, b_: im[:, a, b_])  # per-batch gather -> [B, C, Q]
    if mode == 'nearest':
        yi = jnp.clip(jnp.round(y), 0, H - 1).astype(jnp.int32)
        xi = jnp.clip(jnp.round(x), 0, W - 1).astype(jnp.int32)
        v = g(img, yi, xi)
        return jnp.transpose(v, (0, 2, 1))
    y0 = jnp.floor(y)
    x0 = jnp.floor(x)
    wy1 = y - y0
    wx1 = x - x0
    y0c = jnp.clip(y0, 0, H - 1).astype(jnp.int32)
    y1c = jnp.clip(y0 + 1, 0, H - 1).astype(jnp.int32)
    x0c = jnp.clip(x0, 0, W - 1).astype(jnp.int32)
    x1c = jnp.clip(x0 + 1, 0, W - 1).astype(jnp.int32)
    v00 = g(img, y0c, x0c)
    v01 = g(img, y0c, x1c)
    v10 = g(img, y1c, x0c)
    v11 = g(img, y1c, x1c)
    wy1e = wy1[:, None, :]
    wx1e = wx1[:, None, :]
    out = (v00 * (1 - wy1e) * (1 - wx1e) + v01 * (1 - wy1e) * wx1e
           + v10 * wy1e * (1 - wx1e) + v11 * wy1e * wx1e)
    return jnp.transpose(out, (0, 2, 1))


def mlp(x, params):
    for i in range(0, len(params) - 2, 2):
        x = jax.nn.relu(x @ params[i] + params[i + 1])
    return x @ params[-2] + params[-1]


def liif_query(feat, coord, cell, params):
    # LIIF-style sampler: nearest feat gather + relative coord + scaled cell -> MLP
    B, C, H, W = feat.shape
    q_feat = grid_sample(feat, coord, 'nearest')  # [B, Q, C]
    fc = make_coord(H, W)
    fc_img = jnp.broadcast_to(jnp.transpose(fc, (2, 0, 1))[None], (B, 2, H, W))
    q_coord = grid_sample(fc_img, coord, 'nearest')
    scale = jnp.array([H, W], dtype=feat.dtype)
    rel_coord = (coord - q_coord) * scale
    rel_cell = cell * scale
    inp = jnp.concatenate([q_feat, rel_coord, rel_cell], -1)
    return mlp(inp, params)


def pcsr_forward_train(lr, coord, cell, enc_params, cls_params, light_params, heavy_params):
    feat = encoder(lr, enc_params)
    prob = jax.nn.softmax(liif_query(feat, coord, cell, cls_params), axis=-1)  # [B, Q, 2]
    pred_heavy = liif_query(feat, coord, cell, heavy_params)  # [B, Q, 3]
    pred_light = liif_query(feat, coord, cell, light_params)  # [B, Q, 3]
    pred = prob[:, :, 0:1] * pred_light + prob[:, :, 1:2] * pred_heavy
    res = grid_sample(lr, coord, 'bilinear')  # residual bilinear upsample, [B, Q, 3]
    pred = pred + res
    return pred, prob


def _mlp_params(key, in_dim, hidden, out_dim):
    dims = [in_dim] + hidden + [out_dim]
    ps = []
    for i in range(len(dims) - 1):
        key, k1 = jax.random.split(key)
        ps.append((jax.random.normal(k1, (dims[i], dims[i + 1]), dtype=jnp.float32) / np.float32(np.sqrt(dims[i]))).astype(jnp.float32))
        ps.append(jnp.zeros((dims[i + 1],), dtype=jnp.float32))
    return ps


def setup_inputs(seed: int = 0) -> dict:
    key = jax.random.key(seed)
    ks = jax.random.split(key, 12)
    B, h, w, Q, C = 16, 48, 48, 2304, 64
    H_hr, W_hr = 192, 192
    lr = jax.random.normal(ks[0], (B, 3, h, w), dtype=jnp.float32)
    coord = jax.random.uniform(ks[1], (B, Q, 2), dtype=jnp.float32, minval=-1.0, maxval=1.0)
    cell = jnp.ones((B, Q, 2), dtype=jnp.float32) * jnp.array([2.0 / H_hr, 2.0 / W_hr], dtype=jnp.float32)
    enc_params = [
        jax.random.normal(ks[2], (C, 3, 3, 3), dtype=jnp.float32) * 0.1,
        jnp.zeros((C,), dtype=jnp.float32),
        jax.random.normal(ks[3], (C, C, 3, 3), dtype=jnp.float32) * np.float32(1.0 / np.sqrt(C * 9)),
        jnp.zeros((C,), dtype=jnp.float32),
        jax.random.normal(ks[4], (C, C, 3, 3), dtype=jnp.float32) * np.float32(1.0 / np.sqrt(C * 9)),
        jnp.zeros((C,), dtype=jnp.float32),
    ]
    in_dim = C + 4  # feat + rel_coord(2) + rel_cell(2)
    cls_params = _mlp_params(ks[5], in_dim, [128, 128], 2)
    light_params = _mlp_params(ks[6], in_dim, [128, 128], 3)
    heavy_params = _mlp_params(ks[7], in_dim, [256, 256, 256, 256], 3)
    return {
        'lr': lr, 'coord': coord, 'cell': cell,
        'enc_params': enc_params, 'cls_params': cls_params,
        'light_params': light_params, 'heavy_params': heavy_params,
    }


def reference(lr, coord, cell, enc_params, cls_params, light_params, heavy_params):
    return pcsr_forward_train(lr, coord, cell, enc_params, cls_params, light_params, heavy_params)

if __name__ == "__main__":
    import jax
    _d = setup_inputs()
    print(jax.jit(kernel)(*tuple(_d.values())))

</pallas_src>

<mosaic_0001>
#map = affine_map<(d0, d1) -> (0, 0)>
#map1 = affine_map<(d0, d1) -> (0, 0, 0, 0)>
#map2 = affine_map<(d0, d1) -> (0, 0, 0)>
module attributes {stable_mosaic.version = 14 : i64} {
  func.func @k(%arg0: i32, %arg1: i32, %arg2: memref<36864x64xf32, #tpu.memory_space<hbm>>, %arg3: memref<36864x8xf32, #tpu.memory_space<hbm>>, %arg4: memref<5x32x9x128xi32, #tpu.memory_space<hbm>>, %arg5: memref<36864x64xf32, #tpu.memory_space<hbm>>, %arg6: memref<4x36864x8xf32, #tpu.memory_space<hbm>>, %arg7: memref<5x9x128xi32, #tpu.memory_space<vmem>>, %arg8: memref<1152x64xf32, #tpu.memory_space<vmem>>, %arg9: memref<4x1152x8xf32, #tpu.memory_space<vmem>>, %arg10: memref<!tpu.dma_semaphore, #tpu.memory_space<semaphore_mem>>) attributes {dimension_semantics = [#tpu.dimension_semantics<core_parallel>, #tpu.dimension_semantics<subcore_parallel>], iteration_bounds = array<i64: 2, 16>, scalar_prefetch = 0 : i64, scratch_operands = 4 : i64, tpu.core_type = #tpu.core_type<sc_vector_subcore>, window_params = [{transform_indices = #map}, {transform_indices = #map}, {transform_indices = #map1}, {transform_indices = #map}, {transform_indices = #map2}]} {
    %mul3A = arith.constant 2 : i32
    %mul3A_0 = arith.muli %arg1, %mul3A : i32
    %add3A = arith.addi %mul3A_0, %arg0 : i32
    %mul3A_1 = arith.constant 1152 : i32
    %mul3A_2 = arith.muli %add3A, %mul3A_1 : i32
    %run_scoped3A = arith.constant 0 : i32
    %run_scoped3A_3 = arith.constant 0 : i32
    "tpu.region"() ({
      %run_scoped3A_1152 = tpu.sem_alloc : memref<!tpu.dma_semaphore, #tpu.memory_space<semaphore_mem>>
      %dma_start3A_1153 = arith.constant 0 : i32
      %dma_start3A_1154 = arith.constant 0 : i32
      %dma_start3A_1155 = tpu.memref_slice %arg7[%run_scoped3A_3, %dma_start3A_1153, %dma_start3A_1154] : memref<5x9x128xi32, #tpu.memory_space<vmem>> -> memref<1x9x128xi32, #tpu.memory_space<vmem>>
      %dma_start3A_1156 = tpu.memref_squeeze %dma_start3A_1155 : memref<1x9x128xi32, #tpu.memory_space<vmem>> -> memref<9x128xi32, #tpu.memory_space<vmem>>
      %dma_start3A_1157 = arith.constant 0 : i32
      %dma_start3A_1158 = arith.constant 0 : i32
      %dma_start3A_1159 = tpu.memref_slice %arg4[%run_scoped3A, %add3A, %dma_start3A_1157, %dma_start3A_1158] : memref<5x32x9x128xi32, #tpu.memory_space<hbm>> -> memref<1x1x9x128xi32, #tpu.memory_space<hbm>>
      %dma_start3A_1160 = tpu.memref_squeeze %dma_start3A_1159 : memref<1x1x9x128xi32, #tpu.memory_space<hbm>> -> memref<9x128xi32, #tpu.memory_space<hbm>>
      %dma_start3A_1161 = arith.constant 0 : i32
      %dma_start3A_1162 = arith.constant 0 : i32
      %dma_start3A_1163 = tpu.memref_slice %arg7[%run_scoped3A_3, %dma_start3A_1161, %dma_start3A_1162] : memref<5x9x128xi32, #tpu.memory_space<vmem>> -> memref<1x9x128xi32, #tpu.memory_space<vmem>>
      %dma_start3A_1164 = tpu.memref_squeeze %dma_start3A_1163 : memref<1x9x128xi32, #tpu.memory_space<vmem>> -> memref<9x128xi32, #tpu.memory_space<vmem>>
      %dma_start3A_1165 = arith.constant 0 : i32
      %dma_start3A_1166 = arith.constant 0 : i32
      %dma_start3A_1167 = tpu.memref_slice %arg4[%run_scoped3A, %add3A, %dma_start3A_1165, %dma_start3A_1166] : memref<5x32x9x128xi32, #tpu.memory_space<hbm>> -> memref<1x1x9x128xi32, #tpu.memory_space<hbm>>
      %dma_start3A_1168 = tpu.memref_squeeze %dma_start3A_1167 : memref<1x1x9x128xi32, #tpu.memory_space<hbm>> -> memref<9x128xi32, #tpu.memory_space<hbm>>
      tpu.enqueue_dma source(%dma_start3A_1168 : memref<9x128xi32, #tpu.memory_space<hbm>>) target(%dma_start3A_1164 : memref<9x128xi32, #tpu.memory_space<vmem>>) target_semaphore(%run_scoped3A_1152 : memref<!tpu.dma_semaphore, #tpu.memory_space<semaphore_mem>>)
      %dma_wait3A_1169 = arith.constant 0 : i32
      %dma_wait3A_1170 = arith.constant 0 : i32
      %dma_wait3A_1171 = tpu.memref_slice %arg7[%run_scoped3A_3, %dma_wait3A_1169, %dma_wait3A_1170] : memref<5x9x128xi32, #tpu.memory_space<vmem>> -> memref<1x9x128xi32, #tpu.memory_space<vmem>>
      %dma_wait3A_1172 = tpu.memref_squeeze %dma_wait3A_1171 : memref<1x9x128xi32, #tpu.memory_space<vmem>> -> memref<9x128xi32, #tpu.memory_space<vmem>>
      %dma_wait3A_1173 = arith.constant 0 : i32
      %dma_wait3A_1174 = arith.constant 0 : i32
      %dma_wait3A_1175 = tpu.memref_slice %arg4[%run_scoped3A, %add3A, %dma_wait3A_1173, %dma_wait3A_1174] : memref<5x32x9x128xi32, #tpu.memory_space<hbm>> -> memref<1x1x9x128xi32, #tpu.memory_space<hbm>>
      %dma_wait3A_1176 = tpu.memref_squeeze %dma_wait3A_1175 : memref<1x1x9x128xi32, #tpu.memory_space<hbm>> -> memref<9x128xi32, #tpu.memory_space<hbm>>
      %dma_wait3A_1177 = arith.constant 0 : i32
      %dma_wait3A_1178 = arith.constant 0 : i32
      %dma_wait3A_1179 = tpu.memref_slice %arg7[%run_scoped3A_3, %dma_wait3A_1177, %dma_wait3A_1178] : memref<5x9x128xi32, #tpu.memory_space<vmem>> -> memref<1x9x128xi32, #tpu.memory_space<vmem>>
      %dma_wait3A_1180 = tpu.memref_squeeze %dma_wait3A_1179 : memref<1x9x128xi32, #tpu.memory_space<vmem>> -> memref<9x128xi32, #tpu.memory_space<vmem>>
      %dma_wait3A_1181 = arith.constant 0 : i32
      %dma_wait3A_1182 = arith.constant 0 : i32
      %dma_wait3A_1183 = tpu.memref_slice %arg4[%run_scoped3A, %add3A, %dma_wait3A_1181, %dma_wait3A_1182] : memref<5x32x9x128xi32, #tpu.memory_space<hbm>> -> memref<1x1x9x128xi32, #tpu.memory_space<hbm>>
      %dma_wait3A_1184 = tpu.memref_squeeze %dma_wait3A_1183 : memref<1x1x9x128xi32, #tpu.memory_space<hbm>> -> memref<9x128xi32, #tpu.memory_space<hbm>>
      tpu.wait_dma2 semaphore(%run_scoped3A_1152 : memref<!tpu.dma_semaphore, #tpu.memory_space<semaphore_mem>>) src(%dma_wait3A_1184 : memref<9x128xi32, #tpu.memory_space<hbm>>) dst(%dma_wait3A_1180 : memref<9x128xi32, #tpu.memory_space<vmem>>)
      tpu.yield
    }) : () -> ()
    %run_scoped3A_4 = arith.constant 1 : i32
    %run_scoped3A_5 = arith.constant 1 : i32
    "tpu.region"() ({
      %run_scoped3A_1152 = tpu.sem_alloc : memref<!tpu.dma_semaphore, #tpu.memory_space<semaphore_mem>>
      %dma_start3A_1153 = arith.constant 0 : i32
      %dma_start3A_1154 = arith.constant 0 : i32
      %dma_start3A_1155 = tpu.memref_slice %arg7[%run_scoped3A_5, %dma_start3A_1153, %dma_start3A_1154] : memref<5x9x128xi32, #tpu.memory_space<vmem>> -> memref<1x9x128xi32, #tpu.memory_space<vmem>>
      %dma_start3A_1156 = tpu.memref_squeeze %dma_start3A_1155 : memref<1x9x128xi32, #tpu.memory_space<vmem>> -> memref<9x128xi32, #tpu.memory_space<vmem>>
      %dma_start3A_1157 = arith.constant 0 : i32
      %dma_start3A_1158 = arith.constant 0 : i32
      %dma_start3A_1159 = tpu.memref_slice %arg4[%run_scoped3A_4, %add3A, %dma_start3A_1157, %dma_start3A_1158] : memref<5x32x9x128xi32, #tpu.memory_space<hbm>> -> memref<1x1x9x128xi32, #tpu.memory_space<hbm>>
      %dma_start3A_1160 = tpu.memref_squeeze %dma_start3A_1159 : memref<1x1x9x128xi32, #tpu.memory_space<hbm>> -> memref<9x128xi32, #tpu.memory_space<hbm>>
      %dma_start3A_1161 = arith.constant 0 : i32
      %dma_start3A_1162 = arith.constant 0 : i32
      %dma_start3A_1163 = tpu.memref_slice %arg7[%run_scoped3A_5, %dma_start3A_1161, %dma_start3A_1162] : memref<5x9x128xi32, #tpu.memory_space<vmem>> -> memref<1x9x128xi32, #tpu.memory_space<vmem>>
      %dma_start3A_1164 = tpu.memref_squeeze %dma_start3A_1163 : memref<1x9x128xi32, #tpu.memory_space<vmem>> -> memref<9x128xi32, #tpu.memory_space<vmem>>
      %dma_start3A_1165 = arith.constant 0 : i32
      %dma_start3A_1166 = arith.constant 0 : i32
      %dma_start3A_1167 = tpu.memref_slice %arg4[%run_scoped3A_4, %add3A, %dma_start3A_1165, %dma_start3A_1166] : memref<5x32x9x128xi32, #tpu.memory_space<hbm>> -> memref<1x1x9x128xi32, #tpu.memory_space<hbm>>
      %dma_start3A_1168 = tpu.memref_squeeze %dma_start3A_1167 : memref<1x1x9x128xi32, #tpu.memory_space<hbm>> -> memref<9x128xi32, #tpu.memory_space<hbm>>
      tpu.enqueue_dma source(%dma_start3A_1168 : memref<9x128xi32, #tpu.memory_space<hbm>>) target(%dma_start3A_1164 : memref<9x128xi32, #tpu.memory_space<vmem>>) target_semaphore(%run_scoped3A_1152 : memref<!tpu.dma_semaphore, #tpu.memory_space<semaphore_mem>>)
      %dma_wait3A_1169 = arith.constant 0 : i32
      %dma_wait3A_1170 = arith.constant 0 : i32
      %dma_wait3A_1171 = tpu.memref_slice %arg7[%run_scoped3A_5, %dma_wait3A_1169, %dma_wait3A_1170] : memref<5x9x128xi32, #tpu.memory_space<vmem>> -> memref<1x9x128xi32, #tpu.memory_space<vmem>>
      %dma_wait3A_1172 = tpu.memref_squeeze %dma_wait3A_1171 : memref<1x9x128xi32, #tpu.memory_space<vmem>> -> memref<9x128xi32, #tpu.memory_space<vmem>>
      %dma_wait3A_1173 = arith.constant 0 : i32
      %dma_wait3A_1174 = arith.constant 0 : i32
      %dma_wait3A_1175 = tpu.memref_slice %arg4[%run_scoped3A_4, %add3A, %dma_wait3A_1173, %dma_wait3A_1174] : memref<5x32x9x128xi32, #tpu.memory_space<hbm>> -> memref<1x1x9x128xi32, #tpu.memory_space<hbm>>
      %dma_wait3A_1176 = tpu.memref_squeeze %dma_wait3A_1175 : memref<1x1x9x128xi32, #tpu.memory_space<hbm>> -> memref<9x128xi32, #tpu.memory_space<hbm>>
      %dma_wait3A_1177 = arith.constant 0 : i32
      %dma_wait3A_1178 = arith.constant 0 : i32
      %dma_wait3A_1179 = tpu.memref_slice %arg7[%run_scoped3A_5, %dma_wait3A_1177, %dma_wait3A_1178] : memref<5x9x128xi32, #tpu.memory_space<vmem>> -> memref<1x9x128xi32, #tpu.memory_space<vmem>>
      %dma_wait3A_1180 = tpu.memref_squeeze %dma_wait3A_1179 : memref<1x9x128xi32, #tpu.memory_space<vmem>> -> memref<9x128xi32, #tpu.memory_space<vmem>>
      %dma_wait3A_1181 = arith.constant 0 : i32
      %dma_wait3A_1182 = arith.constant 0 : i32
      %dma_wait3A_1183 = tpu.memref_slice %arg4[%run_scoped3A_4, %add3A, %dma_wait3A_1181, %dma_wait3A_1182] : memref<5x32x9x128xi32, #tpu.memory_space<hbm>> -> memref<1x1x9x128xi32, #tpu.memory_space<hbm>>
      %dma_wait3A_1184 = tpu.memref_squeeze %dma_wait3A_1183 : memref<1x1x9x128xi32, #tpu.memory_space<hbm>> -> memref<9x128xi32, #tpu.memory_space<hbm>>
      tpu.wait_dma2 semaphore(%run_scoped3A_1152 : memref<!tpu.dma_semaphore, #tpu.memory_space<semaphore_mem>>) src(%dma_wait3A_1184 : memref<9x128xi32, #tpu.memory_space<hbm>>) dst(%dma_wait3A_1180 : memref<9x128xi32, #tpu.memory_space<vmem>>)
      tpu.yield
    }) : () -> ()
    %run_scoped3A_6 = arith.constant 2 : i32
    %run_scoped3A_7 = arith.constant 2 : i32
    "tpu.region"() ({
      %run_scoped3A_1152 = tpu.sem_alloc : memref<!tpu.dma_semaphore, #tpu.memory_space<semaphore_mem>>
      %dma_start3A_1153 = arith.constant 0 : i32
      %dma_start3A_1154 = arith.constant 0 : i32
      %dma_start3A_1155 = tpu.memref_slice %arg7[%run_scoped3A_7, %dma_start3A_1153, %dma_start3A_1154] : memref<5x9x128xi32, #tpu.memory_space<vmem>> -> memref<1x9x128xi32, #tpu.memory_space<vmem>>
      %dma_start3A_1156 = tpu.memref_squeeze %dma_start3A_1155 : memref<1x9x128xi32, #tpu.memory_space<vmem>> -> memref<9x128xi32, #tpu.memory_space<vmem>>
      %dma_start3A_1157 = arith.constant 0 : i32
      %dma_start3A_1158 = arith.constant 0 : i32
      %dma_start3A_1159 = tpu.memref_slice %arg4[%run_scoped3A_6, %add3A, %dma_start3A_1157, %dma_start3A_1158] : memref<5x32x9x128xi32, #tpu.memory_space<hbm>> -> memref<1x1x9x128xi32, #tpu.memory_space<hbm>>
      %dma_start3A_1160 = tpu.memref_squeeze %dma_start3A_1159 : memref<1x1x9x128xi32, #tpu.memory_space<hbm>> -> memref<9x128xi32, #tpu.memory_space<hbm>>
      %dma_start3A_1161 = arith.constant 0 : i32
      %dma_start3A_1162 = arith.constant 0 : i32
      %dma_start3A_1163 = tpu.memref_slice %arg7[%run_scoped3A_7, %dma_start3A_1161, %dma_start3A_1162] : memref<5x9x128xi32, #tpu.memory_space<vmem>> -> memref<1x9x128xi32, #tpu.memory_space<vmem>>
      %dma_start3A_1164 = tpu.memref_squeeze %dma_start3A_1163 : memref<1x9x128xi32, #tpu.memory_space<vmem>> -> memref<9x128xi32, #tpu.memory_space<vmem>>
      %dma_start3A_1165 = arith.constant 0 : i32
      %dma_start3A_1166 = arith.constant 0 : i32
      %dma_start3A_1167 = tpu.memref_slice %arg4[%run_scoped3A_6, %add3A, %dma_start3A_1165, %dma_start3A_1166] : memref<5x32x9x128xi32, #tpu.memory_space<hbm>> -> memref<1x1x9x128xi32, #tpu.memory_space<hbm>>
      %dma_start3A_1168 = tpu.memref_squeeze %dma_start3A_1167 : memref<1x1x9x128xi32, #tpu.memory_space<hbm>> -> memref<9x128xi32, #tpu.memory_space<hbm>>
      tpu.enqueue_dma source(%dma_start3A_1168 : memref<9x128xi32, #tpu.memory_space<hbm>>) target(%dma_start3A_1164 : memref<9x128xi32, #tpu.memory_space<vmem>>) target_semaphore(%run_scoped3A_1152 : memref<!tpu.dma_semaphore, #tpu.memory_space<semaphore_mem>>)
      %dma_wait3A_1169 = arith.constant 0 : i32
      %dma_wait3A_1170 = arith.constant 0 : i32
      %dma_wait3A_1171 = tpu.memref_slice %arg7[%run_scoped3A_7, %dma_wait3A_1169, %dma_wait3A_1170] : memref<5x9x128xi32, #tpu.memory_space<vmem>> -> memref<1x9x128xi32, #tpu.memory_space<vmem>>
      %dma_wait3A_1172 = tpu.memref_squeeze %dma_wait3A_1171 : memref<1x9x128xi32, #tpu.memory_space<vmem>> -> memref<9x128xi32, #tpu.memory_space<vmem>>
      %dma_wait3A_1173 = arith.constant 0 : i32
      %dma_wait3A_1174 = arith.constant 0 : i32
      %dma_wait3A_1175 = tpu.memref_slice %arg4[%run_scoped3A_6, %add3A, %dma_wait3A_1173, %dma_wait3A_1174] : memref<5x32x9x128xi32, #tpu.memory_space<hbm>> -> memref<1x1x9x128xi32, #tpu.memory_space<hbm>>
      %dma_wait3A_1176 = tpu.memref_squeeze %dma_wait3A_1175 : memref<1x1x9x128xi32, #tpu.memory_space<hbm>> -> memref<9x128xi32, #tpu.memory_space<hbm>>
      %dma_wait3A_1177 = arith.constant 0 : i32
      %dma_wait3A_1178 = arith.constant 0 : i32
      %dma_wait3A_1179 = tpu.memref_slice %arg7[%run_scoped3A_7, %dma_wait3A_1177, %dma_wait3A_1178] : memref<5x9x128xi32, #tpu.memory_space<vmem>> -> memref<1x9x128xi32, #tpu.memory_space<vmem>>
      %dma_wait3A_1180 = tpu.memref_squeeze %dma_wait3A_1179 : memref<1x9x128xi32, #tpu.memory_space<vmem>> -> memref<9x128xi32, #tpu.memory_space<vmem>>
      %dma_wait3A_1181 = arith.constant 0 : i32
      %dma_wait3A_1182 = arith.constant 0 : i32
      %dma_wait3A_1183 = tpu.memref_slice %arg4[%run_scoped3A_6, %add3A, %dma_wait3A_1181, %dma_wait3A_1182] : memref<5x32x9x128xi32, #tpu.memory_space<hbm>> -> memref<1x1x9x128xi32, #tpu.memory_space<hbm>>
      %dma_wait3A_1184 = tpu.memref_squeeze %dma_wait3A_1183 : memref<1x1x9x128xi32, #tpu.memory_space<hbm>> -> memref<9x128xi32, #tpu.memory_space<hbm>>
      tpu.wait_dma2 semaphore(%run_scoped3A_1152 : memref<!tpu.dma_semaphore, #tpu.memory_space<semaphore_mem>>) src(%dma_wait3A_1184 : memref<9x128xi32, #tpu.memory_space<hbm>>) dst(%dma_wait3A_1180 : memref<9x128xi32, #tpu.memory_space<vmem>>)
      tpu.yield
    }) : () -> ()
    %run_scoped3A_8 = arith.constant 3 : i32
    %run_scoped3A_9 = arith.constant 3 : i32
    "tpu.region"() ({
      %run_scoped3A_1152 = tpu.sem_alloc : memref<!tpu.dma_semaphore, #tpu.memory_space<semaphore_mem>>
      %dma_start3A_1153 = arith.constant 0 : i32
      %dma_start3A_1154 = arith.constant 0 : i32
      %dma_start3A_1155 = tpu.memref_slice %arg7[%run_scoped3A_9, %dma_start3A_1153, %dma_start3A_1154] : memref<5x9x128xi32, #tpu.memory_space<vmem>> -> memref<1x9x128xi32, #tpu.memory_space<vmem>>
      %dma_start3A_1156 = tpu.memref_squeeze %dma_start3A_1155 : memref<1x9x128xi32, #tpu.memory_space<vmem>> -> memref<9x128xi32, #tpu.memory_space<vmem>>
      %dma_start3A_1157 = arith.constant 0 : i32
      %dma_start3A_1158 = arith.constant 0 : i32
      %dma_start3A_1159 = tpu.memref_slice %arg4[%run_scoped3A_8, %add3A, %dma_start3A_1157, %dma_start3A_1158] : memref<5x32x9x128xi32, #tpu.memory_space<hbm>> -> memref<1x1x9x128xi32, #tpu.memory_space<hbm>>
      %dma_start3A_1160 = tpu.memref_squeeze %dma_start3A_1159 : memref<1x1x9x128xi32, #tpu.memory_space<hbm>> -> memref<9x128xi32, #tpu.memory_space<hbm>>
      %dma_start3A_1161 = arith.constant 0 : i32
      %dma_start3A_1162 = arith.constant 0 : i32
      %dma_start3A_1163 = tpu.memref_slice %arg7[%run_scoped3A_9, %dma_start3A_1161, %dma_start3A_1162] : memref<5x9x128xi32, #tpu.memory_space<vmem>> -> memref<1x9x128xi32, #tpu.memory_space<vmem>>
      %dma_start3A_1164 = tpu.memref_squeeze %dma_start3A_1163 : memref<1x9x128xi32, #tpu.memory_space<vmem>> -> memref<9x128xi32, #tpu.memory_space<vmem>>
      %dma_start3A_1165 = arith.constant 0 : i32
      %dma_start3A_1166 = arith.constant 0 : i32
      %dma_start3A_1167 = tpu.memref_slice %arg4[%run_scoped3A_8, %add3A, %dma_start3A_1165, %dma_start3A_1166] : memref<5x32x9x128xi32, #tpu.memory_space<hbm>> -> memref<1x1x9x128xi32, #tpu.memory_space<hbm>>
      %dma_start3A_1168 = tpu.memref_squeeze %dma_start3A_1167 : memref<1x1x9x128xi32, #tpu.memory_space<hbm>> -> memref<9x128xi32, #tpu.memory_space<hbm>>
      tpu.enqueue_dma source(%dma_start3A_1168 : memref<9x128xi32, #tpu.memory_space<hbm>>) target(%dma_start3A_1164 : memref<9x128xi32, #tpu.memory_space<vmem>>) target_semaphore(%run_scoped3A_1152 : memref<!tpu.dma_semaphore, #tpu.memory_space<semaphore_mem>>)
      %dma_wait3A_1169 = arith.constant 0 : i32
      %dma_wait3A_1170 = arith.constant 0 : i32
      %dma_wait3A_1171 = tpu.memref_slice %arg7[%run_scoped3A_9, %dma_wait3A_1169, %dma_wait3A_1170] : memref<5x9x128xi32, #tpu.memory_space<vmem>> -> memref<1x9x128xi32, #tpu.memory_space<vmem>>
      %dma_wait3A_1172 = tpu.memref_squeeze %dma_wait3A_1171 : memref<1x9x128xi32, #tpu.memory_space<vmem>> -> memref<9x128xi32, #tpu.memory_space<vmem>>
      %dma_wait3A_1173 = arith.constant 0 : i32
      %dma_wait3A_1174 = arith.constant 0 : i32
      %dma_wait3A_1175 = tpu.memref_slice %arg4[%run_scoped3A_8, %add3A, %dma_wait3A_1173, %dma_wait3A_1174] : memref<5x32x9x128xi32, #tpu.memory_space<hbm>> -> memref<1x1x9x128xi32, #tpu.memory_space<hbm>>
      %dma_wait3A_1176 = tpu.memref_squeeze %dma_wait3A_1175 : memref<1x1x9x128xi32, #tpu.memory_space<hbm>> -> memref<9x128xi32, #tpu.memory_space<hbm>>
      %dma_wait3A_1177 = arith.constant 0 : i32
      %dma_wait3A_1178 = arith.constant 0 : i32
      %dma_wait3A_1179 = tpu.memref_slice %arg7[%run_scoped3A_9, %dma_wait3A_1177, %dma_wait3A_1178] : memref<5x9x128xi32, #tpu.memory_space<vmem>> -> memref<1x9x128xi32, #tpu.memory_space<vmem>>
      %dma_wait3A_1180 = tpu.memref_squeeze %dma_wait3A_1179 : memref<1x9x128xi32, #tpu.memory_space<vmem>> -> memref<9x128xi32, #tpu.memory_space<vmem>>
      %dma_wait3A_1181 = arith.constant 0 : i32
      %dma_wait3A_1182 = arith.constant 0 : i32
      %dma_wait3A_1183 = tpu.memref_slice %arg4[%run_scoped3A_8, %add3A, %dma_wait3A_1181, %dma_wait3A_1182] : memref<5x32x9x128xi32, #tpu.memory_space<hbm>> -> memref<1x1x9x128xi32, #tpu.memory_space<hbm>>
      %dma_wait3A_1184 = tpu.memref_squeeze %dma_wait3A_1183 : memref<1x1x9x128xi32, #tpu.memory_space<hbm>> -> memref<9x128xi32, #tpu.memory_space<hbm>>
      tpu.wait_dma2 semaphore(%run_scoped3A_1152 : memref<!tpu.dma_semaphore, #tpu.memory_space<semaphore_mem>>) src(%dma_wait3A_1184 : memref<9x128xi32, #tpu.memory_space<hbm>>) dst(%dma_wait3A_1180 : memref<9x128xi32, #tpu.memory_space<vmem>>)
      tpu.yield
    }) : () -> ()
    %run_scoped3A_10 = arith.constant 4 : i32
    %run_scoped3A_11 = arith.constant 4 : i32
    "tpu.region"() ({
      %run_scoped3A_1152 = tpu.sem_alloc : memref<!tpu.dma_semaphore, #tpu.memory_space<semaphore_mem>>
      %dma_start3A_1153 = arith.constant 0 : i32
      %dma_start3A_1154 = arith.constant 0 : i32
      %dma_start3A_1155 = tpu.memref_slice %arg7[%run_scoped3A_11, %dma_start3A_1153, %dma_start3A_1154] : memref<5x9x128xi32, #tpu.memory_space<vmem>> -> memref<1x9x128xi32, #tpu.memory_space<vmem>>
      %dma_start3A_1156 = tpu.memref_squeeze %dma_start3A_1155 : memref<1x9x128xi32, #tpu.memory_space<vmem>> -> memref<9x128xi32, #tpu.memory_space<vmem>>
      %dma_start3A_1157 = arith.constant 0 : i32
      %dma_start3A_1158 = arith.constant 0 : i32
      %dma_start3A_1159 = tpu.memref_slice %arg4[%run_scoped3A_10, %add3A, %dma_start3A_1157, %dma_start3A_1158] : memref<5x32x9x128xi32, #tpu.memory_space<hbm>> -> memref<1x1x9x128xi32, #tpu.memory_space<hbm>>
      %dma_start3A_1160 = tpu.memref_squeeze %dma_start3A_1159 : memref<1x1x9x128xi32, #tpu.memory_space<hbm>> -> memref<9x128xi32, #tpu.memory_space<hbm>>
      %dma_start3A_1161 = arith.constant 0 : i32
      %dma_start3A_1162 = arith.constant 0 : i32
      %dma_start3A_1163 = tpu.memref_slice %arg7[%run_scoped3A_11, %dma_start3A_1161, %dma_start3A_1162] : memref<5x9x128xi32, #tpu.memory_space<vmem>> -> memref<1x9x128xi32, #tpu.memory_space<vmem>>
      %dma_start3A_1164 = tpu.memref_squeeze %dma_start3A_1163 : memref<1x9x128xi32, #tpu.memory_space<vmem>> -> memref<9x128xi32, #tpu.memory_space<vmem>>
      %dma_start3A_1165 = arith.constant 0 : i32
      %dma_start3A_1166 = arith.constant 0 : i32
      %dma_start3A_1167 = tpu.memref_slice %arg4[%run_scoped3A_10, %add3A, %dma_start3A_1165, %dma_start3A_1166] : memref<5x32x9x128xi32, #tpu.memory_space<hbm>> -> memref<1x1x9x128xi32, #tpu.memory_space<hbm>>
      %dma_start3A_1168 = tpu.memref_squeeze %dma_start3A_1167 : memref<1x1x9x128xi32, #tpu.memory_space<hbm>> -> memref<9x128xi32, #tpu.memory_space<hbm>>
      tpu.enqueue_dma source(%dma_start3A_1168 : memref<9x128xi32, #tpu.memory_space<hbm>>) target(%dma_start3A_1164 : memref<9x128xi32, #tpu.memory_space<vmem>>) target_semaphore(%run_scoped3A_1152 : memref<!tpu.dma_semaphore, #tpu.memory_space<semaphore_mem>>)
      %dma_wait3A_1169 = arith.constant 0 : i32
      %dma_wait3A_1170 = arith.constant 0 : i32
      %dma_wait3A_1171 = tpu.memref_slice %arg7[%run_scoped3A_11, %dma_wait3A_1169, %dma_wait3A_1170] : memref<5x9x128xi32, #tpu.memory_space<vmem>> -> memref<1x9x128xi32, #tpu.memory_space<vmem>>
      %dma_wait3A_1172 = tpu.memref_squeeze %dma_wait3A_1171 : memref<1x9x128xi32, #tpu.memory_space<vmem>> -> memref<9x128xi32, #tpu.memory_space<vmem>>
      %dma_wait3A_1173 = arith.constant 0 : i32
      %dma_wait3A_1174 = arith.constant 0 : i32
      %dma_wait3A_1175 = tpu.memref_slice %arg4[%run_scoped3A_10, %add3A, %dma_wait3A_1173, %dma_wait3A_1174] : memref<5x32x9x128xi32, #tpu.memory_space<hbm>> -> memref<1x1x9x128xi32, #tpu.memory_space<hbm>>
      %dma_wait3A_1176 = tpu.memref_squeeze %dma_wait3A_1175 : memref<1x1x9x128xi32, #tpu.memory_space<hbm>> -> memref<9x128xi32, #tpu.memory_space<hbm>>
      %dma_wait3A_1177 = arith.constant 0 : i32
      %dma_wait3A_1178 = arith.constant 0 : i32
      %dma_wait3A_1179 = tpu.memref_slice %arg7[%run_scoped3A_11, %dma_wait3A_1177, %dma_wait3A_1178] : memref<5x9x128xi32, #tpu.memory_space<vmem>> -> memref<1x9x128xi32, #tpu.memory_space<vmem>>
      %dma_wait3A_1180 = tpu.memref_squeeze %dma_wait3A_1179 : memref<1x9x128xi32, #tpu.memory_space<vmem>> -> memref<9x128xi32, #tpu.memory_space<vmem>>
      %dma_wait3A_1181 = arith.constant 0 : i32
      %dma_wait3A_1182 = arith.constant 0 : i32
      %dma_wait3A_1183 = tpu.memref_slice %arg4[%run_scoped3A_10, %add3A, %dma_wait3A_1181, %dma_wait3A_1182] : memref<5x32x9x128xi32, #tpu.memory_space<hbm>> -> memref<1x1x9x128xi32, #tpu.memory_space<hbm>>
      %dma_wait3A_1184 = tpu.memref_squeeze %dma_wait3A_1183 : memref<1x1x9x128xi32, #tpu.memory_space<hbm>> -> memref<9x128xi32, #tpu.memory_space<hbm>>
      tpu.wait_dma2 semaphore(%run_scoped3A_1152 : memref<!tpu.dma_semaphore, #tpu.memory_space<semaphore_mem>>) src(%dma_wait3A_1184 : memref<9x128xi32, #tpu.memory_space<hbm>>) dst(%dma_wait3A_1180 : memref<9x128xi32, #tpu.memory_space<vmem>>)
      tpu.yield
    }) : () -> ()
    %dma_start3A = arith.constant 0 : i32
    %dma_start3A_12 = arith.constant 0 : i32
    %dma_start3A_13 = arith.constant 0 : i32
    %dma_start3A_14 = arith.constant 0 : i32
    %dma_start3A_15 = tpu.memref_slice %arg8[%dma_start3A_13, %dma_start3A_14] : memref<1152x64xf32, #tpu.memory_space<vmem>> -> memref<128x64xf32, #tpu.memory_space<vmem>>
    %dma_start3A_16 = arith.constant 0 : i32
    %dma_start3A_17 = tpu.memref_slice %arg7[%dma_start3A, %dma_start3A_12, %dma_start3A_16] : memref<5x9x128xi32, #tpu.memory_space<vmem>> -> memref<1x1x128xi32, #tpu.memory_space<vmem>>
    %dma_start3A_18 = tpu.memref_squeeze %dma_start3A_17 : memref<1x1x128xi32, #tpu.memory_space<vmem>> -> memref<128xi32, #tpu.memory_space<vmem>>
    %dma_start3A_19 = arith.constant 0 : i32
    %dma_start3A_20 = arith.constant 0 : i32
    %dma_start3A_21 = tpu.memref_slice %arg2[%dma_start3A_19, %dma_start3A_20] : memref<36864x64xf32, #tpu.memory_space<hbm>> -> memref<36864x64xf32, #tpu.memory_space<hbm>>
    tpu.enqueue_indirect_dma source(%dma_start3A_21 : memref<36864x64xf32, #tpu.memory_space<hbm>>) target(%dma_start3A_15 : memref<128x64xf32, #tpu.memory_space<vmem>>) offsets(%dma_start3A_18 : memref<128xi32, #tpu.memory_space<vmem>>) semaphore(%arg10 : memref<!tpu.dma_semaphore, #tpu.memory_space<semaphore_mem>>)
    %dma_start3A_22 = arith.constant 0 : i32
    %dma_start3A_23 = arith.constant 1 : i32
    %dma_start3A_24 = arith.constant 128 : i32
    %dma_start3A_25 = arith.constant 0 : i32
    %dma_start3A_26 = tpu.memref_slice %arg8[%dma_start3A_24, %dma_start3A_25] : memref<1152x64xf32, #tpu.memory_space<vmem>> -> memref<128x64xf32, #tpu.memory_space<vmem>>
    %dma_start3A_27 = arith.constant 0 : i32
    %dma_start3A_28 = tpu.memref_slice %arg7[%dma_start3A_22, %dma_start3A_23, %dma_start3A_27] : memref<5x9x128xi32, #tpu.memory_space<vmem>> -> memref<1x1x128xi32, #tpu.memory_space<vmem>>
    %dma_start3A_29 = tpu.memref_squeeze %dma_start3A_28 : memref<1x1x128xi32, #tpu.memory_space<vmem>> -> memref<128xi32, #tpu.memory_space<vmem>>
    %dma_start3A_30 = arith.constant 0 : i32
    %dma_start3A_31 = arith.constant 0 : i32
    %dma_start3A_32 = tpu.memref_slice %arg2[%dma_start3A_30, %dma_start3A_31] : memref<36864x64xf32, #tpu.memory_space<hbm>> -> memref<36864x64xf32, #tpu.memory_space<hbm>>
    tpu.enqueue_indirect_dma source(%dma_start3A_32 : memref<36864x64xf32, #tpu.memory_space<hbm>>) target(%dma_start3A_26 : memref<128x64xf32, #tpu.memory_space<vmem>>) offsets(%dma_start3A_29 : memref<128xi32, #tpu.memory_space<vmem>>) semaphore(%arg10 : memref<!tpu.dma_semaphore, #tpu.memory_space<semaphore_mem>>)
    %dma_start3A_33 = arith.constant 0 : i32
    %dma_start3A_34 = arith.constant 2 : i32
    %dma_start3A_35 = arith.constant 256 : i32
    %dma_start3A_36 = arith.constant 0 : i32
    %dma_start3A_37 = tpu.memref_slice %arg8[%dma_start3A_35, %dma_start3A_36] : memref<1152x64xf32, #tpu.memory_space<vmem>> -> memref<128x64xf32, #tpu.memory_space<vmem>>
    %dma_start3A_38 = arith.constant 0 : i32
    %dma_start3A_39 = tpu.memref_slice %arg7[%dma_start3A_33, %dma_start3A_34, %dma_start3A_38] : memref<5x9x128xi32, #tpu.memory_space<vmem>> -> memref<1x1x128xi32, #tpu.memory_space<vmem>>
    %dma_start3A_40 = tpu.memref_squeeze %dma_start3A_39 : memref<1x1x128xi32, #tpu.memory_space<vmem>> -> memref<128xi32, #tpu.memory_space<vmem>>
    %dma_start3A_41 = arith.constant 0 : i32
    %dma_start3A_42 = arith.constant 0 : i32
    %dma_start3A_43 = tpu.memref_slice %arg2[%dma_start3A_41, %dma_start3A_42] : memref<36864x64xf32, #tpu.memory_space<hbm>> -> memref<36864x64xf32, #tpu.memory_space<hbm>>
    tpu.enqueue_indirect_dma source(%dma_start3A_43 : memref<36864x64xf32, #tpu.memory_space<hbm>>) target(%dma_start3A_37 : memref<128x64xf32, #tpu.memory_space<vmem>>) offsets(%dma_start3A_40 : memref<128xi32, #tpu.memory_space<vmem>>) semaphore(%arg10 : memref<!tpu.dma_semaphore, #tpu.memory_space<semaphore_mem>>)
    %dma_start3A_44 = arith.constant 0 : i32
    %dma_start3A_45 = arith.constant 3 : i32
    %dma_start3A_46 = arith.constant 384 : i32
    %dma_start3A_47 = arith.constant 0 : i32
    %dma_start3A_48 = tpu.memref_slice %arg8[%dma_start3A_46, %dma_start3A_47] : memref<1152x64xf32, #tpu.memory_space<vmem>> -> memref<128x64xf32, #tpu.memory_space<vmem>>
    %dma_start3A_49 = arith.constant 0 : i32
    %dma_start3A_50 = tpu.memref_slice %arg7[%dma_start3A_44, %dma_start3A_45, %dma_start3A_49] : memref<5x9x128xi32, #tpu.memory_space<vmem>> -> memref<1x1x128xi32, #tpu.memory_space<vmem>>
    %dma_start3A_51 = tpu.memref_squeeze %dma_start3A_50 : memref<1x1x128xi32, #tpu.memory_space<vmem>> -> memref<128xi32, #tpu.memory_space<vmem>>
    %dma_start3A_52 = arith.constant 0 : i32
    %dma_start3A_53 = arith.constant 0 : i32
    %dma_start3A_54 = tpu.memref_slice %arg2[%dma_start3A_52, %dma_start3A_53] : memref<36864x64xf32, #tpu.memory_space<hbm>> -> memref<36864x64xf32, #tpu.memory_space<hbm>>
    tpu.enqueue_indirect_dma source(%dma_start3A_54 : memref<36864x64xf32, #tpu.memory_space<hbm>>) target(%dma_start3A_48 : memref<128x64xf32, #tpu.memory_space<vmem>>) offsets(%dma_start3A_51 : memref<128xi32, #tpu.memory_space<vmem>>) semaphore(%arg10 : memref<!tpu.dma_semaphore, #tpu.memory_space<semaphore_mem>>)
    %dma_start3A_55 = arith.constant 0 : i32
    %dma_start3A_56 = arith.constant 4 : i32
    %dma_start3A_57 = arith.constant 512 : i32
    %dma_start3A_58 = arith.constant 0 : i32
    %dma_start3A_59 = tpu.memref_slice %arg8[%dma_start3A_57, %dma_start3A_58] : memref<1152x64xf32, #tpu.memory_space<vmem>> -> memref<128x64xf32, #tpu.memory_space<vmem>>
    %dma_start3A_60 = arith.constant 0 : i32
    %dma_start3A_61 = tpu.memref_slice %arg7[%dma_start3A_55, %dma_start3A_56, %dma_start3A_60] : memref<5x9x128xi32, #tpu.memory_space<vmem>> -> memref<1x1x128xi32, #tpu.memory_space<vmem>>
    %dma_start3A_62 = tpu.memref_squeeze %dma_start3A_61 : memref<1x1x128xi32, #tpu.memory_space<vmem>> -> memref<128xi32, #tpu.memory_space<vmem>>
    %dma_start3A_63 = arith.constant 0 : i32
    %dma_start3A_64 = arith.constant 0 : i32
    %dma_start3A_65 = tpu.memref_slice %arg2[%dma_start3A_63, %dma_start3A_64] : memref<36864x64xf32, #tpu.memory_space<hbm>> -> memref<36864x64xf32, #tpu.memory_space<hbm>>
    tpu.enqueue_indirect_dma source(%dma_start3A_65 : memref<36864x64xf32, #tpu.memory_space<hbm>>) target(%dma_start3A_59 : memref<128x64xf32, #tpu.memory_space<vmem>>) offsets(%dma_start3A_62 : memref<128xi32, #tpu.memory_space<vmem>>) semaphore(%arg10 : memref<!tpu.dma_semaphore, #tpu.memory_space<semaphore_mem>>)
    %dma_start3A_66 = arith.constant 0 : i32
    %dma_start3A_67 = arith.constant 5 : i32
    %dma_start3A_68 = arith.constant 640 : i32
    %dma_start3A_69 = arith.constant 0 : i32
    %dma_start3A_70 = tpu.memref_slice %arg8[%dma_start3A_68, %dma_start3A_69] : memref<1152x64xf32, #tpu.memory_space<vmem>> -> memref<128x64xf32, #tpu.memory_space<vmem>>
    %dma_start3A_71 = arith.constant 0 : i32
    %dma_start3A_72 = tpu.memref_slice %arg7[%dma_start3A_66, %dma_start3A_67, %dma_start3A_71] : memref<5x9x128xi32, #tpu.memory_space<vmem>> -> memref<1x1x128xi32, #tpu.memory_space<vmem>>
    %dma_start3A_73 = tpu.memref_squeeze %dma_start3A_72 : memref<1x1x128xi32, #tpu.memory_space<vmem>> -> memref<128xi32, #tpu.memory_space<vmem>>
    %dma_start3A_74 = arith.constant 0 : i32
    %dma_start3A_75 = arith.constant 0 : i32
    %dma_start3A_76 = tpu.memref_slice %arg2[%dma_start3A_74, %dma_start3A_75] : memref<36864x64xf32, #tpu.memory_space<hbm>> -> memref<36864x64xf32, #tpu.memory_space<hbm>>
    tpu.enqueue_indirect_dma source(%dma_start3A_76 : memref<36864x64xf32, #tpu.memory_space<hbm>>) target(%dma_start3A_70 : memref<128x64xf32, #tpu.memory_space<vmem>>) offsets(%dma_start3A_73 : memref<128xi32, #tpu.memory_space<vmem>>) semaphore(%arg10 : memref<!tpu.dma_semaphore, #tpu.memory_space<semaphore_mem>>)
    %dma_start3A_77 = arith.constant 0 : i32
    %dma_start3A_78 = arith.constant 6 : i32
    %dma_start3A_79 = arith.constant 768 : i32
    %dma_start3A_80 = arith.constant 0 : i32
    %dma_start3A_81 = tpu.memref_slice %arg8[%dma_start3A_79, %dma_start3A_80] : memref<1152x64xf32, #tpu.memory_space<vmem>> -> memref<128x64xf32, #tpu.memory_space<vmem>>
    %dma_start3A_82 = arith.constant 0 : i32
    %dma_start3A_83 = tpu.memref_slice %arg7[%dma_start3A_77, %dma_start3A_78, %dma_start3A_82] : memref<5x9x128xi32, #tpu.memory_space<vmem>> -> memref<1x1x128xi32, #tpu.memory_space<vmem>>
    %dma_start3A_84 = tpu.memref_squeeze %dma_start3A_83 : memref<1x1x128xi32, #tpu.memory_space<vmem>> -> memref<128xi32, #tpu.memory_space<vmem>>
    %dma_start3A_85 = arith.constant 0 : i32
    %dma_start3A_86 = arith.constant 0 : i32
    %dma_start3A_87 = tpu.memref_slice %arg2[%dma_start3A_85, %dma_start3A_86] : memref<36864x64xf32, #tpu.memory_space<hbm>> -> memref<36864x64xf32, #tpu.memory_space<hbm>>
    tpu.enqueue_indirect_dma source(%dma_start3A_87 : memref<36864x64xf32, #tpu.memory_space<hbm>>) target(%dma_start3A_81 : memref<128x64xf32, #tpu.memory_space<vmem>>) offsets(%dma_start3A_84 : memref<128xi32, #tpu.memory_space<vmem>>) semaphore(%arg10 : memref<!tpu.dma_semaphore, #tpu.memory_space<semaphore_mem>>)
    %dma_start3A_88 = arith.constant 0 : i32
    %dma_start3A_89 = arith.constant 7 : i32
    %dma_start3A_90 = arith.constant 896 : i32
    %dma_start3A_91 = arith.constant 0 : i32
    %dma_start3A_92 = tpu.memref_slice %arg8[%dma_start3A_90, %dma_start3A_91] : memref<1152x64xf32, #tpu.memory_space<vmem>> -> memref<128x64xf32, #tpu.memory_space<vmem>>
    %dma_start3A_93 = arith.constant 0 : i32
    %dma_start3A_94 = tpu.memref_slice %arg7[%dma_start3A_88, %dma_start3A_89, %dma_start3A_93] : memref<5x9x128xi32, #tpu.memory_space<vmem>> -> memref<1x1x128xi32, #tpu.memory_space<vmem>>
    %dma_start3A_95 = tpu.memref_squeeze %dma_start3A_94 : memref<1x1x128xi32, #tpu.memory_space<vmem>> -> memref<128xi32, #tpu.memory_space<vmem>>
    %dma_start3A_96 = arith.constant 0 : i32
    %dma_start3A_97 = arith.constant 0 : i32
    %dma_start3A_98 = tpu.memref_slice %arg2[%dma_start3A_96, %dma_start3A_97] : memref<36864x64xf32, #tpu.memory_space<hbm>> -> memref<36864x64xf32, #tpu.memory_space<hbm>>
    tpu.enqueue_indirect_dma source(%dma_start3A_98 : memref<36864x64xf32, #tpu.memory_space<hbm>>) target(%dma_start3A_92 : memref<128x64xf32, #tpu.memory_space<vmem>>) offsets(%dma_start3A_95 : memref<128xi32, #tpu.memory_space<vmem>>) semaphore(%arg10 : memref<!tpu.dma_semaphore, #tpu.memory_space<semaphore_mem>>)
    %dma_start3A_99 = arith.constant 0 : i32
    %dma_start3A_100 = arith.constant 8 : i32
    %dma_start3A_101 = arith.constant 1024 : i32
    %dma_start3A_102 = arith.constant 0 : i32
    %dma_start3A_103 = tpu.memref_slice %arg8[%dma_start3A_101, %dma_start3A_102] : memref<1152x64xf32, #tpu.memory_space<vmem>> -> memref<128x64xf32, #tpu.memory_space<vmem>>
    %dma_start3A_104 = arith.constant 0 : i32
    %dma_start3A_105 = tpu.memref_slice %arg7[%dma_start3A_99, %dma_start3A_100, %dma_start3A_104] : memref<5x9x128xi32, #tpu.memory_space<vmem>> -> memref<1x1x128xi32, #tpu.memory_space<vmem>>
    %dma_start3A_106 = tpu.memref_squeeze %dma_start3A_105 : memref<1x1x128xi32, #tpu.memory_space<vmem>> -> memref<128xi32, #tpu.memory_space<vmem>>
    %dma_start3A_107 = arith.constant 0 : i32
    %dma_start3A_108 = arith.constant 0 : i32
    %dma_start3A_109 = tpu.memref_slice %arg2[%dma_start3A_107, %dma_start3A_108] : memref<36864x64xf32, #tpu.memory_space<hbm>> -> memref<36864x64xf32, #tpu.memory_space<hbm>>
    tpu.enqueue_indirect_dma source(%dma_start3A_109 : memref<36864x64xf32, #tpu.memory_space<hbm>>) target(%dma_start3A_103 : memref<128x64xf32, #tpu.memory_space<vmem>>) offsets(%dma_start3A_106 : memref<128xi32, #tpu.memory_space<vmem>>) semaphore(%arg10 : memref<!tpu.dma_semaphore, #tpu.memory_space<semaphore_mem>>)
    %dma_start3A_110 = arith.constant 1 : i32
    %dma_start3A_111 = arith.constant 0 : i32
    %dma_start3A_112 = arith.constant 0 : i32
    %dma_start3A_113 = arith.constant 0 : i32
    %dma_start3A_114 = arith.constant 0 : i32
    %dma_start3A_115 = tpu.memref_slice %arg9[%dma_start3A_112, %dma_start3A_113, %dma_start3A_114] : memref<4x1152x8xf32, #tpu.memory_space<vmem>> -> memref<1x128x8xf32, #tpu.memory_space<vmem>>
    %dma_start3A_116 = tpu.memref_squeeze %dma_start3A_115 : memref<1x128x8xf32, #tpu.memory_space<vmem>> -> memref<128x8xf32, #tpu.memory_space<vmem>>
    %dma_start3A_117 = arith.constant 0 : i32
    %dma_start3A_118 = tpu.memref_slice %arg7[%dma_start3A_110, %dma_start3A_111, %dma_start3A_117] : memref<5x9x128xi32, #tpu.memory_space<vmem>> -> memref<1x1x128xi32, #tpu.memory_space<vmem>>
    %dma_start3A_119 = tpu.memref_squeeze %dma_start3A_118 : memref<1x1x128xi32, #tpu.memory_space<vmem>> -> memref<128xi32, #tpu.memory_space<vmem>>
    %dma_start3A_120 = arith.constant 0 : i32
    %dma_start3A_121 = arith.constant 0 : i32
    %dma_start3A_122 = tpu.memref_slice %arg3[%dma_start3A_120, %dma_start3A_121] : memref<36864x8xf32, #tpu.memory_space<hbm>> -> memref<36864x8xf32, #tpu.memory_space<hbm>>
    tpu.enqueue_indirect_dma source(%dma_start3A_122 : memref<36864x8xf32, #tpu.memory_space<hbm>>) target(%dma_start3A_116 : memref<128x8xf32, #tpu.memory_space<vmem>>) offsets(%dma_start3A_119 : memref<128xi32, #tpu.memory_space<vmem>>) semaphore(%arg10 : memref<!tpu.dma_semaphore, #tpu.memory_space<semaphore_mem>>)
    %dma_start3A_123 = arith.constant 1 : i32
    %dma_start3A_124 = arith.constant 1 : i32
    %dma_start3A_125 = arith.constant 0 : i32
    %dma_start3A_126 = arith.constant 128 : i32
    %dma_start3A_127 = arith.constant 0 : i32
    %dma_start3A_128 = tpu.memref_slice %arg9[%dma_start3A_125, %dma_start3A_126, %dma_start3A_127] : memref<4x1152x8xf32, #tpu.memory_space<vmem>> -> memref<1x128x8xf32, #tpu.memory_space<vmem>>
    %dma_start3A_129 = tpu.memref_squeeze %dma_start3A_128 : memref<1x128x8xf32, #tpu.memory_space<vmem>> -> memref<128x8xf32, #tpu.memory_space<vmem>>
    %dma_start3A_130 = arith.constant 0 : i32
    %dma_start3A_131 = tpu.memref_slice %arg7[%dma_start3A_123, %dma_start3A_124, %dma_start3A_130] : memref<5x9x128xi32, #tpu.memory_space<vmem>> -> memref<1x1x128xi32, #tpu.memory_space<vmem>>
    %dma_start3A_132 = tpu.memref_squeeze %dma_start3A_131 : memref<1x1x128xi32, #tpu.memory_space<vmem>> -> memref<128xi32, #tpu.memory_space<vmem>>
    %dma_start3A_133 = arith.constant 0 : i32
    %dma_start3A_134 = arith.constant 0 : i32
    %dma_start3A_135 = tpu.memref_slice %arg3[%dma_start3A_133, %dma_start3A_134] : memref<36864x8xf32, #tpu.memory_space<hbm>> -> memref<36864x8xf32, #tpu.memory_space<hbm>>
    tpu.enqueue_indirect_dma source(%dma_start3A_135 : memref<36864x8xf32, #tpu.memory_space<hbm>>) target(%dma_start3A_129 : memref<128x8xf32, #tpu.memory_space<vmem>>) offsets(%dma_start3A_132 : memref<128xi32, #tpu.memory_space<vmem>>) semaphore(%arg10 : memref<!tpu.dma_semaphore, #tpu.memory_space<semaphore_mem>>)
    %dma_start3A_136 = arith.constant 1 : i32
    %dma_start3A_137 = arith.constant 2 : i32
    %dma_start3A_138 = arith.constant 0 : i32
    %dma_start3A_139 = arith.constant 256 : i32
    %dma_start3A_140 = arith.constant 0 : i32
    %dma_start3A_141 = tpu.memref_slice %arg9[%dma_start3A_138, %dma_start3A_139, %dma_start3A_140] : memref<4x1152x8xf32, #tpu.memory_space<vmem>> -> memref<1x128x8xf32, #tpu.memory_space<vmem>>
    %dma_start3A_142 = tpu.memref_squeeze %dma_start3A_141 : memref<1x128x8xf32, #tpu.memory_space<vmem>> -> memref<128x8xf32, #tpu.memory_space<vmem>>
    %dma_start3A_143 = arith.constant 0 : i32
    %dma_start3A_144 = tpu.memref_slice %arg7[%dma_start3A_136, %dma_start3A_137, %dma_start3A_143] : memref<5x9x128xi32, #tpu.memory_space<vmem>> -> memref<1x1x128xi32, #tpu.memory_space<vmem>>
    %dma_start3A_145 = tpu.memref_squeeze %dma_start3A_144 : memref<1x1x128xi32, #tpu.memory_space<vmem>> -> memref<128xi32, #tpu.memory_space<vmem>>
    %dma_start3A_146 = arith.constant 0 : i32
    %dma_start3A_147 = arith.constant 0 : i32
    %dma_start3A_148 = tpu.memref_slice %arg3[%dma_start3A_146, %dma_start3A_147] : memref<36864x8xf32, #tpu.memory_space<hbm>> -> memref<36864x8xf32, #tpu.memory_space<hbm>>
    tpu.enqueue_indirect_dma source(%dma_start3A_148 : memref<36864x8xf32, #tpu.memory_space<hbm>>) target(%dma_start3A_142 : memref<128x8xf32, #tpu.memory_space<vmem>>) offsets(%dma_start3A_145 : memref<128xi32, #tpu.memory_space<vmem>>) semaphore(%arg10 : memref<!tpu.dma_semaphore, #tpu.memory_space<semaphore_mem>>)
    %dma_start3A_149 = arith.constant 1 : i32
    %dma_start3A_150 = arith.constant 3 : i32
    %dma_start3A_151 = arith.constant 0 : i32
    %dma_start3A_152 = arith.constant 384 : i32
    %dma_start3A_153 = arith.constant 0 : i32
    %dma_start3A_154 = tpu.memref_slice %arg9[%dma_start3A_151, %dma_start3A_152, %dma_start3A_153] : memref<4x1152x8xf32, #tpu.memory_space<vmem>> -> memref<1x128x8xf32, #tpu.memory_space<vmem>>
    %dma_start3A_155 = tpu.memref_squeeze %dma_start3A_154 : memref<1x128x8xf32, #tpu.memory_space<vmem>> -> memref<128x8xf32, #tpu.memory_space<vmem>>
    %dma_start3A_156 = arith.constant 0 : i32
    %dma_start3A_157 = tpu.memref_slice %arg7[%dma_start3A_149, %dma_start3A_150, %dma_start3A_156] : memref<5x9x128xi32, #tpu.memory_space<vmem>> -> memref<1x1x128xi32, #tpu.memory_space<vmem>>
    %dma_start3A_158 = tpu.memref_squeeze %dma_start3A_157 : memref<1x1x128xi32, #tpu.memory_space<vmem>> -> memref<128xi32, #tpu.memory_space<vmem>>
    %dma_start3A_159 = arith.constant 0 : i32
    %dma_start3A_160 = arith.constant 0 : i32
    %dma_start3A_161 = tpu.memref_slice %arg3[%dma_start3A_159, %dma_start3A_160] : memref<36864x8xf32, #tpu.memory_space<hbm>> -> memref<36864x8xf32, #tpu.memory_space<hbm>>
    tpu.enqueue_indirect_dma source(%dma_start3A_161 : memref<36864x8xf32, #tpu.memory_space<hbm>>) target(%dma_start3A_155 : memref<128x8xf32, #tpu.memory_space<vmem>>) offsets(%dma_start3A_158 : memref<128xi32, #tpu.memory_space<vmem>>) semaphore(%arg10 : memref<!tpu.dma_semaphore, #tpu.memory_space<semaphore_mem>>)
    %dma_start3A_162 = arith.constant 1 : i32
    %dma_start3A_163 = arith.constant 4 : i32
    %dma_start3A_164 = arith.constant 0 : i32
    %dma_start3A_165 = arith.constant 512 : i32
    %dma_start3A_166 = arith.constant 0 : i32
    %dma_start3A_167 = tpu.memref_slice %arg9[%dma_start3A_164, %dma_start3A_165, %dma_start3A_166] : memref<4x1152x8xf32, #tpu.memory_space<vmem>> -> memref<1x128x8xf32, #tpu.memory_space<vmem>>
    %dma_start3A_168 = tpu.memref_squeeze %dma_start3A_167 : memref<1x128x8xf32, #tpu.memory_space<vmem>> -> memref<128x8xf32, #tpu.memory_space<vmem>>
    %dma_start3A_169 = arith.constant 0 : i32
    %dma_start3A_170 = tpu.memref_slice %arg7[%dma_start3A_162, %dma_start3A_163, %dma_start3A_169] : memref<5x9x128xi32, #tpu.memory_space<vmem>> -> memref<1x1x128xi32, #tpu.memory_space<vmem>>
    %dma_start3A_171 = tpu.memref_squeeze %dma_start3A_170 : memref<1x1x128xi32, #tpu.memory_space<vmem>> -> memref<128xi32, #tpu.memory_space<vmem>>
    %dma_start3A_172 = arith.constant 0 : i32
    %dma_start3A_173 = arith.constant 0 : i32
    %dma_start3A_174 = tpu.memref_slice %arg3[%dma_start3A_172, %dma_start3A_173] : memref<36864x8xf32, #tpu.memory_space<hbm>> -> memref<36864x8xf32, #tpu.memory_space<hbm>>
    tpu.enqueue_indirect_dma source(%dma_start3A_174 : memref<36864x8xf32, #tpu.memory_space<hbm>>) target(%dma_start3A_168 : memref<128x8xf32, #tpu.memory_space<vmem>>) offsets(%dma_start3A_171 : memref<128xi32, #tpu.memory_space<vmem>>) semaphore(%arg10 : memref<!tpu.dma_semaphore, #tpu.memory_space<semaphore_mem>>)
    %dma_start3A_175 = arith.constant 1 : i32
    %dma_start3A_176 = arith.constant 5 : i32
    %dma_start3A_177 = arith.constant 0 : i32
    %dma_start3A_178 = arith.constant 640 : i32
    %dma_start3A_179 = arith.constant 0 : i32
    %dma_start3A_180 = tpu.memref_slice %arg9[%dma_start3A_177, %dma_start3A_178, %dma_start3A_179] : memref<4x1152x8xf32, #tpu.memory_space<vmem>> -> memref<1x128x8xf32, #tpu.memory_space<vmem>>
    %dma_start3A_181 = tpu.memref_squeeze %dma_start3A_180 : memref<1x128x8xf32, #tpu.memory_space<vmem>> -> memref<128x8xf32, #tpu.memory_space<vmem>>
    %dma_start3A_182 = arith.constant 0 : i32
    %dma_start3A_183 = tpu.memref_slice %arg7[%dma_start3A_175, %dma_start3A_176, %dma_start3A_182] : memref<5x9x128xi32, #tpu.memory_space<vmem>> -> memref<1x1x128xi32, #tpu.memory_space<vmem>>
    %dma_start3A_184 = tpu.memref_squeeze %dma_start3A_183 : memref<1x1x128xi32, #tpu.memory_space<vmem>> -> memref<128xi32, #tpu.memory_space<vmem>>
    %dma_start3A_185 = arith.constant 0 : i32
    %dma_start3A_186 = arith.constant 0 : i32
    %dma_start3A_187 = tpu.memref_slice %arg3[%dma_start3A_185, %dma_start3A_186] : memref<36864x8xf32, #tpu.memory_space<hbm>> -> memref<36864x8xf32, #tpu.memory_space<hbm>>
    tpu.enqueue_indirect_dma source(%dma_start3A_187 : memref<36864x8xf32, #tpu.memory_space<hbm>>) target(%dma_start3A_181 : memref<128x8xf32, #tpu.memory_space<vmem>>) offsets(%dma_start3A_184 : memref<128xi32, #tpu.memory_space<vmem>>) semaphore(%arg10 : memref<!tpu.dma_semaphore, #tpu.memory_space<semaphore_mem>>)
    %dma_start3A_188 = arith.constant 1 : i32
    %dma_start3A_189 = arith.constant 6 : i32
    %dma_start3A_190 = arith.constant 0 : i32
    %dma_start3A_191 = arith.constant 768 : i32
    %dma_start3A_192 = arith.constant 0 : i32
    %dma_start3A_193 = tpu.memref_slice %arg9[%dma_start3A_190, %dma_start3A_191, %dma_start3A_192] : memref<4x1152x8xf32, #tpu.memory_space<vmem>> -> memref<1x128x8xf32, #tpu.memory_space<vmem>>
    %dma_start3A_194 = tpu.memref_squeeze %dma_start3A_193 : memref<1x128x8xf32, #tpu.memory_space<vmem>> -> memref<128x8xf32, #tpu.memory_space<vmem>>
    %dma_start3A_195 = arith.constant 0 : i32
    %dma_start3A_196 = tpu.memref_slice %arg7[%dma_start3A_188, %dma_start3A_189, %dma_start3A_195] : memref<5x9x128xi32, #tpu.memory_space<vmem>> -> memref<1x1x128xi32, #tpu.memory_space<vmem>>
    %dma_start3A_197 = tpu.memref_squeeze %dma_start3A_196 : memref<1x1x128xi32, #tpu.memory_space<vmem>> -> memref<128xi32, #tpu.memory_space<vmem>>
    %dma_start3A_198 = arith.constant 0 : i32
    %dma_start3A_199 = arith.constant 0 : i32
    %dma_start3A_200 = tpu.memref_slice %arg3[%dma_start3A_198, %dma_start3A_199] : memref<36864x8xf32, #tpu.memory_space<hbm>> -> memref<36864x8xf32, #tpu.memory_space<hbm>>
    tpu.enqueue_indirect_dma source(%dma_start3A_200 : memref<36864x8xf32, #tpu.memory_space<hbm>>) target(%dma_start3A_194 : memref<128x8xf32, #tpu.memory_space<vmem>>) offsets(%dma_start3A_197 : memref<128xi32, #tpu.memory_space<vmem>>) semaphore(%arg10 : memref<!tpu.dma_semaphore, #tpu.memory_space<semaphore_mem>>)
    %dma_start3A_201 = arith.constant 1 : i32
    %dma_start3A_202 = arith.constant 7 : i32
    %dma_start3A_203 = arith.constant 0 : i32
    %dma_start3A_204 = arith.constant 896 : i32
    %dma_start3A_205 = arith.constant 0 : i32
    %dma_start3A_206 = tpu.memref_slice %arg9[%dma_start3A_203, %dma_start3A_204, %dma_start3A_205] : memref<4x1152x8xf32, #tpu.memory_space<vmem>> -> memref<1x128x8xf32, #tpu.memory_space<vmem>>
    %dma_start3A_207 = tpu.memref_squeeze %dma_start3A_206 : memref<1x128x8xf32, #tpu.memory_space<vmem>> -> memref<128x8xf32, #tpu.memory_space<vmem>>
    %dma_start3A_208 = arith.constant 0 : i32
    %dma_start3A_209 = tpu.memref_slice %arg7[%dma_start3A_201, %dma_start3A_202, %dma_start3A_208] : memref<5x9x128xi32, #tpu.memory_space<vmem>> -> memref<1x1x128xi32, #tpu.memory_space<vmem>>
    %dma_start3A_210 = tpu.memref_squeeze %dma_start3A_209 : memref<1x1x128xi32, #tpu.memory_space<vmem>> -> memref<128xi32, #tpu.memory_space<vmem>>
    %dma_start3A_211 = arith.constant 0 : i32
    %dma_start3A_212 = arith.constant 0 : i32
    %dma_start3A_213 = tpu.memref_slice %arg3[%dma_start3A_211, %dma_start3A_212] : memref<36864x8xf32, #tpu.memory_space<hbm>> -> memref<36864x8xf32, #tpu.memory_space<hbm>>
    tpu.enqueue_indirect_dma source(%dma_start3A_213 : memref<36864x8xf32, #tpu.memory_space<hbm>>) target(%dma_start3A_207 : memref<128x8xf32, #tpu.memory_space<vmem>>) offsets(%dma_start3A_210 : memref<128xi32, #tpu.memory_space<vmem>>) semaphore(%arg10 : memref<!tpu.dma_semaphore, #tpu.memory_space<semaphore_mem>>)
    %dma_start3A_214 = arith.constant 1 : i32
    %dma_start3A_215 = arith.constant 8 : i32
    %dma_start3A_216 = arith.constant 0 : i32
    %dma_start3A_217 = arith.constant 1024 : i32
    %dma_start3A_218 = arith.constant 0 : i32
    %dma_start3A_219 = tpu.memref_slice %arg9[%dma_start3A_216, %dma_start3A_217, %dma_start3A_218] : memref<4x1152x8xf32, #tpu.memory_space<vmem>> -> memref<1x128x8xf32, #tpu.memory_space<vmem>>
    %dma_start3A_220 = tpu.memref_squeeze %dma_start3A_219 : memref<1x128x8xf32, #tpu.memory_space<vmem>> -> memref<128x8xf32, #tpu.memory_space<vmem>>
    %dma_start3A_221 = arith.constant 0 : i32
    %dma_start3A_222 = tpu.memref_slice %arg7[%dma_start3A_214, %dma_start3A_215, %dma_start3A_221] : memref<5x9x128xi32, #tpu.memory_space<vmem>> -> memref<1x1x128xi32, #tpu.memory_space<vmem>>
    %dma_start3A_223 = tpu.memref_squeeze %dma_start3A_222 : memref<1x1x128xi32, #tpu.memory_space<vmem>> -> memref<128xi32, #tpu.memory_space<vmem>>
    %dma_start3A_224 = arith.constant 0 : i32
    %dma_start3A_225 = arith.constant 0 : i32
    %dma_start3A_226 = tpu.memref_slice %arg3[%dma_start3A_224, %dma_start3A_225] : memref<36864x8xf32, #tpu.memory_space<hbm>> -> memref<36864x8xf32, #tpu.memory_space<hbm>>
    tpu.enqueue_indirect_dma source(%dma_start3A_226 : memref<36864x8xf32, #tpu.memory_space<hbm>>) target(%dma_start3A_220 : memref<128x8xf32, #tpu.memory_space<vmem>>) offsets(%dma_start3A_223 : memref<128xi32, #tpu.memory_space<vmem>>) semaphore(%arg10 : memref<!tpu.dma_semaphore, #tpu.memory_space<semaphore_mem>>)
    %dma_start3A_227 = arith.constant 2 : i32
    %dma_start3A_228 = arith.constant 0 : i32
    %dma_start3A_229 = arith.constant 1 : i32
    %dma_start3A_230 = arith.constant 0 : i32
    %dma_start3A_231 = arith.constant 0 : i32
    %dma_start3A_232 = tpu.memref_slice %arg9[%dma_start3A_229, %dma_start3A_230, %dma_start3A_231] : memref<4x1152x8xf32, #tpu.memory_space<vmem>> -> memref<1x128x8xf32, #tpu.memory_space<vmem>>
    %dma_start3A_233 = tpu.memref_squeeze %dma_start3A_232 : memref<1x128x8xf32, #tpu.memory_space<vmem>> -> memref<128x8xf32, #tpu.memory_space<vmem>>
    %dma_start3A_234 = arith.constant 0 : i32
    %dma_start3A_235 = tpu.memref_slice %arg7[%dma_start3A_227, %dma_start3A_228, %dma_start3A_234] : memref<5x9x128xi32, #tpu.memory_space<vmem>> -> memref<1x1x128xi32, #tpu.memory_space<vmem>>
    %dma_start3A_236 = tpu.memref_squeeze %dma_start3A_235 : memref<1x1x128xi32, #tpu.memory_space<vmem>> -> memref<128xi32, #tpu.memory_space<vmem>>
    %dma_start3A_237 = arith.constant 0 : i32
    %dma_start3A_238 = arith.constant 0 : i32
    %dma_start3A_239 = tpu.memref_slice %arg3[%dma_start3A_237, %dma_start3A_238] : memref<36864x8xf32, #tpu.memory_space<hbm>> -> memref<36864x8xf32, #tpu.memory_space<hbm>>
    tpu.enqueue_indirect_dma source(%dma_start3A_239 : memref<36864x8xf32, #tpu.memory_space<hbm>>) target(%dma_start3A_233 : memref<128x8xf32, #tpu.memory_space<vmem>>) offsets(%dma_start3A_236 : memref<128xi32, #tpu.memory_space<vmem>>) semaphore(%arg10 : memref<!tpu.dma_semaphore, #tpu.memory_space<semaphore_mem>>)
    %dma_start3A_240 = arith.constant 2 : i32
    %dma_start3A_241 = arith.constant 1 : i32
    %dma_start3A_242 = arith.constant 1 : i32
    %dma_start3A_243 = arith.constant 128 : i32
    %dma_start3A_244 = arith.constant 0 : i32
    %dma_start3A_245 = tpu.memref_slice %arg9[%dma_start3A_242, %dma_start3A_243, %dma_start3A_244] : memref<4x1152x8xf32, #tpu.memory_space<vmem>> -> memref<1x128x8xf32, #tpu.memory_space<vmem>>
    %dma_start3A_246 = tpu.memref_squeeze %dma_start3A_245 : memref<1x128x8xf32, #tpu.memory_space<vmem>> -> memref<128x8xf32, #tpu.memory_space<vmem>>
    %dma_start3A_247 = arith.constant 0 : i32
    %dma_start3A_248 = tpu.memref_slice %arg7[%dma_start3A_240, %dma_start3A_241, %dma_start3A_247] : memref<5x9x128xi32, #tpu.memory_space<vmem>> -> memref<1x1x128xi32, #tpu.memory_space<vmem>>
    %dma_start3A_249 = tpu.memref_squeeze %dma_start3A_248 : memref<1x1x128xi32, #tpu.memory_space<vmem>> -> memref<128xi32, #tpu.memory_space<vmem>>
    %dma_start3A_250 = arith.constant 0 : i32
    %dma_start3A_251 = arith.constant 0 : i32
    %dma_start3A_252 = tpu.memref_slice %arg3[%dma_start3A_250, %dma_start3A_251] : memref<36864x8xf32, #tpu.memory_space<hbm>> -> memref<36864x8xf32, #tpu.memory_space<hbm>>
    tpu.enqueue_indirect_dma source(%dma_start3A_252 : memref<36864x8xf32, #tpu.memory_space<hbm>>) target(%dma_start3A_246 : memref<128x8xf32, #tpu.memory_space<vmem>>) offsets(%dma_start3A_249 : memref<128xi32, #tpu.memory_space<vmem>>) semaphore(%arg10 : memref<!tpu.dma_semaphore, #tpu.memory_space<semaphore_mem>>)
    %dma_start3A_253 = arith.constant 2 : i32
    %dma_start3A_254 = arith.constant 2 : i32
    %dma_start3A_255 = arith.constant 1 : i32
    %dma_start3A_256 = arith.constant 256 : i32
    %dma_start3A_257 = arith.constant 0 : i32
    %dma_start3A_258 = tpu.memref_slice %arg9[%dma_start3A_255, %dma_start3A_256, %dma_start3A_257] : memref<4x1152x8xf32, #tpu.memory_space<vmem>> -> memref<1x128x8xf32, #tpu.memory_space<vmem>>
    %dma_start3A_259 = tpu.memref_squeeze %dma_start3A_258 : memref<1x128x8xf32, #tpu.memory_space<vmem>> -> memref<128x8xf32, #tpu.memory_space<vmem>>
    %dma_start3A_260 = arith.constant 0 : i32
    %dma_start3A_261 = tpu.memref_slice %arg7[%dma_start3A_253, %dma_start3A_254, %dma_start3A_260] : memref<5x9x128xi32, #tpu.memory_space<vmem>> -> memref<1x1x128xi32, #tpu.memory_space<vmem>>
    %dma_start3A_262 = tpu.memref_squeeze %dma_start3A_261 : memref<1x1x128xi32, #tpu.memory_space<vmem>> -> memref<128xi32, #tpu.memory_space<vmem>>
    %dma_start3A_263 = arith.constant 0 : i32
    %dma_start3A_264 = arith.constant 0 : i32
    %dma_start3A_265 = tpu.memref_slice %arg3[%dma_start3A_263, %dma_start3A_264] : memref<36864x8xf32, #tpu.memory_space<hbm>> -> memref<36864x8xf32, #tpu.memory_space<hbm>>
    tpu.enqueue_indirect_dma source(%dma_start3A_265 : memref<36864x8xf32, #tpu.memory_space<hbm>>) target(%dma_start3A_259 : memref<128x8xf32, #tpu.memory_space<vmem>>) offsets(%dma_start3A_262 : memref<128xi32, #tpu.memory_space<vmem>>) semaphore(%arg10 : memref<!tpu.dma_semaphore, #tpu.memory_space<semaphore_mem>>)
    %dma_start3A_266 = arith.constant 2 : i32
    %dma_start3A_267 = arith.constant 3 : i32
    %dma_start3A_268 = arith.constant 1 : i32
    %dma_start3A_269 = arith.constant 384 : i32
    %dma_start3A_270 = arith.constant 0 : i32
    %dma_start3A_271 = tpu.memref_slice %arg9[%dma_start3A_268, %dma_start3A_269, %dma_start3A_270] : memref<4x1152x8xf32, #tpu.memory_space<vmem>> -> memref<1x128x8xf32, #tpu.memory_space<vmem>>
    %dma_start3A_272 = tpu.memref_squeeze %dma_start3A_271 : memref<1x128x8xf32, #tpu.memory_space<vmem>> -> memref<128x8xf32, #tpu.memory_space<vmem>>
    %dma_start3A_273 = arith.constant 0 : i32
    %dma_start3A_274 = tpu.memref_slice %arg7[%dma_start3A_266, %dma_start3A_267, %dma_start3A_273] : memref<5x9x128xi32, #tpu.memory_space<vmem>> -> memref<1x1x128xi32, #tpu.memory_space<vmem>>
    %dma_start3A_275 = tpu.memref_squeeze %dma_start3A_274 : memref<1x1x128xi32, #tpu.memory_space<vmem>> -> memref<128xi32, #tpu.memory_space<vmem>>
    %dma_start3A_276 = arith.constant 0 : i32
    %dma_start3A_277 = arith.constant 0 : i32
    %dma_start3A_278 = tpu.memref_slice %arg3[%dma_start3A_276, %dma_start3A_277] : memref<36864x8xf32, #tpu.memory_space<hbm>> -> memref<36864x8xf32, #tpu.memory_space<hbm>>
    tpu.enqueue_indirect_dma source(%dma_start3A_278 : memref<36864x8xf32, #tpu.memory_space<hbm>>) target(%dma_start3A_272 : memref<128x8xf32, #tpu.memory_space<vmem>>) offsets(%dma_start3A_275 : memref<128xi32, #tpu.memory_space<vmem>>) semaphore(%arg10 : memref<!tpu.dma_semaphore, #tpu.memory_space<semaphore_mem>>)
    %dma_start3A_279 = arith.constant 2 : i32
    %dma_start3A_280 = arith.constant 4 : i32
    %dma_start3A_281 = arith.constant 1 : i32
    %dma_start3A_282 = arith.constant 512 : i32
    %dma_start3A_283 = arith.constant 0 : i32
    %dma_start3A_284 = tpu.memref_slice %arg9[%dma_start3A_281, %dma_start3A_282, %dma_start3A_283] : memref<4x1152x8xf32, #tpu.memory_space<vmem>> -> memref<1x128x8xf32, #tpu.memory_space<vmem>>
    %dma_start3A_285 = tpu.memref_squeeze %dma_start3A_284 : memref<1x128x8xf32, #tpu.memory_space<vmem>> -> memref<128x8xf32, #tpu.memory_space<vmem>>
    %dma_start3A_286 = arith.constant 0 : i32
    %dma_start3A_287 = tpu.memref_slice %arg7[%dma_start3A_279, %dma_start3A_280, %dma_start3A_286] : memref<5x9x128xi32, #tpu.memory_space<vmem>> -> memref<1x1x128xi32, #tpu.memory_space<vmem>>
    %dma_start3A_288 = tpu.memref_squeeze %dma_start3A_287 : memref<1x1x128xi32, #tpu.memory_space<vmem>> -> memref<128xi32, #tpu.memory_space<vmem>>
    %dma_start3A_289 = arith.constant 0 : i32
    %dma_start3A_290 = arith.constant 0 : i32
    %dma_start3A_291 = tpu.memref_slice %arg3[%dma_start3A_289, %dma_start3A_290] : memref<36864x8xf32, #tpu.memory_space<hbm>> -> memref<36864x8xf32, #tpu.memory_space<hbm>>
    tpu.enqueue_indirect_dma source(%dma_start3A_291 : memref<36864x8xf32, #tpu.memory_space<hbm>>) target(%dma_start3A_285 : memref<128x8xf32, #tpu.memory_space<vmem>>) offsets(%dma_start3A_288 : memref<128xi32, #tpu.memory_space<vmem>>) semaphore(%arg10 : memref<!tpu.dma_semaphore, #tpu.memory_space<semaphore_mem>>)
    %dma_start3A_292 = arith.constant 2 : i32
    %dma_start3A_293 = arith.constant 5 : i32
    %dma_start3A_294 = arith.constant 1 : i32
    %dma_start3A_295 = arith.constant 640 : i32
    %dma_start3A_296 = arith.constant 0 : i32
    %dma_start3A_297 = tpu.memref_slice %arg9[%dma_start3A_294, %dma_start3A_295, %dma_start3A_296] : memref<4x1152x8xf32, #tpu.memory_space<vmem>> -> memref<1x128x8xf32, #tpu.memory_space<vmem>>
    %dma_start3A_298 = tpu.memref_squeeze %dma_start3A_297 : memref<1x128x8xf32, #tpu.memory_space<vmem>> -> memref<128x8xf32, #tpu.memory_space<vmem>>
    %dma_start3A_299 = arith.constant 0 : i32
    %dma_start3A_300 = tpu.memref_slice %arg7[%dma_start3A_292, %dma_start3A_293, %dma_start3A_299] : memref<5x9x128xi32, #tpu.memory_space<vmem>> -> memref<1x1x128xi32, #tpu.memory_space<vmem>>
    %dma_start3A_301 = tpu.memref_squeeze %dma_start3A_300 : memref<1x1x128xi32, #tpu.memory_space<vmem>> -> memref<128xi32, #tpu.memory_space<vmem>>
    %dma_start3A_302 = arith.constant 0 : i32
    %dma_start3A_303 = arith.constant 0 : i32
    %dma_start3A_304 = tpu.memref_slice %arg3[%dma_start3A_302, %dma_start3A_303] : memref<36864x8xf32, #tpu.memory_space<hbm>> -> memref<36864x8xf32, #tpu.memory_space<hbm>>
    tpu.enqueue_indirect_dma source(%dma_start3A_304 : memref<36864x8xf32, #tpu.memory_space<hbm>>) target(%dma_start3A_298 : memref<128x8xf32, #tpu.memory_space<vmem>>) offsets(%dma_start3A_301 : memref<128xi32, #tpu.memory_space<vmem>>) semaphore(%arg10 : memref<!tpu.dma_semaphore, #tpu.memory_space<semaphore_mem>>)
    %dma_start3A_305 = arith.constant 2 : i32
    %dma_start3A_306 = arith.constant 6 : i32
    %dma_start3A_307 = arith.constant 1 : i32
    %dma_start3A_308 = arith.constant 768 : i32
    %dma_start3A_309 = arith.constant 0 : i32
    %dma_start3A_310 = tpu.memref_slice %arg9[%dma_start3A_307, %dma_start3A_308, %dma_start3A_309] : memref<4x1152x8xf32, #tpu.memory_space<vmem>> -> memref<1x128x8xf32, #tpu.memory_space<vmem>>
    %dma_start3A_311 = tpu.memref_squeeze %dma_start3A_310 : memref<1x128x8xf32, #tpu.memory_space<vmem>> -> memref<128x8xf32, #tpu.memory_space<vmem>>
    %dma_start3A_312 = arith.constant 0 : i32
    %dma_start3A_313 = tpu.memref_slice %arg7[%dma_start3A_305, %dma_start3A_306, %dma_start3A_312] : memref<5x9x128xi32, #tpu.memory_space<vmem>> -> memref<1x1x128xi32, #tpu.memory_space<vmem>>
    %dma_start3A_314 = tpu.memref_squeeze %dma_start3A_313 : memref<1x1x128xi32, #tpu.memory_space<vmem>> -> memref<128xi32, #tpu.memory_space<vmem>>
    %dma_start3A_315 = arith.constant 0 : i32
    %dma_start3A_316 = arith.constant 0 : i32
    %dma_start3A_317 = tpu.memref_slice %arg3[%dma_start3A_315, %dma_start3A_316] : memref<36864x8xf32, #tpu.memory_space<hbm>> -> memref<36864x8xf32, #tpu.memory_space<hbm>>
    tpu.enqueue_indirect_dma source(%dma_start3A_317 : memref<36864x8xf32, #tpu.memory_space<hbm>>) target(%dma_start3A_311 : memref<128x8xf32, #tpu.memory_space<vmem>>) offsets(%dma_start3A_314 : memref<128xi32, #tpu.memory_space<vmem>>) semaphore(%arg10 : memref<!tpu.dma_semaphore, #tpu.memory_space<semaphore_mem>>)
    %dma_start3A_318 = arith.constant 2 : i32
    %dma_start3A_319 = arith.constant 7 : i32
    %dma_start3A_320 = arith.constant 1 : i32
    %dma_start3A_321 = arith.constant 896 : i32
    %dma_start3A_322 = arith.constant 0 : i32
    %dma_start3A_323 = tpu.memref_slice %arg9[%dma_start3A_320, %dma_start3A_321, %dma_start3A_322] : memref<4x1152x8xf32, #tpu.memory_space<vmem>> -> memref<1x128x8xf32, #tpu.memory_space<vmem>>
    %dma_start3A_324 = tpu.memref_squeeze %dma_start3A_323 : memref<1x128x8xf32, #tpu.memory_space<vmem>> -> memref<128x8xf32, #tpu.memory_space<vmem>>
    %dma_start3A_325 = arith.constant 0 : i32
    %dma_start3A_326 = tpu.memref_slice %arg7[%dma_start3A_318, %dma_start3A_319, %dma_start3A_325] : memref<5x9x128xi32, #tpu.memory_space<vmem>> -> memref<1x1x128xi32, #tpu.memory_space<vmem>>
    %dma_start3A_327 = tpu.memref_squeeze %dma_start3A_326 : memref<1x1x128xi32, #tpu.memory_space<vmem>> -> memref<128xi32, #tpu.memory_space<vmem>>
    %dma_start3A_328 = arith.constant 0 : i32
    %dma_start3A_329 = arith.constant 0 : i32
    %dma_start3A_330 = tpu.memref_slice %arg3[%dma_start3A_328, %dma_start3A_329] : memref<36864x8xf32, #tpu.memory_space<hbm>> -> memref<36864x8xf32, #tpu.memory_space<hbm>>
    tpu.enqueue_indirect_dma source(%dma_start3A_330 : memref<36864x8xf32, #tpu.memory_space<hbm>>) target(%dma_start3A_324 : memref<128x8xf32, #tpu.memory_space<vmem>>) offsets(%dma_start3A_327 : memref<128xi32, #tpu.memory_space<vmem>>) semaphore(%arg10 : memref<!tpu.dma_semaphore, #tpu.memory_space<semaphore_mem>>)
    %dma_start3A_331 = arith.constant 2 : i32
    %dma_start3A_332 = arith.constant 8 : i32
    %dma_start3A_333 = arith.constant 1 : i32
    %dma_start3A_334 = arith.constant 1024 : i32
    %dma_start3A_335 = arith.constant 0 : i32
    %dma_start3A_336 = tpu.memref_slice %arg9[%dma_start3A_333, %dma_start3A_334, %dma_start3A_335] : memref<4x1152x8xf32, #tpu.memory_space<vmem>> -> memref<1x128x8xf32, #tpu.memory_space<vmem>>
    %dma_start3A_337 = tpu.memref_squeeze %dma_start3A_336 : memref<1x128x8xf32, #tpu.memory_space<vmem>> -> memref<128x8xf32, #tpu.memory_space<vmem>>
    %dma_start3A_338 = arith.constant 0 : i32
    %dma_start3A_339 = tpu.memref_slice %arg7[%dma_start3A_331, %dma_start3A_332, %dma_start3A_338] : memref<5x9x128xi32, #tpu.memory_space<vmem>> -> memref<1x1x128xi32, #tpu.memory_space<vmem>>
    %dma_start3A_340 = tpu.memref_squeeze %dma_start3A_339 : memref<1x1x128xi32, #tpu.memory_space<vmem>> -> memref<128xi32, #tpu.memory_space<vmem>>
    %dma_start3A_341 = arith.constant 0 : i32
    %dma_start3A_342 = arith.constant 0 : i32
    %dma_start3A_343 = tpu.memref_slice %arg3[%dma_start3A_341, %dma_start3A_342] : memref<36864x8xf32, #tpu.memory_space<hbm>> -> memref<36864x8xf32, #tpu.memory_space<hbm>>
    tpu.enqueue_indirect_dma source(%dma_start3A_343 : memref<36864x8xf32, #tpu.memory_space<hbm>>) target(%dma_start3A_337 : memref<128x8xf32, #tpu.memory_space<vmem>>) offsets(%dma_start3A_340 : memref<128xi32, #tpu.memory_space<vmem>>) semaphore(%arg10 : memref<!tpu.dma_semaphore, #tpu.memory_space<semaphore_mem>>)
    %dma_start3A_344 = arith.constant 3 : i32
    %dma_start3A_345 = arith.constant 0 : i32
    %dma_start3A_346 = arith.constant 2 : i32
    %dma_start3A_347 = arith.constant 0 : i32
    %dma_start3A_348 = arith.constant 0 : i32
    %dma_start3A_349 = tpu.memref_slice %arg9[%dma_start3A_346, %dma_start3A_347, %dma_start3A_348] : memref<4x1152x8xf32, #tpu.memory_space<vmem>> -> memref<1x128x8xf32, #tpu.memory_space<vmem>>
    %dma_start3A_350 = tpu.memref_squeeze %dma_start3A_349 : memref<1x128x8xf32, #tpu.memory_space<vmem>> -> memref<128x8xf32, #tpu.memory_space<vmem>>
    %dma_start3A_351 = arith.constant 0 : i32
    %dma_start3A_352 = tpu.memref_slice %arg7[%dma_start3A_344, %dma_start3A_345, %dma_start3A_351] : memref<5x9x128xi32, #tpu.memory_space<vmem>> -> memref<1x1x128xi32, #tpu.memory_space<vmem>>
    %dma_start3A_353 = tpu.memref_squeeze %dma_start3A_352 : memref<1x1x128xi32, #tpu.memory_space<vmem>> -> memref<128xi32, #tpu.memory_space<vmem>>
    %dma_start3A_354 = arith.constant 0 : i32
    %dma_start3A_355 = arith.constant 0 : i32
    %dma_start3A_356 = tpu.memref_slice %arg3[%dma_start3A_354, %dma_start3A_355] : memref<36864x8xf32, #tpu.memory_space<hbm>> -> memref<36864x8xf32, #tpu.memory_space<hbm>>
    tpu.enqueue_indirect_dma source(%dma_start3A_356 : memref<36864x8xf32, #tpu.memory_space<hbm>>) target(%dma_start3A_350 : memref<128x8xf32, #tpu.memory_space<vmem>>) offsets(%dma_start3A_353 : memref<128xi32, #tpu.memory_space<vmem>>) semaphore(%arg10 : memref<!tpu.dma_semaphore, #tpu.memory_space<semaphore_mem>>)
    %dma_start3A_357 = arith.constant 3 : i32
    %dma_start3A_358 = arith.constant 1 : i32
    %dma_start3A_359 = arith.constant 2 : i32
    %dma_start3A_360 = arith.constant 128 : i32
    %dma_start3A_361 = arith.constant 0 : i32
    %dma_start3A_362 = tpu.memref_slice %arg9[%dma_start3A_359, %dma_start3A_360, %dma_start3A_361] : memref<4x1152x8xf32, #tpu.memory_space<vmem>> -> memref<1x128x8xf32, #tpu.memory_space<vmem>>
    %dma_start3A_363 = tpu.memref_squeeze %dma_start3A_362 : memref<1x128x8xf32, #tpu.memory_space<vmem>> -> memref<128x8xf32, #tpu.memory_space<vmem>>
    %dma_start3A_364 = arith.constant 0 : i32
    %dma_start3A_365 = tpu.memref_slice %arg7[%dma_start3A_357, %dma_start3A_358, %dma_start3A_364] : memref<5x9x128xi32, #tpu.memory_space<vmem>> -> memref<1x1x128xi32, #tpu.memory_space<vmem>>
    %dma_start3A_366 = tpu.memref_squeeze %dma_start3A_365 : memref<1x1x128xi32, #tpu.memory_space<vmem>> -> memref<128xi32, #tpu.memory_space<vmem>>
    %dma_start3A_367 = arith.constant 0 : i32
    %dma_start3A_368 = arith.constant 0 : i32
    %dma_start3A_369 = tpu.memref_slice %arg3[%dma_start3A_367, %dma_start3A_368] : memref<36864x8xf32, #tpu.memory_space<hbm>> -> memref<36864x8xf32, #tpu.memory_space<hbm>>
    tpu.enqueue_indirect_dma source(%dma_start3A_369 : memref<36864x8xf32, #tpu.memory_space<hbm>>) target(%dma_start3A_363 : memref<128x8xf32, #tpu.memory_space<vmem>>) offsets(%dma_start3A_366 : memref<128xi32, #tpu.memory_space<vmem>>) semaphore(%arg10 : memref<!tpu.dma_semaphore, #tpu.memory_space<semaphore_mem>>)
    %dma_start3A_370 = arith.constant 3 : i32
    %dma_start3A_371 = arith.constant 2 : i32
    %dma_start3A_372 = arith.constant 2 : i32
    %dma_start3A_373 = arith.constant 256 : i32
    %dma_start3A_374 = arith.constant 0 : i32
    %dma_start3A_375 = tpu.memref_slice %arg9[%dma_start3A_372, %dma_start3A_373, %dma_start3A_374] : memref<4x1152x8xf32, #tpu.memory_space<vmem>> -> memref<1x128x8xf32, #tpu.memory_space<vmem>>
    %dma_start3A_376 = tpu.memref_squeeze %dma_start3A_375 : memref<1x128x8xf32, #tpu.memory_space<vmem>> -> memref<128x8xf32, #tpu.memory_space<vmem>>
    %dma_start3A_377 = arith.constant 0 : i32
    %dma_start3A_378 = tpu.memref_slice %arg7[%dma_start3A_370, %dma_start3A_371, %dma_start3A_377] : memref<5x9x128xi32, #tpu.memory_space<vmem>> -> memref<1x1x128xi32, #tpu.memory_space<vmem>>
    %dma_start3A_379 = tpu.memref_squeeze %dma_start3A_378 : memref<1x1x128xi32, #tpu.memory_space<vmem>> -> memref<128xi32, #tpu.memory_space<vmem>>
    %dma_start3A_380 = arith.constant 0 : i32
    %dma_start3A_381 = arith.constant 0 : i32
    %dma_start3A_382 = tpu.memref_slice %arg3[%dma_start3A_380, %dma_start3A_381] : memref<36864x8xf32, #tpu.memory_space<hbm>> -> memref<36864x8xf32, #tpu.memory_space<hbm>>
    tpu.enqueue_indirect_dma source(%dma_start3A_382 : memref<36864x8xf32, #tpu.memory_space<hbm>>) target(%dma_start3A_376 : memref<128x8xf32, #tpu.memory_space<vmem>>) offsets(%dma_start3A_379 : memref<128xi32, #tpu.memory_space<vmem>>) semaphore(%arg10 : memref<!tpu.dma_semaphore, #tpu.memory_space<semaphore_mem>>)
    %dma_start3A_383 = arith.constant 3 : i32
    %dma_start3A_384 = arith.constant 3 : i32
    %dma_start3A_385 = arith.constant 2 : i32
    %dma_start3A_386 = arith.constant 384 : i32
    %dma_start3A_387 = arith.constant 0 : i32
    %dma_start3A_388 = tpu.memref_slice %arg9[%dma_start3A_385, %dma_start3A_386, %dma_start3A_387] : memref<4x1152x8xf32, #tpu.memory_space<vmem>> -> memref<1x128x8xf32, #tpu.memory_space<vmem>>
    %dma_start3A_389 = tpu.memref_squeeze %dma_start3A_388 : memref<1x128x8xf32, #tpu.memory_space<vmem>> -> memref<128x8xf32, #tpu.memory_space<vmem>>
    %dma_start3A_390 = arith.constant 0 : i32
    %dma_start3A_391 = tpu.memref_slice %arg7[%dma_start3A_383, %dma_start3A_384, %dma_start3A_390] : memref<5x9x128xi32, #tpu.memory_space<vmem>> -> memref<1x1x128xi32, #tpu.memory_space<vmem>>
    %dma_start3A_392 = tpu.memref_squeeze %dma_start3A_391 : memref<1x1x128xi32, #tpu.memory_space<vmem>> -> memref<128xi32, #tpu.memory_space<vmem>>
    %dma_start3A_393 = arith.constant 0 : i32
    %dma_start3A_394 = arith.constant 0 : i32
    %dma_start3A_395 = tpu.memref_slice %arg3[%dma_start3A_393, %dma_start3A_394] : memref<36864x8xf32, #tpu.memory_space<hbm>> -> memref<36864x8xf32, #tpu.memory_space<hbm>>
    tpu.enqueue_indirect_dma source(%dma_start3A_395 : memref<36864x8xf32, #tpu.memory_space<hbm>>) target(%dma_start3A_389 : memref<128x8xf32, #tpu.memory_space<vmem>>) offsets(%dma_start3A_392 : memref<128xi32, #tpu.memory_space<vmem>>) semaphore(%arg10 : memref<!tpu.dma_semaphore, #tpu.memory_space<semaphore_mem>>)
    %dma_start3A_396 = arith.constant 3 : i32
    %dma_start3A_397 = arith.constant 4 : i32
    %dma_start3A_398 = arith.constant 2 : i32
    %dma_start3A_399 = arith.constant 512 : i32
    %dma_start3A_400 = arith.constant 0 : i32
    %dma_start3A_401 = tpu.memref_slice %arg9[%dma_start3A_398, %dma_start3A_399, %dma_start3A_400] : memref<4x1152x8xf32, #tpu.memory_space<vmem>> -> memref<1x128x8xf32, #tpu.memory_space<vmem>>
    %dma_start3A_402 = tpu.memref_squeeze %dma_start3A_401 : memref<1x128x8xf32, #tpu.memory_space<vmem>> -> memref<128x8xf32, #tpu.memory_space<vmem>>
    %dma_start3A_403 = arith.constant 0 : i32
    %dma_start3A_404 = tpu.memref_slice %arg7[%dma_start3A_396, %dma_start3A_397, %dma_start3A_403] : memref<5x9x128xi32, #tpu.memory_space<vmem>> -> memref<1x1x128xi32, #tpu.memory_space<vmem>>
    %dma_start3A_405 = tpu.memref_squeeze %dma_start3A_404 : memref<1x1x128xi32, #tpu.memory_space<vmem>> -> memref<128xi32, #tpu.memory_space<vmem>>
    %dma_start3A_406 = arith.constant 0 : i32
    %dma_start3A_407 = arith.constant 0 : i32
    %dma_start3A_408 = tpu.memref_slice %arg3[%dma_start3A_406, %dma_start3A_407] : memref<36864x8xf32, #tpu.memory_space<hbm>> -> memref<36864x8xf32, #tpu.memory_space<hbm>>
    tpu.enqueue_indirect_dma source(%dma_start3A_408 : memref<36864x8xf32, #tpu.memory_space<hbm>>) target(%dma_start3A_402 : memref<128x8xf32, #tpu.memory_space<vmem>>) offsets(%dma_start3A_405 : memref<128xi32, #tpu.memory_space<vmem>>) semaphore(%arg10 : memref<!tpu.dma_semaphore, #tpu.memory_space<semaphore_mem>>)
    %dma_start3A_409 = arith.constant 3 : i32
    %dma_start3A_410 = arith.constant 5 : i32
    %dma_start3A_411 = arith.constant 2 : i32
    %dma_start3A_412 = arith.constant 640 : i32
    %dma_start3A_413 = arith.constant 0 : i32
    %dma_start3A_414 = tpu.memref_slice %arg9[%dma_start3A_411, %dma_start3A_412, %dma_start3A_413] : memref<4x1152x8xf32, #tpu.memory_space<vmem>> -> memref<1x128x8xf32, #tpu.memory_space<vmem>>
    %dma_start3A_415 = tpu.memref_squeeze %dma_start3A_414 : memref<1x128x8xf32, #tpu.memory_space<vmem>> -> memref<128x8xf32, #tpu.memory_space<vmem>>
    %dma_start3A_416 = arith.constant 0 : i32
    %dma_start3A_417 = tpu.memref_slice %arg7[%dma_start3A_409, %dma_start3A_410, %dma_start3A_416] : memref<5x9x128xi32, #tpu.memory_space<vmem>> -> memref<1x1x128xi32, #tpu.memory_space<vmem>>
    %dma_start3A_418 = tpu.memref_squeeze %dma_start3A_417 : memref<1x1x128xi32, #tpu.memory_space<vmem>> -> memref<128xi32, #tpu.memory_space<vmem>>
    %dma_start3A_419 = arith.constant 0 : i32
    %dma_start3A_420 = arith.constant 0 : i32
    %dma_start3A_421 = tpu.memref_slice %arg3[%dma_start3A_419, %dma_start3A_420] : memref<36864x8xf32, #tpu.memory_space<hbm>> -> memref<36864x8xf32, #tpu.memory_space<hbm>>
    tpu.enqueue_indirect_dma source(%dma_start3A_421 : memref<36864x8xf32, #tpu.memory_space<hbm>>) target(%dma_start3A_415 : memref<128x8xf32, #tpu.memory_space<vmem>>) offsets(%dma_start3A_418 : memref<128xi32, #tpu.memory_space<vmem>>) semaphore(%arg10 : memref<!tpu.dma_semaphore, #tpu.memory_space<semaphore_mem>>)
    %dma_start3A_422 = arith.constant 3 : i32
    %dma_start3A_423 = arith.constant 6 : i32
    %dma_start3A_424 = arith.constant 2 : i32
    %dma_start3A_425 = arith.constant 768 : i32
    %dma_start3A_426 = arith.constant 0 : i32
    %dma_start3A_427 = tpu.memref_slice %arg9[%dma_start3A_424, %dma_start3A_425, %dma_start3A_426] : memref<4x1152x8xf32, #tpu.memory_space<vmem>> -> memref<1x128x8xf32, #tpu.memory_space<vmem>>
    %dma_start3A_428 = tpu.memref_squeeze %dma_start3A_427 : memref<1x128x8xf32, #tpu.memory_space<vmem>> -> memref<128x8xf32, #tpu.memory_space<vmem>>
    %dma_start3A_429 = arith.constant 0 : i32
    %dma_start3A_430 = tpu.memref_slice %arg7[%dma_start3A_422, %dma_start3A_423, %dma_start3A_429] : memref<5x9x128xi32, #tpu.memory_space<vmem>> -> memref<1x1x128xi32, #tpu.memory_space<vmem>>
    %dma_start3A_431 = tpu.memref_squeeze %dma_start3A_430 : memref<1x1x128xi32, #tpu.memory_space<vmem>> -> memref<128xi32, #tpu.memory_space<vmem>>
    %dma_start3A_432 = arith.constant 0 : i32
    %dma_start3A_433 = arith.constant 0 : i32
    %dma_start3A_434 = tpu.memref_slice %arg3[%dma_start3A_432, %dma_start3A_433] : memref<36864x8xf32, #tpu.memory_space<hbm>> -> memref<36864x8xf32, #tpu.memory_space<hbm>>
    tpu.enqueue_indirect_dma source(%dma_start3A_434 : memref<36864x8xf32, #tpu.memory_space<hbm>>) target(%dma_start3A_428 : memref<128x8xf32, #tpu.memory_space<vmem>>) offsets(%dma_start3A_431 : memref<128xi32, #tpu.memory_space<vmem>>) semaphore(%arg10 : memref<!tpu.dma_semaphore, #tpu.memory_space<semaphore_mem>>)
    %dma_start3A_435 = arith.constant 3 : i32
    %dma_start3A_436 = arith.constant 7 : i32
    %dma_start3A_437 = arith.constant 2 : i32
    %dma_start3A_438 = arith.constant 896 : i32
    %dma_start3A_439 = arith.constant 0 : i32
    %dma_start3A_440 = tpu.memref_slice %arg9[%dma_start3A_437, %dma_start3A_438, %dma_start3A_439] : memref<4x1152x8xf32, #tpu.memory_space<vmem>> -> memref<1x128x8xf32, #tpu.memory_space<vmem>>
    %dma_start3A_441 = tpu.memref_squeeze %dma_start3A_440 : memref<1x128x8xf32, #tpu.memory_space<vmem>> -> memref<128x8xf32, #tpu.memory_space<vmem>>
    %dma_start3A_442 = arith.constant 0 : i32
    %dma_start3A_443 = tpu.memref_slice %arg7[%dma_start3A_435, %dma_start3A_436, %dma_start3A_442] : memref<5x9x128xi32, #tpu.memory_space<vmem>> -> memref<1x1x128xi32, #tpu.memory_space<vmem>>
    %dma_start3A_444 = tpu.memref_squeeze %dma_start3A_443 : memref<1x1x128xi32, #tpu.memory_space<vmem>> -> memref<128xi32, #tpu.memory_space<vmem>>
    %dma_start3A_445 = arith.constant 0 : i32
    %dma_start3A_446 = arith.constant 0 : i32
    %dma_start3A_447 = tpu.memref_slice %arg3[%dma_start3A_445, %dma_start3A_446] : memref<36864x8xf32, #tpu.memory_space<hbm>> -> memref<36864x8xf32, #tpu.memory_space<hbm>>
    tpu.enqueue_indirect_dma source(%dma_start3A_447 : memref<36864x8xf32, #tpu.memory_space<hbm>>) target(%dma_start3A_441 : memref<128x8xf32, #tpu.memory_space<vmem>>) offsets(%dma_start3A_444 : memref<128xi32, #tpu.memory_space<vmem>>) semaphore(%arg10 : memref<!tpu.dma_semaphore, #tpu.memory_space<semaphore_mem>>)
    %dma_start3A_448 = arith.constant 3 : i32
    %dma_start3A_449 = arith.constant 8 : i32
    %dma_start3A_450 = arith.constant 2 : i32
    %dma_start3A_451 = arith.constant 1024 : i32
    %dma_start3A_452 = arith.constant 0 : i32
    %dma_start3A_453 = tpu.memref_slice %arg9[%dma_start3A_450, %dma_start3A_451, %dma_start3A_452] : memref<4x1152x8xf32, #tpu.memory_space<vmem>> -> memref<1x128x8xf32, #tpu.memory_space<vmem>>
    %dma_start3A_454 = tpu.memref_squeeze %dma_start3A_453 : memref<1x128x8xf32, #tpu.memory_space<vmem>> -> memref<128x8xf32, #tpu.memory_space<vmem>>
    %dma_start3A_455 = arith.constant 0 : i32
    %dma_start3A_456 = tpu.memref_slice %arg7[%dma_start3A_448, %dma_start3A_449, %dma_start3A_455] : memref<5x9x128xi32, #tpu.memory_space<vmem>> -> memref<1x1x128xi32, #tpu.memory_space<vmem>>
    %dma_start3A_457 = tpu.memref_squeeze %dma_start3A_456 : memref<1x1x128xi32, #tpu.memory_space<vmem>> -> memref<128xi32, #tpu.memory_space<vmem>>
    %dma_start3A_458 = arith.constant 0 : i32
    %dma_start3A_459 = arith.constant 0 : i32
    %dma_start3A_460 = tpu.memref_slice %arg3[%dma_start3A_458, %dma_start3A_459] : memref<36864x8xf32, #tpu.memory_space<hbm>> -> memref<36864x8xf32, #tpu.memory_space<hbm>>
    tpu.enqueue_indirect_dma source(%dma_start3A_460 : memref<36864x8xf32, #tpu.memory_space<hbm>>) target(%dma_start3A_454 : memref<128x8xf32, #tpu.memory_space<vmem>>) offsets(%dma_start3A_457 : memref<128xi32, #tpu.memory_space<vmem>>) semaphore(%arg10 : memref<!tpu.dma_semaphore, #tpu.memory_space<semaphore_mem>>)
    %dma_start3A_461 = arith.constant 4 : i32
    %dma_start3A_462 = arith.constant 0 : i32
    %dma_start3A_463 = arith.constant 3 : i32
    %dma_start3A_464 = arith.constant 0 : i32
    %dma_start3A_465 = arith.constant 0 : i32
    %dma_start3A_466 = tpu.memref_slice %arg9[%dma_start3A_463, %dma_start3A_464, %dma_start3A_465] : memref<4x1152x8xf32, #tpu.memory_space<vmem>> -> memref<1x128x8xf32, #tpu.memory_space<vmem>>
    %dma_start3A_467 = tpu.memref_squeeze %dma_start3A_466 : memref<1x128x8xf32, #tpu.memory_space<vmem>> -> memref<128x8xf32, #tpu.memory_space<vmem>>
    %dma_start3A_468 = arith.constant 0 : i32
    %dma_start3A_469 = tpu.memref_slice %arg7[%dma_start3A_461, %dma_start3A_462, %dma_start3A_468] : memref<5x9x128xi32, #tpu.memory_space<vmem>> -> memref<1x1x128xi32, #tpu.memory_space<vmem>>
    %dma_start3A_470 = tpu.memref_squeeze %dma_start3A_469 : memref<1x1x128xi32, #tpu.memory_space<vmem>> -> memref<128xi32, #tpu.memory_space<vmem>>
    %dma_start3A_471 = arith.constant 0 : i32
    %dma_start3A_472 = arith.constant 0 : i32
    %dma_start3A_473 = tpu.memref_slice %arg3[%dma_start3A_471, %dma_start3A_472] : memref<36864x8xf32, #tpu.memory_space<hbm>> -> memref<36864x8xf32, #tpu.memory_space<hbm>>
    tpu.enqueue_indirect_dma source(%dma_start3A_473 : memref<36864x8xf32, #tpu.memory_space<hbm>>) target(%dma_start3A_467 : memref<128x8xf32, #tpu.memory_space<vmem>>) offsets(%dma_start3A_470 : memref<128xi32, #tpu.memory_space<vmem>>) semaphore(%arg10 : memref<!tpu.dma_semaphore, #tpu.memory_space<semaphore_mem>>)
    %dma_start3A_474 = arith.constant 4 : i32
    %dma_start3A_475 = arith.constant 1 : i32
    %dma_start3A_476 = arith.constant 3 : i32
    %dma_start3A_477 = arith.constant 128 : i32
    %dma_start3A_478 = arith.constant 0 : i32
    %dma_start3A_479 = tpu.memref_slice %arg9[%dma_start3A_476, %dma_start3A_477, %dma_start3A_478] : memref<4x1152x8xf32, #tpu.memory_space<vmem>> -> memref<1x128x8xf32, #tpu.memory_space<vmem>>
    %dma_start3A_480 = tpu.memref_squeeze %dma_start3A_479 : memref<1x128x8xf32, #tpu.memory_space<vmem>> -> memref<128x8xf32, #tpu.memory_space<vmem>>
    %dma_start3A_481 = arith.constant 0 : i32
    %dma_start3A_482 = tpu.memref_slice %arg7[%dma_start3A_474, %dma_start3A_475, %dma_start3A_481] : memref<5x9x128xi32, #tpu.memory_space<vmem>> -> memref<1x1x128xi32, #tpu.memory_space<vmem>>
    %dma_start3A_483 = tpu.memref_squeeze %dma_start3A_482 : memref<1x1x128xi32, #tpu.memory_space<vmem>> -> memref<128xi32, #tpu.memory_space<vmem>>
    %dma_start3A_484 = arith.constant 0 : i32
    %dma_start3A_485 = arith.constant 0 : i32
    %dma_start3A_486 = tpu.memref_slice %arg3[%dma_start3A_484, %dma_start3A_485] : memref<36864x8xf32, #tpu.memory_space<hbm>> -> memref<36864x8xf32, #tpu.memory_space<hbm>>
    tpu.enqueue_indirect_dma source(%dma_start3A_486 : memref<36864x8xf32, #tpu.memory_space<hbm>>) target(%dma_start3A_480 : memref<128x8xf32, #tpu.memory_space<vmem>>) offsets(%dma_start3A_483 : memref<128xi32, #tpu.memory_space<vmem>>) semaphore(%arg10 : memref<!tpu.dma_semaphore, #tpu.memory_space<semaphore_mem>>)
    %dma_start3A_487 = arith.constant 4 : i32
    %dma_start3A_488 = arith.constant 2 : i32
    %dma_start3A_489 = arith.constant 3 : i32
    %dma_start3A_490 = arith.constant 256 : i32
    %dma_start3A_491 = arith.constant 0 : i32
    %dma_start3A_492 = tpu.memref_slice %arg9[%dma_start3A_489, %dma_start3A_490, %dma_start3A_491] : memref<4x1152x8xf32, #tpu.memory_space<vmem>> -> memref<1x128x8xf32, #tpu.memory_space<vmem>>
    %dma_start3A_493 = tpu.memref_squeeze %dma_start3A_492 : memref<1x128x8xf32, #tpu.memory_space<vmem>> -> memref<128x8xf32, #tpu.memory_space<vmem>>
    %dma_start3A_494 = arith.constant 0 : i32
    %dma_start3A_495 = tpu.memref_slice %arg7[%dma_start3A_487, %dma_start3A_488, %dma_start3A_494] : memref<5x9x128xi32, #tpu.memory_space<vmem>> -> memref<1x1x128xi32, #tpu.memory_space<vmem>>
    %dma_start3A_496 = tpu.memref_squeeze %dma_start3A_495 : memref<1x1x128xi32, #tpu.memory_space<vmem>> -> memref<128xi32, #tpu.memory_space<vmem>>
    %dma_start3A_497 = arith.constant 0 : i32
    %dma_start3A_498 = arith.constant 0 : i32
    %dma_start3A_499 = tpu.memref_slice %arg3[%dma_start3A_497, %dma_start3A_498] : memref<36864x8xf32, #tpu.memory_space<hbm>> -> memref<36864x8xf32, #tpu.memory_space<hbm>>
    tpu.enqueue_indirect_dma source(%dma_start3A_499 : memref<36864x8xf32, #tpu.memory_space<hbm>>) target(%dma_start3A_493 : memref<128x8xf32, #tpu.memory_space<vmem>>) offsets(%dma_start3A_496 : memref<128xi32, #tpu.memory_space<vmem>>) semaphore(%arg10 : memref<!tpu.dma_semaphore, #tpu.memory_space<semaphore_mem>>)
    %dma_start3A_500 = arith.constant 4 : i32
    %dma_start3A_501 = arith.constant 3 : i32
    %dma_start3A_502 = arith.constant 3 : i32
    %dma_start3A_503 = arith.constant 384 : i32
    %dma_start3A_504 = arith.constant 0 : i32
    %dma_start3A_505 = tpu.memref_slice %arg9[%dma_start3A_502, %dma_start3A_503, %dma_start3A_504] : memref<4x1152x8xf32, #tpu.memory_space<vmem>> -> memref<1x128x8xf32, #tpu.memory_space<vmem>>
    %dma_start3A_506 = tpu.memref_squeeze %dma_start3A_505 : memref<1x128x8xf32, #tpu.memory_space<vmem>> -> memref<128x8xf32, #tpu.memory_space<vmem>>
    %dma_start3A_507 = arith.constant 0 : i32
    %dma_start3A_508 = tpu.memref_slice %arg7[%dma_start3A_500, %dma_start3A_501, %dma_start3A_507] : memref<5x9x128xi32, #tpu.memory_space<vmem>> -> memref<1x1x128xi32, #tpu.memory_space<vmem>>
    %dma_start3A_509 = tpu.memref_squeeze %dma_start3A_508 : memref<1x1x128xi32, #tpu.memory_space<vmem>> -> memref<128xi32, #tpu.memory_space<vmem>>
    %dma_start3A_510 = arith.constant 0 : i32
    %dma_start3A_511 = arith.constant 0 : i32
    %dma_start3A_512 = tpu.memref_slice %arg3[%dma_start3A_510, %dma_start3A_511] : memref<36864x8xf32, #tpu.memory_space<hbm>> -> memref<36864x8xf32, #tpu.memory_space<hbm>>
    tpu.enqueue_indirect_dma source(%dma_start3A_512 : memref<36864x8xf32, #tpu.memory_space<hbm>>) target(%dma_start3A_506 : memref<128x8xf32, #tpu.memory_space<vmem>>) offsets(%dma_start3A_509 : memref<128xi32, #tpu.memory_space<vmem>>) semaphore(%arg10 : memref<!tpu.dma_semaphore, #tpu.memory_space<semaphore_mem>>)
    %dma_start3A_513 = arith.constant 4 : i32
    %dma_start3A_514 = arith.constant 4 : i32
    %dma_start3A_515 = arith.constant 3 : i32
    %dma_start3A_516 = arith.constant 512 : i32
    %dma_start3A_517 = arith.constant 0 : i32
    %dma_start3A_518 = tpu.memref_slice %arg9[%dma_start3A_515, %dma_start3A_516, %dma_start3A_517] : memref<4x1152x8xf32, #tpu.memory_space<vmem>> -> memref<1x128x8xf32, #tpu.memory_space<vmem>>
    %dma_start3A_519 = tpu.memref_squeeze %dma_start3A_518 : memref<1x128x8xf32, #tpu.memory_space<vmem>> -> memref<128x8xf32, #tpu.memory_space<vmem>>
    %dma_start3A_520 = arith.constant 0 : i32
    %dma_start3A_521 = tpu.memref_slice %arg7[%dma_start3A_513, %dma_start3A_514, %dma_start3A_520] : memref<5x9x128xi32, #tpu.memory_space<vmem>> -> memref<1x1x128xi32, #tpu.memory_space<vmem>>
    %dma_start3A_522 = tpu.memref_squeeze %dma_start3A_521 : memref<1x1x128xi32, #tpu.memory_space<vmem>> -> memref<128xi32, #tpu.memory_space<vmem>>
    %dma_start3A_523 = arith.constant 0 : i32
    %dma_start3A_524 = arith.constant 0 : i32
    %dma_start3A_525 = tpu.memref_slice %arg3[%dma_start3A_523, %dma_start3A_524] : memref<36864x8xf32, #tpu.memory_space<hbm>> -> memref<36864x8xf32, #tpu.memory_space<hbm>>
    tpu.enqueue_indirect_dma source(%dma_start3A_525 : memref<36864x8xf32, #tpu.memory_space<hbm>>) target(%dma_start3A_519 : memref<128x8xf32, #tpu.memory_space<vmem>>) offsets(%dma_start3A_522 : memref<128xi32, #tpu.memory_space<vmem>>) semaphore(%arg10 : memref<!tpu.dma_semaphore, #tpu.memory_space<semaphore_mem>>)
    %dma_start3A_526 = arith.constant 4 : i32
    %dma_start3A_527 = arith.constant 5 : i32
    %dma_start3A_528 = arith.constant 3 : i32
    %dma_start3A_529 = arith.constant 640 : i32
    %dma_start3A_530 = arith.constant 0 : i32
    %dma_start3A_531 = tpu.memref_slice %arg9[%dma_start3A_528, %dma_start3A_529, %dma_start3A_530] : memref<4x1152x8xf32, #tpu.memory_space<vmem>> -> memref<1x128x8xf32, #tpu.memory_space<vmem>>
    %dma_start3A_532 = tpu.memref_squeeze %dma_start3A_531 : memref<1x128x8xf32, #tpu.memory_space<vmem>> -> memref<128x8xf32, #tpu.memory_space<vmem>>
    %dma_start3A_533 = arith.constant 0 : i32
    %dma_start3A_534 = tpu.memref_slice %arg7[%dma_start3A_526, %dma_start3A_527, %dma_start3A_533] : memref<5x9x128xi32, #tpu.memory_space<vmem>> -> memref<1x1x128xi32, #tpu.memory_space<vmem>>
    %dma_start3A_535 = tpu.memref_squeeze %dma_start3A_534 : memref<1x1x128xi32, #tpu.memory_space<vmem>> -> memref<128xi32, #tpu.memory_space<vmem>>
    %dma_start3A_536 = arith.constant 0 : i32
    %dma_start3A_537 = arith.constant 0 : i32
    %dma_start3A_538 = tpu.memref_slice %arg3[%dma_start3A_536, %dma_start3A_537] : memref<36864x8xf32, #tpu.memory_space<hbm>> -> memref<36864x8xf32, #tpu.memory_space<hbm>>
    tpu.enqueue_indirect_dma source(%dma_start3A_538 : memref<36864x8xf32, #tpu.memory_space<hbm>>) target(%dma_start3A_532 : memref<128x8xf32, #tpu.memory_space<vmem>>) offsets(%dma_start3A_535 : memref<128xi32, #tpu.memory_space<vmem>>) semaphore(%arg10 : memref<!tpu.dma_semaphore, #tpu.memory_space<semaphore_mem>>)
    %dma_start3A_539 = arith.constant 4 : i32
    %dma_start3A_540 = arith.constant 6 : i32
    %dma_start3A_541 = arith.constant 3 : i32
    %dma_start3A_542 = arith.constant 768 : i32
    %dma_start3A_543 = arith.constant 0 : i32
    %dma_start3A_544 = tpu.memref_slice %arg9[%dma_start3A_541, %dma_start3A_542, %dma_start3A_543] : memref<4x1152x8xf32, #tpu.memory_space<vmem>> -> memref<1x128x8xf32, #tpu.memory_space<vmem>>
    %dma_start3A_545 = tpu.memref_squeeze %dma_start3A_544 : memref<1x128x8xf32, #tpu.memory_space<vmem>> -> memref<128x8xf32, #tpu.memory_space<vmem>>
    %dma_start3A_546 = arith.constant 0 : i32
    %dma_start3A_547 = tpu.memref_slice %arg7[%dma_start3A_539, %dma_start3A_540, %dma_start3A_546] : memref<5x9x128xi32, #tpu.memory_space<vmem>> -> memref<1x1x128xi32, #tpu.memory_space<vmem>>
    %dma_start3A_548 = tpu.memref_squeeze %dma_start3A_547 : memref<1x1x128xi32, #tpu.memory_space<vmem>> -> memref<128xi32, #tpu.memory_space<vmem>>
    %dma_start3A_549 = arith.constant 0 : i32
    %dma_start3A_550 = arith.constant 0 : i32
    %dma_start3A_551 = tpu.memref_slice %arg3[%dma_start3A_549, %dma_start3A_550] : memref<36864x8xf32, #tpu.memory_space<hbm>> -> memref<36864x8xf32, #tpu.memory_space<hbm>>
    tpu.enqueue_indirect_dma source(%dma_start3A_551 : memref<36864x8xf32, #tpu.memory_space<hbm>>) target(%dma_start3A_545 : memref<128x8xf32, #tpu.memory_space<vmem>>) offsets(%dma_start3A_548 : memref<128xi32, #tpu.memory_space<vmem>>) semaphore(%arg10 : memref<!tpu.dma_semaphore, #tpu.memory_space<semaphore_mem>>)
    %dma_start3A_552 = arith.constant 4 : i32
    %dma_start3A_553 = arith.constant 7 : i32
    %dma_start3A_554 = arith.constant 3 : i32
    %dma_start3A_555 = arith.constant 896 : i32
    %dma_start3A_556 = arith.constant 0 : i32
    %dma_start3A_557 = tpu.memref_slice %arg9[%dma_start3A_554, %dma_start3A_555, %dma_start3A_556] : memref<4x1152x8xf32, #tpu.memory_space<vmem>> -> memref<1x128x8xf32, #tpu.memory_space<vmem>>
    %dma_start3A_558 = tpu.memref_squeeze %dma_start3A_557 : memref<1x128x8xf32, #tpu.memory_space<vmem>> -> memref<128x8xf32, #tpu.memory_space<vmem>>
    %dma_start3A_559 = arith.constant 0 : i32
    %dma_start3A_560 = tpu.memref_slice %arg7[%dma_start3A_552, %dma_start3A_553, %dma_start3A_559] : memref<5x9x128xi32, #tpu.memory_space<vmem>> -> memref<1x1x128xi32, #tpu.memory_space<vmem>>
    %dma_start3A_561 = tpu.memref_squeeze %dma_start3A_560 : memref<1x1x128xi32, #tpu.memory_space<vmem>> -> memref<128xi32, #tpu.memory_space<vmem>>
    %dma_start3A_562 = arith.constant 0 : i32
    %dma_start3A_563 = arith.constant 0 : i32
    %dma_start3A_564 = tpu.memref_slice %arg3[%dma_start3A_562, %dma_start3A_563] : memref<36864x8xf32, #tpu.memory_space<hbm>> -> memref<36864x8xf32, #tpu.memory_space<hbm>>
    tpu.enqueue_indirect_dma source(%dma_start3A_564 : memref<36864x8xf32, #tpu.memory_space<hbm>>) target(%dma_start3A_558 : memref<128x8xf32, #tpu.memory_space<vmem>>) offsets(%dma_start3A_561 : memref<128xi32, #tpu.memory_space<vmem>>) semaphore(%arg10 : memref<!tpu.dma_semaphore, #tpu.memory_space<semaphore_mem>>)
    %dma_start3A_565 = arith.constant 4 : i32
    %dma_start3A_566 = arith.constant 8 : i32
    %dma_start3A_567 = arith.constant 3 : i32
    %dma_start3A_568 = arith.constant 1024 : i32
    %dma_start3A_569 = arith.constant 0 : i32
    %dma_start3A_570 = tpu.memref_slice %arg9[%dma_start3A_567, %dma_start3A_568, %dma_start3A_569] : memref<4x1152x8xf32, #tpu.memory_space<vmem>> -> memref<1x128x8xf32, #tpu.memory_space<vmem>>
    %dma_start3A_571 = tpu.memref_squeeze %dma_start3A_570 : memref<1x128x8xf32, #tpu.memory_space<vmem>> -> memref<128x8xf32, #tpu.memory_space<vmem>>
    %dma_start3A_572 = arith.constant 0 : i32
    %dma_start3A_573 = tpu.memref_slice %arg7[%dma_start3A_565, %dma_start3A_566, %dma_start3A_572] : memref<5x9x128xi32, #tpu.memory_space<vmem>> -> memref<1x1x128xi32, #tpu.memory_space<vmem>>
    %dma_start3A_574 = tpu.memref_squeeze %dma_start3A_573 : memref<1x1x128xi32, #tpu.memory_space<vmem>> -> memref<128xi32, #tpu.memory_space<vmem>>
    %dma_start3A_575 = arith.constant 0 : i32
    %dma_start3A_576 = arith.constant 0 : i32
    %dma_start3A_577 = tpu.memref_slice %arg3[%dma_start3A_575, %dma_start3A_576] : memref<36864x8xf32, #tpu.memory_space<hbm>> -> memref<36864x8xf32, #tpu.memory_space<hbm>>
    tpu.enqueue_indirect_dma source(%dma_start3A_577 : memref<36864x8xf32, #tpu.memory_space<hbm>>) target(%dma_start3A_571 : memref<128x8xf32, #tpu.memory_space<vmem>>) offsets(%dma_start3A_574 : memref<128xi32, #tpu.memory_space<vmem>>) semaphore(%arg10 : memref<!tpu.dma_semaphore, #tpu.memory_space<semaphore_mem>>)
    %dma_wait3A = arith.constant 0 : i32
    %dma_wait3A_578 = arith.constant 0 : i32
    %dma_wait3A_579 = arith.constant 0 : i32
    %dma_wait3A_580 = arith.constant 0 : i32
    %dma_wait3A_581 = tpu.memref_slice %arg8[%dma_wait3A_579, %dma_wait3A_580] : memref<1152x64xf32, #tpu.memory_space<vmem>> -> memref<128x64xf32, #tpu.memory_space<vmem>>
    %dma_wait3A_582 = arith.constant 0 : i32
    %dma_wait3A_583 = tpu.memref_slice %arg7[%dma_wait3A, %dma_wait3A_578, %dma_wait3A_582] : memref<5x9x128xi32, #tpu.memory_space<vmem>> -> memref<1x1x128xi32, #tpu.memory_space<vmem>>
    %dma_wait3A_584 = tpu.memref_squeeze %dma_wait3A_583 : memref<1x1x128xi32, #tpu.memory_space<vmem>> -> memref<128xi32, #tpu.memory_space<vmem>>
    %dma_wait3A_585 = arith.constant 0 : i32
    %dma_wait3A_586 = arith.constant 0 : i32
    %dma_wait3A_587 = tpu.memref_slice %arg2[%dma_wait3A_585, %dma_wait3A_586] : memref<36864x64xf32, #tpu.memory_space<hbm>> -> memref<36864x64xf32, #tpu.memory_space<hbm>>
    tpu.wait_indirect_dma semaphore(%arg10 : memref<!tpu.dma_semaphore, #tpu.memory_space<semaphore_mem>>) src(%dma_wait3A_587 : memref<36864x64xf32, #tpu.memory_space<hbm>>) dst(%dma_wait3A_581 : memref<128x64xf32, #tpu.memory_space<vmem>>)
    %dma_wait3A_588 = arith.constant 0 : i32
    %dma_wait3A_589 = arith.constant 1 : i32
    %dma_wait3A_590 = arith.constant 128 : i32
    %dma_wait3A_591 = arith.constant 0 : i32
    %dma_wait3A_592 = tpu.memref_slice %arg8[%dma_wait3A_590, %dma_wait3A_591] : memref<1152x64xf32, #tpu.memory_space<vmem>> -> memref<128x64xf32, #tpu.memory_space<vmem>>
    %dma_wait3A_593 = arith.constant 0 : i32
    %dma_wait3A_594 = tpu.memref_slice %arg7[%dma_wait3A_588, %dma_wait3A_589, %dma_wait3A_593] : memref<5x9x128xi32, #tpu.memory_space<vmem>> -> memref<1x1x128xi32, #tpu.memory_space<vmem>>
    %dma_wait3A_595 = tpu.memref_squeeze %dma_wait3A_594 : memref<1x1x128xi32, #tpu.memory_space<vmem>> -> memref<128xi32, #tpu.memory_space<vmem>>
    %dma_wait3A_596 = arith.constant 0 : i32
    %dma_wait3A_597 = arith.constant 0 : i32
    %dma_wait3A_598 = tpu.memref_slice %arg2[%dma_wait3A_596, %dma_wait3A_597] : memref<36864x64xf32, #tpu.memory_space<hbm>> -> memref<36864x64xf32, #tpu.memory_space<hbm>>
    tpu.wait_indirect_dma semaphore(%arg10 : memref<!tpu.dma_semaphore, #tpu.memory_space<semaphore_mem>>) src(%dma_wait3A_598 : memref<36864x64xf32, #tpu.memory_space<hbm>>) dst(%dma_wait3A_592 : memref<128x64xf32, #tpu.memory_space<vmem>>)
    %dma_wait3A_599 = arith.constant 0 : i32
    %dma_wait3A_600 = arith.constant 2 : i32
    %dma_wait3A_601 = arith.constant 256 : i32
    %dma_wait3A_602 = arith.constant 0 : i32
    %dma_wait3A_603 = tpu.memref_slice %arg8[%dma_wait3A_601, %dma_wait3A_602] : memref<1152x64xf32, #tpu.memory_space<vmem>> -> memref<128x64xf32, #tpu.memory_space<vmem>>
    %dma_wait3A_604 = arith.constant 0 : i32
    %dma_wait3A_605 = tpu.memref_slice %arg7[%dma_wait3A_599, %dma_wait3A_600, %dma_wait3A_604] : memref<5x9x128xi32, #tpu.memory_space<vmem>> -> memref<1x1x128xi32, #tpu.memory_space<vmem>>
    %dma_wait3A_606 = tpu.memref_squeeze %dma_wait3A_605 : memref<1x1x128xi32, #tpu.memory_space<vmem>> -> memref<128xi32, #tpu.memory_space<vmem>>
    %dma_wait3A_607 = arith.constant 0 : i32
    %dma_wait3A_608 = arith.constant 0 : i32
    %dma_wait3A_609 = tpu.memref_slice %arg2[%dma_wait3A_607, %dma_wait3A_608] : memref<36864x64xf32, #tpu.memory_space<hbm>> -> memref<36864x64xf32, #tpu.memory_space<hbm>>
    tpu.wait_indirect_dma semaphore(%arg10 : memref<!tpu.dma_semaphore, #tpu.memory_space<semaphore_mem>>) src(%dma_wait3A_609 : memref<36864x64xf32, #tpu.memory_space<hbm>>) dst(%dma_wait3A_603 : memref<128x64xf32, #tpu.memory_space<vmem>>)
    %dma_wait3A_610 = arith.constant 0 : i32
    %dma_wait3A_611 = arith.constant 3 : i32
    %dma_wait3A_612 = arith.constant 384 : i32
    %dma_wait3A_613 = arith.constant 0 : i32
    %dma_wait3A_614 = tpu.memref_slice %arg8[%dma_wait3A_612, %dma_wait3A_613] : memref<1152x64xf32, #tpu.memory_space<vmem>> -> memref<128x64xf32, #tpu.memory_space<vmem>>
    %dma_wait3A_615 = arith.constant 0 : i32
    %dma_wait3A_616 = tpu.memref_slice %arg7[%dma_wait3A_610, %dma_wait3A_611, %dma_wait3A_615] : memref<5x9x128xi32, #tpu.memory_space<vmem>> -> memref<1x1x128xi32, #tpu.memory_space<vmem>>
    %dma_wait3A_617 = tpu.memref_squeeze %dma_wait3A_616 : memref<1x1x128xi32, #tpu.memory_space<vmem>> -> memref<128xi32, #tpu.memory_space<vmem>>
    %dma_wait3A_618 = arith.constant 0 : i32
    %dma_wait3A_619 = arith.constant 0 : i32
    %dma_wait3A_620 = tpu.memref_slice %arg2[%dma_wait3A_618, %dma_wait3A_619] : memref<36864x64xf32, #tpu.memory_space<hbm>> -> memref<36864x64xf32, #tpu.memory_space<hbm>>
    tpu.wait_indirect_dma semaphore(%arg10 : memref<!tpu.dma_semaphore, #tpu.memory_space<semaphore_mem>>) src(%dma_wait3A_620 : memref<36864x64xf32, #tpu.memory_space<hbm>>) dst(%dma_wait3A_614 : memref<128x64xf32, #tpu.memory_space<vmem>>)
    %dma_wait3A_621 = arith.constant 0 : i32
    %dma_wait3A_622 = arith.constant 4 : i32
    %dma_wait3A_623 = arith.constant 512 : i32
    %dma_wait3A_624 = arith.constant 0 : i32
    %dma_wait3A_625 = tpu.memref_slice %arg8[%dma_wait3A_623, %dma_wait3A_624] : memref<1152x64xf32, #tpu.memory_space<vmem>> -> memref<128x64xf32, #tpu.memory_space<vmem>>
    %dma_wait3A_626 = arith.constant 0 : i32
    %dma_wait3A_627 = tpu.memref_slice %arg7[%dma_wait3A_621, %dma_wait3A_622, %dma_wait3A_626] : memref<5x9x128xi32, #tpu.memory_space<vmem>> -> memref<1x1x128xi32, #tpu.memory_space<vmem>>
    %dma_wait3A_628 = tpu.memref_squeeze %dma_wait3A_627 : memref<1x1x128xi32, #tpu.memory_space<vmem>> -> memref<128xi32, #tpu.memory_space<vmem>>
    %dma_wait3A_629 = arith.constant 0 : i32
    %dma_wait3A_630 = arith.constant 0 : i32
    %dma_wait3A_631 = tpu.memref_slice %arg2[%dma_wait3A_629, %dma_wait3A_630] : memref<36864x64xf32, #tpu.memory_space<hbm>> -> memref<36864x64xf32, #tpu.memory_space<hbm>>
    tpu.wait_indirect_dma semaphore(%arg10 : memref<!tpu.dma_semaphore, #tpu.memory_space<semaphore_mem>>) src(%dma_wait3A_631 : memref<36864x64xf32, #tpu.memory_space<hbm>>) dst(%dma_wait3A_625 : memref<128x64xf32, #tpu.memory_space<vmem>>)
    %dma_wait3A_632 = arith.constant 0 : i32
    %dma_wait3A_633 = arith.constant 5 : i32
    %dma_wait3A_634 = arith.constant 640 : i32
    %dma_wait3A_635 = arith.constant 0 : i32
    %dma_wait3A_636 = tpu.memref_slice %arg8[%dma_wait3A_634, %dma_wait3A_635] : memref<1152x64xf32, #tpu.memory_space<vmem>> -> memref<128x64xf32, #tpu.memory_space<vmem>>
    %dma_wait3A_637 = arith.constant 0 : i32
    %dma_wait3A_638 = tpu.memref_slice %arg7[%dma_wait3A_632, %dma_wait3A_633, %dma_wait3A_637] : memref<5x9x128xi32, #tpu.memory_space<vmem>> -> memref<1x1x128xi32, #tpu.memory_space<vmem>>
    %dma_wait3A_639 = tpu.memref_squeeze %dma_wait3A_638 : memref<1x1x128xi32, #tpu.memory_space<vmem>> -> memref<128xi32, #tpu.memory_space<vmem>>
    %dma_wait3A_640 = arith.constant 0 : i32
    %dma_wait3A_641 = arith.constant 0 : i32
    %dma_wait3A_642 = tpu.memref_slice %arg2[%dma_wait3A_640, %dma_wait3A_641] : memref<36864x64xf32, #tpu.memory_space<hbm>> -> memref<36864x64xf32, #tpu.memory_space<hbm>>
    tpu.wait_indirect_dma semaphore(%arg10 : memref<!tpu.dma_semaphore, #tpu.memory_space<semaphore_mem>>) src(%dma_wait3A_642 : memref<36864x64xf32, #tpu.memory_space<hbm>>) dst(%dma_wait3A_636 : memref<128x64xf32, #tpu.memory_space<vmem>>)
    %dma_wait3A_643 = arith.constant 0 : i32
    %dma_wait3A_644 = arith.constant 6 : i32
    %dma_wait3A_645 = arith.constant 768 : i32
    %dma_wait3A_646 = arith.constant 0 : i32
    %dma_wait3A_647 = tpu.memref_slice %arg8[%dma_wait3A_645, %dma_wait3A_646] : memref<1152x64xf32, #tpu.memory_space<vmem>> -> memref<128x64xf32, #tpu.memory_space<vmem>>
    %dma_wait3A_648 = arith.constant 0 : i32
    %dma_wait3A_649 = tpu.memref_slice %arg7[%dma_wait3A_643, %dma_wait3A_644, %dma_wait3A_648] : memref<5x9x128xi32, #tpu.memory_space<vmem>> -> memref<1x1x128xi32, #tpu.memory_space<vmem>>
    %dma_wait3A_650 = tpu.memref_squeeze %dma_wait3A_649 : memref<1x1x128xi32, #tpu.memory_space<vmem>> -> memref<128xi32, #tpu.memory_space<vmem>>
    %dma_wait3A_651 = arith.constant 0 : i32
    %dma_wait3A_652 = arith.constant 0 : i32
    %dma_wait3A_653 = tpu.memref_slice %arg2[%dma_wait3A_651, %dma_wait3A_652] : memref<36864x64xf32, #tpu.memory_space<hbm>> -> memref<36864x64xf32, #tpu.memory_space<hbm>>
    tpu.wait_indirect_dma semaphore(%arg10 : memref<!tpu.dma_semaphore, #tpu.memory_space<semaphore_mem>>) src(%dma_wait3A_653 : memref<36864x64xf32, #tpu.memory_space<hbm>>) dst(%dma_wait3A_647 : memref<128x64xf32, #tpu.memory_space<vmem>>)
    %dma_wait3A_654 = arith.constant 0 : i32
    %dma_wait3A_655 = arith.constant 7 : i32
    %dma_wait3A_656 = arith.constant 896 : i32
    %dma_wait3A_657 = arith.constant 0 : i32
    %dma_wait3A_658 = tpu.memref_slice %arg8[%dma_wait3A_656, %dma_wait3A_657] : memref<1152x64xf32, #tpu.memory_space<vmem>> -> memref<128x64xf32, #tpu.memory_space<vmem>>
    %dma_wait3A_659 = arith.constant 0 : i32
    %dma_wait3A_660 = tpu.memref_slice %arg7[%dma_wait3A_654, %dma_wait3A_655, %dma_wait3A_659] : memref<5x9x128xi32, #tpu.memory_space<vmem>> -> memref<1x1x128xi32, #tpu.memory_space<vmem>>
    %dma_wait3A_661 = tpu.memref_squeeze %dma_wait3A_660 : memref<1x1x128xi32, #tpu.memory_space<vmem>> -> memref<128xi32, #tpu.memory_space<vmem>>
    %dma_wait3A_662 = arith.constant 0 : i32
    %dma_wait3A_663 = arith.constant 0 : i32
    %dma_wait3A_664 = tpu.memref_slice %arg2[%dma_wait3A_662, %dma_wait3A_663] : memref<36864x64xf32, #tpu.memory_space<hbm>> -> memref<36864x64xf32, #tpu.memory_space<hbm>>
    tpu.wait_indirect_dma semaphore(%arg10 : memref<!tpu.dma_semaphore, #tpu.memory_space<semaphore_mem>>) src(%dma_wait3A_664 : memref<36864x64xf32, #tpu.memory_space<hbm>>) dst(%dma_wait3A_658 : memref<128x64xf32, #tpu.memory_space<vmem>>)
    %dma_wait3A_665 = arith.constant 0 : i32
    %dma_wait3A_666 = arith.constant 8 : i32
    %dma_wait3A_667 = arith.constant 1024 : i32
    %dma_wait3A_668 = arith.constant 0 : i32
    %dma_wait3A_669 = tpu.memref_slice %arg8[%dma_wait3A_667, %dma_wait3A_668] : memref<1152x64xf32, #tpu.memory_space<vmem>> -> memref<128x64xf32, #tpu.memory_space<vmem>>
    %dma_wait3A_670 = arith.constant 0 : i32
    %dma_wait3A_671 = tpu.memref_slice %arg7[%dma_wait3A_665, %dma_wait3A_666, %dma_wait3A_670] : memref<5x9x128xi32, #tpu.memory_space<vmem>> -> memref<1x1x128xi32, #tpu.memory_space<vmem>>
    %dma_wait3A_672 = tpu.memref_squeeze %dma_wait3A_671 : memref<1x1x128xi32, #tpu.memory_space<vmem>> -> memref<128xi32, #tpu.memory_space<vmem>>
    %dma_wait3A_673 = arith.constant 0 : i32
    %dma_wait3A_674 = arith.constant 0 : i32
    %dma_wait3A_675 = tpu.memref_slice %arg2[%dma_wait3A_673, %dma_wait3A_674] : memref<36864x64xf32, #tpu.memory_space<hbm>> -> memref<36864x64xf32, #tpu.memory_space<hbm>>
    tpu.wait_indirect_dma semaphore(%arg10 : memref<!tpu.dma_semaphore, #tpu.memory_space<semaphore_mem>>) src(%dma_wait3A_675 : memref<36864x64xf32, #tpu.memory_space<hbm>>) dst(%dma_wait3A_669 : memref<128x64xf32, #tpu.memory_space<vmem>>)
    %dma_wait3A_676 = arith.constant 1 : i32
    %dma_wait3A_677 = arith.constant 0 : i32
    %dma_wait3A_678 = arith.constant 0 : i32
    %dma_wait3A_679 = arith.constant 0 : i32
    %dma_wait3A_680 = arith.constant 0 : i32
    %dma_wait3A_681 = tpu.memref_slice %arg9[%dma_wait3A_678, %dma_wait3A_679, %dma_wait3A_680] : memref<4x1152x8xf32, #tpu.memory_space<vmem>> -> memref<1x128x8xf32, #tpu.memory_space<vmem>>
    %dma_wait3A_682 = tpu.memref_squeeze %dma_wait3A_681 : memref<1x128x8xf32, #tpu.memory_space<vmem>> -> memref<128x8xf32, #tpu.memory_space<vmem>>
    %dma_wait3A_683 = arith.constant 0 : i32
    %dma_wait3A_684 = tpu.memref_slice %arg7[%dma_wait3A_676, %dma_wait3A_677, %dma_wait3A_683] : memref<5x9x128xi32, #tpu.memory_space<vmem>> -> memref<1x1x128xi32, #tpu.memory_space<vmem>>
    %dma_wait3A_685 = tpu.memref_squeeze %dma_wait3A_684 : memref<1x1x128xi32, #tpu.memory_space<vmem>> -> memref<128xi32, #tpu.memory_space<vmem>>
    %dma_wait3A_686 = arith.constant 0 : i32
    %dma_wait3A_687 = arith.constant 0 : i32
    %dma_wait3A_688 = tpu.memref_slice %arg3[%dma_wait3A_686, %dma_wait3A_687] : memref<36864x8xf32, #tpu.memory_space<hbm>> -> memref<36864x8xf32, #tpu.memory_space<hbm>>
    tpu.wait_indirect_dma semaphore(%arg10 : memref<!tpu.dma_semaphore, #tpu.memory_space<semaphore_mem>>) src(%dma_wait3A_688 : memref<36864x8xf32, #tpu.memory_space<hbm>>) dst(%dma_wait3A_682 : memref<128x8xf32, #tpu.memory_space<vmem>>)
    %dma_wait3A_689 = arith.constant 1 : i32
    %dma_wait3A_690 = arith.constant 1 : i32
    %dma_wait3A_691 = arith.constant 0 : i32
    %dma_wait3A_692 = arith.constant 128 : i32
    %dma_wait3A_693 = arith.constant 0 : i32
    %dma_wait3A_694 = tpu.memref_slice %arg9[%dma_wait3A_691, %dma_wait3A_692, %dma_wait3A_693] : memref<4x1152x8xf32, #tpu.memory_space<vmem>> -> memref<1x128x8xf32, #tpu.memory_space<vmem>>
    %dma_wait3A_695 = tpu.memref_squeeze %dma_wait3A_694 : memref<1x128x8xf32, #tpu.memory_space<vmem>> -> memref<128x8xf32, #tpu.memory_space<vmem>>
    %dma_wait3A_696 = arith.constant 0 : i32
    %dma_wait3A_697 = tpu.memref_slice %arg7[%dma_wait3A_689, %dma_wait3A_690, %dma_wait3A_696] : memref<5x9x128xi32, #tpu.memory_space<vmem>> -> memref<1x1x128xi32, #tpu.memory_space<vmem>>
    %dma_wait3A_698 = tpu.memref_squeeze %dma_wait3A_697 : memref<1x1x128xi32, #tpu.memory_space<vmem>> -> memref<128xi32, #tpu.memory_space<vmem>>
    %dma_wait3A_699 = arith.constant 0 : i32
    %dma_wait3A_700 = arith.constant 0 : i32
    %dma_wait3A_701 = tpu.memref_slice %arg3[%dma_wait3A_699, %dma_wait3A_700] : memref<36864x8xf32, #tpu.memory_space<hbm>> -> memref<36864x8xf32, #tpu.memory_space<hbm>>
    tpu.wait_indirect_dma semaphore(%arg10 : memref<!tpu.dma_semaphore, #tpu.memory_space<semaphore_mem>>) src(%dma_wait3A_701 : memref<36864x8xf32, #tpu.memory_space<hbm>>) dst(%dma_wait3A_695 : memref<128x8xf32, #tpu.memory_space<vmem>>)
    %dma_wait3A_702 = arith.constant 1 : i32
    %dma_wait3A_703 = arith.constant 2 : i32
    %dma_wait3A_704 = arith.constant 0 : i32
    %dma_wait3A_705 = arith.constant 256 : i32
    %dma_wait3A_706 = arith.constant 0 : i32
    %dma_wait3A_707 = tpu.memref_slice %arg9[%dma_wait3A_704, %dma_wait3A_705, %dma_wait3A_706] : memref<4x1152x8xf32, #tpu.memory_space<vmem>> -> memref<1x128x8xf32, #tpu.memory_space<vmem>>
    %dma_wait3A_708 = tpu.memref_squeeze %dma_wait3A_707 : memref<1x128x8xf32, #tpu.memory_space<vmem>> -> memref<128x8xf32, #tpu.memory_space<vmem>>
    %dma_wait3A_709 = arith.constant 0 : i32
    %dma_wait3A_710 = tpu.memref_slice %arg7[%dma_wait3A_702, %dma_wait3A_703, %dma_wait3A_709] : memref<5x9x128xi32, #tpu.memory_space<vmem>> -> memref<1x1x128xi32, #tpu.memory_space<vmem>>
    %dma_wait3A_711 = tpu.memref_squeeze %dma_wait3A_710 : memref<1x1x128xi32, #tpu.memory_space<vmem>> -> memref<128xi32, #tpu.memory_space<vmem>>
    %dma_wait3A_712 = arith.constant 0 : i32
    %dma_wait3A_713 = arith.constant 0 : i32
    %dma_wait3A_714 = tpu.memref_slice %arg3[%dma_wait3A_712, %dma_wait3A_713] : memref<36864x8xf32, #tpu.memory_space<hbm>> -> memref<36864x8xf32, #tpu.memory_space<hbm>>
    tpu.wait_indirect_dma semaphore(%arg10 : memref<!tpu.dma_semaphore, #tpu.memory_space<semaphore_mem>>) src(%dma_wait3A_714 : memref<36864x8xf32, #tpu.memory_space<hbm>>) dst(%dma_wait3A_708 : memref<128x8xf32, #tpu.memory_space<vmem>>)
    %dma_wait3A_715 = arith.constant 1 : i32
    %dma_wait3A_716 = arith.constant 3 : i32
    %dma_wait3A_717 = arith.constant 0 : i32
    %dma_wait3A_718 = arith.constant 384 : i32
    %dma_wait3A_719 = arith.constant 0 : i32
    %dma_wait3A_720 = tpu.memref_slice %arg9[%dma_wait3A_717, %dma_wait3A_718, %dma_wait3A_719] : memref<4x1152x8xf32, #tpu.memory_space<vmem>> -> memref<1x128x8xf32, #tpu.memory_space<vmem>>
    %dma_wait3A_721 = tpu.memref_squeeze %dma_wait3A_720 : memref<1x128x8xf32, #tpu.memory_space<vmem>> -> memref<128x8xf32, #tpu.memory_space<vmem>>
    %dma_wait3A_722 = arith.constant 0 : i32
    %dma_wait3A_723 = tpu.memref_slice %arg7[%dma_wait3A_715, %dma_wait3A_716, %dma_wait3A_722] : memref<5x9x128xi32, #tpu.memory_space<vmem>> -> memref<1x1x128xi32, #tpu.memory_space<vmem>>
    %dma_wait3A_724 = tpu.memref_squeeze %dma_wait3A_723 : memref<1x1x128xi32, #tpu.memory_space<vmem>> -> memref<128xi32, #tpu.memory_space<vmem>>
    %dma_wait3A_725 = arith.constant 0 : i32
    %dma_wait3A_726 = arith.constant 0 : i32
    %dma_wait3A_727 = tpu.memref_slice %arg3[%dma_wait3A_725, %dma_wait3A_726] : memref<36864x8xf32, #tpu.memory_space<hbm>> -> memref<36864x8xf32, #tpu.memory_space<hbm>>
    tpu.wait_indirect_dma semaphore(%arg10 : memref<!tpu.dma_semaphore, #tpu.memory_space<semaphore_mem>>) src(%dma_wait3A_727 : memref<36864x8xf32, #tpu.memory_space<hbm>>) dst(%dma_wait3A_721 : memref<128x8xf32, #tpu.memory_space<vmem>>)
    %dma_wait3A_728 = arith.constant 1 : i32
    %dma_wait3A_729 = arith.constant 4 : i32
    %dma_wait3A_730 = arith.constant 0 : i32
    %dma_wait3A_731 = arith.constant 512 : i32
    %dma_wait3A_732 = arith.constant 0 : i32
    %dma_wait3A_733 = tpu.memref_slice %arg9[%dma_wait3A_730, %dma_wait3A_731, %dma_wait3A_732] : memref<4x1152x8xf32, #tpu.memory_space<vmem>> -> memref<1x128x8xf32, #tpu.memory_space<vmem>>
    %dma_wait3A_734 = tpu.memref_squeeze %dma_wait3A_733 : memref<1x128x8xf32, #tpu.memory_space<vmem>> -> memref<128x8xf32, #tpu.memory_space<vmem>>
    %dma_wait3A_735 = arith.constant 0 : i32
    %dma_wait3A_736 = tpu.memref_slice %arg7[%dma_wait3A_728, %dma_wait3A_729, %dma_wait3A_735] : memref<5x9x128xi32, #tpu.memory_space<vmem>> -> memref<1x1x128xi32, #tpu.memory_space<vmem>>
    %dma_wait3A_737 = tpu.memref_squeeze %dma_wait3A_736 : memref<1x1x128xi32, #tpu.memory_space<vmem>> -> memref<128xi32, #tpu.memory_space<vmem>>
    %dma_wait3A_738 = arith.constant 0 : i32
    %dma_wait3A_739 = arith.constant 0 : i32
    %dma_wait3A_740 = tpu.memref_slice %arg3[%dma_wait3A_738, %dma_wait3A_739] : memref<36864x8xf32, #tpu.memory_space<hbm>> -> memref<36864x8xf32, #tpu.memory_space<hbm>>
    tpu.wait_indirect_dma semaphore(%arg10 : memref<!tpu.dma_semaphore, #tpu.memory_space<semaphore_mem>>) src(%dma_wait3A_740 : memref<36864x8xf32, #tpu.memory_space<hbm>>) dst(%dma_wait3A_734 : memref<128x8xf32, #tpu.memory_space<vmem>>)
    %dma_wait3A_741 = arith.constant 1 : i32
    %dma_wait3A_742 = arith.constant 5 : i32
    %dma_wait3A_743 = arith.constant 0 : i32
    %dma_wait3A_744 = arith.constant 640 : i32
    %dma_wait3A_745 = arith.constant 0 : i32
    %dma_wait3A_746 = tpu.memref_slice %arg9[%dma_wait3A_743, %dma_wait3A_744, %dma_wait3A_745] : memref<4x1152x8xf32, #tpu.memory_space<vmem>> -> memref<1x128x8xf32, #tpu.memory_space<vmem>>
    %dma_wait3A_747 = tpu.memref_squeeze %dma_wait3A_746 : memref<1x128x8xf32, #tpu.memory_space<vmem>> -> memref<128x8xf32, #tpu.memory_space<vmem>>
    %dma_wait3A_748 = arith.constant 0 : i32
    %dma_wait3A_749 = tpu.memref_slice %arg7[%dma_wait3A_741, %dma_wait3A_742, %dma_wait3A_748] : memref<5x9x128xi32, #tpu.memory_space<vmem>> -> memref<1x1x128xi32, #tpu.memory_space<vmem>>
    %dma_wait3A_750 = tpu.memref_squeeze %dma_wait3A_749 : memref<1x1x128xi32, #tpu.memory_space<vmem>> -> memref<128xi32, #tpu.memory_space<vmem>>
    %dma_wait3A_751 = arith.constant 0 : i32
    %dma_wait3A_752 = arith.constant 0 : i32
    %dma_wait3A_753 = tpu.memref_slice %arg3[%dma_wait3A_751, %dma_wait3A_752] : memref<36864x8xf32, #tpu.memory_space<hbm>> -> memref<36864x8xf32, #tpu.memory_space<hbm>>
    tpu.wait_indirect_dma semaphore(%arg10 : memref<!tpu.dma_semaphore, #tpu.memory_space<semaphore_mem>>) src(%dma_wait3A_753 : memref<36864x8xf32, #tpu.memory_space<hbm>>) dst(%dma_wait3A_747 : memref<128x8xf32, #tpu.memory_space<vmem>>)
    %dma_wait3A_754 = arith.constant 1 : i32
    %dma_wait3A_755 = arith.constant 6 : i32
    %dma_wait3A_756 = arith.constant 0 : i32
    %dma_wait3A_757 = arith.constant 768 : i32
    %dma_wait3A_758 = arith.constant 0 : i32
    %dma_wait3A_759 = tpu.memref_slice %arg9[%dma_wait3A_756, %dma_wait3A_757, %dma_wait3A_758] : memref<4x1152x8xf32, #tpu.memory_space<vmem>> -> memref<1x128x8xf32, #tpu.memory_space<vmem>>
    %dma_wait3A_760 = tpu.memref_squeeze %dma_wait3A_759 : memref<1x128x8xf32, #tpu.memory_space<vmem>> -> memref<128x8xf32, #tpu.memory_space<vmem>>
    %dma_wait3A_761 = arith.constant 0 : i32
    %dma_wait3A_762 = tpu.memref_slice %arg7[%dma_wait3A_754, %dma_wait3A_755, %dma_wait3A_761] : memref<5x9x128xi32, #tpu.memory_space<vmem>> -> memref<1x1x128xi32, #tpu.memory_space<vmem>>
    %dma_wait3A_763 = tpu.memref_squeeze %dma_wait3A_762 : memref<1x1x128xi32, #tpu.memory_space<vmem>> -> memref<128xi32, #tpu.memory_space<vmem>>
    %dma_wait3A_764 = arith.constant 0 : i32
    %dma_wait3A_765 = arith.constant 0 : i32
    %dma_wait3A_766 = tpu.memref_slice %arg3[%dma_wait3A_764, %dma_wait3A_765] : memref<36864x8xf32, #tpu.memory_space<hbm>> -> memref<36864x8xf32, #tpu.memory_space<hbm>>
    tpu.wait_indirect_dma semaphore(%arg10 : memref<!tpu.dma_semaphore, #tpu.memory_space<semaphore_mem>>) src(%dma_wait3A_766 : memref<36864x8xf32, #tpu.memory_space<hbm>>) dst(%dma_wait3A_760 : memref<128x8xf32, #tpu.memory_space<vmem>>)
    %dma_wait3A_767 = arith.constant 1 : i32
    %dma_wait3A_768 = arith.constant 7 : i32
    %dma_wait3A_769 = arith.constant 0 : i32
    %dma_wait3A_770 = arith.constant 896 : i32
    %dma_wait3A_771 = arith.constant 0 : i32
    %dma_wait3A_772 = tpu.memref_slice %arg9[%dma_wait3A_769, %dma_wait3A_770, %dma_wait3A_771] : memref<4x1152x8xf32, #tpu.memory_space<vmem>> -> memref<1x128x8xf32, #tpu.memory_space<vmem>>
    %dma_wait3A_773 = tpu.memref_squeeze %dma_wait3A_772 : memref<1x128x8xf32, #tpu.memory_space<vmem>> -> memref<128x8xf32, #tpu.memory_space<vmem>>
    %dma_wait3A_774 = arith.constant 0 : i32
    %dma_wait3A_775 = tpu.memref_slice %arg7[%dma_wait3A_767, %dma_wait3A_768, %dma_wait3A_774] : memref<5x9x128xi32, #tpu.memory_space<vmem>> -> memref<1x1x128xi32, #tpu.memory_space<vmem>>
    %dma_wait3A_776 = tpu.memref_squeeze %dma_wait3A_775 : memref<1x1x128xi32, #tpu.memory_space<vmem>> -> memref<128xi32, #tpu.memory_space<vmem>>
    %dma_wait3A_777 = arith.constant 0 : i32
    %dma_wait3A_778 = arith.constant 0 : i32
    %dma_wait3A_779 = tpu.memref_slice %arg3[%dma_wait3A_777, %dma_wait3A_778] : memref<36864x8xf32, #tpu.memory_space<hbm>> -> memref<36864x8xf32, #tpu.memory_space<hbm>>
    tpu.wait_indirect_dma semaphore(%arg10 : memref<!tpu.dma_semaphore, #tpu.memory_space<semaphore_mem>>) src(%dma_wait3A_779 : memref<36864x8xf32, #tpu.memory_space<hbm>>) dst(%dma_wait3A_773 : memref<128x8xf32, #tpu.memory_space<vmem>>)
    %dma_wait3A_780 = arith.constant 1 : i32
    %dma_wait3A_781 = arith.constant 8 : i32
    %dma_wait3A_782 = arith.constant 0 : i32
    %dma_wait3A_783 = arith.constant 1024 : i32
    %dma_wait3A_784 = arith.constant 0 : i32
    %dma_wait3A_785 = tpu.memref_slice %arg9[%dma_wait3A_782, %dma_wait3A_783, %dma_wait3A_784] : memref<4x1152x8xf32, #tpu.memory_space<vmem>> -> memref<1x128x8xf32, #tpu.memory_space<vmem>>
    %dma_wait3A_786 = tpu.memref_squeeze %dma_wait3A_785 : memref<1x128x8xf32, #tpu.memory_space<vmem>> -> memref<128x8xf32, #tpu.memory_space<vmem>>
    %dma_wait3A_787 = arith.constant 0 : i32
    %dma_wait3A_788 = tpu.memref_slice %arg7[%dma_wait3A_780, %dma_wait3A_781, %dma_wait3A_787] : memref<5x9x128xi32, #tpu.memory_space<vmem>> -> memref<1x1x128xi32, #tpu.memory_space<vmem>>
    %dma_wait3A_789 = tpu.memref_squeeze %dma_wait3A_788 : memref<1x1x128xi32, #tpu.memory_space<vmem>> -> memref<128xi32, #tpu.memory_space<vmem>>
    %dma_wait3A_790 = arith.constant 0 : i32
    %dma_wait3A_791 = arith.constant 0 : i32
    %dma_wait3A_792 = tpu.memref_slice %arg3[%dma_wait3A_790, %dma_wait3A_791] : memref<36864x8xf32, #tpu.memory_space<hbm>> -> memref<36864x8xf32, #tpu.memory_space<hbm>>
    tpu.wait_indirect_dma semaphore(%arg10 : memref<!tpu.dma_semaphore, #tpu.memory_space<semaphore_mem>>) src(%dma_wait3A_792 : memref<36864x8xf32, #tpu.memory_space<hbm>>) dst(%dma_wait3A_786 : memref<128x8xf32, #tpu.memory_space<vmem>>)
    %dma_wait3A_793 = arith.constant 2 : i32
    %dma_wait3A_794 = arith.constant 0 : i32
    %dma_wait3A_795 = arith.constant 1 : i32
    %dma_wait3A_796 = arith.constant 0 : i32
    %dma_wait3A_797 = arith.constant 0 : i32
    %dma_wait3A_798 = tpu.memref_slice %arg9[%dma_wait3A_795, %dma_wait3A_796, %dma_wait3A_797] : memref<4x1152x8xf32, #tpu.memory_space<vmem>> -> memref<1x128x8xf32, #tpu.memory_space<vmem>>
    %dma_wait3A_799 = tpu.memref_squeeze %dma_wait3A_798 : memref<1x128x8xf32, #tpu.memory_space<vmem>> -> memref<128x8xf32, #tpu.memory_space<vmem>>
    %dma_wait3A_800 = arith.constant 0 : i32
    %dma_wait3A_801 = tpu.memref_slice %arg7[%dma_wait3A_793, %dma_wait3A_794, %dma_wait3A_800] : memref<5x9x128xi32, #tpu.memory_space<vmem>> -> memref<1x1x128xi32, #tpu.memory_space<vmem>>
    %dma_wait3A_802 = tpu.memref_squeeze %dma_wait3A_801 : memref<1x1x128xi32, #tpu.memory_space<vmem>> -> memref<128xi32, #tpu.memory_space<vmem>>
    %dma_wait3A_803 = arith.constant 0 : i32
    %dma_wait3A_804 = arith.constant 0 : i32
    %dma_wait3A_805 = tpu.memref_slice %arg3[%dma_wait3A_803, %dma_wait3A_804] : memref<36864x8xf32, #tpu.memory_space<hbm>> -> memref<36864x8xf32, #tpu.memory_space<hbm>>
    tpu.wait_indirect_dma semaphore(%arg10 : memref<!tpu.dma_semaphore, #tpu.memory_space<semaphore_mem>>) src(%dma_wait3A_805 : memref<36864x8xf32, #tpu.memory_space<hbm>>) dst(%dma_wait3A_799 : memref<128x8xf32, #tpu.memory_space<vmem>>)
    %dma_wait3A_806 = arith.constant 2 : i32
    %dma_wait3A_807 = arith.constant 1 : i32
    %dma_wait3A_808 = arith.constant 1 : i32
    %dma_wait3A_809 = arith.constant 128 : i32
    %dma_wait3A_810 = arith.constant 0 : i32
    %dma_wait3A_811 = tpu.memref_slice %arg9[%dma_wait3A_808, %dma_wait3A_809, %dma_wait3A_810] : memref<4x1152x8xf32, #tpu.memory_space<vmem>> -> memref<1x128x8xf32, #tpu.memory_space<vmem>>
    %dma_wait3A_812 = tpu.memref_squeeze %dma_wait3A_811 : memref<1x128x8xf32, #tpu.memory_space<vmem>> -> memref<128x8xf32, #tpu.memory_space<vmem>>
    %dma_wait3A_813 = arith.constant 0 : i32
    %dma_wait3A_814 = tpu.memref_slice %arg7[%dma_wait3A_806, %dma_wait3A_807, %dma_wait3A_813] : memref<5x9x128xi32, #tpu.memory_space<vmem>> -> memref<1x1x128xi32, #tpu.memory_space<vmem>>
    %dma_wait3A_815 = tpu.memref_squeeze %dma_wait3A_814 : memref<1x1x128xi32, #tpu.memory_space<vmem>> -> memref<128xi32, #tpu.memory_space<vmem>>
    %dma_wait3A_816 = arith.constant 0 : i32
    %dma_wait3A_817 = arith.constant 0 : i32
    %dma_wait3A_818 = tpu.memref_slice %arg3[%dma_wait3A_816, %dma_wait3A_817] : memref<36864x8xf32, #tpu.memory_space<hbm>> -> memref<36864x8xf32, #tpu.memory_space<hbm>>
    tpu.wait_indirect_dma semaphore(%arg10 : memref<!tpu.dma_semaphore, #tpu.memory_space<semaphore_mem>>) src(%dma_wait3A_818 : memref<36864x8xf32, #tpu.memory_space<hbm>>) dst(%dma_wait3A_812 : memref<128x8xf32, #tpu.memory_space<vmem>>)
    %dma_wait3A_819 = arith.constant 2 : i32
    %dma_wait3A_820 = arith.constant 2 : i32
    %dma_wait3A_821 = arith.constant 1 : i32
    %dma_wait3A_822 = arith.constant 256 : i32
    %dma_wait3A_823 = arith.constant 0 : i32
    %dma_wait3A_824 = tpu.memref_slice %arg9[%dma_wait3A_821, %dma_wait3A_822, %dma_wait3A_823] : memref<4x1152x8xf32, #tpu.memory_space<vmem>> -> memref<1x128x8xf32, #tpu.memory_space<vmem>>
    %dma_wait3A_825 = tpu.memref_squeeze %dma_wait3A_824 : memref<1x128x8xf32, #tpu.memory_space<vmem>> -> memref<128x8xf32, #tpu.memory_space<vmem>>
    %dma_wait3A_826 = arith.constant 0 : i32
    %dma_wait3A_827 = tpu.memref_slice %arg7[%dma_wait3A_819, %dma_wait3A_820, %dma_wait3A_826] : memref<5x9x128xi32, #tpu.memory_space<vmem>> -> memref<1x1x128xi32, #tpu.memory_space<vmem>>
    %dma_wait3A_828 = tpu.memref_squeeze %dma_wait3A_827 : memref<1x1x128xi32, #tpu.memory_space<vmem>> -> memref<128xi32, #tpu.memory_space<vmem>>
    %dma_wait3A_829 = arith.constant 0 : i32
    %dma_wait3A_830 = arith.constant 0 : i32
    %dma_wait3A_831 = tpu.memref_slice %arg3[%dma_wait3A_829, %dma_wait3A_830] : memref<36864x8xf32, #tpu.memory_space<hbm>> -> memref<36864x8xf32, #tpu.memory_space<hbm>>
    tpu.wait_indirect_dma semaphore(%arg10 : memref<!tpu.dma_semaphore, #tpu.memory_space<semaphore_mem>>) src(%dma_wait3A_831 : memref<36864x8xf32, #tpu.memory_space<hbm>>) dst(%dma_wait3A_825 : memref<128x8xf32, #tpu.memory_space<vmem>>)
    %dma_wait3A_832 = arith.constant 2 : i32
    %dma_wait3A_833 = arith.constant 3 : i32
    %dma_wait3A_834 = arith.constant 1 : i32
    %dma_wait3A_835 = arith.constant 384 : i32
    %dma_wait3A_836 = arith.constant 0 : i32
    %dma_wait3A_837 = tpu.memref_slice %arg9[%dma_wait3A_834, %dma_wait3A_835, %dma_wait3A_836] : memref<4x1152x8xf32, #tpu.memory_space<vmem>> -> memref<1x128x8xf32, #tpu.memory_space<vmem>>
    %dma_wait3A_838 = tpu.memref_squeeze %dma_wait3A_837 : memref<1x128x8xf32, #tpu.memory_space<vmem>> -> memref<128x8xf32, #tpu.memory_space<vmem>>
    %dma_wait3A_839 = arith.constant 0 : i32
    %dma_wait3A_840 = tpu.memref_slice %arg7[%dma_wait3A_832, %dma_wait3A_833, %dma_wait3A_839] : memref<5x9x128xi32, #tpu.memory_space<vmem>> -> memref<1x1x128xi32, #tpu.memory_space<vmem>>
    %dma_wait3A_841 = tpu.memref_squeeze %dma_wait3A_840 : memref<1x1x128xi32, #tpu.memory_space<vmem>> -> memref<128xi32, #tpu.memory_space<vmem>>
    %dma_wait3A_842 = arith.constant 0 : i32
    %dma_wait3A_843 = arith.constant 0 : i32
    %dma_wait3A_844 = tpu.memref_slice %arg3[%dma_wait3A_842, %dma_wait3A_843] : memref<36864x8xf32, #tpu.memory_space<hbm>> -> memref<36864x8xf32, #tpu.memory_space<hbm>>
    tpu.wait_indirect_dma semaphore(%arg10 : memref<!tpu.dma_semaphore, #tpu.memory_space<semaphore_mem>>) src(%dma_wait3A_844 : memref<36864x8xf32, #tpu.memory_space<hbm>>) dst(%dma_wait3A_838 : memref<128x8xf32, #tpu.memory_space<vmem>>)
    %dma_wait3A_845 = arith.constant 2 : i32
    %dma_wait3A_846 = arith.constant 4 : i32
    %dma_wait3A_847 = arith.constant 1 : i32
    %dma_wait3A_848 = arith.constant 512 : i32
    %dma_wait3A_849 = arith.constant 0 : i32
    %dma_wait3A_850 = tpu.memref_slice %arg9[%dma_wait3A_847, %dma_wait3A_848, %dma_wait3A_849] : memref<4x1152x8xf32, #tpu.memory_space<vmem>> -> memref<1x128x8xf32, #tpu.memory_space<vmem>>
    %dma_wait3A_851 = tpu.memref_squeeze %dma_wait3A_850 : memref<1x128x8xf32, #tpu.memory_space<vmem>> -> memref<128x8xf32, #tpu.memory_space<vmem>>
    %dma_wait3A_852 = arith.constant 0 : i32
    %dma_wait3A_853 = tpu.memref_slice %arg7[%dma_wait3A_845, %dma_wait3A_846, %dma_wait3A_852] : memref<5x9x128xi32, #tpu.memory_space<vmem>> -> memref<1x1x128xi32, #tpu.memory_space<vmem>>
    %dma_wait3A_854 = tpu.memref_squeeze %dma_wait3A_853 : memref<1x1x128xi32, #tpu.memory_space<vmem>> -> memref<128xi32, #tpu.memory_space<vmem>>
    %dma_wait3A_855 = arith.constant 0 : i32
    %dma_wait3A_856 = arith.constant 0 : i32
    %dma_wait3A_857 = tpu.memref_slice %arg3[%dma_wait3A_855, %dma_wait3A_856] : memref<36864x8xf32, #tpu.memory_space<hbm>> -> memref<36864x8xf32, #tpu.memory_space<hbm>>
    tpu.wait_indirect_dma semaphore(%arg10 : memref<!tpu.dma_semaphore, #tpu.memory_space<semaphore_mem>>) src(%dma_wait3A_857 : memref<36864x8xf32, #tpu.memory_space<hbm>>) dst(%dma_wait3A_851 : memref<128x8xf32, #tpu.memory_space<vmem>>)
    %dma_wait3A_858 = arith.constant 2 : i32
    %dma_wait3A_859 = arith.constant 5 : i32
    %dma_wait3A_860 = arith.constant 1 : i32
    %dma_wait3A_861 = arith.constant 640 : i32
    %dma_wait3A_862 = arith.constant 0 : i32
    %dma_wait3A_863 = tpu.memref_slice %arg9[%dma_wait3A_860, %dma_wait3A_861, %dma_wait3A_862] : memref<4x1152x8xf32, #tpu.memory_space<vmem>> -> memref<1x128x8xf32, #tpu.memory_space<vmem>>
    %dma_wait3A_864 = tpu.memref_squeeze %dma_wait3A_863 : memref<1x128x8xf32, #tpu.memory_space<vmem>> -> memref<128x8xf32, #tpu.memory_space<vmem>>
    %dma_wait3A_865 = arith.constant 0 : i32
    %dma_wait3A_866 = tpu.memref_slice %arg7[%dma_wait3A_858, %dma_wait3A_859, %dma_wait3A_865] : memref<5x9x128xi32, #tpu.memory_space<vmem>> -> memref<1x1x128xi32, #tpu.memory_space<vmem>>
    %dma_wait3A_867 = tpu.memref_squeeze %dma_wait3A_866 : memref<1x1x128xi32, #tpu.memory_space<vmem>> -> memref<128xi32, #tpu.memory_space<vmem>>
    %dma_wait3A_868 = arith.constant 0 : i32
    %dma_wait3A_869 = arith.constant 0 : i32
    %dma_wait3A_870 = tpu.memref_slice %arg3[%dma_wait3A_868, %dma_wait3A_869] : memref<36864x8xf32, #tpu.memory_space<hbm>> -> memref<36864x8xf32, #tpu.memory_space<hbm>>
    tpu.wait_indirect_dma semaphore(%arg10 : memref<!tpu.dma_semaphore, #tpu.memory_space<semaphore_mem>>) src(%dma_wait3A_870 : memref<36864x8xf32, #tpu.memory_space<hbm>>) dst(%dma_wait3A_864 : memref<128x8xf32, #tpu.memory_space<vmem>>)
    %dma_wait3A_871 = arith.constant 2 : i32
    %dma_wait3A_872 = arith.constant 6 : i32
    %dma_wait3A_873 = arith.constant 1 : i32
    %dma_wait3A_874 = arith.constant 768 : i32
    %dma_wait3A_875 = arith.constant 0 : i32
    %dma_wait3A_876 = tpu.memref_slice %arg9[%dma_wait3A_873, %dma_wait3A_874, %dma_wait3A_875] : memref<4x1152x8xf32, #tpu.memory_space<vmem>> -> memref<1x128x8xf32, #tpu.memory_space<vmem>>
    %dma_wait3A_877 = tpu.memref_squeeze %dma_wait3A_876 : memref<1x128x8xf32, #tpu.memory_space<vmem>> -> memref<128x8xf32, #tpu.memory_space<vmem>>
    %dma_wait3A_878 = arith.constant 0 : i32
    %dma_wait3A_879 = tpu.memref_slice %arg7[%dma_wait3A_871, %dma_wait3A_872, %dma_wait3A_878] : memref<5x9x128xi32, #tpu.memory_space<vmem>> -> memref<1x1x128xi32, #tpu.memory_space<vmem>>
    %dma_wait3A_880 = tpu.memref_squeeze %dma_wait3A_879 : memref<1x1x128xi32, #tpu.memory_space<vmem>> -> memref<128xi32, #tpu.memory_space<vmem>>
    %dma_wait3A_881 = arith.constant 0 : i32
    %dma_wait3A_882 = arith.constant 0 : i32
    %dma_wait3A_883 = tpu.memref_slice %arg3[%dma_wait3A_881, %dma_wait3A_882] : memref<36864x8xf32, #tpu.memory_space<hbm>> -> memref<36864x8xf32, #tpu.memory_space<hbm>>
    tpu.wait_indirect_dma semaphore(%arg10 : memref<!tpu.dma_semaphore, #tpu.memory_space<semaphore_mem>>) src(%dma_wait3A_883 : memref<36864x8xf32, #tpu.memory_space<hbm>>) dst(%dma_wait3A_877 : memref<128x8xf32, #tpu.memory_space<vmem>>)
    %dma_wait3A_884 = arith.constant 2 : i32
    %dma_wait3A_885 = arith.constant 7 : i32
    %dma_wait3A_886 = arith.constant 1 : i32
    %dma_wait3A_887 = arith.constant 896 : i32
    %dma_wait3A_888 = arith.constant 0 : i32
    %dma_wait3A_889 = tpu.memref_slice %arg9[%dma_wait3A_886, %dma_wait3A_887, %dma_wait3A_888] : memref<4x1152x8xf32, #tpu.memory_space<vmem>> -> memref<1x128x8xf32, #tpu.memory_space<vmem>>
    %dma_wait3A_890 = tpu.memref_squeeze %dma_wait3A_889 : memref<1x128x8xf32, #tpu.memory_space<vmem>> -> memref<128x8xf32, #tpu.memory_space<vmem>>
    %dma_wait3A_891 = arith.constant 0 : i32
    %dma_wait3A_892 = tpu.memref_slice %arg7[%dma_wait3A_884, %dma_wait3A_885, %dma_wait3A_891] : memref<5x9x128xi32, #tpu.memory_space<vmem>> -> memref<1x1x128xi32, #tpu.memory_space<vmem>>
    %dma_wait3A_893 = tpu.memref_squeeze %dma_wait3A_892 : memref<1x1x128xi32, #tpu.memory_space<vmem>> -> memref<128xi32, #tpu.memory_space<vmem>>
    %dma_wait3A_894 = arith.constant 0 : i32
    %dma_wait3A_895 = arith.constant 0 : i32
    %dma_wait3A_896 = tpu.memref_slice %arg3[%dma_wait3A_894, %dma_wait3A_895] : memref<36864x8xf32, #tpu.memory_space<hbm>> -> memref<36864x8xf32, #tpu.memory_space<hbm>>
    tpu.wait_indirect_dma semaphore(%arg10 : memref<!tpu.dma_semaphore, #tpu.memory_space<semaphore_mem>>) src(%dma_wait3A_896 : memref<36864x8xf32, #tpu.memory_space<hbm>>) dst(%dma_wait3A_890 : memref<128x8xf32, #tpu.memory_space<vmem>>)
    %dma_wait3A_897 = arith.constant 2 : i32
    %dma_wait3A_898 = arith.constant 8 : i32
    %dma_wait3A_899 = arith.constant 1 : i32
    %dma_wait3A_900 = arith.constant 1024 : i32
    %dma_wait3A_901 = arith.constant 0 : i32
    %dma_wait3A_902 = tpu.memref_slice %arg9[%dma_wait3A_899, %dma_wait3A_900, %dma_wait3A_901] : memref<4x1152x8xf32, #tpu.memory_space<vmem>> -> memref<1x128x8xf32, #tpu.memory_space<vmem>>
    %dma_wait3A_903 = tpu.memref_squeeze %dma_wait3A_902 : memref<1x128x8xf32, #tpu.memory_space<vmem>> -> memref<128x8xf32, #tpu.memory_space<vmem>>
    %dma_wait3A_904 = arith.constant 0 : i32
    %dma_wait3A_905 = tpu.memref_slice %arg7[%dma_wait3A_897, %dma_wait3A_898, %dma_wait3A_904] : memref<5x9x128xi32, #tpu.memory_space<vmem>> -> memref<1x1x128xi32, #tpu.memory_space<vmem>>
    %dma_wait3A_906 = tpu.memref_squeeze %dma_wait3A_905 : memref<1x1x128xi32, #tpu.memory_space<vmem>> -> memref<128xi32, #tpu.memory_space<vmem>>
    %dma_wait3A_907 = arith.constant 0 : i32
    %dma_wait3A_908 = arith.constant 0 : i32
    %dma_wait3A_909 = tpu.memref_slice %arg3[%dma_wait3A_907, %dma_wait3A_908] : memref<36864x8xf32, #tpu.memory_space<hbm>> -> memref<36864x8xf32, #tpu.memory_space<hbm>>
    tpu.wait_indirect_dma semaphore(%arg10 : memref<!tpu.dma_semaphore, #tpu.memory_space<semaphore_mem>>) src(%dma_wait3A_909 : memref<36864x8xf32, #tpu.memory_space<hbm>>) dst(%dma_wait3A_903 : memref<128x8xf32, #tpu.memory_space<vmem>>)
    %dma_wait3A_910 = arith.constant 3 : i32
    %dma_wait3A_911 = arith.constant 0 : i32
    %dma_wait3A_912 = arith.constant 2 : i32
    %dma_wait3A_913 = arith.constant 0 : i32
    %dma_wait3A_914 = arith.constant 0 : i32
    %dma_wait3A_915 = tpu.memref_slice %arg9[%dma_wait3A_912, %dma_wait3A_913, %dma_wait3A_914] : memref<4x1152x8xf32, #tpu.memory_space<vmem>> -> memref<1x128x8xf32, #tpu.memory_space<vmem>>
    %dma_wait3A_916 = tpu.memref_squeeze %dma_wait3A_915 : memref<1x128x8xf32, #tpu.memory_space<vmem>> -> memref<128x8xf32, #tpu.memory_space<vmem>>
    %dma_wait3A_917 = arith.constant 0 : i32
    %dma_wait3A_918 = tpu.memref_slice %arg7[%dma_wait3A_910, %dma_wait3A_911, %dma_wait3A_917] : memref<5x9x128xi32, #tpu.memory_space<vmem>> -> memref<1x1x128xi32, #tpu.memory_space<vmem>>
    %dma_wait3A_919 = tpu.memref_squeeze %dma_wait3A_918 : memref<1x1x128xi32, #tpu.memory_space<vmem>> -> memref<128xi32, #tpu.memory_space<vmem>>
    %dma_wait3A_920 = arith.constant 0 : i32
    %dma_wait3A_921 = arith.constant 0 : i32
    %dma_wait3A_922 = tpu.memref_slice %arg3[%dma_wait3A_920, %dma_wait3A_921] : memref<36864x8xf32, #tpu.memory_space<hbm>> -> memref<36864x8xf32, #tpu.memory_space<hbm>>
    tpu.wait_indirect_dma semaphore(%arg10 : memref<!tpu.dma_semaphore, #tpu.memory_space<semaphore_mem>>) src(%dma_wait3A_922 : memref<36864x8xf32, #tpu.memory_space<hbm>>) dst(%dma_wait3A_916 : memref<128x8xf32, #tpu.memory_space<vmem>>)
    %dma_wait3A_923 = arith.constant 3 : i32
    %dma_wait3A_924 = arith.constant 1 : i32
    %dma_wait3A_925 = arith.constant 2 : i32
    %dma_wait3A_926 = arith.constant 128 : i32
    %dma_wait3A_927 = arith.constant 0 : i32
    %dma_wait3A_928 = tpu.memref_slice %arg9[%dma_wait3A_925, %dma_wait3A_926, %dma_wait3A_927] : memref<4x1152x8xf32, #tpu.memory_space<vmem>> -> memref<1x128x8xf32, #tpu.memory_space<vmem>>
    %dma_wait3A_929 = tpu.memref_squeeze %dma_wait3A_928 : memref<1x128x8xf32, #tpu.memory_space<vmem>> -> memref<128x8xf32, #tpu.memory_space<vmem>>
    %dma_wait3A_930 = arith.constant 0 : i32
    %dma_wait3A_931 = tpu.memref_slice %arg7[%dma_wait3A_923, %dma_wait3A_924, %dma_wait3A_930] : memref<5x9x128xi32, #tpu.memory_space<vmem>> -> memref<1x1x128xi32, #tpu.memory_space<vmem>>
    %dma_wait3A_932 = tpu.memref_squeeze %dma_wait3A_931 : memref<1x1x128xi32, #tpu.memory_space<vmem>> -> memref<128xi32, #tpu.memory_space<vmem>>
    %dma_wait3A_933 = arith.constant 0 : i32
    %dma_wait3A_934 = arith.constant 0 : i32
    %dma_wait3A_935 = tpu.memref_slice %arg3[%dma_wait3A_933, %dma_wait3A_934] : memref<36864x8xf32, #tpu.memory_space<hbm>> -> memref<36864x8xf32, #tpu.memory_space<hbm>>
    tpu.wait_indirect_dma semaphore(%arg10 : memref<!tpu.dma_semaphore, #tpu.memory_space<semaphore_mem>>) src(%dma_wait3A_935 : memref<36864x8xf32, #tpu.memory_space<hbm>>) dst(%dma_wait3A_929 : memref<128x8xf32, #tpu.memory_space<vmem>>)
    %dma_wait3A_936 = arith.constant 3 : i32
    %dma_wait3A_937 = arith.constant 2 : i32
    %dma_wait3A_938 = arith.constant 2 : i32
    %dma_wait3A_939 = arith.constant 256 : i32
    %dma_wait3A_940 = arith.constant 0 : i32
    %dma_wait3A_941 = tpu.memref_slice %arg9[%dma_wait3A_938, %dma_wait3A_939, %dma_wait3A_940] : memref<4x1152x8xf32, #tpu.memory_space<vmem>> -> memref<1x128x8xf32, #tpu.memory_space<vmem>>
    %dma_wait3A_942 = tpu.memref_squeeze %dma_wait3A_941 : memref<1x128x8xf32, #tpu.memory_space<vmem>> -> memref<128x8xf32, #tpu.memory_space<vmem>>
    %dma_wait3A_943 = arith.constant 0 : i32
    %dma_wait3A_944 = tpu.memref_slice %arg7[%dma_wait3A_936, %dma_wait3A_937, %dma_wait3A_943] : memref<5x9x128xi32, #tpu.memory_space<vmem>> -> memref<1x1x128xi32, #tpu.memory_space<vmem>>
    %dma_wait3A_945 = tpu.memref_squeeze %dma_wait3A_944 : memref<1x1x128xi32, #tpu.memory_space<vmem>> -> memref<128xi32, #tpu.memory_space<vmem>>
    %dma_wait3A_946 = arith.constant 0 : i32
    %dma_wait3A_947 = arith.constant 0 : i32
    %dma_wait3A_948 = tpu.memref_slice %arg3[%dma_wait3A_946, %dma_wait3A_947] : memref<36864x8xf32, #tpu.memory_space<hbm>> -> memref<36864x8xf32, #tpu.memory_space<hbm>>
    tpu.wait_indirect_dma semaphore(%arg10 : memref<!tpu.dma_semaphore, #tpu.memory_space<semaphore_mem>>) src(%dma_wait3A_948 : memref<36864x8xf32, #tpu.memory_space<hbm>>) dst(%dma_wait3A_942 : memref<128x8xf32, #tpu.memory_space<vmem>>)
    %dma_wait3A_949 = arith.constant 3 : i32
    %dma_wait3A_950 = arith.constant 3 : i32
    %dma_wait3A_951 = arith.constant 2 : i32
    %dma_wait3A_952 = arith.constant 384 : i32
    %dma_wait3A_953 = arith.constant 0 : i32
    %dma_wait3A_954 = tpu.memref_slice %arg9[%dma_wait3A_951, %dma_wait3A_952, %dma_wait3A_953] : memref<4x1152x8xf32, #tpu.memory_space<vmem>> -> memref<1x128x8xf32, #tpu.memory_space<vmem>>
    %dma_wait3A_955 = tpu.memref_squeeze %dma_wait3A_954 : memref<1x128x8xf32, #tpu.memory_space<vmem>> -> memref<128x8xf32, #tpu.memory_space<vmem>>
    %dma_wait3A_956 = arith.constant 0 : i32
    %dma_wait3A_957 = tpu.memref_slice %arg7[%dma_wait3A_949, %dma_wait3A_950, %dma_wait3A_956] : memref<5x9x128xi32, #tpu.memory_space<vmem>> -> memref<1x1x128xi32, #tpu.memory_space<vmem>>
    %dma_wait3A_958 = tpu.memref_squeeze %dma_wait3A_957 : memref<1x1x128xi32, #tpu.memory_space<vmem>> -> memref<128xi32, #tpu.memory_space<vmem>>
    %dma_wait3A_959 = arith.constant 0 : i32
    %dma_wait3A_960 = arith.constant 0 : i32
    %dma_wait3A_961 = tpu.memref_slice %arg3[%dma_wait3A_959, %dma_wait3A_960] : memref<36864x8xf32, #tpu.memory_space<hbm>> -> memref<36864x8xf32, #tpu.memory_space<hbm>>
    tpu.wait_indirect_dma semaphore(%arg10 : memref<!tpu.dma_semaphore, #tpu.memory_space<semaphore_mem>>) src(%dma_wait3A_961 : memref<36864x8xf32, #tpu.memory_space<hbm>>) dst(%dma_wait3A_955 : memref<128x8xf32, #tpu.memory_space<vmem>>)
    %dma_wait3A_962 = arith.constant 3 : i32
    %dma_wait3A_963 = arith.constant 4 : i32
    %dma_wait3A_964 = arith.constant 2 : i32
    %dma_wait3A_965 = arith.constant 512 : i32
    %dma_wait3A_966 = arith.constant 0 : i32
    %dma_wait3A_967 = tpu.memref_slice %arg9[%dma_wait3A_964, %dma_wait3A_965, %dma_wait3A_966] : memref<4x1152x8xf32, #tpu.memory_space<vmem>> -> memref<1x128x8xf32, #tpu.memory_space<vmem>>
    %dma_wait3A_968 = tpu.memref_squeeze %dma_wait3A_967 : memref<1x128x8xf32, #tpu.memory_space<vmem>> -> memref<128x8xf32, #tpu.memory_space<vmem>>
    %dma_wait3A_969 = arith.constant 0 : i32
    %dma_wait3A_970 = tpu.memref_slice %arg7[%dma_wait3A_962, %dma_wait3A_963, %dma_wait3A_969] : memref<5x9x128xi32, #tpu.memory_space<vmem>> -> memref<1x1x128xi32, #tpu.memory_space<vmem>>
    %dma_wait3A_971 = tpu.memref_squeeze %dma_wait3A_970 : memref<1x1x128xi32, #tpu.memory_space<vmem>> -> memref<128xi32, #tpu.memory_space<vmem>>
    %dma_wait3A_972 = arith.constant 0 : i32
    %dma_wait3A_973 = arith.constant 0 : i32
    %dma_wait3A_974 = tpu.memref_slice %arg3[%dma_wait3A_972, %dma_wait3A_973] : memref<36864x8xf32, #tpu.memory_space<hbm>> -> memref<36864x8xf32, #tpu.memory_space<hbm>>
    tpu.wait_indirect_dma semaphore(%arg10 : memref<!tpu.dma_semaphore, #tpu.memory_space<semaphore_mem>>) src(%dma_wait3A_974 : memref<36864x8xf32, #tpu.memory_space<hbm>>) dst(%dma_wait3A_968 : memref<128x8xf32, #tpu.memory_space<vmem>>)
    %dma_wait3A_975 = arith.constant 3 : i32
    %dma_wait3A_976 = arith.constant 5 : i32
    %dma_wait3A_977 = arith.constant 2 : i32
    %dma_wait3A_978 = arith.constant 640 : i32
    %dma_wait3A_979 = arith.constant 0 : i32
    %dma_wait3A_980 = tpu.memref_slice %arg9[%dma_wait3A_977, %dma_wait3A_978, %dma_wait3A_979] : memref<4x1152x8xf32, #tpu.memory_space<vmem>> -> memref<1x128x8xf32, #tpu.memory_space<vmem>>
    %dma_wait3A_981 = tpu.memref_squeeze %dma_wait3A_980 : memref<1x128x8xf32, #tpu.memory_space<vmem>> -> memref<128x8xf32, #tpu.memory_space<vmem>>
    %dma_wait3A_982 = arith.constant 0 : i32
    %dma_wait3A_983 = tpu.memref_slice %arg7[%dma_wait3A_975, %dma_wait3A_976, %dma_wait3A_982] : memref<5x9x128xi32, #tpu.memory_space<vmem>> -> memref<1x1x128xi32, #tpu.memory_space<vmem>>
    %dma_wait3A_984 = tpu.memref_squeeze %dma_wait3A_983 : memref<1x1x128xi32, #tpu.memory_space<vmem>> -> memref<128xi32, #tpu.memory_space<vmem>>
    %dma_wait3A_985 = arith.constant 0 : i32
    %dma_wait3A_986 = arith.constant 0 : i32
    %dma_wait3A_987 = tpu.memref_slice %arg3[%dma_wait3A_985, %dma_wait3A_986] : memref<36864x8xf32, #tpu.memory_space<hbm>> -> memref<36864x8xf32, #tpu.memory_space<hbm>>
    tpu.wait_indirect_dma semaphore(%arg10 : memref<!tpu.dma_semaphore, #tpu.memory_space<semaphore_mem>>) src(%dma_wait3A_987 : memref<36864x8xf32, #tpu.memory_space<hbm>>) dst(%dma_wait3A_981 : memref<128x8xf32, #tpu.memory_space<vmem>>)
    %dma_wait3A_988 = arith.constant 3 : i32
    %dma_wait3A_989 = arith.constant 6 : i32
    %dma_wait3A_990 = arith.constant 2 : i32
    %dma_wait3A_991 = arith.constant 768 : i32
    %dma_wait3A_992 = arith.constant 0 : i32
    %dma_wait3A_993 = tpu.memref_slice %arg9[%dma_wait3A_990, %dma_wait3A_991, %dma_wait3A_992] : memref<4x1152x8xf32, #tpu.memory_space<vmem>> -> memref<1x128x8xf32, #tpu.memory_space<vmem>>
    %dma_wait3A_994 = tpu.memref_squeeze %dma_wait3A_993 : memref<1x128x8xf32, #tpu.memory_space<vmem>> -> memref<128x8xf32, #tpu.memory_space<vmem>>
    %dma_wait3A_995 = arith.constant 0 : i32
    %dma_wait3A_996 = tpu.memref_slice %arg7[%dma_wait3A_988, %dma_wait3A_989, %dma_wait3A_995] : memref<5x9x128xi32, #tpu.memory_space<vmem>> -> memref<1x1x128xi32, #tpu.memory_space<vmem>>
    %dma_wait3A_997 = tpu.memref_squeeze %dma_wait3A_996 : memref<1x1x128xi32, #tpu.memory_space<vmem>> -> memref<128xi32, #tpu.memory_space<vmem>>
    %dma_wait3A_998 = arith.constant 0 : i32
    %dma_wait3A_999 = arith.constant 0 : i32
    %dma_wait3A_1000 = tpu.memref_slice %arg3[%dma_wait3A_998, %dma_wait3A_999] : memref<36864x8xf32, #tpu.memory_space<hbm>> -> memref<36864x8xf32, #tpu.memory_space<hbm>>
    tpu.wait_indirect_dma semaphore(%arg10 : memref<!tpu.dma_semaphore, #tpu.memory_space<semaphore_mem>>) src(%dma_wait3A_1000 : memref<36864x8xf32, #tpu.memory_space<hbm>>) dst(%dma_wait3A_994 : memref<128x8xf32, #tpu.memory_space<vmem>>)
    %dma_wait3A_1001 = arith.constant 3 : i32
    %dma_wait3A_1002 = arith.constant 7 : i32
    %dma_wait3A_1003 = arith.constant 2 : i32
    %dma_wait3A_1004 = arith.constant 896 : i32
    %dma_wait3A_1005 = arith.constant 0 : i32
    %dma_wait3A_1006 = tpu.memref_slice %arg9[%dma_wait3A_1003, %dma_wait3A_1004, %dma_wait3A_1005] : memref<4x1152x8xf32, #tpu.memory_space<vmem>> -> memref<1x128x8xf32, #tpu.memory_space<vmem>>
    %dma_wait3A_1007 = tpu.memref_squeeze %dma_wait3A_1006 : memref<1x128x8xf32, #tpu.memory_space<vmem>> -> memref<128x8xf32, #tpu.memory_space<vmem>>
    %dma_wait3A_1008 = arith.constant 0 : i32
    %dma_wait3A_1009 = tpu.memref_slice %arg7[%dma_wait3A_1001, %dma_wait3A_1002, %dma_wait3A_1008] : memref<5x9x128xi32, #tpu.memory_space<vmem>> -> memref<1x1x128xi32, #tpu.memory_space<vmem>>
    %dma_wait3A_1010 = tpu.memref_squeeze %dma_wait3A_1009 : memref<1x1x128xi32, #tpu.memory_space<vmem>> -> memref<128xi32, #tpu.memory_space<vmem>>
    %dma_wait3A_1011 = arith.constant 0 : i32
    %dma_wait3A_1012 = arith.constant 0 : i32
    %dma_wait3A_1013 = tpu.memref_slice %arg3[%dma_wait3A_1011, %dma_wait3A_1012] : memref<36864x8xf32, #tpu.memory_space<hbm>> -> memref<36864x8xf32, #tpu.memory_space<hbm>>
    tpu.wait_indirect_dma semaphore(%arg10 : memref<!tpu.dma_semaphore, #tpu.memory_space<semaphore_mem>>) src(%dma_wait3A_1013 : memref<36864x8xf32, #tpu.memory_space<hbm>>) dst(%dma_wait3A_1007 : memref<128x8xf32, #tpu.memory_space<vmem>>)
    %dma_wait3A_1014 = arith.constant 3 : i32
    %dma_wait3A_1015 = arith.constant 8 : i32
    %dma_wait3A_1016 = arith.constant 2 : i32
    %dma_wait3A_1017 = arith.constant 1024 : i32
    %dma_wait3A_1018 = arith.constant 0 : i32
    %dma_wait3A_1019 = tpu.memref_slice %arg9[%dma_wait3A_1016, %dma_wait3A_1017, %dma_wait3A_1018] : memref<4x1152x8xf32, #tpu.memory_space<vmem>> -> memref<1x128x8xf32, #tpu.memory_space<vmem>>
    %dma_wait3A_1020 = tpu.memref_squeeze %dma_wait3A_1019 : memref<1x128x8xf32, #tpu.memory_space<vmem>> -> memref<128x8xf32, #tpu.memory_space<vmem>>
    %dma_wait3A_1021 = arith.constant 0 : i32
    %dma_wait3A_1022 = tpu.memref_slice %arg7[%dma_wait3A_1014, %dma_wait3A_1015, %dma_wait3A_1021] : memref<5x9x128xi32, #tpu.memory_space<vmem>> -> memref<1x1x128xi32, #tpu.memory_space<vmem>>
    %dma_wait3A_1023 = tpu.memref_squeeze %dma_wait3A_1022 : memref<1x1x128xi32, #tpu.memory_space<vmem>> -> memref<128xi32, #tpu.memory_space<vmem>>
    %dma_wait3A_1024 = arith.constant 0 : i32
    %dma_wait3A_1025 = arith.constant 0 : i32
    %dma_wait3A_1026 = tpu.memref_slice %arg3[%dma_wait3A_1024, %dma_wait3A_1025] : memref<36864x8xf32, #tpu.memory_space<hbm>> -> memref<36864x8xf32, #tpu.memory_space<hbm>>
    tpu.wait_indirect_dma semaphore(%arg10 : memref<!tpu.dma_semaphore, #tpu.memory_space<semaphore_mem>>) src(%dma_wait3A_1026 : memref<36864x8xf32, #tpu.memory_space<hbm>>) dst(%dma_wait3A_1020 : memref<128x8xf32, #tpu.memory_space<vmem>>)
    %dma_wait3A_1027 = arith.constant 4 : i32
    %dma_wait3A_1028 = arith.constant 0 : i32
    %dma_wait3A_1029 = arith.constant 3 : i32
    %dma_wait3A_1030 = arith.constant 0 : i32
    %dma_wait3A_1031 = arith.constant 0 : i32
    %dma_wait3A_1032 = tpu.memref_slice %arg9[%dma_wait3A_1029, %dma_wait3A_1030, %dma_wait3A_1031] : memref<4x1152x8xf32, #tpu.memory_space<vmem>> -> memref<1x128x8xf32, #tpu.memory_space<vmem>>
    %dma_wait3A_1033 = tpu.memref_squeeze %dma_wait3A_1032 : memref<1x128x8xf32, #tpu.memory_space<vmem>> -> memref<128x8xf32, #tpu.memory_space<vmem>>
    %dma_wait3A_1034 = arith.constant 0 : i32
    %dma_wait3A_1035 = tpu.memref_slice %arg7[%dma_wait3A_1027, %dma_wait3A_1028, %dma_wait3A_1034] : memref<5x9x128xi32, #tpu.memory_space<vmem>> -> memref<1x1x128xi32, #tpu.memory_space<vmem>>
    %dma_wait3A_1036 = tpu.memref_squeeze %dma_wait3A_1035 : memref<1x1x128xi32, #tpu.memory_space<vmem>> -> memref<128xi32, #tpu.memory_space<vmem>>
    %dma_wait3A_1037 = arith.constant 0 : i32
    %dma_wait3A_1038 = arith.constant 0 : i32
    %dma_wait3A_1039 = tpu.memref_slice %arg3[%dma_wait3A_1037, %dma_wait3A_1038] : memref<36864x8xf32, #tpu.memory_space<hbm>> -> memref<36864x8xf32, #tpu.memory_space<hbm>>
    tpu.wait_indirect_dma semaphore(%arg10 : memref<!tpu.dma_semaphore, #tpu.memory_space<semaphore_mem>>) src(%dma_wait3A_1039 : memref<36864x8xf32, #tpu.memory_space<hbm>>) dst(%dma_wait3A_1033 : memref<128x8xf32, #tpu.memory_space<vmem>>)
    %dma_wait3A_1040 = arith.constant 4 : i32
    %dma_wait3A_1041 = arith.constant 1 : i32
    %dma_wait3A_1042 = arith.constant 3 : i32
    %dma_wait3A_1043 = arith.constant 128 : i32
    %dma_wait3A_1044 = arith.constant 0 : i32
    %dma_wait3A_1045 = tpu.memref_slice %arg9[%dma_wait3A_1042, %dma_wait3A_1043, %dma_wait3A_1044] : memref<4x1152x8xf32, #tpu.memory_space<vmem>> -> memref<1x128x8xf32, #tpu.memory_space<vmem>>
    %dma_wait3A_1046 = tpu.memref_squeeze %dma_wait3A_1045 : memref<1x128x8xf32, #tpu.memory_space<vmem>> -> memref<128x8xf32, #tpu.memory_space<vmem>>
    %dma_wait3A_1047 = arith.constant 0 : i32
    %dma_wait3A_1048 = tpu.memref_slice %arg7[%dma_wait3A_1040, %dma_wait3A_1041, %dma_wait3A_1047] : memref<5x9x128xi32, #tpu.memory_space<vmem>> -> memref<1x1x128xi32, #tpu.memory_space<vmem>>
    %dma_wait3A_1049 = tpu.memref_squeeze %dma_wait3A_1048 : memref<1x1x128xi32, #tpu.memory_space<vmem>> -> memref<128xi32, #tpu.memory_space<vmem>>
    %dma_wait3A_1050 = arith.constant 0 : i32
    %dma_wait3A_1051 = arith.constant 0 : i32
    %dma_wait3A_1052 = tpu.memref_slice %arg3[%dma_wait3A_1050, %dma_wait3A_1051] : memref<36864x8xf32, #tpu.memory_space<hbm>> -> memref<36864x8xf32, #tpu.memory_space<hbm>>
    tpu.wait_indirect_dma semaphore(%arg10 : memref<!tpu.dma_semaphore, #tpu.memory_space<semaphore_mem>>) src(%dma_wait3A_1052 : memref<36864x8xf32, #tpu.memory_space<hbm>>) dst(%dma_wait3A_1046 : memref<128x8xf32, #tpu.memory_space<vmem>>)
    %dma_wait3A_1053 = arith.constant 4 : i32
    %dma_wait3A_1054 = arith.constant 2 : i32
    %dma_wait3A_1055 = arith.constant 3 : i32
    %dma_wait3A_1056 = arith.constant 256 : i32
    %dma_wait3A_1057 = arith.constant 0 : i32
    %dma_wait3A_1058 = tpu.memref_slice %arg9[%dma_wait3A_1055, %dma_wait3A_1056, %dma_wait3A_1057] : memref<4x1152x8xf32, #tpu.memory_space<vmem>> -> memref<1x128x8xf32, #tpu.memory_space<vmem>>
    %dma_wait3A_1059 = tpu.memref_squeeze %dma_wait3A_1058 : memref<1x128x8xf32, #tpu.memory_space<vmem>> -> memref<128x8xf32, #tpu.memory_space<vmem>>
    %dma_wait3A_1060 = arith.constant 0 : i32
    %dma_wait3A_1061 = tpu.memref_slice %arg7[%dma_wait3A_1053, %dma_wait3A_1054, %dma_wait3A_1060] : memref<5x9x128xi32, #tpu.memory_space<vmem>> -> memref<1x1x128xi32, #tpu.memory_space<vmem>>
    %dma_wait3A_1062 = tpu.memref_squeeze %dma_wait3A_1061 : memref<1x1x128xi32, #tpu.memory_space<vmem>> -> memref<128xi32, #tpu.memory_space<vmem>>
    %dma_wait3A_1063 = arith.constant 0 : i32
    %dma_wait3A_1064 = arith.constant 0 : i32
    %dma_wait3A_1065 = tpu.memref_slice %arg3[%dma_wait3A_1063, %dma_wait3A_1064] : memref<36864x8xf32, #tpu.memory_space<hbm>> -> memref<36864x8xf32, #tpu.memory_space<hbm>>
    tpu.wait_indirect_dma semaphore(%arg10 : memref<!tpu.dma_semaphore, #tpu.memory_space<semaphore_mem>>) src(%dma_wait3A_1065 : memref<36864x8xf32, #tpu.memory_space<hbm>>) dst(%dma_wait3A_1059 : memref<128x8xf32, #tpu.memory_space<vmem>>)
    %dma_wait3A_1066 = arith.constant 4 : i32
    %dma_wait3A_1067 = arith.constant 3 : i32
    %dma_wait3A_1068 = arith.constant 3 : i32
    %dma_wait3A_1069 = arith.constant 384 : i32
    %dma_wait3A_1070 = arith.constant 0 : i32
    %dma_wait3A_1071 = tpu.memref_slice %arg9[%dma_wait3A_1068, %dma_wait3A_1069, %dma_wait3A_1070] : memref<4x1152x8xf32, #tpu.memory_space<vmem>> -> memref<1x128x8xf32, #tpu.memory_space<vmem>>
    %dma_wait3A_1072 = tpu.memref_squeeze %dma_wait3A_1071 : memref<1x128x8xf32, #tpu.memory_space<vmem>> -> memref<128x8xf32, #tpu.memory_space<vmem>>
    %dma_wait3A_1073 = arith.constant 0 : i32
    %dma_wait3A_1074 = tpu.memref_slice %arg7[%dma_wait3A_1066, %dma_wait3A_1067, %dma_wait3A_1073] : memref<5x9x128xi32, #tpu.memory_space<vmem>> -> memref<1x1x128xi32, #tpu.memory_space<vmem>>
    %dma_wait3A_1075 = tpu.memref_squeeze %dma_wait3A_1074 : memref<1x1x128xi32, #tpu.memory_space<vmem>> -> memref<128xi32, #tpu.memory_space<vmem>>
    %dma_wait3A_1076 = arith.constant 0 : i32
    %dma_wait3A_1077 = arith.constant 0 : i32
    %dma_wait3A_1078 = tpu.memref_slice %arg3[%dma_wait3A_1076, %dma_wait3A_1077] : memref<36864x8xf32, #tpu.memory_space<hbm>> -> memref<36864x8xf32, #tpu.memory_space<hbm>>
    tpu.wait_indirect_dma semaphore(%arg10 : memref<!tpu.dma_semaphore, #tpu.memory_space<semaphore_mem>>) src(%dma_wait3A_1078 : memref<36864x8xf32, #tpu.memory_space<hbm>>) dst(%dma_wait3A_1072 : memref<128x8xf32, #tpu.memory_space<vmem>>)
    %dma_wait3A_1079 = arith.constant 4 : i32
    %dma_wait3A_1080 = arith.constant 4 : i32
    %dma_wait3A_1081 = arith.constant 3 : i32
    %dma_wait3A_1082 = arith.constant 512 : i32
    %dma_wait3A_1083 = arith.constant 0 : i32
    %dma_wait3A_1084 = tpu.memref_slice %arg9[%dma_wait3A_1081, %dma_wait3A_1082, %dma_wait3A_1083] : memref<4x1152x8xf32, #tpu.memory_space<vmem>> -> memref<1x128x8xf32, #tpu.memory_space<vmem>>
    %dma_wait3A_1085 = tpu.memref_squeeze %dma_wait3A_1084 : memref<1x128x8xf32, #tpu.memory_space<vmem>> -> memref<128x8xf32, #tpu.memory_space<vmem>>
    %dma_wait3A_1086 = arith.constant 0 : i32
    %dma_wait3A_1087 = tpu.memref_slice %arg7[%dma_wait3A_1079, %dma_wait3A_1080, %dma_wait3A_1086] : memref<5x9x128xi32, #tpu.memory_space<vmem>> -> memref<1x1x128xi32, #tpu.memory_space<vmem>>
    %dma_wait3A_1088 = tpu.memref_squeeze %dma_wait3A_1087 : memref<1x1x128xi32, #tpu.memory_space<vmem>> -> memref<128xi32, #tpu.memory_space<vmem>>
    %dma_wait3A_1089 = arith.constant 0 : i32
    %dma_wait3A_1090 = arith.constant 0 : i32
    %dma_wait3A_1091 = tpu.memref_slice %arg3[%dma_wait3A_1089, %dma_wait3A_1090] : memref<36864x8xf32, #tpu.memory_space<hbm>> -> memref<36864x8xf32, #tpu.memory_space<hbm>>
    tpu.wait_indirect_dma semaphore(%arg10 : memref<!tpu.dma_semaphore, #tpu.memory_space<semaphore_mem>>) src(%dma_wait3A_1091 : memref<36864x8xf32, #tpu.memory_space<hbm>>) dst(%dma_wait3A_1085 : memref<128x8xf32, #tpu.memory_space<vmem>>)
    %dma_wait3A_1092 = arith.constant 4 : i32
    %dma_wait3A_1093 = arith.constant 5 : i32
    %dma_wait3A_1094 = arith.constant 3 : i32
    %dma_wait3A_1095 = arith.constant 640 : i32
    %dma_wait3A_1096 = arith.constant 0 : i32
    %dma_wait3A_1097 = tpu.memref_slice %arg9[%dma_wait3A_1094, %dma_wait3A_1095, %dma_wait3A_1096] : memref<4x1152x8xf32, #tpu.memory_space<vmem>> -> memref<1x128x8xf32, #tpu.memory_space<vmem>>
    %dma_wait3A_1098 = tpu.memref_squeeze %dma_wait3A_1097 : memref<1x128x8xf32, #tpu.memory_space<vmem>> -> memref<128x8xf32, #tpu.memory_space<vmem>>
    %dma_wait3A_1099 = arith.constant 0 : i32
    %dma_wait3A_1100 = tpu.memref_slice %arg7[%dma_wait3A_1092, %dma_wait3A_1093, %dma_wait3A_1099] : memref<5x9x128xi32, #tpu.memory_space<vmem>> -> memref<1x1x128xi32, #tpu.memory_space<vmem>>
    %dma_wait3A_1101 = tpu.memref_squeeze %dma_wait3A_1100 : memref<1x1x128xi32, #tpu.memory_space<vmem>> -> memref<128xi32, #tpu.memory_space<vmem>>
    %dma_wait3A_1102 = arith.constant 0 : i32
    %dma_wait3A_1103 = arith.constant 0 : i32
    %dma_wait3A_1104 = tpu.memref_slice %arg3[%dma_wait3A_1102, %dma_wait3A_1103] : memref<36864x8xf32, #tpu.memory_space<hbm>> -> memref<36864x8xf32, #tpu.memory_space<hbm>>
    tpu.wait_indirect_dma semaphore(%arg10 : memref<!tpu.dma_semaphore, #tpu.memory_space<semaphore_mem>>) src(%dma_wait3A_1104 : memref<36864x8xf32, #tpu.memory_space<hbm>>) dst(%dma_wait3A_1098 : memref<128x8xf32, #tpu.memory_space<vmem>>)
    %dma_wait3A_1105 = arith.constant 4 : i32
    %dma_wait3A_1106 = arith.constant 6 : i32
    %dma_wait3A_1107 = arith.constant 3 : i32
    %dma_wait3A_1108 = arith.constant 768 : i32
    %dma_wait3A_1109 = arith.constant 0 : i32
    %dma_wait3A_1110 = tpu.memref_slice %arg9[%dma_wait3A_1107, %dma_wait3A_1108, %dma_wait3A_1109] : memref<4x1152x8xf32, #tpu.memory_space<vmem>> -> memref<1x128x8xf32, #tpu.memory_space<vmem>>
    %dma_wait3A_1111 = tpu.memref_squeeze %dma_wait3A_1110 : memref<1x128x8xf32, #tpu.memory_space<vmem>> -> memref<128x8xf32, #tpu.memory_space<vmem>>
    %dma_wait3A_1112 = arith.constant 0 : i32
    %dma_wait3A_1113 = tpu.memref_slice %arg7[%dma_wait3A_1105, %dma_wait3A_1106, %dma_wait3A_1112] : memref<5x9x128xi32, #tpu.memory_space<vmem>> -> memref<1x1x128xi32, #tpu.memory_space<vmem>>
    %dma_wait3A_1114 = tpu.memref_squeeze %dma_wait3A_1113 : memref<1x1x128xi32, #tpu.memory_space<vmem>> -> memref<128xi32, #tpu.memory_space<vmem>>
    %dma_wait3A_1115 = arith.constant 0 : i32
    %dma_wait3A_1116 = arith.constant 0 : i32
    %dma_wait3A_1117 = tpu.memref_slice %arg3[%dma_wait3A_1115, %dma_wait3A_1116] : memref<36864x8xf32, #tpu.memory_space<hbm>> -> memref<36864x8xf32, #tpu.memory_space<hbm>>
    tpu.wait_indirect_dma semaphore(%arg10 : memref<!tpu.dma_semaphore, #tpu.memory_space<semaphore_mem>>) src(%dma_wait3A_1117 : memref<36864x8xf32, #tpu.memory_space<hbm>>) dst(%dma_wait3A_1111 : memref<128x8xf32, #tpu.memory_space<vmem>>)
    %dma_wait3A_1118 = arith.constant 4 : i32
    %dma_wait3A_1119 = arith.constant 7 : i32
    %dma_wait3A_1120 = arith.constant 3 : i32
    %dma_wait3A_1121 = arith.constant 896 : i32
    %dma_wait3A_1122 = arith.constant 0 : i32
    %dma_wait3A_1123 = tpu.memref_slice %arg9[%dma_wait3A_1120, %dma_wait3A_1121, %dma_wait3A_1122] : memref<4x1152x8xf32, #tpu.memory_space<vmem>> -> memref<1x128x8xf32, #tpu.memory_space<vmem>>
    %dma_wait3A_1124 = tpu.memref_squeeze %dma_wait3A_1123 : memref<1x128x8xf32, #tpu.memory_space<vmem>> -> memref<128x8xf32, #tpu.memory_space<vmem>>
    %dma_wait3A_1125 = arith.constant 0 : i32
    %dma_wait3A_1126 = tpu.memref_slice %arg7[%dma_wait3A_1118, %dma_wait3A_1119, %dma_wait3A_1125] : memref<5x9x128xi32, #tpu.memory_space<vmem>> -> memref<1x1x128xi32, #tpu.memory_space<vmem>>
    %dma_wait3A_1127 = tpu.memref_squeeze %dma_wait3A_1126 : memref<1x1x128xi32, #tpu.memory_space<vmem>> -> memref<128xi32, #tpu.memory_space<vmem>>
    %dma_wait3A_1128 = arith.constant 0 : i32
    %dma_wait3A_1129 = arith.constant 0 : i32
    %dma_wait3A_1130 = tpu.memref_slice %arg3[%dma_wait3A_1128, %dma_wait3A_1129] : memref<36864x8xf32, #tpu.memory_space<hbm>> -> memref<36864x8xf32, #tpu.memory_space<hbm>>
    tpu.wait_indirect_dma semaphore(%arg10 : memref<!tpu.dma_semaphore, #tpu.memory_space<semaphore_mem>>) src(%dma_wait3A_1130 : memref<36864x8xf32, #tpu.memory_space<hbm>>) dst(%dma_wait3A_1124 : memref<128x8xf32, #tpu.memory_space<vmem>>)
    %dma_wait3A_1131 = arith.constant 4 : i32
    %dma_wait3A_1132 = arith.constant 8 : i32
    %dma_wait3A_1133 = arith.constant 3 : i32
    %dma_wait3A_1134 = arith.constant 1024 : i32
    %dma_wait3A_1135 = arith.constant 0 : i32
    %dma_wait3A_1136 = tpu.memref_slice %arg9[%dma_wait3A_1133, %dma_wait3A_1134, %dma_wait3A_1135] : memref<4x1152x8xf32, #tpu.memory_space<vmem>> -> memref<1x128x8xf32, #tpu.memory_space<vmem>>
    %dma_wait3A_1137 = tpu.memref_squeeze %dma_wait3A_1136 : memref<1x128x8xf32, #tpu.memory_space<vmem>> -> memref<128x8xf32, #tpu.memory_space<vmem>>
    %dma_wait3A_1138 = arith.constant 0 : i32
    %dma_wait3A_1139 = tpu.memref_slice %arg7[%dma_wait3A_1131, %dma_wait3A_1132, %dma_wait3A_1138] : memref<5x9x128xi32, #tpu.memory_space<vmem>> -> memref<1x1x128xi32, #tpu.memory_space<vmem>>
    %dma_wait3A_1140 = tpu.memref_squeeze %dma_wait3A_1139 : memref<1x1x128xi32, #tpu.memory_space<vmem>> -> memref<128xi32, #tpu.memory_space<vmem>>
    %dma_wait3A_1141 = arith.constant 0 : i32
    %dma_wait3A_1142 = arith.constant 0 : i32
    %dma_wait3A_1143 = tpu.memref_slice %arg3[%dma_wait3A_1141, %dma_wait3A_1142] : memref<36864x8xf32, #tpu.memory_space<hbm>> -> memref<36864x8xf32, #tpu.memory_space<hbm>>
    tpu.wait_indirect_dma semaphore(%arg10 : memref<!tpu.dma_semaphore, #tpu.memory_space<semaphore_mem>>) src(%dma_wait3A_1143 : memref<36864x8xf32, #tpu.memory_space<hbm>>) dst(%dma_wait3A_1137 : memref<128x8xf32, #tpu.memory_space<vmem>>)
    "tpu.region"() ({
      %run_scoped3A_1152 = tpu.sem_alloc : memref<!tpu.dma_semaphore, #tpu.memory_space<semaphore_mem>>
      %dma_start3A_1153 = arith.constant 0 : i32
      %dma_start3A_1154 = tpu.memref_slice %arg5[%mul3A_2, %dma_start3A_1153] : memref<36864x64xf32, #tpu.memory_space<hbm>> -> memref<1152x64xf32, #tpu.memory_space<hbm>>
      %dma_start3A_1155 = arith.constant 0 : i32
      %dma_start3A_1156 = tpu.memref_slice %arg5[%mul3A_2, %dma_start3A_1155] : memref<36864x64xf32, #tpu.memory_space<hbm>> -> memref<1152x64xf32, #tpu.memory_space<hbm>>
      tpu.enqueue_dma source(%arg8 : memref<1152x64xf32, #tpu.memory_space<vmem>>) target(%dma_start3A_1156 : memref<1152x64xf32, #tpu.memory_space<hbm>>) target_semaphore(%run_scoped3A_1152 : memref<!tpu.dma_semaphore, #tpu.memory_space<semaphore_mem>>)
      %dma_wait3A_1157 = arith.constant 0 : i32
      %dma_wait3A_1158 = tpu.memref_slice %arg5[%mul3A_2, %dma_wait3A_1157] : memref<36864x64xf32, #tpu.memory_space<hbm>> -> memref<1152x64xf32, #tpu.memory_space<hbm>>
      %dma_wait3A_1159 = arith.constant 0 : i32
      %dma_wait3A_1160 = tpu.memref_slice %arg5[%mul3A_2, %dma_wait3A_1159] : memref<36864x64xf32, #tpu.memory_space<hbm>> -> memref<1152x64xf32, #tpu.memory_space<hbm>>
      tpu.wait_dma2 semaphore(%run_scoped3A_1152 : memref<!tpu.dma_semaphore, #tpu.memory_space<semaphore_mem>>) src(%arg8 : memref<1152x64xf32, #tpu.memory_space<vmem>>) dst(%dma_wait3A_1160 : memref<1152x64xf32, #tpu.memory_space<hbm>>)
      tpu.yield
    }) : () -> ()
    %run_scoped3A_1144 = arith.constant 0 : i32
    %run_scoped3A_1145 = arith.constant 0 : i32
    "tpu.region"() ({
      %run_scoped3A_1152 = tpu.sem_alloc : memref<!tpu.dma_semaphore, #tpu.memory_space<semaphore_mem>>
      %dma_start3A_1153 = arith.constant 0 : i32
      %dma_start3A_1154 = arith.constant 0 : i32
      %dma_start3A_1155 = tpu.memref_slice %arg9[%run_scoped3A_1144, %dma_start3A_1153, %dma_start3A_1154] : memref<4x1152x8xf32, #tpu.memory_space<vmem>> -> memref<1x1152x8xf32, #tpu.memory_space<vmem>>
      %dma_start3A_1156 = tpu.memref_squeeze %dma_start3A_1155 : memref<1x1152x8xf32, #tpu.memory_space<vmem>> -> memref<1152x8xf32, #tpu.memory_space<vmem>>
      %dma_start3A_1157 = arith.constant 0 : i32
      %dma_start3A_1158 = tpu.memref_slice %arg6[%run_scoped3A_1145, %mul3A_2, %dma_start3A_1157] : memref<4x36864x8xf32, #tpu.memory_space<hbm>> -> memref<1x1152x8xf32, #tpu.memory_space<hbm>>
      %dma_start3A_1159 = tpu.memref_squeeze %dma_start3A_1158 : memref<1x1152x8xf32, #tpu.memory_space<hbm>> -> memref<1152x8xf32, #tpu.memory_space<hbm>>
      %dma_start3A_1160 = arith.constant 0 : i32
      %dma_start3A_1161 = tpu.memref_slice %arg6[%run_scoped3A_1145, %mul3A_2, %dma_start3A_1160] : memref<4x36864x8xf32, #tpu.memory_space<hbm>> -> memref<1x1152x8xf32, #tpu.memory_space<hbm>>
      %dma_start3A_1162 = tpu.memref_squeeze %dma_start3A_1161 : memref<1x1152x8xf32, #tpu.memory_space<hbm>> -> memref<1152x8xf32, #tpu.memory_space<hbm>>
      %dma_start3A_1163 = arith.constant 0 : i32
      %dma_start3A_1164 = arith.constant 0 : i32
      %dma_start3A_1165 = tpu.memref_slice %arg9[%run_scoped3A_1144, %dma_start3A_1163, %dma_start3A_1164] : memref<4x1152x8xf32, #tpu.memory_space<vmem>> -> memref<1x1152x8xf32, #tpu.memory_space<vmem>>
      %dma_start3A_1166 = tpu.memref_squeeze %dma_start3A_1165 : memref<1x1152x8xf32, #tpu.memory_space<vmem>> -> memref<1152x8xf32, #tpu.memory_space<vmem>>
      tpu.enqueue_dma source(%dma_start3A_1166 : memref<1152x8xf32, #tpu.memory_space<vmem>>) target(%dma_start3A_1162 : memref<1152x8xf32, #tpu.memory_space<hbm>>) target_semaphore(%run_scoped3A_1152 : memref<!tpu.dma_semaphore, #tpu.memory_space<semaphore_mem>>)
      %dma_wait3A_1167 = arith.constant 0 : i32
      %dma_wait3A_1168 = arith.constant 0 : i32
      %dma_wait3A_1169 = tpu.memref_slice %arg9[%run_scoped3A_1144, %dma_wait3A_1167, %dma_wait3A_1168] : memref<4x1152x8xf32, #tpu.memory_space<vmem>> -> memref<1x1152x8xf32, #tpu.memory_space<vmem>>
      %dma_wait3A_1170 = tpu.memref_squeeze %dma_wait3A_1169 : memref<1x1152x8xf32, #tpu.memory_space<vmem>> -> memref<1152x8xf32, #tpu.memory_space<vmem>>
      %dma_wait3A_1171 = arith.constant 0 : i32
      %dma_wait3A_1172 = tpu.memref_slice %arg6[%run_scoped3A_1145, %mul3A_2, %dma_wait3A_1171] : memref<4x36864x8xf32, #tpu.memory_space<hbm>> -> memref<1x1152x8xf32, #tpu.memory_space<hbm>>
      %dma_wait3A_1173 = tpu.memref_squeeze %dma_wait3A_1172 : memref<1x1152x8xf32, #tpu.memory_space<hbm>> -> memref<1152x8xf32, #tpu.memory_space<hbm>>
      %dma_wait3A_1174 = arith.constant 0 : i32
      %dma_wait3A_1175 = tpu.memref_slice %arg6[%run_scoped3A_1145, %mul3A_2, %dma_wait3A_1174] : memref<4x36864x8xf32, #tpu.memory_space<hbm>> -> memref<1x1152x8xf32, #tpu.memory_space<hbm>>
      %dma_wait3A_1176 = tpu.memref_squeeze %dma_wait3A_1175 : memref<1x1152x8xf32, #tpu.memory_space<hbm>> -> memref<1152x8xf32, #tpu.memory_space<hbm>>
      %dma_wait3A_1177 = arith.constant 0 : i32
      %dma_wait3A_1178 = arith.constant 0 : i32
      %dma_wait3A_1179 = tpu.memref_slice %arg9[%run_scoped3A_1144, %dma_wait3A_1177, %dma_wait3A_1178] : memref<4x1152x8xf32, #tpu.memory_space<vmem>> -> memref<1x1152x8xf32, #tpu.memory_space<vmem>>
      %dma_wait3A_1180 = tpu.memref_squeeze %dma_wait3A_1179 : memref<1x1152x8xf32, #tpu.memory_space<vmem>> -> memref<1152x8xf32, #tpu.memory_space<vmem>>
      tpu.wait_dma2 semaphore(%run_scoped3A_1152 : memref<!tpu.dma_semaphore, #tpu.memory_space<semaphore_mem>>) src(%dma_wait3A_1180 : memref<1152x8xf32, #tpu.memory_space<vmem>>) dst(%dma_wait3A_1176 : memref<1152x8xf32, #tpu.memory_space<hbm>>)
      tpu.yield
    }) : () -> ()
    %run_scoped3A_1146 = arith.constant 1 : i32
    %run_scoped3A_1147 = arith.constant 1 : i32
    "tpu.region"() ({
      %run_scoped3A_1152 = tpu.sem_alloc : memref<!tpu.dma_semaphore, #tpu.memory_space<semaphore_mem>>
      %dma_start3A_1153 = arith.constant 0 : i32
      %dma_start3A_1154 = arith.constant 0 : i32
      %dma_start3A_1155 = tpu.memref_slice %arg9[%run_scoped3A_1146, %dma_start3A_1153, %dma_start3A_1154] : memref<4x1152x8xf32, #tpu.memory_space<vmem>> -> memref<1x1152x8xf32, #tpu.memory_space<vmem>>
      %dma_start3A_1156 = tpu.memref_squeeze %dma_start3A_1155 : memref<1x1152x8xf32, #tpu.memory_space<vmem>> -> memref<1152x8xf32, #tpu.memory_space<vmem>>
      %dma_start3A_1157 = arith.constant 0 : i32
      %dma_start3A_1158 = tpu.memref_slice %arg6[%run_scoped3A_1147, %mul3A_2, %dma_start3A_1157] : memref<4x36864x8xf32, #tpu.memory_space<hbm>> -> memref<1x1152x8xf32, #tpu.memory_space<hbm>>
      %dma_start3A_1159 = tpu.memref_squeeze %dma_start3A_1158 : memref<1x1152x8xf32, #tpu.memory_space<hbm>> -> memref<1152x8xf32, #tpu.memory_space<hbm>>
      %dma_start3A_1160 = arith.constant 0 : i32
      %dma_start3A_1161 = tpu.memref_slice %arg6[%run_scoped3A_1147, %mul3A_2, %dma_start3A_1160] : memref<4x36864x8xf32, #tpu.memory_space<hbm>> -> memref<1x1152x8xf32, #tpu.memory_space<hbm>>
      %dma_start3A_1162 = tpu.memref_squeeze %dma_start3A_1161 : memref<1x1152x8xf32, #tpu.memory_space<hbm>> -> memref<1152x8xf32, #tpu.memory_space<hbm>>
      %dma_start3A_1163 = arith.constant 0 : i32
      %dma_start3A_1164 = arith.constant 0 : i32
      %dma_start3A_1165 = tpu.memref_slice %arg9[%run_scoped3A_1146, %dma_start3A_1163, %dma_start3A_1164] : memref<4x1152x8xf32, #tpu.memory_space<vmem>> -> memref<1x1152x8xf32, #tpu.memory_space<vmem>>
      %dma_start3A_1166 = tpu.memref_squeeze %dma_start3A_1165 : memref<1x1152x8xf32, #tpu.memory_space<vmem>> -> memref<1152x8xf32, #tpu.memory_space<vmem>>
      tpu.enqueue_dma source(%dma_start3A_1166 : memref<1152x8xf32, #tpu.memory_space<vmem>>) target(%dma_start3A_1162 : memref<1152x8xf32, #tpu.memory_space<hbm>>) target_semaphore(%run_scoped3A_1152 : memref<!tpu.dma_semaphore, #tpu.memory_space<semaphore_mem>>)
      %dma_wait3A_1167 = arith.constant 0 : i32
      %dma_wait3A_1168 = arith.constant 0 : i32
      %dma_wait3A_1169 = tpu.memref_slice %arg9[%run_scoped3A_1146, %dma_wait3A_1167, %dma_wait3A_1168] : memref<4x1152x8xf32, #tpu.memory_space<vmem>> -> memref<1x1152x8xf32, #tpu.memory_space<vmem>>
      %dma_wait3A_1170 = tpu.memref_squeeze %dma_wait3A_1169 : memref<1x1152x8xf32, #tpu.memory_space<vmem>> -> memref<1152x8xf32, #tpu.memory_space<vmem>>
      %dma_wait3A_1171 = arith.constant 0 : i32
      %dma_wait3A_1172 = tpu.memref_slice %arg6[%run_scoped3A_1147, %mul3A_2, %dma_wait3A_1171] : memref<4x36864x8xf32, #tpu.memory_space<hbm>> -> memref<1x1152x8xf32, #tpu.memory_space<hbm>>
      %dma_wait3A_1173 = tpu.memref_squeeze %dma_wait3A_1172 : memref<1x1152x8xf32, #tpu.memory_space<hbm>> -> memref<1152x8xf32, #tpu.memory_space<hbm>>
      %dma_wait3A_1174 = arith.constant 0 : i32
      %dma_wait3A_1175 = tpu.memref_slice %arg6[%run_scoped3A_1147, %mul3A_2, %dma_wait3A_1174] : memref<4x36864x8xf32, #tpu.memory_space<hbm>> -> memref<1x1152x8xf32, #tpu.memory_space<hbm>>
      %dma_wait3A_1176 = tpu.memref_squeeze %dma_wait3A_1175 : memref<1x1152x8xf32, #tpu.memory_space<hbm>> -> memref<1152x8xf32, #tpu.memory_space<hbm>>
      %dma_wait3A_1177 = arith.constant 0 : i32
      %dma_wait3A_1178 = arith.constant 0 : i32
      %dma_wait3A_1179 = tpu.memref_slice %arg9[%run_scoped3A_1146, %dma_wait3A_1177, %dma_wait3A_1178] : memref<4x1152x8xf32, #tpu.memory_space<vmem>> -> memref<1x1152x8xf32, #tpu.memory_space<vmem>>
      %dma_wait3A_1180 = tpu.memref_squeeze %dma_wait3A_1179 : memref<1x1152x8xf32, #tpu.memory_space<vmem>> -> memref<1152x8xf32, #tpu.memory_space<vmem>>
      tpu.wait_dma2 semaphore(%run_scoped3A_1152 : memref<!tpu.dma_semaphore, #tpu.memory_space<semaphore_mem>>) src(%dma_wait3A_1180 : memref<1152x8xf32, #tpu.memory_space<vmem>>) dst(%dma_wait3A_1176 : memref<1152x8xf32, #tpu.memory_space<hbm>>)
      tpu.yield
    }) : () -> ()
    %run_scoped3A_1148 = arith.constant 2 : i32
    %run_scoped3A_1149 = arith.constant 2 : i32
    "tpu.region"() ({
      %run_scoped3A_1152 = tpu.sem_alloc : memref<!tpu.dma_semaphore, #tpu.memory_space<semaphore_mem>>
      %dma_start3A_1153 = arith.constant 0 : i32
      %dma_start3A_1154 = arith.constant 0 : i32
      %dma_start3A_1155 = tpu.memref_slice %arg9[%run_scoped3A_1148, %dma_start3A_1153, %dma_start3A_1154] : memref<4x1152x8xf32, #tpu.memory_space<vmem>> -> memref<1x1152x8xf32, #tpu.memory_space<vmem>>
      %dma_start3A_1156 = tpu.memref_squeeze %dma_start3A_1155 : memref<1x1152x8xf32, #tpu.memory_space<vmem>> -> memref<1152x8xf32, #tpu.memory_space<vmem>>
      %dma_start3A_1157 = arith.constant 0 : i32
      %dma_start3A_1158 = tpu.memref_slice %arg6[%run_scoped3A_1149, %mul3A_2, %dma_start3A_1157] : memref<4x36864x8xf32, #tpu.memory_space<hbm>> -> memref<1x1152x8xf32, #tpu.memory_space<hbm>>
      %dma_start3A_1159 = tpu.memref_squeeze %dma_start3A_1158 : memref<1x1152x8xf32, #tpu.memory_space<hbm>> -> memref<1152x8xf32, #tpu.memory_space<hbm>>
      %dma_start3A_1160 = arith.constant 0 : i32
      %dma_start3A_1161 = tpu.memref_slice %arg6[%run_scoped3A_1149, %mul3A_2, %dma_start3A_1160] : memref<4x36864x8xf32, #tpu.memory_space<hbm>> -> memref<1x1152x8xf32, #tpu.memory_space<hbm>>
      %dma_start3A_1162 = tpu.memref_squeeze %dma_start3A_1161 : memref<1x1152x8xf32, #tpu.memory_space<hbm>> -> memref<1152x8xf32, #tpu.memory_space<hbm>>
      %dma_start3A_1163 = arith.constant 0 : i32
      %dma_start3A_1164 = arith.constant 0 : i32
      %dma_start3A_1165 = tpu.memref_slice %arg9[%run_scoped3A_1148, %dma_start3A_1163, %dma_start3A_1164] : memref<4x1152x8xf32, #tpu.memory_space<vmem>> -> memref<1x1152x8xf32, #tpu.memory_space<vmem>>
      %dma_start3A_1166 = tpu.memref_squeeze %dma_start3A_1165 : memref<1x1152x8xf32, #tpu.memory_space<vmem>> -> memref<1152x8xf32, #tpu.memory_space<vmem>>
      tpu.enqueue_dma source(%dma_start3A_1166 : memref<1152x8xf32, #tpu.memory_space<vmem>>) target(%dma_start3A_1162 : memref<1152x8xf32, #tpu.memory_space<hbm>>) target_semaphore(%run_scoped3A_1152 : memref<!tpu.dma_semaphore, #tpu.memory_space<semaphore_mem>>)
      %dma_wait3A_1167 = arith.constant 0 : i32
      %dma_wait3A_1168 = arith.constant 0 : i32
      %dma_wait3A_1169 = tpu.memref_slice %arg9[%run_scoped3A_1148, %dma_wait3A_1167, %dma_wait3A_1168] : memref<4x1152x8xf32, #tpu.memory_space<vmem>> -> memref<1x1152x8xf32, #tpu.memory_space<vmem>>
      %dma_wait3A_1170 = tpu.memref_squeeze %dma_wait3A_1169 : memref<1x1152x8xf32, #tpu.memory_space<vmem>> -> memref<1152x8xf32, #tpu.memory_space<vmem>>
      %dma_wait3A_1171 = arith.constant 0 : i32
      %dma_wait3A_1172 = tpu.memref_slice %arg6[%run_scoped3A_1149, %mul3A_2, %dma_wait3A_1171] : memref<4x36864x8xf32, #tpu.memory_space<hbm>> -> memref<1x1152x8xf32, #tpu.memory_space<hbm>>
      %dma_wait3A_1173 = tpu.memref_squeeze %dma_wait3A_1172 : memref<1x1152x8xf32, #tpu.memory_space<hbm>> -> memref<1152x8xf32, #tpu.memory_space<hbm>>
      %dma_wait3A_1174 = arith.constant 0 : i32
      %dma_wait3A_1175 = tpu.memref_slice %arg6[%run_scoped3A_1149, %mul3A_2, %dma_wait3A_1174] : memref<4x36864x8xf32, #tpu.memory_space<hbm>> -> memref<1x1152x8xf32, #tpu.memory_space<hbm>>
      %dma_wait3A_1176 = tpu.memref_squeeze %dma_wait3A_1175 : memref<1x1152x8xf32, #tpu.memory_space<hbm>> -> memref<1152x8xf32, #tpu.memory_space<hbm>>
      %dma_wait3A_1177 = arith.constant 0 : i32
      %dma_wait3A_1178 = arith.constant 0 : i32
      %dma_wait3A_1179 = tpu.memref_slice %arg9[%run_scoped3A_1148, %dma_wait3A_1177, %dma_wait3A_1178] : memref<4x1152x8xf32, #tpu.memory_space<vmem>> -> memref<1x1152x8xf32, #tpu.memory_space<vmem>>
      %dma_wait3A_1180 = tpu.memref_squeeze %dma_wait3A_1179 : memref<1x1152x8xf32, #tpu.memory_space<vmem>> -> memref<1152x8xf32, #tpu.memory_space<vmem>>
      tpu.wait_dma2 semaphore(%run_scoped3A_1152 : memref<!tpu.dma_semaphore, #tpu.memory_space<semaphore_mem>>) src(%dma_wait3A_1180 : memref<1152x8xf32, #tpu.memory_space<vmem>>) dst(%dma_wait3A_1176 : memref<1152x8xf32, #tpu.memory_space<hbm>>)
      tpu.yield
    }) : () -> ()
    %run_scoped3A_1150 = arith.constant 3 : i32
    %run_scoped3A_1151 = arith.constant 3 : i32
    "tpu.region"() ({
      %run_scoped3A_1152 = tpu.sem_alloc : memref<!tpu.dma_semaphore, #tpu.memory_space<semaphore_mem>>
      %dma_start3A_1153 = arith.constant 0 : i32
      %dma_start3A_1154 = arith.constant 0 : i32
      %dma_start3A_1155 = tpu.memref_slice %arg9[%run_scoped3A_1150, %dma_start3A_1153, %dma_start3A_1154] : memref<4x1152x8xf32, #tpu.memory_space<vmem>> -> memref<1x1152x8xf32, #tpu.memory_space<vmem>>
      %dma_start3A_1156 = tpu.memref_squeeze %dma_start3A_1155 : memref<1x1152x8xf32, #tpu.memory_space<vmem>> -> memref<1152x8xf32, #tpu.memory_space<vmem>>
      %dma_start3A_1157 = arith.constant 0 : i32
      %dma_start3A_1158 = tpu.memref_slice %arg6[%run_scoped3A_1151, %mul3A_2, %dma_start3A_1157] : memref<4x36864x8xf32, #tpu.memory_space<hbm>> -> memref<1x1152x8xf32, #tpu.memory_space<hbm>>
      %dma_start3A_1159 = tpu.memref_squeeze %dma_start3A_1158 : memref<1x1152x8xf32, #tpu.memory_space<hbm>> -> memref<1152x8xf32, #tpu.memory_space<hbm>>
      %dma_start3A_1160 = arith.constant 0 : i32
      %dma_start3A_1161 = tpu.memref_slice %arg6[%run_scoped3A_1151, %mul3A_2, %dma_start3A_1160] : memref<4x36864x8xf32, #tpu.memory_space<hbm>> -> memref<1x1152x8xf32, #tpu.memory_space<hbm>>
      %dma_start3A_1162 = tpu.memref_squeeze %dma_start3A_1161 : memref<1x1152x8xf32, #tpu.memory_space<hbm>> -> memref<1152x8xf32, #tpu.memory_space<hbm>>
      %dma_start3A_1163 = arith.constant 0 : i32
      %dma_start3A_1164 = arith.constant 0 : i32
      %dma_start3A_1165 = tpu.memref_slice %arg9[%run_scoped3A_1150, %dma_start3A_1163, %dma_start3A_1164] : memref<4x1152x8xf32, #tpu.memory_space<vmem>> -> memref<1x1152x8xf32, #tpu.memory_space<vmem>>
      %dma_start3A_1166 = tpu.memref_squeeze %dma_start3A_1165 : memref<1x1152x8xf32, #tpu.memory_space<vmem>> -> memref<1152x8xf32, #tpu.memory_space<vmem>>
      tpu.enqueue_dma source(%dma_start3A_1166 : memref<1152x8xf32, #tpu.memory_space<vmem>>) target(%dma_start3A_1162 : memref<1152x8xf32, #tpu.memory_space<hbm>>) target_semaphore(%run_scoped3A_1152 : memref<!tpu.dma_semaphore, #tpu.memory_space<semaphore_mem>>)
      %dma_wait3A_1167 = arith.constant 0 : i32
      %dma_wait3A_1168 = arith.constant 0 : i32
      %dma_wait3A_1169 = tpu.memref_slice %arg9[%run_scoped3A_1150, %dma_wait3A_1167, %dma_wait3A_1168] : memref<4x1152x8xf32, #tpu.memory_space<vmem>> -> memref<1x1152x8xf32, #tpu.memory_space<vmem>>
      %dma_wait3A_1170 = tpu.memref_squeeze %dma_wait3A_1169 : memref<1x1152x8xf32, #tpu.memory_space<vmem>> -> memref<1152x8xf32, #tpu.memory_space<vmem>>
      %dma_wait3A_1171 = arith.constant 0 : i32
      %dma_wait3A_1172 = tpu.memref_slice %arg6[%run_scoped3A_1151, %mul3A_2, %dma_wait3A_1171] : memref<4x36864x8xf32, #tpu.memory_space<hbm>> -> memref<1x1152x8xf32, #tpu.memory_space<hbm>>
      %dma_wait3A_1173 = tpu.memref_squeeze %dma_wait3A_1172 : memref<1x1152x8xf32, #tpu.memory_space<hbm>> -> memref<1152x8xf32, #tpu.memory_space<hbm>>
      %dma_wait3A_1174 = arith.constant 0 : i32
      %dma_wait3A_1175 = tpu.memref_slice %arg6[%run_scoped3A_1151, %mul3A_2, %dma_wait3A_1174] : memref<4x36864x8xf32, #tpu.memory_space<hbm>> -> memref<1x1152x8xf32, #tpu.memory_space<hbm>>
      %dma_wait3A_1176 = tpu.memref_squeeze %dma_wait3A_1175 : memref<1x1152x8xf32, #tpu.memory_space<hbm>> -> memref<1152x8xf32, #tpu.memory_space<hbm>>
      %dma_wait3A_1177 = arith.constant 0 : i32
      %dma_wait3A_1178 = arith.constant 0 : i32
      %dma_wait3A_1179 = tpu.memref_slice %arg9[%run_scoped3A_1150, %dma_wait3A_1177, %dma_wait3A_1178] : memref<4x1152x8xf32, #tpu.memory_space<vmem>> -> memref<1x1152x8xf32, #tpu.memory_space<vmem>>
      %dma_wait3A_1180 = tpu.memref_squeeze %dma_wait3A_1179 : memref<1x1152x8xf32, #tpu.memory_space<vmem>> -> memref<1152x8xf32, #tpu.memory_space<vmem>>
      tpu.wait_dma2 semaphore(%run_scoped3A_1152 : memref<!tpu.dma_semaphore, #tpu.memory_space<semaphore_mem>>) src(%dma_wait3A_1180 : memref<1152x8xf32, #tpu.memory_space<vmem>>) dst(%dma_wait3A_1176 : memref<1152x8xf32, #tpu.memory_space<hbm>>)
      tpu.yield
    }) : () -> ()
    return
  }
}

module attributes {stable_mosaic.version = 14 : i64} {
  func.func @_enc_body(%arg0: i32, %arg1: memref<2x3x48x48xf32, #tpu.memory_space<vmem>>, %arg2: memref<9x3x64xf32, #tpu.memory_space<vmem>>, %arg3: memref<1x64xf32, #tpu.memory_space<vmem>>, %arg4: memref<9x64x64xf32, #tpu.memory_space<vmem>>, %arg5: memref<1x64xf32, #tpu.memory_space<vmem>>, %arg6: memref<9x64x64xf32, #tpu.memory_space<vmem>>, %arg7: memref<1x64xf32, #tpu.memory_space<vmem>>, %arg8: memref<2x2304x64xf32, #tpu.memory_space<vmem>>, %arg9: memref<2x2304x8xf32, #tpu.memory_space<vmem>>, %arg10: memref<2432x3xf32, #tpu.memory_space<vmem>>, %arg11: memref<2432x64xf32, #tpu.memory_space<vmem>>) attributes {dimension_semantics = [#tpu.dimension_semantics<parallel>], iteration_bounds = array<i64: 8>, scalar_prefetch = 0 : i64, scratch_operands = 2 : i64, tpu.core_type = #tpu.core_type<tc>, window_params = [{transform_indices = @transform_0, window_bounds = array<i64: 2, 3, 48, 48>}, {pipeline_mode = #tpu.pipeline_mode<synchronous>, transform_indices = @transform_1, window_bounds = array<i64: 9, 3, 64>}, {pipeline_mode = #tpu.pipeline_mode<synchronous>, transform_indices = @transform_2, window_bounds = array<i64: 1, 64>}, {pipeline_mode = #tpu.pipeline_mode<synchronous>, transform_indices = @transform_3, window_bounds = array<i64: 9, 64, 64>}, {pipeline_mode = #tpu.pipeline_mode<synchronous>, transform_indices = @transform_4, window_bounds = array<i64: 1, 64>}, {pipeline_mode = #tpu.pipeline_mode<synchronous>, transform_indices = @transform_5, window_bounds = array<i64: 9, 64, 64>}, {pipeline_mode = #tpu.pipeline_mode<synchronous>, transform_indices = @transform_6, window_bounds = array<i64: 1, 64>}, {transform_indices = @transform_7, window_bounds = array<i64: 2, 2304, 64>}, {transform_indices = @transform_8, window_bounds = array<i64: 2, 2304, 8>}]} {
    %iota3A = tpu.iota {dimensions = array<i32: 0>} : vector<2304x1xi32>
    %jit3A = arith.constant 48 : i32
    %eq3A = arith.constant 0 : i32
    %eq3A_0 = arith.cmpi eq, %jit3A, %eq3A : i32
    %jit3A_1 = arith.constant 1 : i32
    %select_n3A = arith.select %eq3A_0, %jit3A_1, %jit3A : i32
    %rem3A = vector.broadcast %select_n3A : i32 to vector<2304x1xi32>
    %rem3A_2 = arith.remsi %iota3A, %rem3A : vector<2304x1xi32>
    %ne3A = arith.constant 0 : i32
    %ne3A_3 = vector.broadcast %ne3A : i32 to vector<2304x1xi32>
    %ne3A_4 = arith.cmpi ne, %rem3A_2, %ne3A_3 : vector<2304x1xi32>
    %lt3A = arith.constant 0 : i32
    %lt3A_5 = vector.broadcast %lt3A : i32 to vector<2304x1xi32>
    %lt3A_6 = arith.cmpi slt, %rem3A_2, %lt3A_5 : vector<2304x1xi32>
    %lt3A_7 = arith.constant 0 : i32
    %lt3A_8 = arith.cmpi slt, %select_n3A, %lt3A_7 : i32
    %ne3A_9 = vector.broadcast %lt3A_8 : i1 to vector<2304x1xi1>
    %ne3A_10 = vector.broadcast %ne3A_9 : vector<2304x1xi1> to vector<2304x1xi1>
    %ne3A_11 = arith.xori %lt3A_6, %ne3A_10 : vector<2304x1xi1>
    %and3A = arith.andi %ne3A_11, %ne3A_4 : vector<2304x1xi1>
    %add3A = vector.broadcast %select_n3A : i32 to vector<2304x1xi32>
    %add3A_12 = arith.addi %rem3A_2, %add3A : vector<2304x1xi32>
    %select_n3A_13 = arith.select %and3A, %add3A_12, %rem3A_2 : vector<2304x1xi1>, vector<2304x1xi32>
    %ge3A = arith.constant 1 : i32
    %ge3A_14 = vector.broadcast %ge3A : i32 to vector<2304x1xi32>
    %ge3A_15 = arith.cmpi sge, %select_n3A_13, %ge3A_14 : vector<2304x1xi32>
    %convert_element_type3A = arith.extui %ge3A_15 : vector<2304x1xi1> to vector<2304x1xi32>
    %convert_element_type3A_16 = arith.sitofp %convert_element_type3A : vector<2304x1xi32> to vector<2304x1xf32>
    %le3A = arith.constant 46 : i32
    %le3A_17 = vector.broadcast %le3A : i32 to vector<2304x1xi32>
    %le3A_18 = arith.cmpi sle, %select_n3A_13, %le3A_17 : vector<2304x1xi32>
    %convert_element_type3A_19 = arith.extui %le3A_18 : vector<2304x1xi1> to vector<2304x1xi32>
    %convert_element_type3A_20 = arith.sitofp %convert_element_type3A_19 : vector<2304x1xi32> to vector<2304x1xf32>
    %broadcast_in_dim3A = arith.constant 0.000000e+00 : f32
    %broadcast_in_dim3A_21 = vector.broadcast %broadcast_in_dim3A : f32 to vector<64x64xf32>
    %swap3A = arith.constant 0 : index
    %swap3A_22 = arith.constant 0 : index
    %swap3A_23 = vector.load %arg11[%swap3A, %swap3A_22] : memref<2432x64xf32, #tpu.memory_space<vmem>>, vector<64x64xf32>
    tpu.vector_store %arg11[%swap3A, %swap3A_22], %broadcast_in_dim3A_21 {strides = array<i32>} : memref<2432x64xf32, #tpu.memory_space<vmem>>, vector<64x64xf32>,
    %broadcast_in_dim3A_24 = arith.constant 0.000000e+00 : f32
    %broadcast_in_dim3A_25 = vector.broadcast %broadcast_in_dim3A_24 : f32 to vector<64x64xf32>
    %swap3A_26 = arith.constant 2368 : index
    %swap3A_27 = arith.constant 0 : index
    %swap3A_28 = vector.load %arg11[%swap3A_26, %swap3A_27] : memref<2432x64xf32, #tpu.memory_space<vmem>>, vector<64x64xf32>
    tpu.vector_store %arg11[%swap3A_26, %swap3A_27], %broadcast_in_dim3A_25 {strides = array<i32>} : memref<2432x64xf32, #tpu.memory_space<vmem>>, vector<64x64xf32>,
    %broadcast_in_dim3A_29 = arith.constant 0.000000e+00 : f32
    %broadcast_in_dim3A_30 = vector.broadcast %broadcast_in_dim3A_29 : f32 to vector<2432x3xf32>
    %swap3A_31 = arith.constant 0 : index
    %swap3A_32 = arith.constant 0 : index
    %swap3A_33 = vector.load %arg10[%swap3A_31, %swap3A_32] : memref<2432x3xf32, #tpu.memory_space<vmem>>, vector<2432x3xf32>
    tpu.vector_store %arg10[%swap3A_31, %swap3A_32], %broadcast_in_dim3A_30 {strides = array<i32>} : memref<2432x3xf32, #tpu.memory_space<vmem>>, vector<2432x3xf32>,
    %get3A = arith.constant 0 : index
    %get3A_34 = arith.constant 0 : index
    %get3A_35 = arith.constant 0 : index
    %get3A_36 = arith.constant 0 : index
    %get3A_37 = vector.load %arg1[%get3A, %get3A_34, %get3A_35, %get3A_36] : memref<2x3x48x48xf32, #tpu.memory_space<vmem>>, vector<1x3x48x48xf32>
    %get3A_38 = vector.shape_cast %get3A_37 : vector<1x3x48x48xf32> to vector<3x48x48xf32>
    %reshape3A = vector.shape_cast %get3A_38 : vector<3x48x48xf32> to vector<3x2304xf32>
    %transpose3A = tpu.transpose %reshape3A, [1, 0] : vector<3x2304xf32> -> vector<2304x3xf32>
    %jit3A_39 = arith.constant 0 : i32
    %convert_element_type3A_40 = arith.sitofp %jit3A_39 : i32 to f32
    %pad3A = vector.broadcast %convert_element_type3A_40 : f32 to vector<2304x5xf32>
    %pad3A_41 = tpu.concatenate %transpose3A, %pad3A in 1 : vector<2304x3xf32>, vector<2304x5xf32> -> vector<2304x8xf32>
    %swap3A_42 = arith.constant 0 : index
    %swap3A_43 = arith.constant 0 : index
    %swap3A_44 = arith.constant 0 : index
    %swap3A_45 = vector.load %arg9[%swap3A_42, %swap3A_43, %swap3A_44] : memref<2x2304x8xf32, #tpu.memory_space<vmem>>, vector<1x2304x8xf32>
    %swap3A_46 = vector.shape_cast %swap3A_45 : vector<1x2304x8xf32> to vector<2304x8xf32>
    %swap3A_47 = vector.shape_cast %pad3A_41 : vector<2304x8xf32> to vector<1x2304x8xf32>
    tpu.vector_store %arg9[%swap3A_42, %swap3A_43, %swap3A_44], %swap3A_47 {strides = array<i32>} : memref<2x2304x8xf32, #tpu.memory_space<vmem>>, vector<1x2304x8xf32>,
    %swap3A_48 = arith.constant 64 : index
    %swap3A_49 = arith.constant 0 : index
    %swap3A_50 = vector.load %arg10[%swap3A_48, %swap3A_49] : memref<2432x3xf32, #tpu.memory_space<vmem>>, vector<2304x3xf32>
    tpu.vector_store %arg10[%swap3A_48, %swap3A_49], %transpose3A {strides = array<i32>} : memref<2432x3xf32, #tpu.memory_space<vmem>>, vector<2304x3xf32>,
    %get3A_51 = arith.constant 0 : index
    %get3A_52 = arith.constant 0 : index
    %get3A_53 = vector.load %arg3[%get3A_51, %get3A_52] : memref<1x64xf32, #tpu.memory_space<vmem>>, vector<1x64xf32>
    %broadcast_in_dim3A_54 = arith.constant 0.000000e+00 : f32
    %broadcast_in_dim3A_55 = vector.broadcast %broadcast_in_dim3A_54 : f32 to vector<2304x64xf32>
    %broadcast_in_dim3A_56 = arith.constant 0.000000e+00 : f32
    %broadcast_in_dim3A_57 = vector.broadcast %broadcast_in_dim3A_56 : f32 to vector<2304x64xf32>
    %get3A_58 = arith.constant 15 : index
    %get3A_59 = arith.constant 0 : index
    %get3A_60 = vector.load %arg10[%get3A_58, %get3A_59] : memref<2432x3xf32, #tpu.memory_space<vmem>>, vector<2304x3xf32>
    %get3A_61 = arith.constant 0 : index
    %get3A_62 = arith.constant 0 : index
    %get3A_63 = arith.constant 0 : index
    %get3A_64 = vector.load %arg2[%get3A_61, %get3A_62, %get3A_63] : memref<9x3x64xf32, #tpu.memory_space<vmem>>, vector<1x3x64xf32>
    %get3A_65 = vector.shape_cast %get3A_64 : vector<1x3x64xf32> to vector<3x64xf32>
    %dot_general3A = arith.constant dense<0.000000e+00> : vector<2304x64xf32>
    %dot_general3A_66 = tpu.matmul %get3A_60, %get3A_65, %dot_general3A {dimension_numbers = #tpu.dot_dimension_numbers<[1], [0], [0], [1], [0, 0, 1, 1], [], []>, transpose_lhs_hint = false} : vector<2304x3xf32>, vector<3x64xf32>, vector<2304x64xf32> -> vector<2304x64xf32>
    %add3A_67 = arith.addf %broadcast_in_dim3A_57, %dot_general3A_66 : vector<2304x64xf32>
    %get3A_68 = arith.constant 63 : index
    %get3A_69 = arith.constant 0 : index
    %get3A_70 = vector.load %arg10[%get3A_68, %get3A_69] : memref<2432x3xf32, #tpu.memory_space<vmem>>, vector<2304x3xf32>
    %get3A_71 = arith.constant 3 : index
    %get3A_72 = arith.constant 0 : index
    %get3A_73 = arith.constant 0 : index
    %get3A_74 = vector.load %arg2[%get3A_71, %get3A_72, %get3A_73] : memref<9x3x64xf32, #tpu.memory_space<vmem>>, vector<1x3x64xf32>
    %get3A_75 = vector.shape_cast %get3A_74 : vector<1x3x64xf32> to vector<3x64xf32>
    %dot_general3A_76 = arith.constant dense<0.000000e+00> : vector<2304x64xf32>
    %dot_general3A_77 = tpu.matmul %get3A_70, %get3A_75, %dot_general3A_76 {dimension_numbers = #tpu.dot_dimension_numbers<[1], [0], [0], [1], [0, 0, 1, 1], [], []>, transpose_lhs_hint = false} : vector<2304x3xf32>, vector<3x64xf32>, vector<2304x64xf32> -> vector<2304x64xf32>
    %add3A_78 = arith.addf %add3A_67, %dot_general3A_77 : vector<2304x64xf32>
    %get3A_79 = arith.constant 111 : index
    %get3A_80 = arith.constant 0 : index
    %get3A_81 = vector.load %arg10[%get3A_79, %get3A_80] : memref<2432x3xf32, #tpu.memory_space<vmem>>, vector<2304x3xf32>
    %get3A_82 = arith.constant 6 : index
    %get3A_83 = arith.constant 0 : index
    %get3A_84 = arith.constant 0 : index
    %get3A_85 = vector.load %arg2[%get3A_82, %get3A_83, %get3A_84] : memref<9x3x64xf32, #tpu.memory_space<vmem>>, vector<1x3x64xf32>
    %get3A_86 = vector.shape_cast %get3A_85 : vector<1x3x64xf32> to vector<3x64xf32>
    %dot_general3A_87 = arith.constant dense<0.000000e+00> : vector<2304x64xf32>
    %dot_general3A_88 = tpu.matmul %get3A_81, %get3A_86, %dot_general3A_87 {dimension_numbers = #tpu.dot_dimension_numbers<[1], [0], [0], [1], [0, 0, 1, 1], [], []>, transpose_lhs_hint = false} : vector<2304x3xf32>, vector<3x64xf32>, vector<2304x64xf32> -> vector<2304x64xf32>
    %add3A_89 = arith.addf %add3A_78, %dot_general3A_88 : vector<2304x64xf32>
    %mul3A = vector.broadcast %convert_element_type3A_16 : vector<2304x1xf32> to vector<2304x64xf32>
    %mul3A_90 = arith.mulf %add3A_89, %mul3A : vector<2304x64xf32>
    %add3A_91 = arith.addf %broadcast_in_dim3A_55, %mul3A_90 : vector<2304x64xf32>
    %broadcast_in_dim3A_92 = arith.constant 0.000000e+00 : f32
    %broadcast_in_dim3A_93 = vector.broadcast %broadcast_in_dim3A_92 : f32 to vector<2304x64xf32>
    %get3A_94 = arith.constant 16 : index
    %get3A_95 = arith.constant 0 : index
    %get3A_96 = vector.load %arg10[%get3A_94, %get3A_95] : memref<2432x3xf32, #tpu.memory_space<vmem>>, vector<2304x3xf32>
    %get3A_97 = arith.constant 1 : index
    %get3A_98 = arith.constant 0 : index
    %get3A_99 = arith.constant 0 : index
    %get3A_100 = vector.load %arg2[%get3A_97, %get3A_98, %get3A_99] : memref<9x3x64xf32, #tpu.memory_space<vmem>>, vector<1x3x64xf32>
    %get3A_101 = vector.shape_cast %get3A_100 : vector<1x3x64xf32> to vector<3x64xf32>
    %dot_general3A_102 = arith.constant dense<0.000000e+00> : vector<2304x64xf32>
    %dot_general3A_103 = tpu.matmul %get3A_96, %get3A_101, %dot_general3A_102 {dimension_numbers = #tpu.dot_dimension_numbers<[1], [0], [0], [1], [0, 0, 1, 1], [], []>, transpose_lhs_hint = false} : vector<2304x3xf32>, vector<3x64xf32>, vector<2304x64xf32> -> vector<2304x64xf32>
    %add3A_104 = arith.addf %broadcast_in_dim3A_93, %dot_general3A_103 : vector<2304x64xf32>
    %get3A_105 = arith.constant 64 : index
    %get3A_106 = arith.constant 0 : index
    %get3A_107 = vector.load %arg10[%get3A_105, %get3A_106] : memref<2432x3xf32, #tpu.memory_space<vmem>>, vector<2304x3xf32>
    %get3A_108 = arith.constant 4 : index
    %get3A_109 = arith.constant 0 : index
    %get3A_110 = arith.constant 0 : index
    %get3A_111 = vector.load %arg2[%get3A_108, %get3A_109, %get3A_110] : memref<9x3x64xf32, #tpu.memory_space<vmem>>, vector<1x3x64xf32>
    %get3A_112 = vector.shape_cast %get3A_111 : vector<1x3x64xf32> to vector<3x64xf32>
    %dot_general3A_113 = arith.constant dense<0.000000e+00> : vector<2304x64xf32>
    %dot_general3A_114 = tpu.matmul %get3A_107, %get3A_112, %dot_general3A_113 {dimension_numbers = #tpu.dot_dimension_numbers<[1], [0], [0], [1], [0, 0, 1, 1], [], []>, transpose_lhs_hint = false} : vector<2304x3xf32>, vector<3x64xf32>, vector<2304x64xf32> -> vector<2304x64xf32>
    %add3A_115 = arith.addf %add3A_104, %dot_general3A_114 : vector<2304x64xf32>
    %get3A_116 = arith.constant 112 : index
    %get3A_117 = arith.constant 0 : index
    %get3A_118 = vector.load %arg10[%get3A_116, %get3A_117] : memref<2432x3xf32, #tpu.memory_space<vmem>>, vector<2304x3xf32>
    %get3A_119 = arith.constant 7 : index
    %get3A_120 = arith.constant 0 : index
    %get3A_121 = arith.constant 0 : index
    %get3A_122 = vector.load %arg2[%get3A_119, %get3A_120, %get3A_121] : memref<9x3x64xf32, #tpu.memory_space<vmem>>, vector<1x3x64xf32>
    %get3A_123 = vector.shape_cast %get3A_122 : vector<1x3x64xf32> to vector<3x64xf32>
    %dot_general3A_124 = arith.constant dense<0.000000e+00> : vector<2304x64xf32>
    %dot_general3A_125 = tpu.matmul %get3A_118, %get3A_123, %dot_general3A_124 {dimension_numbers = #tpu.dot_dimension_numbers<[1], [0], [0], [1], [0, 0, 1, 1], [], []>, transpose_lhs_hint = false} : vector<2304x3xf32>, vector<3x64xf32>, vector<2304x64xf32> -> vector<2304x64xf32>
    %add3A_126 = arith.addf %add3A_115, %dot_general3A_125 : vector<2304x64xf32>
    %add3A_127 = arith.addf %add3A_91, %add3A_126 : vector<2304x64xf32>
    %broadcast_in_dim3A_128 = arith.constant 0.000000e+00 : f32
    %broadcast_in_dim3A_129 = vector.broadcast %broadcast_in_dim3A_128 : f32 to vector<2304x64xf32>
    %get3A_130 = arith.constant 17 : index
    %get3A_131 = arith.constant 0 : index
    %get3A_132 = vector.load %arg10[%get3A_130, %get3A_131] : memref<2432x3xf32, #tpu.memory_space<vmem>>, vector<2304x3xf32>
    %get3A_133 = arith.constant 2 : index
    %get3A_134 = arith.constant 0 : index
    %get3A_135 = arith.constant 0 : index
    %get3A_136 = vector.load %arg2[%get3A_133, %get3A_134, %get3A_135] : memref<9x3x64xf32, #tpu.memory_space<vmem>>, vector<1x3x64xf32>
    %get3A_137 = vector.shape_cast %get3A_136 : vector<1x3x64xf32> to vector<3x64xf32>
    %dot_general3A_138 = arith.constant dense<0.000000e+00> : vector<2304x64xf32>
    %dot_general3A_139 = tpu.matmul %get3A_132, %get3A_137, %dot_general3A_138 {dimension_numbers = #tpu.dot_dimension_numbers<[1], [0], [0], [1], [0, 0, 1, 1], [], []>, transpose_lhs_hint = false} : vector<2304x3xf32>, vector<3x64xf32>, vector<2304x64xf32> -> vector<2304x64xf32>
    %add3A_140 = arith.addf %broadcast_in_dim3A_129, %dot_general3A_139 : vector<2304x64xf32>
    %get3A_141 = arith.constant 65 : index
    %get3A_142 = arith.constant 0 : index
    %get3A_143 = vector.load %arg10[%get3A_141, %get3A_142] : memref<2432x3xf32, #tpu.memory_space<vmem>>, vector<2304x3xf32>
    %get3A_144 = arith.constant 5 : index
    %get3A_145 = arith.constant 0 : index
    %get3A_146 = arith.constant 0 : index
    %get3A_147 = vector.load %arg2[%get3A_144, %get3A_145, %get3A_146] : memref<9x3x64xf32, #tpu.memory_space<vmem>>, vector<1x3x64xf32>
    %get3A_148 = vector.shape_cast %get3A_147 : vector<1x3x64xf32> to vector<3x64xf32>
    %dot_general3A_149 = arith.constant dense<0.000000e+00> : vector<2304x64xf32>
    %dot_general3A_150 = tpu.matmul %get3A_143, %get3A_148, %dot_general3A_149 {dimension_numbers = #tpu.dot_dimension_numbers<[1], [0], [0], [1], [0, 0, 1, 1], [], []>, transpose_lhs_hint = false} : vector<2304x3xf32>, vector<3x64xf32>, vector<2304x64xf32> -> vector<2304x64xf32>
    %add3A_151 = arith.addf %add3A_140, %dot_general3A_150 : vector<2304x64xf32>
    %get3A_152 = arith.constant 113 : index
    %get3A_153 = arith.constant 0 : index
    %get3A_154 = vector.load %arg10[%get3A_152, %get3A_153] : memref<2432x3xf32, #tpu.memory_space<vmem>>, vector<2304x3xf32>
    %get3A_155 = arith.constant 8 : index
    %get3A_156 = arith.constant 0 : index
    %get3A_157 = arith.constant 0 : index
    %get3A_158 = vector.load %arg2[%get3A_155, %get3A_156, %get3A_157] : memref<9x3x64xf32, #tpu.memory_space<vmem>>, vector<1x3x64xf32>
    %get3A_159 = vector.shape_cast %get3A_158 : vector<1x3x64xf32> to vector<3x64xf32>
    %dot_general3A_160 = arith.constant dense<0.000000e+00> : vector<2304x64xf32>
    %dot_general3A_161 = tpu.matmul %get3A_154, %get3A_159, %dot_general3A_160 {dimension_numbers = #tpu.dot_dimension_numbers<[1], [0], [0], [1], [0, 0, 1, 1], [], []>, transpose_lhs_hint = false} : vector<2304x3xf32>, vector<3x64xf32>, vector<2304x64xf32> -> vector<2304x64xf32>
    %add3A_162 = arith.addf %add3A_151, %dot_general3A_161 : vector<2304x64xf32>
    %mul3A_163 = vector.broadcast %convert_element_type3A_20 : vector<2304x1xf32> to vector<2304x64xf32>
    %mul3A_164 = arith.mulf %add3A_162, %mul3A_163 : vector<2304x64xf32>
    %add3A_165 = arith.addf %add3A_127, %mul3A_164 : vector<2304x64xf32>
    %add3A_166 = vector.broadcast %get3A_53 : vector<1x64xf32> to vector<2304x64xf32>
    %add3A_167 = arith.addf %add3A_165, %add3A_166 : vector<2304x64xf32>
    %max3A = arith.constant 0.000000e+00 : f32
    %max3A_168 = vector.broadcast %max3A : f32 to vector<2304x64xf32>
    %max3A_169 = arith.maximumf %add3A_167, %max3A_168 : vector<2304x64xf32>
    %swap3A_170 = arith.constant 64 : index
    %swap3A_171 = arith.constant 0 : index
    %swap3A_172 = vector.load %arg11[%swap3A_170, %swap3A_171] : memref<2432x64xf32, #tpu.memory_space<vmem>>, vector<2304x64xf32>
    tpu.vector_store %arg11[%swap3A_170, %swap3A_171], %max3A_169 {strides = array<i32>} : memref<2432x64xf32, #tpu.memory_space<vmem>>, vector<2304x64xf32>,
    %get3A_173 = arith.constant 0 : index
    %get3A_174 = arith.constant 0 : index
    %get3A_175 = vector.load %arg5[%get3A_173, %get3A_174] : memref<1x64xf32, #tpu.memory_space<vmem>>, vector<1x64xf32>
    %broadcast_in_dim3A_176 = arith.constant 0.000000e+00 : f32
    %broadcast_in_dim3A_177 = vector.broadcast %broadcast_in_dim3A_176 : f32 to vector<2304x64xf32>
    %broadcast_in_dim3A_178 = arith.constant 0.000000e+00 : f32
    %broadcast_in_dim3A_179 = vector.broadcast %broadcast_in_dim3A_178 : f32 to vector<2304x64xf32>
    %get3A_180 = arith.constant 15 : index
    %get3A_181 = arith.constant 0 : index
    %get3A_182 = vector.load %arg11[%get3A_180, %get3A_181] : memref<2432x64xf32, #tpu.memory_space<vmem>>, vector<2304x64xf32>
    %convert_element_type3A_183 = arith.truncf %get3A_182 : vector<2304x64xf32> to vector<2304x64xbf16>
    %get3A_184 = arith.constant 0 : index
    %get3A_185 = arith.constant 0 : index
    %get3A_186 = arith.constant 0 : index
    %get3A_187 = vector.load %arg4[%get3A_184, %get3A_185, %get3A_186] : memref<9x64x64xf32, #tpu.memory_space<vmem>>, vector<1x64x64xf32>
    %get3A_188 = vector.shape_cast %get3A_187 : vector<1x64x64xf32> to vector<64x64xf32>
    %convert_element_type3A_189 = arith.truncf %get3A_188 : vector<64x64xf32> to vector<64x64xbf16>
    %dot_general3A_190 = arith.constant dense<0.000000e+00> : vector<2304x64xf32>
    %dot_general3A_191 = tpu.matmul %convert_element_type3A_183, %convert_element_type3A_189, %dot_general3A_190 {dimension_numbers = #tpu.dot_dimension_numbers<[1], [0], [0], [1], [0, 0, 1, 1], [], []>, transpose_lhs_hint = false} : vector<2304x64xbf16>, vector<64x64xbf16>, vector<2304x64xf32> -> vector<2304x64xf32>
    %add3A_192 = arith.addf %broadcast_in_dim3A_179, %dot_general3A_191 : vector<2304x64xf32>
    %get3A_193 = arith.constant 63 : index
    %get3A_194 = arith.constant 0 : index
    %get3A_195 = vector.load %arg11[%get3A_193, %get3A_194] : memref<2432x64xf32, #tpu.memory_space<vmem>>, vector<2304x64xf32>
    %convert_element_type3A_196 = arith.truncf %get3A_195 : vector<2304x64xf32> to vector<2304x64xbf16>
    %get3A_197 = arith.constant 3 : index
    %get3A_198 = arith.constant 0 : index
    %get3A_199 = arith.constant 0 : index
    %get3A_200 = vector.load %arg4[%get3A_197, %get3A_198, %get3A_199] : memref<9x64x64xf32, #tpu.memory_space<vmem>>, vector<1x64x64xf32>
    %get3A_201 = vector.shape_cast %get3A_200 : vector<1x64x64xf32> to vector<64x64xf32>
    %convert_element_type3A_202 = arith.truncf %get3A_201 : vector<64x64xf32> to vector<64x64xbf16>
    %dot_general3A_203 = arith.constant dense<0.000000e+00> : vector<2304x64xf32>
    %dot_general3A_204 = tpu.matmul %convert_element_type3A_196, %convert_element_type3A_202, %dot_general3A_203 {dimension_numbers = #tpu.dot_dimension_numbers<[1], [0], [0], [1], [0, 0, 1, 1], [], []>, transpose_lhs_hint = false} : vector<2304x64xbf16>, vector<64x64xbf16>, vector<2304x64xf32> -> vector<2304x64xf32>
    %add3A_205 = arith.addf %add3A_192, %dot_general3A_204 : vector<2304x64xf32>
    %get3A_206 = arith.constant 111 : index
    %get3A_207 = arith.constant 0 : index
    %get3A_208 = vector.load %arg11[%get3A_206, %get3A_207] : memref<2432x64xf32, #tpu.memory_space<vmem>>, vector<2304x64xf32>
    %convert_element_type3A_209 = arith.truncf %get3A_208 : vector<2304x64xf32> to vector<2304x64xbf16>
    %get3A_210 = arith.constant 6 : index
    %get3A_211 = arith.constant 0 : index
    %get3A_212 = arith.constant 0 : index
    %get3A_213 = vector.load %arg4[%get3A_210, %get3A_211, %get3A_212] : memref<9x64x64xf32, #tpu.memory_space<vmem>>, vector<1x64x64xf32>
    %get3A_214 = vector.shape_cast %get3A_213 : vector<1x64x64xf32> to vector<64x64xf32>
    %convert_element_type3A_215 = arith.truncf %get3A_214 : vector<64x64xf32> to vector<64x64xbf16>
    %dot_general3A_216 = arith.constant dense<0.000000e+00> : vector<2304x64xf32>
    %dot_general3A_217 = tpu.matmul %convert_element_type3A_209, %convert_element_type3A_215, %dot_general3A_216 {dimension_numbers = #tpu.dot_dimension_numbers<[1], [0], [0], [1], [0, 0, 1, 1], [], []>, transpose_lhs_hint = false} : vector<2304x64xbf16>, vector<64x64xbf16>, vector<2304x64xf32> -> vector<2304x64xf32>
    %add3A_218 = arith.addf %add3A_205, %dot_general3A_217 : vector<2304x64xf32>
    %mul3A_219 = vector.broadcast %convert_element_type3A_16 : vector<2304x1xf32> to vector<2304x64xf32>
    %mul3A_220 = arith.mulf %add3A_218, %mul3A_219 : vector<2304x64xf32>
    %add3A_221 = arith.addf %broadcast_in_dim3A_177, %mul3A_220 : vector<2304x64xf32>
    %broadcast_in_dim3A_222 = arith.constant 0.000000e+00 : f32
    %broadcast_in_dim3A_223 = vector.broadcast %broadcast_in_dim3A_222 : f32 to vector<2304x64xf32>
    %get3A_224 = arith.constant 16 : index
    %get3A_225 = arith.constant 0 : index
    %get3A_226 = vector.load %arg11[%get3A_224, %get3A_225] : memref<2432x64xf32, #tpu.memory_space<vmem>>, vector<2304x64xf32>
    %convert_element_type3A_227 = arith.truncf %get3A_226 : vector<2304x64xf32> to vector<2304x64xbf16>
    %get3A_228 = arith.constant 1 : index
    %get3A_229 = arith.constant 0 : index
    %get3A_230 = arith.constant 0 : index
    %get3A_231 = vector.load %arg4[%get3A_228, %get3A_229, %get3A_230] : memref<9x64x64xf32, #tpu.memory_space<vmem>>, vector<1x64x64xf32>
    %get3A_232 = vector.shape_cast %get3A_231 : vector<1x64x64xf32> to vector<64x64xf32>
    %convert_element_type3A_233 = arith.truncf %get3A_232 : vector<64x64xf32> to vector<64x64xbf16>
    %dot_general3A_234 = arith.constant dense<0.000000e+00> : vector<2304x64xf32>
    %dot_general3A_235 = tpu.matmul %convert_element_type3A_227, %convert_element_type3A_233, %dot_general3A_234 {dimension_numbers = #tpu.dot_dimension_numbers<[1], [0], [0], [1], [0, 0, 1, 1], [], []>, transpose_lhs_hint = false} : vector<2304x64xbf16>, vector<64x64xbf16>, vector<2304x64xf32> -> vector<2304x64xf32>
    %add3A_236 = arith.addf %broadcast_in_dim3A_223, %dot_general3A_235 : vector<2304x64xf32>
    %get3A_237 = arith.constant 64 : index
    %get3A_238 = arith.constant 0 : index
    %get3A_239 = vector.load %arg11[%get3A_237, %get3A_238] : memref<2432x64xf32, #tpu.memory_space<vmem>>, vector<2304x64xf32>
    %convert_element_type3A_240 = arith.truncf %get3A_239 : vector<2304x64xf32> to vector<2304x64xbf16>
    %get3A_241 = arith.constant 4 : index
    %get3A_242 = arith.constant 0 : index
    %get3A_243 = arith.constant 0 : index
    %get3A_244 = vector.load %arg4[%get3A_241, %get3A_242, %get3A_243] : memref<9x64x64xf32, #tpu.memory_space<vmem>>, vector<1x64x64xf32>
    %get3A_245 = vector.shape_cast %get3A_244 : vector<1x64x64xf32> to vector<64x64xf32>
    %convert_element_type3A_246 = arith.truncf %get3A_245 : vector<64x64xf32> to vector<64x64xbf16>
    %dot_general3A_247 = arith.constant dense<0.000000e+00> : vector<2304x64xf32>
    %dot_general3A_248 = tpu.matmul %convert_element_type3A_240, %convert_element_type3A_246, %dot_general3A_247 {dimension_numbers = #tpu.dot_dimension_numbers<[1], [0], [0], [1], [0, 0, 1, 1], [], []>, transpose_lhs_hint = false} : vector<2304x64xbf16>, vector<64x64xbf16>, vector<2304x64xf32> -> vector<2304x64xf32>
    %add3A_249 = arith.addf %add3A_236, %dot_general3A_248 : vector<2304x64xf32>
    %get3A_250 = arith.constant 112 : index
    %get3A_251 = arith.constant 0 : index
    %get3A_252 = vector.load %arg11[%get3A_250, %get3A_251] : memref<2432x64xf32, #tpu.memory_space<vmem>>, vector<2304x64xf32>
    %convert_element_type3A_253 = arith.truncf %get3A_252 : vector<2304x64xf32> to vector<2304x64xbf16>
    %get3A_254 = arith.constant 7 : index
    %get3A_255 = arith.constant 0 : index
    %get3A_256 = arith.constant 0 : index
    %get3A_257 = vector.load %arg4[%get3A_254, %get3A_255, %get3A_256] : memref<9x64x64xf32, #tpu.memory_space<vmem>>, vector<1x64x64xf32>
    %get3A_258 = vector.shape_cast %get3A_257 : vector<1x64x64xf32> to vector<64x64xf32>
    %convert_element_type3A_259 = arith.truncf %get3A_258 : vector<64x64xf32> to vector<64x64xbf16>
    %dot_general3A_260 = arith.constant dense<0.000000e+00> : vector<2304x64xf32>
    %dot_general3A_261 = tpu.matmul %convert_element_type3A_253, %convert_element_type3A_259, %dot_general3A_260 {dimension_numbers = #tpu.dot_dimension_numbers<[1], [0], [0], [1], [0, 0, 1, 1], [], []>, transpose_lhs_hint = false} : vector<2304x64xbf16>, vector<64x64xbf16>, vector<2304x64xf32> -> vector<2304x64xf32>
    %add3A_262 = arith.addf %add3A_249, %dot_general3A_261 : vector<2304x64xf32>
    %add3A_263 = arith.addf %add3A_221, %add3A_262 : vector<2304x64xf32>
    %broadcast_in_dim3A_264 = arith.constant 0.000000e+00 : f32
    %broadcast_in_dim3A_265 = vector.broadcast %broadcast_in_dim3A_264 : f32 to vector<2304x64xf32>
    %get3A_266 = arith.constant 17 : index
    %get3A_267 = arith.constant 0 : index
    %get3A_268 = vector.load %arg11[%get3A_266, %get3A_267] : memref<2432x64xf32, #tpu.memory_space<vmem>>, vector<2304x64xf32>
    %convert_element_type3A_269 = arith.truncf %get3A_268 : vector<2304x64xf32> to vector<2304x64xbf16>
    %get3A_270 = arith.constant 2 : index
    %get3A_271 = arith.constant 0 : index
    %get3A_272 = arith.constant 0 : index
    %get3A_273 = vector.load %arg4[%get3A_270, %get3A_271, %get3A_272] : memref<9x64x64xf32, #tpu.memory_space<vmem>>, vector<1x64x64xf32>
    %get3A_274 = vector.shape_cast %get3A_273 : vector<1x64x64xf32> to vector<64x64xf32>
    %convert_element_type3A_275 = arith.truncf %get3A_274 : vector<64x64xf32> to vector<64x64xbf16>
    %dot_general3A_276 = arith.constant dense<0.000000e+00> : vector<2304x64xf32>
    %dot_general3A_277 = tpu.matmul %convert_element_type3A_269, %convert_element_type3A_275, %dot_general3A_276 {dimension_numbers = #tpu.dot_dimension_numbers<[1], [0], [0], [1], [0, 0, 1, 1], [], []>, transpose_lhs_hint = false} : vector<2304x64xbf16>, vector<64x64xbf16>, vector<2304x64xf32> -> vector<2304x64xf32>
    %add3A_278 = arith.addf %broadcast_in_dim3A_265, %dot_general3A_277 : vector<2304x64xf32>
    %get3A_279 = arith.constant 65 : index
    %get3A_280 = arith.constant 0 : index
    %get3A_281 = vector.load %arg11[%get3A_279, %get3A_280] : memref<2432x64xf32, #tpu.memory_space<vmem>>, vector<2304x64xf32>
    %convert_element_type3A_282 = arith.truncf %get3A_281 : vector<2304x64xf32> to vector<2304x64xbf16>
    %get3A_283 = arith.constant 5 : index
    %get3A_284 = arith.constant 0 : index
    %get3A_285 = arith.constant 0 : index
    %get3A_286 = vector.load %arg4[%get3A_283, %get3A_284, %get3A_285] : memref<9x64x64xf32, #tpu.memory_space<vmem>>, vector<1x64x64xf32>
    %get3A_287 = vector.shape_cast %get3A_286 : vector<1x64x64xf32> to vector<64x64xf32>
    %convert_element_type3A_288 = arith.truncf %get3A_287 : vector<64x64xf32> to vector<64x64xbf16>
    %dot_general3A_289 = arith.constant dense<0.000000e+00> : vector<2304x64xf32>
    %dot_general3A_290 = tpu.matmul %convert_element_type3A_282, %convert_element_type3A_288, %dot_general3A_289 {dimension_numbers = #tpu.dot_dimension_numbers<[1], [0], [0], [1], [0, 0, 1, 1], [], []>, transpose_lhs_hint = false} : vector<2304x64xbf16>, vector<64x64xbf16>, vector<2304x64xf32> -> vector<2304x64xf32>
    %add3A_291 = arith.addf %add3A_278, %dot_general3A_290 : vector<2304x64xf32>
    %get3A_292 = arith.constant 113 : index
    %get3A_293 = arith.constant 0 : index
    %get3A_294 = vector.load %arg11[%get3A_292, %get3A_293] : memref<2432x64xf32, #tpu.memory_space<vmem>>, vector<2304x64xf32>
    %convert_element_type3A_295 = arith.truncf %get3A_294 : vector<2304x64xf32> to vector<2304x64xbf16>
    %get3A_296 = arith.constant 8 : index
    %get3A_297 = arith.constant 0 : index
    %get3A_298 = arith.constant 0 : index
    %get3A_299 = vector.load %arg4[%get3A_296, %get3A_297, %get3A_298] : memref<9x64x64xf32, #tpu.memory_space<vmem>>, vector<1x64x64xf32>
    %get3A_300 = vector.shape_cast %get3A_299 : vector<1x64x64xf32> to vector<64x64xf32>
    %convert_element_type3A_301 = arith.truncf %get3A_300 : vector<64x64xf32> to vector<64x64xbf16>
    %dot_general3A_302 = arith.constant dense<0.000000e+00> : vector<2304x64xf32>
    %dot_general3A_303 = tpu.matmul %convert_element_type3A_295, %convert_element_type3A_301, %dot_general3A_302 {dimension_numbers = #tpu.dot_dimension_numbers<[1], [0], [0], [1], [0, 0, 1, 1], [], []>, transpose_lhs_hint = false} : vector<2304x64xbf16>, vector<64x64xbf16>, vector<2304x64xf32> -> vector<2304x64xf32>
    %add3A_304 = arith.addf %add3A_291, %dot_general3A_303 : vector<2304x64xf32>
    %mul3A_305 = vector.broadcast %convert_element_type3A_20 : vector<2304x1xf32> to vector<2304x64xf32>
    %mul3A_306 = arith.mulf %add3A_304, %mul3A_305 : vector<2304x64xf32>
    %add3A_307 = arith.addf %add3A_263, %mul3A_306 : vector<2304x64xf32>
    %add3A_308 = vector.broadcast %get3A_175 : vector<1x64xf32> to vector<2304x64xf32>
    %add3A_309 = arith.addf %add3A_307, %add3A_308 : vector<2304x64xf32>
    %max3A_310 = arith.constant 0.000000e+00 : f32
    %max3A_311 = vector.broadcast %max3A_310 : f32 to vector<2304x64xf32>
    %max3A_312 = arith.maximumf %add3A_309, %max3A_311 : vector<2304x64xf32>
    %swap3A_313 = arith.constant 64 : index
    %swap3A_314 = arith.constant 0 : index
    %swap3A_315 = vector.load %arg11[%swap3A_313, %swap3A_314] : memref<2432x64xf32, #tpu.memory_space<vmem>>, vector<2304x64xf32>
    tpu.vector_store %arg11[%swap3A_313, %swap3A_314], %max3A_312 {strides = array<i32>} : memref<2432x64xf32, #tpu.memory_space<vmem>>, vector<2304x64xf32>,
    %get3A_316 = arith.constant 0 : index
    %get3A_317 = arith.constant 0 : index
    %get3A_318 = vector.load %arg7[%get3A_316, %get3A_317] : memref<1x64xf32, #tpu.memory_space<vmem>>, vector<1x64xf32>
    %broadcast_in_dim3A_319 = arith.constant 0.000000e+00 : f32
    %broadcast_in_dim3A_320 = vector.broadcast %broadcast_in_dim3A_319 : f32 to vector<2304x64xf32>
    %broadcast_in_dim3A_321 = arith.constant 0.000000e+00 : f32
    %broadcast_in_dim3A_322 = vector.broadcast %broadcast_in_dim3A_321 : f32 to vector<2304x64xf32>
    %get3A_323 = arith.constant 15 : index
    %get3A_324 = arith.constant 0 : index
    %get3A_325 = vector.load %arg11[%get3A_323, %get3A_324] : memref<2432x64xf32, #tpu.memory_space<vmem>>, vector<2304x64xf32>
    %convert_element_type3A_326 = arith.truncf %get3A_325 : vector<2304x64xf32> to vector<2304x64xbf16>
    %get3A_327 = arith.constant 0 : index
    %get3A_328 = arith.constant 0 : index
    %get3A_329 = arith.constant 0 : index
    %get3A_330 = vector.load %arg6[%get3A_327, %get3A_328, %get3A_329] : memref<9x64x64xf32, #tpu.memory_space<vmem>>, vector<1x64x64xf32>
    %get3A_331 = vector.shape_cast %get3A_330 : vector<1x64x64xf32> to vector<64x64xf32>
    %convert_element_type3A_332 = arith.truncf %get3A_331 : vector<64x64xf32> to vector<64x64xbf16>
    %dot_general3A_333 = arith.constant dense<0.000000e+00> : vector<2304x64xf32>
    %dot_general3A_334 = tpu.matmul %convert_element_type3A_326, %convert_element_type3A_332, %dot_general3A_333 {dimension_numbers = #tpu.dot_dimension_numbers<[1], [0], [0], [1], [0, 0, 1, 1], [], []>, transpose_lhs_hint = false} : vector<2304x64xbf16>, vector<64x64xbf16>, vector<2304x64xf32> -> vector<2304x64xf32>
    %add3A_335 = arith.addf %broadcast_in_dim3A_322, %dot_general3A_334 : vector<2304x64xf32>
    %get3A_336 = arith.constant 63 : index
    %get3A_337 = arith.constant 0 : index
    %get3A_338 = vector.load %arg11[%get3A_336, %get3A_337] : memref<2432x64xf32, #tpu.memory_space<vmem>>, vector<2304x64xf32>
    %convert_element_type3A_339 = arith.truncf %get3A_338 : vector<2304x64xf32> to vector<2304x64xbf16>
    %get3A_340 = arith.constant 3 : index
    %get3A_341 = arith.constant 0 : index
    %get3A_342 = arith.constant 0 : index
    %get3A_343 = vector.load %arg6[%get3A_340, %get3A_341, %get3A_342] : memref<9x64x64xf32, #tpu.memory_space<vmem>>, vector<1x64x64xf32>
    %get3A_344 = vector.shape_cast %get3A_343 : vector<1x64x64xf32> to vector<64x64xf32>
    %convert_element_type3A_345 = arith.truncf %get3A_344 : vector<64x64xf32> to vector<64x64xbf16>
    %dot_general3A_346 = arith.constant dense<0.000000e+00> : vector<2304x64xf32>
    %dot_general3A_347 = tpu.matmul %convert_element_type3A_339, %convert_element_type3A_345, %dot_general3A_346 {dimension_numbers = #tpu.dot_dimension_numbers<[1], [0], [0], [1], [0, 0, 1, 1], [], []>, transpose_lhs_hint = false} : vector<2304x64xbf16>, vector<64x64xbf16>, vector<2304x64xf32> -> vector<2304x64xf32>
    %add3A_348 = arith.addf %add3A_335, %dot_general3A_347 : vector<2304x64xf32>
    %get3A_349 = arith.constant 111 : index
    %get3A_350 = arith.constant 0 : index
    %get3A_351 = vector.load %arg11[%get3A_349, %get3A_350] : memref<2432x64xf32, #tpu.memory_space<vmem>>, vector<2304x64xf32>
    %convert_element_type3A_352 = arith.truncf %get3A_351 : vector<2304x64xf32> to vector<2304x64xbf16>
    %get3A_353 = arith.constant 6 : index
    %get3A_354 = arith.constant 0 : index
    %get3A_355 = arith.constant 0 : index
    %get3A_356 = vector.load %arg6[%get3A_353, %get3A_354, %get3A_355] : memref<9x64x64xf32, #tpu.memory_space<vmem>>, vector<1x64x64xf32>
    %get3A_357 = vector.shape_cast %get3A_356 : vector<1x64x64xf32> to vector<64x64xf32>
    %convert_element_type3A_358 = arith.truncf %get3A_357 : vector<64x64xf32> to vector<64x64xbf16>
    %dot_general3A_359 = arith.constant dense<0.000000e+00> : vector<2304x64xf32>
    %dot_general3A_360 = tpu.matmul %convert_element_type3A_352, %convert_element_type3A_358, %dot_general3A_359 {dimension_numbers = #tpu.dot_dimension_numbers<[1], [0], [0], [1], [0, 0, 1, 1], [], []>, transpose_lhs_hint = false} : vector<2304x64xbf16>, vector<64x64xbf16>, vector<2304x64xf32> -> vector<2304x64xf32>
    %add3A_361 = arith.addf %add3A_348, %dot_general3A_360 : vector<2304x64xf32>
    %mul3A_362 = vector.broadcast %convert_element_type3A_16 : vector<2304x1xf32> to vector<2304x64xf32>
    %mul3A_363 = arith.mulf %add3A_361, %mul3A_362 : vector<2304x64xf32>
    %add3A_364 = arith.addf %broadcast_in_dim3A_320, %mul3A_363 : vector<2304x64xf32>
    %broadcast_in_dim3A_365 = arith.constant 0.000000e+00 : f32
    %broadcast_in_dim3A_366 = vector.broadcast %broadcast_in_dim3A_365 : f32 to vector<2304x64xf32>
    %get3A_367 = arith.constant 16 : index
    %get3A_368 = arith.constant 0 : index
    %get3A_369 = vector.load %arg11[%get3A_367, %get3A_368] : memref<2432x64xf32, #tpu.memory_space<vmem>>, vector<2304x64xf32>
    %convert_element_type3A_370 = arith.truncf %get3A_369 : vector<2304x64xf32> to vector<2304x64xbf16>
    %get3A_371 = arith.constant 1 : index
    %get3A_372 = arith.constant 0 : index
    %get3A_373 = arith.constant 0 : index
    %get3A_374 = vector.load %arg6[%get3A_371, %get3A_372, %get3A_373] : memref<9x64x64xf32, #tpu.memory_space<vmem>>, vector<1x64x64xf32>
    %get3A_375 = vector.shape_cast %get3A_374 : vector<1x64x64xf32> to vector<64x64xf32>
    %convert_element_type3A_376 = arith.truncf %get3A_375 : vector<64x64xf32> to vector<64x64xbf16>
    %dot_general3A_377 = arith.constant dense<0.000000e+00> : vector<2304x64xf32>
    %dot_general3A_378 = tpu.matmul %convert_element_type3A_370, %convert_element_type3A_376, %dot_general3A_377 {dimension_numbers = #tpu.dot_dimension_numbers<[1], [0], [0], [1], [0, 0, 1, 1], [], []>, transpose_lhs_hint = false} : vector<2304x64xbf16>, vector<64x64xbf16>, vector<2304x64xf32> -> vector<2304x64xf32>
    %add3A_379 = arith.addf %broadcast_in_dim3A_366, %dot_general3A_378 : vector<2304x64xf32>
    %get3A_380 = arith.constant 64 : index
    %get3A_381 = arith.constant 0 : index
    %get3A_382 = vector.load %arg11[%get3A_380, %get3A_381] : memref<2432x64xf32, #tpu.memory_space<vmem>>, vector<2304x64xf32>
    %convert_element_type3A_383 = arith.truncf %get3A_382 : vector<2304x64xf32> to vector<2304x64xbf16>
    %get3A_384 = arith.constant 4 : index
    %get3A_385 = arith.constant 0 : index
    %get3A_386 = arith.constant 0 : index
    %get3A_387 = vector.load %arg6[%get3A_384, %get3A_385, %get3A_386] : memref<9x64x64xf32, #tpu.memory_space<vmem>>, vector<1x64x64xf32>
    %get3A_388 = vector.shape_cast %get3A_387 : vector<1x64x64xf32> to vector<64x64xf32>
    %convert_element_type3A_389 = arith.truncf %get3A_388 : vector<64x64xf32> to vector<64x64xbf16>
    %dot_general3A_390 = arith.constant dense<0.000000e+00> : vector<2304x64xf32>
    %dot_general3A_391 = tpu.matmul %convert_element_type3A_383, %convert_element_type3A_389, %dot_general3A_390 {dimension_numbers = #tpu.dot_dimension_numbers<[1], [0], [0], [1], [0, 0, 1, 1], [], []>, transpose_lhs_hint = false} : vector<2304x64xbf16>, vector<64x64xbf16>, vector<2304x64xf32> -> vector<2304x64xf32>
    %add3A_392 = arith.addf %add3A_379, %dot_general3A_391 : vector<2304x64xf32>
    %get3A_393 = arith.constant 112 : index
    %get3A_394 = arith.constant 0 : index
    %get3A_395 = vector.load %arg11[%get3A_393, %get3A_394] : memref<2432x64xf32, #tpu.memory_space<vmem>>, vector<2304x64xf32>
    %convert_element_type3A_396 = arith.truncf %get3A_395 : vector<2304x64xf32> to vector<2304x64xbf16>
    %get3A_397 = arith.constant 7 : index
    %get3A_398 = arith.constant 0 : index
    %get3A_399 = arith.constant 0 : index
    %get3A_400 = vector.load %arg6[%get3A_397, %get3A_398, %get3A_399] : memref<9x64x64xf32, #tpu.memory_space<vmem>>, vector<1x64x64xf32>
    %get3A_401 = vector.shape_cast %get3A_400 : vector<1x64x64xf32> to vector<64x64xf32>
    %convert_element_type3A_402 = arith.truncf %get3A_401 : vector<64x64xf32> to vector<64x64xbf16>
    %dot_general3A_403 = arith.constant dense<0.000000e+00> : vector<2304x64xf32>
    %dot_general3A_404 = tpu.matmul %convert_element_type3A_396, %convert_element_type3A_402, %dot_general3A_403 {dimension_numbers = #tpu.dot_dimension_numbers<[1], [0], [0], [1], [0, 0, 1, 1], [], []>, transpose_lhs_hint = false} : vector<2304x64xbf16>, vector<64x64xbf16>, vector<2304x64xf32> -> vector<2304x64xf32>
    %add3A_405 = arith.addf %add3A_392, %dot_general3A_404 : vector<2304x64xf32>
    %add3A_406 = arith.addf %add3A_364, %add3A_405 : vector<2304x64xf32>
    %broadcast_in_dim3A_407 = arith.constant 0.000000e+00 : f32
    %broadcast_in_dim3A_408 = vector.broadcast %broadcast_in_dim3A_407 : f32 to vector<2304x64xf32>
    %get3A_409 = arith.constant 17 : index
    %get3A_410 = arith.constant 0 : index
    %get3A_411 = vector.load %arg11[%get3A_409, %get3A_410] : memref<2432x64xf32, #tpu.memory_space<vmem>>, vector<2304x64xf32>
    %convert_element_type3A_412 = arith.truncf %get3A_411 : vector<2304x64xf32> to vector<2304x64xbf16>
    %get3A_413 = arith.constant 2 : index
    %get3A_414 = arith.constant 0 : index
    %get3A_415 = arith.constant 0 : index
    %get3A_416 = vector.load %arg6[%get3A_413, %get3A_414, %get3A_415] : memref<9x64x64xf32, #tpu.memory_space<vmem>>, vector<1x64x64xf32>
    %get3A_417 = vector.shape_cast %get3A_416 : vector<1x64x64xf32> to vector<64x64xf32>
    %convert_element_type3A_418 = arith.truncf %get3A_417 : vector<64x64xf32> to vector<64x64xbf16>
    %dot_general3A_419 = arith.constant dense<0.000000e+00> : vector<2304x64xf32>
    %dot_general3A_420 = tpu.matmul %convert_element_type3A_412, %convert_element_type3A_418, %dot_general3A_419 {dimension_numbers = #tpu.dot_dimension_numbers<[1], [0], [0], [1], [0, 0, 1, 1], [], []>, transpose_lhs_hint = false} : vector<2304x64xbf16>, vector<64x64xbf16>, vector<2304x64xf32> -> vector<2304x64xf32>
    %add3A_421 = arith.addf %broadcast_in_dim3A_408, %dot_general3A_420 : vector<2304x64xf32>
    %get3A_422 = arith.constant 65 : index
    %get3A_423 = arith.constant 0 : index
    %get3A_424 = vector.load %arg11[%get3A_422, %get3A_423] : memref<2432x64xf32, #tpu.memory_space<vmem>>, vector<2304x64xf32>
    %convert_element_type3A_425 = arith.truncf %get3A_424 : vector<2304x64xf32> to vector<2304x64xbf16>
    %get3A_426 = arith.constant 5 : index
    %get3A_427 = arith.constant 0 : index
    %get3A_428 = arith.constant 0 : index
    %get3A_429 = vector.load %arg6[%get3A_426, %get3A_427, %get3A_428] : memref<9x64x64xf32, #tpu.memory_space<vmem>>, vector<1x64x64xf32>
    %get3A_430 = vector.shape_cast %get3A_429 : vector<1x64x64xf32> to vector<64x64xf32>
    %convert_element_type3A_431 = arith.truncf %get3A_430 : vector<64x64xf32> to vector<64x64xbf16>
    %dot_general3A_432 = arith.constant dense<0.000000e+00> : vector<2304x64xf32>
    %dot_general3A_433 = tpu.matmul %convert_element_type3A_425, %convert_element_type3A_431, %dot_general3A_432 {dimension_numbers = #tpu.dot_dimension_numbers<[1], [0], [0], [1], [0, 0, 1, 1], [], []>, transpose_lhs_hint = false} : vector<2304x64xbf16>, vector<64x64xbf16>, vector<2304x64xf32> -> vector<2304x64xf32>
    %add3A_434 = arith.addf %add3A_421, %dot_general3A_433 : vector<2304x64xf32>
    %get3A_435 = arith.constant 113 : index
    %get3A_436 = arith.constant 0 : index
    %get3A_437 = vector.load %arg11[%get3A_435, %get3A_436] : memref<2432x64xf32, #tpu.memory_space<vmem>>, vector<2304x64xf32>
    %convert_element_type3A_438 = arith.truncf %get3A_437 : vector<2304x64xf32> to vector<2304x64xbf16>
    %get3A_439 = arith.constant 8 : index
    %get3A_440 = arith.constant 0 : index
    %get3A_441 = arith.constant 0 : index
    %get3A_442 = vector.load %arg6[%get3A_439, %get3A_440, %get3A_441] : memref<9x64x64xf32, #tpu.memory_space<vmem>>, vector<1x64x64xf32>
    %get3A_443 = vector.shape_cast %get3A_442 : vector<1x64x64xf32> to vector<64x64xf32>
    %convert_element_type3A_444 = arith.truncf %get3A_443 : vector<64x64xf32> to vector<64x64xbf16>
    %dot_general3A_445 = arith.constant dense<0.000000e+00> : vector<2304x64xf32>
    %dot_general3A_446 = tpu.matmul %convert_element_type3A_438, %convert_element_type3A_444, %dot_general3A_445 {dimension_numbers = #tpu.dot_dimension_numbers<[1], [0], [0], [1], [0, 0, 1, 1], [], []>, transpose_lhs_hint = false} : vector<2304x64xbf16>, vector<64x64xbf16>, vector<2304x64xf32> -> vector<2304x64xf32>
    %add3A_447 = arith.addf %add3A_434, %dot_general3A_446 : vector<2304x64xf32>
    %mul3A_448 = vector.broadcast %convert_element_type3A_20 : vector<2304x1xf32> to vector<2304x64xf32>
    %mul3A_449 = arith.mulf %add3A_447, %mul3A_448 : vector<2304x64xf32>
    %add3A_450 = arith.addf %add3A_406, %mul3A_449 : vector<2304x64xf32>
    %add3A_451 = vector.broadcast %get3A_318 : vector<1x64xf32> to vector<2304x64xf32>
    %add3A_452 = arith.addf %add3A_450, %add3A_451 : vector<2304x64xf32>
    %add3A_453 = arith.addf %max3A_169, %add3A_452 : vector<2304x64xf32>
    %swap3A_454 = arith.constant 0 : index
    %swap3A_455 = arith.constant 0 : index
    %swap3A_456 = arith.constant 0 : index
    %swap3A_457 = vector.load %arg8[%swap3A_454, %swap3A_455, %swap3A_456] : memref<2x2304x64xf32, #tpu.memory_space<vmem>>, vector<1x2304x64xf32>
    %swap3A_458 = vector.shape_cast %swap3A_457 : vector<1x2304x64xf32> to vector<2304x64xf32>
    %swap3A_459 = vector.shape_cast %add3A_453 : vector<2304x64xf32> to vector<1x2304x64xf32>
    tpu.vector_store %arg8[%swap3A_454, %swap3A_455, %swap3A_456], %swap3A_459 {strides = array<i32>} : memref<2x2304x64xf32, #tpu.memory_space<vmem>>, vector<1x2304x64xf32>,
    %get3A_460 = arith.constant 1 : index
    %get3A_461 = arith.constant 0 : index
    %get3A_462 = arith.constant 0 : index
    %get3A_463 = arith.constant 0 : index
    %get3A_464 = vector.load %arg1[%get3A_460, %get3A_461, %get3A_462, %get3A_463] : memref<2x3x48x48xf32, #tpu.memory_space<vmem>>, vector<1x3x48x48xf32>
    %get3A_465 = vector.shape_cast %get3A_464 : vector<1x3x48x48xf32> to vector<3x48x48xf32>
    %reshape3A_466 = vector.shape_cast %get3A_465 : vector<3x48x48xf32> to vector<3x2304xf32>
    %transpose3A_467 = tpu.transpose %reshape3A_466, [1, 0] : vector<3x2304xf32> -> vector<2304x3xf32>
    %jit3A_468 = arith.constant 0 : i32
    %convert_element_type3A_469 = arith.sitofp %jit3A_468 : i32 to f32
    %pad3A_470 = vector.broadcast %convert_element_type3A_469 : f32 to vector<2304x5xf32>
    %pad3A_471 = tpu.concatenate %transpose3A_467, %pad3A_470 in 1 : vector<2304x3xf32>, vector<2304x5xf32> -> vector<2304x8xf32>
    %swap3A_472 = arith.constant 1 : index
    %swap3A_473 = arith.constant 0 : index
    %swap3A_474 = arith.constant 0 : index
    %swap3A_475 = vector.load %arg9[%swap3A_472, %swap3A_473, %swap3A_474] : memref<2x2304x8xf32, #tpu.memory_space<vmem>>, vector<1x2304x8xf32>
    %swap3A_476 = vector.shape_cast %swap3A_475 : vector<1x2304x8xf32> to vector<2304x8xf32>
    %swap3A_477 = vector.shape_cast %pad3A_471 : vector<2304x8xf32> to vector<1x2304x8xf32>
    tpu.vector_store %arg9[%swap3A_472, %swap3A_473, %swap3A_474], %swap3A_477 {strides = array<i32>} : memref<2x2304x8xf32, #tpu.memory_space<vmem>>, vector<1x2304x8xf32>,
    %swap3A_478 = arith.constant 64 : index
    %swap3A_479 = arith.constant 0 : index
    %swap3A_480 = vector.load %arg10[%swap3A_478, %swap3A_479] : memref<2432x3xf32, #tpu.memory_space<vmem>>, vector<2304x3xf32>
    tpu.vector_store %arg10[%swap3A_478, %swap3A_479], %transpose3A_467 {strides = array<i32>} : memref<2432x3xf32, #tpu.memory_space<vmem>>, vector<2304x3xf32>,
    %get3A_481 = arith.constant 0 : index
    %get3A_482 = arith.constant 0 : index
    %get3A_483 = vector.load %arg3[%get3A_481, %get3A_482] : memref<1x64xf32, #tpu.memory_space<vmem>>, vector<1x64xf32>
    %broadcast_in_dim3A_484 = arith.constant 0.000000e+00 : f32
    %broadcast_in_dim3A_485 = vector.broadcast %broadcast_in_dim3A_484 : f32 to vector<2304x64xf32>
    %broadcast_in_dim3A_486 = arith.constant 0.000000e+00 : f32
    %broadcast_in_dim3A_487 = vector.broadcast %broadcast_in_dim3A_486 : f32 to vector<2304x64xf32>
    %get3A_488 = arith.constant 15 : index
    %get3A_489 = arith.constant 0 : index
    %get3A_490 = vector.load %arg10[%get3A_488, %get3A_489] : memref<2432x3xf32, #tpu.memory_space<vmem>>, vector<2304x3xf32>
    %get3A_491 = arith.constant 0 : index
    %get3A_492 = arith.constant 0 : index
    %get3A_493 = arith.constant 0 : index
    %get3A_494 = vector.load %arg2[%get3A_491, %get3A_492, %get3A_493] : memref<9x3x64xf32, #tpu.memory_space<vmem>>, vector<1x3x64xf32>
    %get3A_495 = vector.shape_cast %get3A_494 : vector<1x3x64xf32> to vector<3x64xf32>
    %dot_general3A_496 = arith.constant dense<0.000000e+00> : vector<2304x64xf32>
    %dot_general3A_497 = tpu.matmul %get3A_490, %get3A_495, %dot_general3A_496 {dimension_numbers = #tpu.dot_dimension_numbers<[1], [0], [0], [1], [0, 0, 1, 1], [], []>, transpose_lhs_hint = false} : vector<2304x3xf32>, vector<3x64xf32>, vector<2304x64xf32> -> vector<2304x64xf32>
    %add3A_498 = arith.addf %broadcast_in_dim3A_487, %dot_general3A_497 : vector<2304x64xf32>
    %get3A_499 = arith.constant 63 : index
    %get3A_500 = arith.constant 0 : index
    %get3A_501 = vector.load %arg10[%get3A_499, %get3A_500] : memref<2432x3xf32, #tpu.memory_space<vmem>>, vector<2304x3xf32>
    %get3A_502 = arith.constant 3 : index
    %get3A_503 = arith.constant 0 : index
    %get3A_504 = arith.constant 0 : index
    %get3A_505 = vector.load %arg2[%get3A_502, %get3A_503, %get3A_504] : memref<9x3x64xf32, #tpu.memory_space<vmem>>, vector<1x3x64xf32>
    %get3A_506 = vector.shape_cast %get3A_505 : vector<1x3x64xf32> to vector<3x64xf32>
    %dot_general3A_507 = arith.constant dense<0.000000e+00> : vector<2304x64xf32>
    %dot_general3A_508 = tpu.matmul %get3A_501, %get3A_506, %dot_general3A_507 {dimension_numbers = #tpu.dot_dimension_numbers<[1], [0], [0], [1], [0, 0, 1, 1], [], []>, transpose_lhs_hint = false} : vector<2304x3xf32>, vector<3x64xf32>, vector<2304x64xf32> -> vector<2304x64xf32>
    %add3A_509 = arith.addf %add3A_498, %dot_general3A_508 : vector<2304x64xf32>
    %get3A_510 = arith.constant 111 : index
    %get3A_511 = arith.constant 0 : index
    %get3A_512 = vector.load %arg10[%get3A_510, %get3A_511] : memref<2432x3xf32, #tpu.memory_space<vmem>>, vector<2304x3xf32>
    %get3A_513 = arith.constant 6 : index
    %get3A_514 = arith.constant 0 : index
    %get3A_515 = arith.constant 0 : index
    %get3A_516 = vector.load %arg2[%get3A_513, %get3A_514, %get3A_515] : memref<9x3x64xf32, #tpu.memory_space<vmem>>, vector<1x3x64xf32>
    %get3A_517 = vector.shape_cast %get3A_516 : vector<1x3x64xf32> to vector<3x64xf32>
    %dot_general3A_518 = arith.constant dense<0.000000e+00> : vector<2304x64xf32>
    %dot_general3A_519 = tpu.matmul %get3A_512, %get3A_517, %dot_general3A_518 {dimension_numbers = #tpu.dot_dimension_numbers<[1], [0], [0], [1], [0, 0, 1, 1], [], []>, transpose_lhs_hint = false} : vector<2304x3xf32>, vector<3x64xf32>, vector<2304x64xf32> -> vector<2304x64xf32>
    %add3A_520 = arith.addf %add3A_509, %dot_general3A_519 : vector<2304x64xf32>
    %mul3A_521 = vector.broadcast %convert_element_type3A_16 : vector<2304x1xf32> to vector<2304x64xf32>
    %mul3A_522 = arith.mulf %add3A_520, %mul3A_521 : vector<2304x64xf32>
    %add3A_523 = arith.addf %broadcast_in_dim3A_485, %mul3A_522 : vector<2304x64xf32>
    %broadcast_in_dim3A_524 = arith.constant 0.000000e+00 : f32
    %broadcast_in_dim3A_525 = vector.broadcast %broadcast_in_dim3A_524 : f32 to vector<2304x64xf32>
    %get3A_526 = arith.constant 16 : index
    %get3A_527 = arith.constant 0 : index
    %get3A_528 = vector.load %arg10[%get3A_526, %get3A_527] : memref<2432x3xf32, #tpu.memory_space<vmem>>, vector<2304x3xf32>
    %get3A_529 = arith.constant 1 : index
    %get3A_530 = arith.constant 0 : index
    %get3A_531 = arith.constant 0 : index
    %get3A_532 = vector.load %arg2[%get3A_529, %get3A_530, %get3A_531] : memref<9x3x64xf32, #tpu.memory_space<vmem>>, vector<1x3x64xf32>
    %get3A_533 = vector.shape_cast %get3A_532 : vector<1x3x64xf32> to vector<3x64xf32>
    %dot_general3A_534 = arith.constant dense<0.000000e+00> : vector<2304x64xf32>
    %dot_general3A_535 = tpu.matmul %get3A_528, %get3A_533, %dot_general3A_534 {dimension_numbers = #tpu.dot_dimension_numbers<[1], [0], [0], [1], [0, 0, 1, 1], [], []>, transpose_lhs_hint = false} : vector<2304x3xf32>, vector<3x64xf32>, vector<2304x64xf32> -> vector<2304x64xf32>
    %add3A_536 = arith.addf %broadcast_in_dim3A_525, %dot_general3A_535 : vector<2304x64xf32>
    %get3A_537 = arith.constant 64 : index
    %get3A_538 = arith.constant 0 : index
    %get3A_539 = vector.load %arg10[%get3A_537, %get3A_538] : memref<2432x3xf32, #tpu.memory_space<vmem>>, vector<2304x3xf32>
    %get3A_540 = arith.constant 4 : index
    %get3A_541 = arith.constant 0 : index
    %get3A_542 = arith.constant 0 : index
    %get3A_543 = vector.load %arg2[%get3A_540, %get3A_541, %get3A_542] : memref<9x3x64xf32, #tpu.memory_space<vmem>>, vector<1x3x64xf32>
    %get3A_544 = vector.shape_cast %get3A_543 : vector<1x3x64xf32> to vector<3x64xf32>
    %dot_general3A_545 = arith.constant dense<0.000000e+00> : vector<2304x64xf32>
    %dot_general3A_546 = tpu.matmul %get3A_539, %get3A_544, %dot_general3A_545 {dimension_numbers = #tpu.dot_dimension_numbers<[1], [0], [0], [1], [0, 0, 1, 1], [], []>, transpose_lhs_hint = false} : vector<2304x3xf32>, vector<3x64xf32>, vector<2304x64xf32> -> vector<2304x64xf32>
    %add3A_547 = arith.addf %add3A_536, %dot_general3A_546 : vector<2304x64xf32>
    %get3A_548 = arith.constant 112 : index
    %get3A_549 = arith.constant 0 : index
    %get3A_550 = vector.load %arg10[%get3A_548, %get3A_549] : memref<2432x3xf32, #tpu.memory_space<vmem>>, vector<2304x3xf32>
    %get3A_551 = arith.constant 7 : index
    %get3A_552 = arith.constant 0 : index
    %get3A_553 = arith.constant 0 : index
    %get3A_554 = vector.load %arg2[%get3A_551, %get3A_552, %get3A_553] : memref<9x3x64xf32, #tpu.memory_space<vmem>>, vector<1x3x64xf32>
    %get3A_555 = vector.shape_cast %get3A_554 : vector<1x3x64xf32> to vector<3x64xf32>
    %dot_general3A_556 = arith.constant dense<0.000000e+00> : vector<2304x64xf32>
    %dot_general3A_557 = tpu.matmul %get3A_550, %get3A_555, %dot_general3A_556 {dimension_numbers = #tpu.dot_dimension_numbers<[1], [0], [0], [1], [0, 0, 1, 1], [], []>, transpose_lhs_hint = false} : vector<2304x3xf32>, vector<3x64xf32>, vector<2304x64xf32> -> vector<2304x64xf32>
    %add3A_558 = arith.addf %add3A_547, %dot_general3A_557 : vector<2304x64xf32>
    %add3A_559 = arith.addf %add3A_523, %add3A_558 : vector<2304x64xf32>
    %broadcast_in_dim3A_560 = arith.constant 0.000000e+00 : f32
    %broadcast_in_dim3A_561 = vector.broadcast %broadcast_in_dim3A_560 : f32 to vector<2304x64xf32>
    %get3A_562 = arith.constant 17 : index
    %get3A_563 = arith.constant 0 : index
    %get3A_564 = vector.load %arg10[%get3A_562, %get3A_563] : memref<2432x3xf32, #tpu.memory_space<vmem>>, vector<2304x3xf32>
    %get3A_565 = arith.constant 2 : index
    %get3A_566 = arith.constant 0 : index
    %get3A_567 = arith.constant 0 : index
    %get3A_568 = vector.load %arg2[%get3A_565, %get3A_566, %get3A_567] : memref<9x3x64xf32, #tpu.memory_space<vmem>>, vector<1x3x64xf32>
    %get3A_569 = vector.shape_cast %get3A_568 : vector<1x3x64xf32> to vector<3x64xf32>
    %dot_general3A_570 = arith.constant dense<0.000000e+00> : vector<2304x64xf32>
    %dot_general3A_571 = tpu.matmul %get3A_564, %get3A_569, %dot_general3A_570 {dimension_numbers = #tpu.dot_dimension_numbers<[1], [0], [0], [1], [0, 0, 1, 1], [], []>, transpose_lhs_hint = false} : vector<2304x3xf32>, vector<3x64xf32>, vector<2304x64xf32> -> vector<2304x64xf32>
    %add3A_572 = arith.addf %broadcast_in_dim3A_561, %dot_general3A_571 : vector<2304x64xf32>
    %get3A_573 = arith.constant 65 : index
    %get3A_574 = arith.constant 0 : index
    %get3A_575 = vector.load %arg10[%get3A_573, %get3A_574] : memref<2432x3xf32, #tpu.memory_space<vmem>>, vector<2304x3xf32>
    %get3A_576 = arith.constant 5 : index
    %get3A_577 = arith.constant 0 : index
    %get3A_578 = arith.constant 0 : index
    %get3A_579 = vector.load %arg2[%get3A_576, %get3A_577, %get3A_578] : memref<9x3x64xf32, #tpu.memory_space<vmem>>, vector<1x3x64xf32>
    %get3A_580 = vector.shape_cast %get3A_579 : vector<1x3x64xf32> to vector<3x64xf32>
    %dot_general3A_581 = arith.constant dense<0.000000e+00> : vector<2304x64xf32>
    %dot_general3A_582 = tpu.matmul %get3A_575, %get3A_580, %dot_general3A_581 {dimension_numbers = #tpu.dot_dimension_numbers<[1], [0], [0], [1], [0, 0, 1, 1], [], []>, transpose_lhs_hint = false} : vector<2304x3xf32>, vector<3x64xf32>, vector<2304x64xf32> -> vector<2304x64xf32>
    %add3A_583 = arith.addf %add3A_572, %dot_general3A_582 : vector<2304x64xf32>
    %get3A_584 = arith.constant 113 : index
    %get3A_585 = arith.constant 0 : index
    %get3A_586 = vector.load %arg10[%get3A_584, %get3A_585] : memref<2432x3xf32, #tpu.memory_space<vmem>>, vector<2304x3xf32>
    %get3A_587 = arith.constant 8 : index
    %get3A_588 = arith.constant 0 : index
    %get3A_589 = arith.constant 0 : index
    %get3A_590 = vector.load %arg2[%get3A_587, %get3A_588, %get3A_589] : memref<9x3x64xf32, #tpu.memory_space<vmem>>, vector<1x3x64xf32>
    %get3A_591 = vector.shape_cast %get3A_590 : vector<1x3x64xf32> to vector<3x64xf32>
    %dot_general3A_592 = arith.constant dense<0.000000e+00> : vector<2304x64xf32>
    %dot_general3A_593 = tpu.matmul %get3A_586, %get3A_591, %dot_general3A_592 {dimension_numbers = #tpu.dot_dimension_numbers<[1], [0], [0], [1], [0, 0, 1, 1], [], []>, transpose_lhs_hint = false} : vector<2304x3xf32>, vector<3x64xf32>, vector<2304x64xf32> -> vector<2304x64xf32>
    %add3A_594 = arith.addf %add3A_583, %dot_general3A_593 : vector<2304x64xf32>
    %mul3A_595 = vector.broadcast %convert_element_type3A_20 : vector<2304x1xf32> to vector<2304x64xf32>
    %mul3A_596 = arith.mulf %add3A_594, %mul3A_595 : vector<2304x64xf32>
    %add3A_597 = arith.addf %add3A_559, %mul3A_596 : vector<2304x64xf32>
    %add3A_598 = vector.broadcast %get3A_483 : vector<1x64xf32> to vector<2304x64xf32>
    %add3A_599 = arith.addf %add3A_597, %add3A_598 : vector<2304x64xf32>
    %max3A_600 = arith.constant 0.000000e+00 : f32
    %max3A_601 = vector.broadcast %max3A_600 : f32 to vector<2304x64xf32>
    %max3A_602 = arith.maximumf %add3A_599, %max3A_601 : vector<2304x64xf32>
    %swap3A_603 = arith.constant 64 : index
    %swap3A_604 = arith.constant 0 : index
    %swap3A_605 = vector.load %arg11[%swap3A_603, %swap3A_604] : memref<2432x64xf32, #tpu.memory_space<vmem>>, vector<2304x64xf32>
    tpu.vector_store %arg11[%swap3A_603, %swap3A_604], %max3A_602 {strides = array<i32>} : memref<2432x64xf32, #tpu.memory_space<vmem>>, vector<2304x64xf32>,
    %get3A_606 = arith.constant 0 : index
    %get3A_607 = arith.constant 0 : index
    %get3A_608 = vector.load %arg5[%get3A_606, %get3A_607] : memref<1x64xf32, #tpu.memory_space<vmem>>, vector<1x64xf32>
    %broadcast_in_dim3A_609 = arith.constant 0.000000e+00 : f32
    %broadcast_in_dim3A_610 = vector.broadcast %broadcast_in_dim3A_609 : f32 to vector<2304x64xf32>
    %broadcast_in_dim3A_611 = arith.constant 0.000000e+00 : f32
    %broadcast_in_dim3A_612 = vector.broadcast %broadcast_in_dim3A_611 : f32 to vector<2304x64xf32>
    %get3A_613 = arith.constant 15 : index
    %get3A_614 = arith.constant 0 : index
    %get3A_615 = vector.load %arg11[%get3A_613, %get3A_614] : memref<2432x64xf32, #tpu.memory_space<vmem>>, vector<2304x64xf32>
    %convert_element_type3A_616 = arith.truncf %get3A_615 : vector<2304x64xf32> to vector<2304x64xbf16>
    %get3A_617 = arith.constant 0 : index
    %get3A_618 = arith.constant 0 : index
    %get3A_619 = arith.constant 0 : index
    %get3A_620 = vector.load %arg4[%get3A_617, %get3A_618, %get3A_619] : memref<9x64x64xf32, #tpu.memory_space<vmem>>, vector<1x64x64xf32>
    %get3A_621 = vector.shape_cast %get3A_620 : vector<1x64x64xf32> to vector<64x64xf32>
    %convert_element_type3A_622 = arith.truncf %get3A_621 : vector<64x64xf32> to vector<64x64xbf16>
    %dot_general3A_623 = arith.constant dense<0.000000e+00> : vector<2304x64xf32>
    %dot_general3A_624 = tpu.matmul %convert_element_type3A_616, %convert_element_type3A_622, %dot_general3A_623 {dimension_numbers = #tpu.dot_dimension_numbers<[1], [0], [0], [1], [0, 0, 1, 1], [], []>, transpose_lhs_hint = false} : vector<2304x64xbf16>, vector<64x64xbf16>, vector<2304x64xf32> -> vector<2304x64xf32>
    %add3A_625 = arith.addf %broadcast_in_dim3A_612, %dot_general3A_624 : vector<2304x64xf32>
    %get3A_626 = arith.constant 63 : index
    %get3A_627 = arith.constant 0 : index
    %get3A_628 = vector.load %arg11[%get3A_626, %get3A_627] : memref<2432x64xf32, #tpu.memory_space<vmem>>, vector<2304x64xf32>
    %convert_element_type3A_629 = arith.truncf %get3A_628 : vector<2304x64xf32> to vector<2304x64xbf16>
    %get3A_630 = arith.constant 3 : index
    %get3A_631 = arith.constant 0 : index
    %get3A_632 = arith.constant 0 : index
    %get3A_633 = vector.load %arg4[%get3A_630, %get3A_631, %get3A_632] : memref<9x64x64xf32, #tpu.memory_space<vmem>>, vector<1x64x64xf32>
    %get3A_634 = vector.shape_cast %get3A_633 : vector<1x64x64xf32> to vector<64x64xf32>
    %convert_element_type3A_635 = arith.truncf %get3A_634 : vector<64x64xf32> to vector<64x64xbf16>
    %dot_general3A_636 = arith.constant dense<0.000000e+00> : vector<2304x64xf32>
    %dot_general3A_637 = tpu.matmul %convert_element_type3A_629, %convert_element_type3A_635, %dot_general3A_636 {dimension_numbers = #tpu.dot_dimension_numbers<[1], [0], [0], [1], [0, 0, 1, 1], [], []>, transpose_lhs_hint = false} : vector<2304x64xbf16>, vector<64x64xbf16>, vector<2304x64xf32> -> vector<2304x64xf32>
    %add3A_638 = arith.addf %add3A_625, %dot_general3A_637 : vector<2304x64xf32>
    %get3A_639 = arith.constant 111 : index
    %get3A_640 = arith.constant 0 : index
    %get3A_641 = vector.load %arg11[%get3A_639, %get3A_640] : memref<2432x64xf32, #tpu.memory_space<vmem>>, vector<2304x64xf32>
    %convert_element_type3A_642 = arith.truncf %get3A_641 : vector<2304x64xf32> to vector<2304x64xbf16>
    %get3A_643 = arith.constant 6 : index
    %get3A_644 = arith.constant 0 : index
    %get3A_645 = arith.constant 0 : index
    %get3A_646 = vector.load %arg4[%get3A_643, %get3A_644, %get3A_645] : memref<9x64x64xf32, #tpu.memory_space<vmem>>, vector<1x64x64xf32>
    %get3A_647 = vector.shape_cast %get3A_646 : vector<1x64x64xf32> to vector<64x64xf32>
    %convert_element_type3A_648 = arith.truncf %get3A_647 : vector<64x64xf32> to vector<64x64xbf16>
    %dot_general3A_649 = arith.constant dense<0.000000e+00> : vector<2304x64xf32>
    %dot_general3A_650 = tpu.matmul %convert_element_type3A_642, %convert_element_type3A_648, %dot_general3A_649 {dimension_numbers = #tpu.dot_dimension_numbers<[1], [0], [0], [1], [0, 0, 1, 1], [], []>, transpose_lhs_hint = false} : vector<2304x64xbf16>, vector<64x64xbf16>, vector<2304x64xf32> -> vector<2304x64xf32>
    %add3A_651 = arith.addf %add3A_638, %dot_general3A_650 : vector<2304x64xf32>
    %mul3A_652 = vector.broadcast %convert_element_type3A_16 : vector<2304x1xf32> to vector<2304x64xf32>
    %mul3A_653 = arith.mulf %add3A_651, %mul3A_652 : vector<2304x64xf32>
    %add3A_654 = arith.addf %broadcast_in_dim3A_610, %mul3A_653 : vector<2304x64xf32>
    %broadcast_in_dim3A_655 = arith.constant 0.000000e+00 : f32
    %broadcast_in_dim3A_656 = vector.broadcast %broadcast_in_dim3A_655 : f32 to vector<2304x64xf32>
    %get3A_657 = arith.constant 16 : index
    %get3A_658 = arith.constant 0 : index
    %get3A_659 = vector.load %arg11[%get3A_657, %get3A_658] : memref<2432x64xf32, #tpu.memory_space<vmem>>, vector<2304x64xf32>
    %convert_element_type3A_660 = arith.truncf %get3A_659 : vector<2304x64xf32> to vector<2304x64xbf16>
    %get3A_661 = arith.constant 1 : index
    %get3A_662 = arith.constant 0 : index
    %get3A_663 = arith.constant 0 : index
    %get3A_664 = vector.load %arg4[%get3A_661, %get3A_662, %get3A_663] : memref<9x64x64xf32, #tpu.memory_space<vmem>>, vector<1x64x64xf32>
    %get3A_665 = vector.shape_cast %get3A_664 : vector<1x64x64xf32> to vector<64x64xf32>
    %convert_element_type3A_666 = arith.truncf %get3A_665 : vector<64x64xf32> to vector<64x64xbf16>
    %dot_general3A_667 = arith.constant dense<0.000000e+00> : vector<2304x64xf32>
    %dot_general3A_668 = tpu.matmul %convert_element_type3A_660, %convert_element_type3A_666, %dot_general3A_667 {dimension_numbers = #tpu.dot_dimension_numbers<[1], [0], [0], [1], [0, 0, 1, 1], [], []>, transpose_lhs_hint = false} : vector<2304x64xbf16>, vector<64x64xbf16>, vector<2304x64xf32> -> vector<2304x64xf32>
    %add3A_669 = arith.addf %broadcast_in_dim3A_656, %dot_general3A_668 : vector<2304x64xf32>
    %get3A_670 = arith.constant 64 : index
    %get3A_671 = arith.constant 0 : index
    %get3A_672 = vector.load %arg11[%get3A_670, %get3A_671] : memref<2432x64xf32, #tpu.memory_space<vmem>>, vector<2304x64xf32>
    %convert_element_type3A_673 = arith.truncf %get3A_672 : vector<2304x64xf32> to vector<2304x64xbf16>
    %get3A_674 = arith.constant 4 : index
    %get3A_675 = arith.constant 0 : index
    %get3A_676 = arith.constant 0 : index
    %get3A_677 = vector.load %arg4[%get3A_674, %get3A_675, %get3A_676] : memref<9x64x64xf32, #tpu.memory_space<vmem>>, vector<1x64x64xf32>
    %get3A_678 = vector.shape_cast %get3A_677 : vector<1x64x64xf32> to vector<64x64xf32>
    %convert_element_type3A_679 = arith.truncf %get3A_678 : vector<64x64xf32> to vector<64x64xbf16>
    %dot_general3A_680 = arith.constant dense<0.000000e+00> : vector<2304x64xf32>
    %dot_general3A_681 = tpu.matmul %convert_element_type3A_673, %convert_element_type3A_679, %dot_general3A_680 {dimension_numbers = #tpu.dot_dimension_numbers<[1], [0], [0], [1], [0, 0, 1, 1], [], []>, transpose_lhs_hint = false} : vector<2304x64xbf16>, vector<64x64xbf16>, vector<2304x64xf32> -> vector<2304x64xf32>
    %add3A_682 = arith.addf %add3A_669, %dot_general3A_681 : vector<2304x64xf32>
    %get3A_683 = arith.constant 112 : index
    %get3A_684 = arith.constant 0 : index
    %get3A_685 = vector.load %arg11[%get3A_683, %get3A_684] : memref<2432x64xf32, #tpu.memory_space<vmem>>, vector<2304x64xf32>
    %convert_element_type3A_686 = arith.truncf %get3A_685 : vector<2304x64xf32> to vector<2304x64xbf16>
    %get3A_687 = arith.constant 7 : index
    %get3A_688 = arith.constant 0 : index
    %get3A_689 = arith.constant 0 : index
    %get3A_690 = vector.load %arg4[%get3A_687, %get3A_688, %get3A_689] : memref<9x64x64xf32, #tpu.memory_space<vmem>>, vector<1x64x64xf32>
    %get3A_691 = vector.shape_cast %get3A_690 : vector<1x64x64xf32> to vector<64x64xf32>
    %convert_element_type3A_692 = arith.truncf %get3A_691 : vector<64x64xf32> to vector<64x64xbf16>
    %dot_general3A_693 = arith.constant dense<0.000000e+00> : vector<2304x64xf32>
    %dot_general3A_694 = tpu.matmul %convert_element_type3A_686, %convert_element_type3A_692, %dot_general3A_693 {dimension_numbers = #tpu.dot_dimension_numbers<[1], [0], [0], [1], [0, 0, 1, 1], [], []>, transpose_lhs_hint = false} : vector<2304x64xbf16>, vector<64x64xbf16>, vector<2304x64xf32> -> vector<2304x64xf32>
    %add3A_695 = arith.addf %add3A_682, %dot_general3A_694 : vector<2304x64xf32>
    %add3A_696 = arith.addf %add3A_654, %add3A_695 : vector<2304x64xf32>
    %broadcast_in_dim3A_697 = arith.constant 0.000000e+00 : f32
    %broadcast_in_dim3A_698 = vector.broadcast %broadcast_in_dim3A_697 : f32 to vector<2304x64xf32>
    %get3A_699 = arith.constant 17 : index
    %get3A_700 = arith.constant 0 : index
    %get3A_701 = vector.load %arg11[%get3A_699, %get3A_700] : memref<2432x64xf32, #tpu.memory_space<vmem>>, vector<2304x64xf32>
    %convert_element_type3A_702 = arith.truncf %get3A_701 : vector<2304x64xf32> to vector<2304x64xbf16>
    %get3A_703 = arith.constant 2 : index
    %get3A_704 = arith.constant 0 : index
    %get3A_705 = arith.constant 0 : index
    %get3A_706 = vector.load %arg4[%get3A_703, %get3A_704, %get3A_705] : memref<9x64x64xf32, #tpu.memory_space<vmem>>, vector<1x64x64xf32>
    %get3A_707 = vector.shape_cast %get3A_706 : vector<1x64x64xf32> to vector<64x64xf32>
    %convert_element_type3A_708 = arith.truncf %get3A_707 : vector<64x64xf32> to vector<64x64xbf16>
    %dot_general3A_709 = arith.constant dense<0.000000e+00> : vector<2304x64xf32>
    %dot_general3A_710 = tpu.matmul %convert_element_type3A_702, %convert_element_type3A_708, %dot_general3A_709 {dimension_numbers = #tpu.dot_dimension_numbers<[1], [0], [0], [1], [0, 0, 1, 1], [], []>, transpose_lhs_hint = false} : vector<2304x64xbf16>, vector<64x64xbf16>, vector<2304x64xf32> -> vector<2304x64xf32>
    %add3A_711 = arith.addf %broadcast_in_dim3A_698, %dot_general3A_710 : vector<2304x64xf32>
    %get3A_712 = arith.constant 65 : index
    %get3A_713 = arith.constant 0 : index
    %get3A_714 = vector.load %arg11[%get3A_712, %get3A_713] : memref<2432x64xf32, #tpu.memory_space<vmem>>, vector<2304x64xf32>
    %convert_element_type3A_715 = arith.truncf %get3A_714 : vector<2304x64xf32> to vector<2304x64xbf16>
    %get3A_716 = arith.constant 5 : index
    %get3A_717 = arith.constant 0 : index
    %get3A_718 = arith.constant 0 : index
    %get3A_719 = vector.load %arg4[%get3A_716, %get3A_717, %get3A_718] : memref<9x64x64xf32, #tpu.memory_space<vmem>>, vector<1x64x64xf32>
    %get3A_720 = vector.shape_cast %get3A_719 : vector<1x64x64xf32> to vector<64x64xf32>
    %convert_element_type3A_721 = arith.truncf %get3A_720 : vector<64x64xf32> to vector<64x64xbf16>
    %dot_general3A_722 = arith.constant dense<0.000000e+00> : vector<2304x64xf32>
    %dot_general3A_723 = tpu.matmul %convert_element_type3A_715, %convert_element_type3A_721, %dot_general3A_722 {dimension_numbers = #tpu.dot_dimension_numbers<[1], [0], [0], [1], [0, 0, 1, 1], [], []>, transpose_lhs_hint = false} : vector<2304x64xbf16>, vector<64x64xbf16>, vector<2304x64xf32> -> vector<2304x64xf32>
    %add3A_724 = arith.addf %add3A_711, %dot_general3A_723 : vector<2304x64xf32>
    %get3A_725 = arith.constant 113 : index
    %get3A_726 = arith.constant 0 : index
    %get3A_727 = vector.load %arg11[%get3A_725, %get3A_726] : memref<2432x64xf32, #tpu.memory_space<vmem>>, vector<2304x64xf32>
    %convert_element_type3A_728 = arith.truncf %get3A_727 : vector<2304x64xf32> to vector<2304x64xbf16>
    %get3A_729 = arith.constant 8 : index
    %get3A_730 = arith.constant 0 : index
    %get3A_731 = arith.constant 0 : index
    %get3A_732 = vector.load %arg4[%get3A_729, %get3A_730, %get3A_731] : memref<9x64x64xf32, #tpu.memory_space<vmem>>, vector<1x64x64xf32>
    %get3A_733 = vector.shape_cast %get3A_732 : vector<1x64x64xf32> to vector<64x64xf32>
    %convert_element_type3A_734 = arith.truncf %get3A_733 : vector<64x64xf32> to vector<64x64xbf16>
    %dot_general3A_735 = arith.constant dense<0.000000e+00> : vector<2304x64xf32>
    %dot_general3A_736 = tpu.matmul %convert_element_type3A_728, %convert_element_type3A_734, %dot_general3A_735 {dimension_numbers = #tpu.dot_dimension_numbers<[1], [0], [0], [1], [0, 0, 1, 1], [], []>, transpose_lhs_hint = false} : vector<2304x64xbf16>, vector<64x64xbf16>, vector<2304x64xf32> -> vector<2304x64xf32>
    %add3A_737 = arith.addf %add3A_724, %dot_general3A_736 : vector<2304x64xf32>
    %mul3A_738 = vector.broadcast %convert_element_type3A_20 : vector<2304x1xf32> to vector<2304x64xf32>
    %mul3A_739 = arith.mulf %add3A_737, %mul3A_738 : vector<2304x64xf32>
    %add3A_740 = arith.addf %add3A_696, %mul3A_739 : vector<2304x64xf32>
    %add3A_741 = vector.broadcast %get3A_608 : vector<1x64xf32> to vector<2304x64xf32>
    %add3A_742 = arith.addf %add3A_740, %add3A_741 : vector<2304x64xf32>
    %max3A_743 = arith.constant 0.000000e+00 : f32
    %max3A_744 = vector.broadcast %max3A_743 : f32 to vector<2304x64xf32>
    %max3A_745 = arith.maximumf %add3A_742, %max3A_744 : vector<2304x64xf32>
    %swap3A_746 = arith.constant 64 : index
    %swap3A_747 = arith.constant 0 : index
    %swap3A_748 = vector.load %arg11[%swap3A_746, %swap3A_747] : memref<2432x64xf32, #tpu.memory_space<vmem>>, vector<2304x64xf32>
    tpu.vector_store %arg11[%swap3A_746, %swap3A_747], %max3A_745 {strides = array<i32>} : memref<2432x64xf32, #tpu.memory_space<vmem>>, vector<2304x64xf32>,
    %get3A_749 = arith.constant 0 : index
    %get3A_750 = arith.constant 0 : index
    %get3A_751 = vector.load %arg7[%get3A_749, %get3A_750] : memref<1x64xf32, #tpu.memory_space<vmem>>, vector<1x64xf32>
    %broadcast_in_dim3A_752 = arith.constant 0.000000e+00 : f32
    %broadcast_in_dim3A_753 = vector.broadcast %broadcast_in_dim3A_752 : f32 to vector<2304x64xf32>
    %broadcast_in_dim3A_754 = arith.constant 0.000000e+00 : f32
    %broadcast_in_dim3A_755 = vector.broadcast %broadcast_in_dim3A_754 : f32 to vector<2304x64xf32>
    %get3A_756 = arith.constant 15 : index
    %get3A_757 = arith.constant 0 : index
    %get3A_758 = vector.load %arg11[%get3A_756, %get3A_757] : memref<2432x64xf32, #tpu.memory_space<vmem>>, vector<2304x64xf32>
    %convert_element_type3A_759 = arith.truncf %get3A_758 : vector<2304x64xf32> to vector<2304x64xbf16>
    %get3A_760 = arith.constant 0 : index
    %get3A_761 = arith.constant 0 : index
    %get3A_762 = arith.constant 0 : index
    %get3A_763 = vector.load %arg6[%get3A_760, %get3A_761, %get3A_762] : memref<9x64x64xf32, #tpu.memory_space<vmem>>, vector<1x64x64xf32>
    %get3A_764 = vector.shape_cast %get3A_763 : vector<1x64x64xf32> to vector<64x64xf32>
    %convert_element_type3A_765 = arith.truncf %get3A_764 : vector<64x64xf32> to vector<64x64xbf16>
    %dot_general3A_766 = arith.constant dense<0.000000e+00> : vector<2304x64xf32>
    %dot_general3A_767 = tpu.matmul %convert_element_type3A_759, %convert_element_type3A_765, %dot_general3A_766 {dimension_numbers = #tpu.dot_dimension_numbers<[1], [0], [0], [1], [0, 0, 1, 1], [], []>, transpose_lhs_hint = false} : vector<2304x64xbf16>, vector<64x64xbf16>, vector<2304x64xf32> -> vector<2304x64xf32>
    %add3A_768 = arith.addf %broadcast_in_dim3A_755, %dot_general3A_767 : vector<2304x64xf32>
    %get3A_769 = arith.constant 63 : index
    %get3A_770 = arith.constant 0 : index
    %get3A_771 = vector.load %arg11[%get3A_769, %get3A_770] : memref<2432x64xf32, #tpu.memory_space<vmem>>, vector<2304x64xf32>
    %convert_element_type3A_772 = arith.truncf %get3A_771 : vector<2304x64xf32> to vector<2304x64xbf16>
    %get3A_773 = arith.constant 3 : index
    %get3A_774 = arith.constant 0 : index
    %get3A_775 = arith.constant 0 : index
    %get3A_776 = vector.load %arg6[%get3A_773, %get3A_774, %get3A_775] : memref<9x64x64xf32, #tpu.memory_space<vmem>>, vector<1x64x64xf32>
    %get3A_777 = vector.shape_cast %get3A_776 : vector<1x64x64xf32> to vector<64x64xf32>
    %convert_element_type3A_778 = arith.truncf %get3A_777 : vector<64x64xf32> to vector<64x64xbf16>
    %dot_general3A_779 = arith.constant dense<0.000000e+00> : vector<2304x64xf32>
    %dot_general3A_780 = tpu.matmul %convert_element_type3A_772, %convert_element_type3A_778, %dot_general3A_779 {dimension_numbers = #tpu.dot_dimension_numbers<[1], [0], [0], [1], [0, 0, 1, 1], [], []>, transpose_lhs_hint = false} : vector<2304x64xbf16>, vector<64x64xbf16>, vector<2304x64xf32> -> vector<2304x64xf32>
    %add3A_781 = arith.addf %add3A_768, %dot_general3A_780 : vector<2304x64xf32>
    %get3A_782 = arith.constant 111 : index
    %get3A_783 = arith.constant 0 : index
    %get3A_784 = vector.load %arg11[%get3A_782, %get3A_783] : memref<2432x64xf32, #tpu.memory_space<vmem>>, vector<2304x64xf32>
    %convert_element_type3A_785 = arith.truncf %get3A_784 : vector<2304x64xf32> to vector<2304x64xbf16>
    %get3A_786 = arith.constant 6 : index
    %get3A_787 = arith.constant 0 : index
    %get3A_788 = arith.constant 0 : index
    %get3A_789 = vector.load %arg6[%get3A_786, %get3A_787, %get3A_788] : memref<9x64x64xf32, #tpu.memory_space<vmem>>, vector<1x64x64xf32>
    %get3A_790 = vector.shape_cast %get3A_789 : vector<1x64x64xf32> to vector<64x64xf32>
    %convert_element_type3A_791 = arith.truncf %get3A_790 : vector<64x64xf32> to vector<64x64xbf16>
    %dot_general3A_792 = arith.constant dense<0.000000e+00> : vector<2304x64xf32>
    %dot_general3A_793 = tpu.matmul %convert_element_type3A_785, %convert_element_type3A_791, %dot_general3A_792 {dimension_numbers = #tpu.dot_dimension_numbers<[1], [0], [0], [1], [0, 0, 1, 1], [], []>, transpose_lhs_hint = false} : vector<2304x64xbf16>, vector<64x64xbf16>, vector<2304x64xf32> -> vector<2304x64xf32>
    %add3A_794 = arith.addf %add3A_781, %dot_general3A_793 : vector<2304x64xf32>
    %mul3A_795 = vector.broadcast %convert_element_type3A_16 : vector<2304x1xf32> to vector<2304x64xf32>
    %mul3A_796 = arith.mulf %add3A_794, %mul3A_795 : vector<2304x64xf32>
    %add3A_797 = arith.addf %broadcast_in_dim3A_753, %mul3A_796 : vector<2304x64xf32>
    %broadcast_in_dim3A_798 = arith.constant 0.000000e+00 : f32
    %broadcast_in_dim3A_799 = vector.broadcast %broadcast_in_dim3A_798 : f32 to vector<2304x64xf32>
    %get3A_800 = arith.constant 16 : index
    %get3A_801 = arith.constant 0 : index
    %get3A_802 = vector.load %arg11[%get3A_800, %get3A_801] : memref<2432x64xf32, #tpu.memory_space<vmem>>, vector<2304x64xf32>
    %convert_element_type3A_803 = arith.truncf %get3A_802 : vector<2304x64xf32> to vector<2304x64xbf16>
    %get3A_804 = arith.constant 1 : index
    %get3A_805 = arith.constant 0 : index
    %get3A_806 = arith.constant 0 : index
    %get3A_807 = vector.load %arg6[%get3A_804, %get3A_805, %get3A_806] : memref<9x64x64xf32, #tpu.memory_space<vmem>>, vector<1x64x64xf32>
    %get3A_808 = vector.shape_cast %get3A_807 : vector<1x64x64xf32> to vector<64x64xf32>
    %convert_element_type3A_809 = arith.truncf %get3A_808 : vector<64x64xf32> to vector<64x64xbf16>
    %dot_general3A_810 = arith.constant dense<0.000000e+00> : vector<2304x64xf32>
    %dot_general3A_811 = tpu.matmul %convert_element_type3A_803, %convert_element_type3A_809, %dot_general3A_810 {dimension_numbers = #tpu.dot_dimension_numbers<[1], [0], [0], [1], [0, 0, 1, 1], [], []>, transpose_lhs_hint = false} : vector<2304x64xbf16>, vector<64x64xbf16>, vector<2304x64xf32> -> vector<2304x64xf32>
    %add3A_812 = arith.addf %broadcast_in_dim3A_799, %dot_general3A_811 : vector<2304x64xf32>
    %get3A_813 = arith.constant 64 : index
    %get3A_814 = arith.constant 0 : index
    %get3A_815 = vector.load %arg11[%get3A_813, %get3A_814] : memref<2432x64xf32, #tpu.memory_space<vmem>>, vector<2304x64xf32>
    %convert_element_type3A_816 = arith.truncf %get3A_815 : vector<2304x64xf32> to vector<2304x64xbf16>
    %get3A_817 = arith.constant 4 : index
    %get3A_818 = arith.constant 0 : index
    %get3A_819 = arith.constant 0 : index
    %get3A_820 = vector.load %arg6[%get3A_817, %get3A_818, %get3A_819] : memref<9x64x64xf32, #tpu.memory_space<vmem>>, vector<1x64x64xf32>
    %get3A_821 = vector.shape_cast %get3A_820 : vector<1x64x64xf32> to vector<64x64xf32>
    %convert_element_type3A_822 = arith.truncf %get3A_821 : vector<64x64xf32> to vector<64x64xbf16>
    %dot_general3A_823 = arith.constant dense<0.000000e+00> : vector<2304x64xf32>
    %dot_general3A_824 = tpu.matmul %convert_element_type3A_816, %convert_element_type3A_822, %dot_general3A_823 {dimension_numbers = #tpu.dot_dimension_numbers<[1], [0], [0], [1], [0, 0, 1, 1], [], []>, transpose_lhs_hint = false} : vector<2304x64xbf16>, vector<64x64xbf16>, vector<2304x64xf32> -> vector<2304x64xf32>
    %add3A_825 = arith.addf %add3A_812, %dot_general3A_824 : vector<2304x64xf32>
    %get3A_826 = arith.constant 112 : index
    %get3A_827 = arith.constant 0 : index
    %get3A_828 = vector.load %arg11[%get3A_826, %get3A_827] : memref<2432x64xf32, #tpu.memory_space<vmem>>, vector<2304x64xf32>
    %convert_element_type3A_829 = arith.truncf %get3A_828 : vector<2304x64xf32> to vector<2304x64xbf16>
    %get3A_830 = arith.constant 7 : index
    %get3A_831 = arith.constant 0 : index
    %get3A_832 = arith.constant 0 : index
    %get3A_833 = vector.load %arg6[%get3A_830, %get3A_831, %get3A_832] : memref<9x64x64xf32, #tpu.memory_space<vmem>>, vector<1x64x64xf32>
    %get3A_834 = vector.shape_cast %get3A_833 : vector<1x64x64xf32> to vector<64x64xf32>
    %convert_element_type3A_835 = arith.truncf %get3A_834 : vector<64x64xf32> to vector<64x64xbf16>
    %dot_general3A_836 = arith.constant dense<0.000000e+00> : vector<2304x64xf32>
    %dot_general3A_837 = tpu.matmul %convert_element_type3A_829, %convert_element_type3A_835, %dot_general3A_836 {dimension_numbers = #tpu.dot_dimension_numbers<[1], [0], [0], [1], [0, 0, 1, 1], [], []>, transpose_lhs_hint = false} : vector<2304x64xbf16>, vector<64x64xbf16>, vector<2304x64xf32> -> vector<2304x64xf32>
    %add3A_838 = arith.addf %add3A_825, %dot_general3A_837 : vector<2304x64xf32>
    %add3A_839 = arith.addf %add3A_797, %add3A_838 : vector<2304x64xf32>
    %broadcast_in_dim3A_840 = arith.constant 0.000000e+00 : f32
    %broadcast_in_dim3A_841 = vector.broadcast %broadcast_in_dim3A_840 : f32 to vector<2304x64xf32>
    %get3A_842 = arith.constant 17 : index
    %get3A_843 = arith.constant 0 : index
    %get3A_844 = vector.load %arg11[%get3A_842, %get3A_843] : memref<2432x64xf32, #tpu.memory_space<vmem>>, vector<2304x64xf32>
    %convert_element_type3A_845 = arith.truncf %get3A_844 : vector<2304x64xf32> to vector<2304x64xbf16>
    %get3A_846 = arith.constant 2 : index
    %get3A_847 = arith.constant 0 : index
    %get3A_848 = arith.constant 0 : index
    %get3A_849 = vector.load %arg6[%get3A_846, %get3A_847, %get3A_848] : memref<9x64x64xf32, #tpu.memory_space<vmem>>, vector<1x64x64xf32>
    %get3A_850 = vector.shape_cast %get3A_849 : vector<1x64x64xf32> to vector<64x64xf32>
    %convert_element_type3A_851 = arith.truncf %get3A_850 : vector<64x64xf32> to vector<64x64xbf16>
    %dot_general3A_852 = arith.constant dense<0.000000e+00> : vector<2304x64xf32>
    %dot_general3A_853 = tpu.matmul %convert_element_type3A_845, %convert_element_type3A_851, %dot_general3A_852 {dimension_numbers = #tpu.dot_dimension_numbers<[1], [0], [0], [1], [0, 0, 1, 1], [], []>, transpose_lhs_hint = false} : vector<2304x64xbf16>, vector<64x64xbf16>, vector<2304x64xf32> -> vector<2304x64xf32>
    %add3A_854 = arith.addf %broadcast_in_dim3A_841, %dot_general3A_853 : vector<2304x64xf32>
    %get3A_855 = arith.constant 65 : index
    %get3A_856 = arith.constant 0 : index
    %get3A_857 = vector.load %arg11[%get3A_855, %get3A_856] : memref<2432x64xf32, #tpu.memory_space<vmem>>, vector<2304x64xf32>
    %convert_element_type3A_858 = arith.truncf %get3A_857 : vector<2304x64xf32> to vector<2304x64xbf16>
    %get3A_859 = arith.constant 5 : index
    %get3A_860 = arith.constant 0 : index
    %get3A_861 = arith.constant 0 : index
    %get3A_862 = vector.load %arg6[%get3A_859, %get3A_860, %get3A_861] : memref<9x64x64xf32, #tpu.memory_space<vmem>>, vector<1x64x64xf32>
    %get3A_863 = vector.shape_cast %get3A_862 : vector<1x64x64xf32> to vector<64x64xf32>
    %convert_element_type3A_864 = arith.truncf %get3A_863 : vector<64x64xf32> to vector<64x64xbf16>
    %dot_general3A_865 = arith.constant dense<0.000000e+00> : vector<2304x64xf32>
    %dot_general3A_866 = tpu.matmul %convert_element_type3A_858, %convert_element_type3A_864, %dot_general3A_865 {dimension_numbers = #tpu.dot_dimension_numbers<[1], [0], [0], [1], [0, 0, 1, 1], [], []>, transpose_lhs_hint = false} : vector<2304x64xbf16>, vector<64x64xbf16>, vector<2304x64xf32> -> vector<2304x64xf32>
    %add3A_867 = arith.addf %add3A_854, %dot_general3A_866 : vector<2304x64xf32>
    %get3A_868 = arith.constant 113 : index
    %get3A_869 = arith.constant 0 : index
    %get3A_870 = vector.load %arg11[%get3A_868, %get3A_869] : memref<2432x64xf32, #tpu.memory_space<vmem>>, vector<2304x64xf32>
    %convert_element_type3A_871 = arith.truncf %get3A_870 : vector<2304x64xf32> to vector<2304x64xbf16>
    %get3A_872 = arith.constant 8 : index
    %get3A_873 = arith.constant 0 : index
    %get3A_874 = arith.constant 0 : index
    %get3A_875 = vector.load %arg6[%get3A_872, %get3A_873, %get3A_874] : memref<9x64x64xf32, #tpu.memory_space<vmem>>, vector<1x64x64xf32>
    %get3A_876 = vector.shape_cast %get3A_875 : vector<1x64x64xf32> to vector<64x64xf32>
    %convert_element_type3A_877 = arith.truncf %get3A_876 : vector<64x64xf32> to vector<64x64xbf16>
    %dot_general3A_878 = arith.constant dense<0.000000e+00> : vector<2304x64xf32>
    %dot_general3A_879 = tpu.matmul %convert_element_type3A_871, %convert_element_type3A_877, %dot_general3A_878 {dimension_numbers = #tpu.dot_dimension_numbers<[1], [0], [0], [1], [0, 0, 1, 1], [], []>, transpose_lhs_hint = false} : vector<2304x64xbf16>, vector<64x64xbf16>, vector<2304x64xf32> -> vector<2304x64xf32>
    %add3A_880 = arith.addf %add3A_867, %dot_general3A_879 : vector<2304x64xf32>
    %mul3A_881 = vector.broadcast %convert_element_type3A_20 : vector<2304x1xf32> to vector<2304x64xf32>
    %mul3A_882 = arith.mulf %add3A_880, %mul3A_881 : vector<2304x64xf32>
    %add3A_883 = arith.addf %add3A_839, %mul3A_882 : vector<2304x64xf32>
    %add3A_884 = vector.broadcast %get3A_751 : vector<1x64xf32> to vector<2304x64xf32>
    %add3A_885 = arith.addf %add3A_883, %add3A_884 : vector<2304x64xf32>
    %add3A_886 = arith.addf %max3A_602, %add3A_885 : vector<2304x64xf32>
    %swap3A_887 = arith.constant 1 : index
    %swap3A_888 = arith.constant 0 : index
    %swap3A_889 = arith.constant 0 : index
    %swap3A_890 = vector.load %arg8[%swap3A_887, %swap3A_888, %swap3A_889] : memref<2x2304x64xf32, #tpu.memory_space<vmem>>, vector<1x2304x64xf32>
    %swap3A_891 = vector.shape_cast %swap3A_890 : vector<1x2304x64xf32> to vector<2304x64xf32>
    %swap3A_892 = vector.shape_cast %add3A_886 : vector<2304x64xf32> to vector<1x2304x64xf32>
    tpu.vector_store %arg8[%swap3A_887, %swap3A_888, %swap3A_889], %swap3A_892 {strides = array<i32>} : memref<2x2304x64xf32, #tpu.memory_space<vmem>>, vector<1x2304x64xf32>,
    return
  }
  func.func @transform_0(%arg0: i32) -> (i32, i32, i32, i32) {
    %c0_i32 = arith.constant 0 : i32
    %c0_i32_0 = arith.constant 0 : i32
    %c0_i32_1 = arith.constant 0 : i32
    %c0_i32_2 = arith.constant 0 : i32
    return %arg0, %c0_i32, %c0_i32_0, %c0_i32_1 : i32, i32, i32, i32
  }
  func.func @transform_1(%arg0: i32) -> (i32, i32, i32) {
    %c0_i32 = arith.constant 0 : i32
    %c0_i32_0 = arith.constant 0 : i32
    %c0_i32_1 = arith.constant 0 : i32
    %c0_i32_2 = arith.constant 0 : i32
    return %c0_i32, %c0_i32_0, %c0_i32_1 : i32, i32, i32
  }
  func.func @transform_2(%arg0: i32) -> (i32, i32) {
    %c0_i32 = arith.constant 0 : i32
    %c0_i32_0 = arith.constant 0 : i32
    %c0_i32_1 = arith.constant 0 : i32
    return %c0_i32, %c0_i32_0 : i32, i32
  }
  func.func @transform_3(%arg0: i32) -> (i32, i32, i32) {
    %c0_i32 = arith.constant 0 : i32
    %c0_i32_0 = arith.constant 0 : i32
    %c0_i32_1 = arith.constant 0 : i32
    %c0_i32_2 = arith.constant 0 : i32
    return %c0_i32, %c0_i32_0, %c0_i32_1 : i32, i32, i32
  }
  func.func @transform_4(%arg0: i32) -> (i32, i32) {
    %c0_i32 = arith.constant 0 : i32
    %c0_i32_0 = arith.constant 0 : i32
    %c0_i32_1 = arith.constant 0 : i32
    return %c0_i32, %c0_i32_0 : i32, i32
  }
  func.func @transform_5(%arg0: i32) -> (i32, i32, i32) {
    %c0_i32 = arith.constant 0 : i32
    %c0_i32_0 = arith.constant 0 : i32
    %c0_i32_1 = arith.constant 0 : i32
    %c0_i32_2 = arith.constant 0 : i32
    return %c0_i32, %c0_i32_0, %c0_i32_1 : i32, i32, i32
  }
  func.func @transform_6(%arg0: i32) -> (i32, i32) {
    %c0_i32 = arith.constant 0 : i32
    %c0_i32_0 = arith.constant 0 : i32
    %c0_i32_1 = arith.constant 0 : i32
    return %c0_i32, %c0_i32_0 : i32, i32
  }
  func.func @transform_7(%arg0: i32) -> (i32, i32, i32) {
    %c0_i32 = arith.constant 0 : i32
    %c0_i32_0 = arith.constant 0 : i32
    %c0_i32_1 = arith.constant 0 : i32
    return %arg0, %c0_i32, %c0_i32_0 : i32, i32, i32
  }
  func.func @transform_8(%arg0: i32) -> (i32, i32, i32) {
    %c0_i32 = arith.constant 0 : i32
    %c0_i32_0 = arith.constant 0 : i32
    %c0_i32_1 = arith.constant 0 : i32
    return %arg0, %c0_i32, %c0_i32_0 : i32, i32, i32
  }
}

module attributes {stable_mosaic.version = 14 : i64} {
  func.func @_mlp_body(%arg0: i32, %arg1: memref<2048x64xf32, #tpu.memory_space<vmem>>, %arg2: memref<2048x8xf32, #tpu.memory_space<vmem>>, %arg3: memref<4x2048x8xf32, #tpu.memory_space<vmem>>, %arg4: memref<68x128xf32, #tpu.memory_space<vmem>>, %arg5: memref<1x128xf32, #tpu.memory_space<vmem>>, %arg6: memref<128x128xf32, #tpu.memory_space<vmem>>, %arg7: memref<1x128xf32, #tpu.memory_space<vmem>>, %arg8: memref<128x2xf32, #tpu.memory_space<vmem>>, %arg9: memref<1x2xf32, #tpu.memory_space<vmem>>, %arg10: memref<68x128xbf16, #tpu.memory_space<vmem>>, %arg11: memref<1x128xf32, #tpu.memory_space<vmem>>, %arg12: memref<128x128xbf16, #tpu.memory_space<vmem>>, %arg13: memref<1x128xf32, #tpu.memory_space<vmem>>, %arg14: memref<128x3xbf16, #tpu.memory_space<vmem>>, %arg15: memref<1x3xf32, #tpu.memory_space<vmem>>, %arg16: memref<68x256xbf16, #tpu.memory_space<vmem>>, %arg17: memref<1x256xf32, #tpu.memory_space<vmem>>, %arg18: memref<256x256xbf16, #tpu.memory_space<vmem>>, %arg19: memref<1x256xf32, #tpu.memory_space<vmem>>, %arg20: memref<256x256xbf16, #tpu.memory_space<vmem>>, %arg21: memref<1x256xf32, #tpu.memory_space<vmem>>, %arg22: memref<256x256xbf16, #tpu.memory_space<vmem>>, %arg23: memref<1x256xf32, #tpu.memory_space<vmem>>, %arg24: memref<256x3xbf16, #tpu.memory_space<vmem>>, %arg25: memref<1x3xf32, #tpu.memory_space<vmem>>, %arg26: memref<2048x3xf32, #tpu.memory_space<vmem>>, %arg27: memref<2048x2xf32, #tpu.memory_space<vmem>>) attributes {dimension_semantics = [#tpu.dimension_semantics<parallel>], iteration_bounds = array<i64: 18>, scalar_prefetch = 0 : i64, scratch_operands = 0 : i64, tpu.core_type = #tpu.core_type<tc>, window_params = [{transform_indices = @transform_0, window_bounds = array<i64: 2048, 64>}, {transform_indices = @transform_1, window_bounds = array<i64: 2048, 8>}, {transform_indices = @transform_2, window_bounds = array<i64: 4, 2048, 8>}, {pipeline_mode = #tpu.pipeline_mode<synchronous>, transform_indices = @transform_3, window_bounds = array<i64: 68, 128>}, {pipeline_mode = #tpu.pipeline_mode<synchronous>, transform_indices = @transform_4, window_bounds = array<i64: 1, 128>}, {pipeline_mode = #tpu.pipeline_mode<synchronous>, transform_indices = @transform_5, window_bounds = array<i64: 128, 128>}, {pipeline_mode = #tpu.pipeline_mode<synchronous>, transform_indices = @transform_6, window_bounds = array<i64: 1, 128>}, {pipeline_mode = #tpu.pipeline_mode<synchronous>, transform_indices = @transform_7, window_bounds = array<i64: 128, 2>}, {pipeline_mode = #tpu.pipeline_mode<synchronous>, transform_indices = @transform_8, window_bounds = array<i64: 1, 2>}, {pipeline_mode = #tpu.pipeline_mode<synchronous>, transform_indices = @transform_9, window_bounds = array<i64: 68, 128>}, {pipeline_mode = #tpu.pipeline_mode<synchronous>, transform_indices = @transform_10, window_bounds = array<i64: 1, 128>}, {pipeline_mode = #tpu.pipeline_mode<synchronous>, transform_indices = @transform_11, window_bounds = array<i64: 128, 128>}, {pipeline_mode = #tpu.pipeline_mode<synchronous>, transform_indices = @transform_12, window_bounds = array<i64: 1, 128>}, {pipeline_mode = #tpu.pipeline_mode<synchronous>, transform_indices = @transform_13, window_bounds = array<i64: 128, 3>}, {pipeline_mode = #tpu.pipeline_mode<synchronous>, transform_indices = @transform_14, window_bounds = array<i64: 1, 3>}, {pipeline_mode = #tpu.pipeline_mode<synchronous>, transform_indices = @transform_15, window_bounds = array<i64: 68, 256>}, {pipeline_mode = #tpu.pipeline_mode<synchronous>, transform_indices = @transform_16, window_bounds = array<i64: 1, 256>}, {pipeline_mode = #tpu.pipeline_mode<synchronous>, transform_indices = @transform_17, window_bounds = array<i64: 256, 256>}, {pipeline_mode = #tpu.pipeline_mode<synchronous>, transform_indices = @transform_18, window_bounds = array<i64: 1, 256>}, {pipeline_mode = #tpu.pipeline_mode<synchronous>, transform_indices = @transform_19, window_bounds = array<i64: 256, 256>}, {pipeline_mode = #tpu.pipeline_mode<synchronous>, transform_indices = @transform_20, window_bounds = array<i64: 1, 256>}, {pipeline_mode = #tpu.pipeline_mode<synchronous>, transform_indices = @transform_21, window_bounds = array<i64: 256, 256>}, {pipeline_mode = #tpu.pipeline_mode<synchronous>, transform_indices = @transform_22, window_bounds = array<i64: 1, 256>}, {pipeline_mode = #tpu.pipeline_mode<synchronous>, transform_indices = @transform_23, window_bounds = array<i64: 256, 3>}, {pipeline_mode = #tpu.pipeline_mode<synchronous>, transform_indices = @transform_24, window_bounds = array<i64: 1, 3>}, {transform_indices = @transform_25, window_bounds = array<i64: 2048, 3>}, {transform_indices = @transform_26, window_bounds = array<i64: 2048, 2>}]} {
    %get3A = arith.constant 0 : index
    %get3A_0 = arith.constant 0 : index
    %get3A_1 = vector.load %arg1[%get3A, %get3A_0] : memref<2048x64xf32, #tpu.memory_space<vmem>>, vector<2048x64xf32>
    %get3A_2 = arith.constant 0 : index
    %get3A_3 = arith.constant 0 : index
    %get3A_4 = vector.load %arg2[%get3A_2, %get3A_3] : memref<2048x8xf32, #tpu.memory_space<vmem>>, vector<2048x8xf32>
    %slice3A = vector.extract_strided_slice %get3A_4 {offsets = [0, 0], sizes = [2048, 4], strides = [1, 1]} : vector<2048x8xf32> to vector<2048x4xf32>
    %convert_element_type3A = arith.truncf %get3A_1 : vector<2048x64xf32> to vector<2048x64xbf16>
    %convert_element_type3A_5 = arith.truncf %slice3A : vector<2048x4xf32> to vector<2048x4xbf16>
    %get3A_6 = arith.constant 0 : index
    %get3A_7 = arith.constant 0 : index
    %get3A_8 = vector.load %arg5[%get3A_6, %get3A_7] : memref<1x128xf32, #tpu.memory_space<vmem>>, vector<1x128xf32>
    %get3A_9 = arith.constant 0 : index
    %get3A_10 = arith.constant 0 : index
    %get3A_11 = vector.load %arg4[%get3A_9, %get3A_10] : memref<68x128xf32, #tpu.memory_space<vmem>>, vector<64x128xf32>
    %dot_general3A = arith.constant dense<0.000000e+00> : vector<2048x128xf32>
    %dot_general3A_12 = tpu.matmul %get3A_1, %get3A_11, %dot_general3A {dimension_numbers = #tpu.dot_dimension_numbers<[1], [0], [0], [1], [0, 0, 1, 1], [], []>, transpose_lhs_hint = false} : vector<2048x64xf32>, vector<64x128xf32>, vector<2048x128xf32> -> vector<2048x128xf32>
    %get3A_13 = arith.constant 64 : index
    %get3A_14 = arith.constant 0 : index
    %get3A_15 = vector.load %arg4[%get3A_13, %get3A_14] : memref<68x128xf32, #tpu.memory_space<vmem>>, vector<4x128xf32>
    %dot_general3A_16 = arith.constant dense<0.000000e+00> : vector<2048x128xf32>
    %dot_general3A_17 = tpu.matmul %slice3A, %get3A_15, %dot_general3A_16 {dimension_numbers = #tpu.dot_dimension_numbers<[1], [0], [0], [1], [0, 0, 1, 1], [], []>, transpose_lhs_hint = false} : vector<2048x4xf32>, vector<4x128xf32>, vector<2048x128xf32> -> vector<2048x128xf32>
    %add3A = arith.addf %dot_general3A_12, %dot_general3A_17 : vector<2048x128xf32>
    %add3A_18 = vector.broadcast %get3A_8 : vector<1x128xf32> to vector<2048x128xf32>
    %add3A_19 = arith.addf %add3A, %add3A_18 : vector<2048x128xf32>
    %max3A = arith.constant 0.000000e+00 : f32
    %max3A_20 = vector.broadcast %max3A : f32 to vector<2048x128xf32>
    %max3A_21 = arith.maximumf %add3A_19, %max3A_20 : vector<2048x128xf32>
    %get3A_22 = arith.constant 0 : index
    %get3A_23 = arith.constant 0 : index
    %get3A_24 = vector.load %arg6[%get3A_22, %get3A_23] : memref<128x128xf32, #tpu.memory_space<vmem>>, vector<128x128xf32>
    %dot_general3A_25 = arith.constant dense<0.000000e+00> : vector<2048x128xf32>
    %dot_general3A_26 = tpu.matmul %max3A_21, %get3A_24, %dot_general3A_25 {dimension_numbers = #tpu.dot_dimension_numbers<[1], [0], [0], [1], [0, 0, 1, 1], [], []>, transpose_lhs_hint = false} : vector<2048x128xf32>, vector<128x128xf32>, vector<2048x128xf32> -> vector<2048x128xf32>
    %get3A_27 = arith.constant 0 : index
    %get3A_28 = arith.constant 0 : index
    %get3A_29 = vector.load %arg7[%get3A_27, %get3A_28] : memref<1x128xf32, #tpu.memory_space<vmem>>, vector<1x128xf32>
    %add3A_30 = vector.broadcast %get3A_29 : vector<1x128xf32> to vector<2048x128xf32>
    %add3A_31 = arith.addf %dot_general3A_26, %add3A_30 : vector<2048x128xf32>
    %max3A_32 = arith.constant 0.000000e+00 : f32
    %max3A_33 = vector.broadcast %max3A_32 : f32 to vector<2048x128xf32>
    %max3A_34 = arith.maximumf %add3A_31, %max3A_33 : vector<2048x128xf32>
    %get3A_35 = arith.constant 0 : index
    %get3A_36 = arith.constant 0 : index
    %get3A_37 = vector.load %arg8[%get3A_35, %get3A_36] : memref<128x2xf32, #tpu.memory_space<vmem>>, vector<128x2xf32>
    %dot_general3A_38 = arith.constant dense<0.000000e+00> : vector<2048x2xf32>
    %dot_general3A_39 = tpu.matmul %max3A_34, %get3A_37, %dot_general3A_38 {dimension_numbers = #tpu.dot_dimension_numbers<[1], [0], [0], [1], [0, 0, 1, 1], [], []>, transpose_lhs_hint = false} : vector<2048x128xf32>, vector<128x2xf32>, vector<2048x2xf32> -> vector<2048x2xf32>
    %get3A_40 = arith.constant 0 : index
    %get3A_41 = arith.constant 0 : index
    %get3A_42 = vector.load %arg9[%get3A_40, %get3A_41] : memref<1x2xf32, #tpu.memory_space<vmem>>, vector<1x2xf32>
    %add3A_43 = vector.broadcast %get3A_42 : vector<1x2xf32> to vector<2048x2xf32>
    %add3A_44 = arith.addf %dot_general3A_39, %add3A_43 : vector<2048x2xf32>
    %get3A_45 = arith.constant 0 : index
    %get3A_46 = arith.constant 0 : index
    %get3A_47 = vector.load %arg11[%get3A_45, %get3A_46] : memref<1x128xf32, #tpu.memory_space<vmem>>, vector<1x128xf32>
    %get3A_48 = arith.constant 0 : index
    %get3A_49 = arith.constant 0 : index
    %get3A_50 = vector.load %arg10[%get3A_48, %get3A_49] : memref<68x128xbf16, #tpu.memory_space<vmem>>, vector<64x128xbf16>
    %dot_general3A_51 = arith.constant dense<0.000000e+00> : vector<2048x128xf32>
    %dot_general3A_52 = tpu.matmul %convert_element_type3A, %get3A_50, %dot_general3A_51 {dimension_numbers = #tpu.dot_dimension_numbers<[1], [0], [0], [1], [0, 0, 1, 1], [], []>, transpose_lhs_hint = false} : vector<2048x64xbf16>, vector<64x128xbf16>, vector<2048x128xf32> -> vector<2048x128xf32>
    %get3A_53 = arith.constant 64 : index
    %get3A_54 = arith.constant 0 : index
    %get3A_55 = vector.load %arg10[%get3A_53, %get3A_54] : memref<68x128xbf16, #tpu.memory_space<vmem>>, vector<4x128xbf16>
    %dot_general3A_56 = arith.constant dense<0.000000e+00> : vector<2048x128xf32>
    %dot_general3A_57 = tpu.matmul %convert_element_type3A_5, %get3A_55, %dot_general3A_56 {dimension_numbers = #tpu.dot_dimension_numbers<[1], [0], [0], [1], [0, 0, 1, 1], [], []>, transpose_lhs_hint = false} : vector<2048x4xbf16>, vector<4x128xbf16>, vector<2048x128xf32> -> vector<2048x128xf32>
    %add3A_58 = arith.addf %dot_general3A_52, %dot_general3A_57 : vector<2048x128xf32>
    %convert_element_type3A_59 = arith.truncf %add3A_58 : vector<2048x128xf32> to vector<2048x128xbf16>
    %convert_element_type3A_60 = arith.truncf %get3A_47 : vector<1x128xf32> to vector<1x128xbf16>
    %add3A_61 = vector.broadcast %convert_element_type3A_60 : vector<1x128xbf16> to vector<2048x128xbf16>
    %add3A_62 = arith.addf %convert_element_type3A_59, %add3A_61 : vector<2048x128xbf16>
    %max3A_63 = arith.constant 0.000000e+00 : bf16
    %max3A_64 = vector.broadcast %max3A_63 : bf16 to vector<2048x128xbf16>
    %max3A_65 = arith.maximumf %add3A_62, %max3A_64 : vector<2048x128xbf16>
    %get3A_66 = arith.constant 0 : index
    %get3A_67 = arith.constant 0 : index
    %get3A_68 = vector.load %arg12[%get3A_66, %get3A_67] : memref<128x128xbf16, #tpu.memory_space<vmem>>, vector<128x128xbf16>
    %get3A_69 = arith.constant 0 : index
    %get3A_70 = arith.constant 0 : index
    %get3A_71 = vector.load %arg13[%get3A_69, %get3A_70] : memref<1x128xf32, #tpu.memory_space<vmem>>, vector<1x128xf32>
    %dot_general3A_72 = arith.constant dense<0.000000e+00> : vector<2048x128xf32>
    %dot_general3A_73 = tpu.matmul %max3A_65, %get3A_68, %dot_general3A_72 {dimension_numbers = #tpu.dot_dimension_numbers<[1], [0], [0], [1], [0, 0, 1, 1], [], []>, transpose_lhs_hint = false} : vector<2048x128xbf16>, vector<128x128xbf16>, vector<2048x128xf32> -> vector<2048x128xf32>
    %convert_element_type3A_74 = arith.truncf %dot_general3A_73 : vector<2048x128xf32> to vector<2048x128xbf16>
    %convert_element_type3A_75 = arith.truncf %get3A_71 : vector<1x128xf32> to vector<1x128xbf16>
    %add3A_76 = vector.broadcast %convert_element_type3A_75 : vector<1x128xbf16> to vector<2048x128xbf16>
    %add3A_77 = arith.addf %convert_element_type3A_74, %add3A_76 : vector<2048x128xbf16>
    %max3A_78 = arith.constant 0.000000e+00 : bf16
    %max3A_79 = vector.broadcast %max3A_78 : bf16 to vector<2048x128xbf16>
    %max3A_80 = arith.maximumf %add3A_77, %max3A_79 : vector<2048x128xbf16>
    %get3A_81 = arith.constant 0 : index
    %get3A_82 = arith.constant 0 : index
    %get3A_83 = vector.load %arg14[%get3A_81, %get3A_82] : memref<128x3xbf16, #tpu.memory_space<vmem>>, vector<128x3xbf16>
    %dot_general3A_84 = arith.constant dense<0.000000e+00> : vector<2048x3xf32>
    %dot_general3A_85 = tpu.matmul %max3A_80, %get3A_83, %dot_general3A_84 {dimension_numbers = #tpu.dot_dimension_numbers<[1], [0], [0], [1], [0, 0, 1, 1], [], []>, transpose_lhs_hint = false} : vector<2048x128xbf16>, vector<128x3xbf16>, vector<2048x3xf32> -> vector<2048x3xf32>
    %get3A_86 = arith.constant 0 : index
    %get3A_87 = arith.constant 0 : index
    %get3A_88 = vector.load %arg15[%get3A_86, %get3A_87] : memref<1x3xf32, #tpu.memory_space<vmem>>, vector<1x3xf32>
    %add3A_89 = vector.broadcast %get3A_88 : vector<1x3xf32> to vector<2048x3xf32>
    %add3A_90 = arith.addf %dot_general3A_85, %add3A_89 : vector<2048x3xf32>
    %get3A_91 = arith.constant 0 : index
    %get3A_92 = arith.constant 0 : index
    %get3A_93 = vector.load %arg17[%get3A_91, %get3A_92] : memref<1x256xf32, #tpu.memory_space<vmem>>, vector<1x256xf32>
    %get3A_94 = arith.constant 0 : index
    %get3A_95 = arith.constant 0 : index
    %get3A_96 = vector.load %arg16[%get3A_94, %get3A_95] : memref<68x256xbf16, #tpu.memory_space<vmem>>, vector<64x256xbf16>
    %dot_general3A_97 = arith.constant dense<0.000000e+00> : vector<2048x256xf32>
    %dot_general3A_98 = tpu.matmul %convert_element_type3A, %get3A_96, %dot_general3A_97 {dimension_numbers = #tpu.dot_dimension_numbers<[1], [0], [0], [1], [0, 0, 1, 1], [], []>, transpose_lhs_hint = false} : vector<2048x64xbf16>, vector<64x256xbf16>, vector<2048x256xf32> -> vector<2048x256xf32>
    %get3A_99 = arith.constant 64 : index
    %get3A_100 = arith.constant 0 : index
    %get3A_101 = vector.load %arg16[%get3A_99, %get3A_100] : memref<68x256xbf16, #tpu.memory_space<vmem>>, vector<4x256xbf16>
    %dot_general3A_102 = arith.constant dense<0.000000e+00> : vector<2048x256xf32>
    %dot_general3A_103 = tpu.matmul %convert_element_type3A_5, %get3A_101, %dot_general3A_102 {dimension_numbers = #tpu.dot_dimension_numbers<[1], [0], [0], [1], [0, 0, 1, 1], [], []>, transpose_lhs_hint = false} : vector<2048x4xbf16>, vector<4x256xbf16>, vector<2048x256xf32> -> vector<2048x256xf32>
    %add3A_104 = arith.addf %dot_general3A_98, %dot_general3A_103 : vector<2048x256xf32>
    %convert_element_type3A_105 = arith.truncf %add3A_104 : vector<2048x256xf32> to vector<2048x256xbf16>
    %convert_element_type3A_106 = arith.truncf %get3A_93 : vector<1x256xf32> to vector<1x256xbf16>
    %add3A_107 = vector.broadcast %convert_element_type3A_106 : vector<1x256xbf16> to vector<2048x256xbf16>
    %add3A_108 = arith.addf %convert_element_type3A_105, %add3A_107 : vector<2048x256xbf16>
    %max3A_109 = arith.constant 0.000000e+00 : bf16
    %max3A_110 = vector.broadcast %max3A_109 : bf16 to vector<2048x256xbf16>
    %max3A_111 = arith.maximumf %add3A_108, %max3A_110 : vector<2048x256xbf16>
    %get3A_112 = arith.constant 0 : index
    %get3A_113 = arith.constant 0 : index
    %get3A_114 = vector.load %arg18[%get3A_112, %get3A_113] : memref<256x256xbf16, #tpu.memory_space<vmem>>, vector<256x256xbf16>
    %get3A_115 = arith.constant 0 : index
    %get3A_116 = arith.constant 0 : index
    %get3A_117 = vector.load %arg19[%get3A_115, %get3A_116] : memref<1x256xf32, #tpu.memory_space<vmem>>, vector<1x256xf32>
    %dot_general3A_118 = arith.constant dense<0.000000e+00> : vector<2048x256xf32>
    %dot_general3A_119 = tpu.matmul %max3A_111, %get3A_114, %dot_general3A_118 {dimension_numbers = #tpu.dot_dimension_numbers<[1], [0], [0], [1], [0, 0, 1, 1], [], []>, transpose_lhs_hint = false} : vector<2048x256xbf16>, vector<256x256xbf16>, vector<2048x256xf32> -> vector<2048x256xf32>
    %convert_element_type3A_120 = arith.truncf %dot_general3A_119 : vector<2048x256xf32> to vector<2048x256xbf16>
    %convert_element_type3A_121 = arith.truncf %get3A_117 : vector<1x256xf32> to vector<1x256xbf16>
    %add3A_122 = vector.broadcast %convert_element_type3A_121 : vector<1x256xbf16> to vector<2048x256xbf16>
    %add3A_123 = arith.addf %convert_element_type3A_120, %add3A_122 : vector<2048x256xbf16>
    %max3A_124 = arith.constant 0.000000e+00 : bf16
    %max3A_125 = vector.broadcast %max3A_124 : bf16 to vector<2048x256xbf16>
    %max3A_126 = arith.maximumf %add3A_123, %max3A_125 : vector<2048x256xbf16>
    %get3A_127 = arith.constant 0 : index
    %get3A_128 = arith.constant 0 : index
    %get3A_129 = vector.load %arg20[%get3A_127, %get3A_128] : memref<256x256xbf16, #tpu.memory_space<vmem>>, vector<256x256xbf16>
    %get3A_130 = arith.constant 0 : index
    %get3A_131 = arith.constant 0 : index
    %get3A_132 = vector.load %arg21[%get3A_130, %get3A_131] : memref<1x256xf32, #tpu.memory_space<vmem>>, vector<1x256xf32>
    %dot_general3A_133 = arith.constant dense<0.000000e+00> : vector<2048x256xf32>
    %dot_general3A_134 = tpu.matmul %max3A_126, %get3A_129, %dot_general3A_133 {dimension_numbers = #tpu.dot_dimension_numbers<[1], [0], [0], [1], [0, 0, 1, 1], [], []>, transpose_lhs_hint = false} : vector<2048x256xbf16>, vector<256x256xbf16>, vector<2048x256xf32> -> vector<2048x256xf32>
    %convert_element_type3A_135 = arith.truncf %dot_general3A_134 : vector<2048x256xf32> to vector<2048x256xbf16>
    %convert_element_type3A_136 = arith.truncf %get3A_132 : vector<1x256xf32> to vector<1x256xbf16>
    %add3A_137 = vector.broadcast %convert_element_type3A_136 : vector<1x256xbf16> to vector<2048x256xbf16>
    %add3A_138 = arith.addf %convert_element_type3A_135, %add3A_137 : vector<2048x256xbf16>
    %max3A_139 = arith.constant 0.000000e+00 : bf16
    %max3A_140 = vector.broadcast %max3A_139 : bf16 to vector<2048x256xbf16>
    %max3A_141 = arith.maximumf %add3A_138, %max3A_140 : vector<2048x256xbf16>
    %get3A_142 = arith.constant 0 : index
    %get3A_143 = arith.constant 0 : index
    %get3A_144 = vector.load %arg22[%get3A_142, %get3A_143] : memref<256x256xbf16, #tpu.memory_space<vmem>>, vector<256x256xbf16>
    %get3A_145 = arith.constant 0 : index
    %get3A_146 = arith.constant 0 : index
    %get3A_147 = vector.load %arg23[%get3A_145, %get3A_146] : memref<1x256xf32, #tpu.memory_space<vmem>>, vector<1x256xf32>
    %dot_general3A_148 = arith.constant dense<0.000000e+00> : vector<2048x256xf32>
    %dot_general3A_149 = tpu.matmul %max3A_141, %get3A_144, %dot_general3A_148 {dimension_numbers = #tpu.dot_dimension_numbers<[1], [0], [0], [1], [0, 0, 1, 1], [], []>, transpose_lhs_hint = false} : vector<2048x256xbf16>, vector<256x256xbf16>, vector<2048x256xf32> -> vector<2048x256xf32>
    %convert_element_type3A_150 = arith.truncf %dot_general3A_149 : vector<2048x256xf32> to vector<2048x256xbf16>
    %convert_element_type3A_151 = arith.truncf %get3A_147 : vector<1x256xf32> to vector<1x256xbf16>
    %add3A_152 = vector.broadcast %convert_element_type3A_151 : vector<1x256xbf16> to vector<2048x256xbf16>
    %add3A_153 = arith.addf %convert_element_type3A_150, %add3A_152 : vector<2048x256xbf16>
    %max3A_154 = arith.constant 0.000000e+00 : bf16
    %max3A_155 = vector.broadcast %max3A_154 : bf16 to vector<2048x256xbf16>
    %max3A_156 = arith.maximumf %add3A_153, %max3A_155 : vector<2048x256xbf16>
    %get3A_157 = arith.constant 0 : index
    %get3A_158 = arith.constant 0 : index
    %get3A_159 = vector.load %arg24[%get3A_157, %get3A_158] : memref<256x3xbf16, #tpu.memory_space<vmem>>, vector<256x3xbf16>
    %dot_general3A_160 = arith.constant dense<0.000000e+00> : vector<2048x3xf32>
    %dot_general3A_161 = tpu.matmul %max3A_156, %get3A_159, %dot_general3A_160 {dimension_numbers = #tpu.dot_dimension_numbers<[1], [0], [0], [1], [0, 0, 1, 1], [], []>, transpose_lhs_hint = false} : vector<2048x256xbf16>, vector<256x3xbf16>, vector<2048x3xf32> -> vector<2048x3xf32>
    %get3A_162 = arith.constant 0 : index
    %get3A_163 = arith.constant 0 : index
    %get3A_164 = vector.load %arg25[%get3A_162, %get3A_163] : memref<1x3xf32, #tpu.memory_space<vmem>>, vector<1x3xf32>
    %add3A_165 = vector.broadcast %get3A_164 : vector<1x3xf32> to vector<2048x3xf32>
    %add3A_166 = arith.addf %dot_general3A_161, %add3A_165 : vector<2048x3xf32>
    %slice3A_167 = vector.extract_strided_slice %add3A_44 {offsets = [0, 1], sizes = [2048, 1], strides = [1, 1]} : vector<2048x2xf32> to vector<2048x1xf32>
    %slice3A_168 = vector.extract_strided_slice %add3A_44 {offsets = [0, 0], sizes = [2048, 1], strides = [1, 1]} : vector<2048x2xf32> to vector<2048x1xf32>
    %sub3A = arith.subf %slice3A_167, %slice3A_168 : vector<2048x1xf32>
    %neg3A = arith.constant 0.000000e+00 : f32
    %neg3A_169 = vector.broadcast %neg3A : f32 to vector<2048x1xf32>
    %neg3A_170 = arith.subf %neg3A_169, %sub3A : vector<2048x1xf32>
    %exp3A = math.exp %neg3A_170 : vector<2048x1xf32>
    %add3A_171 = arith.constant 1.000000e+00 : f32
    %add3A_172 = vector.broadcast %add3A_171 : f32 to vector<2048x1xf32>
    %add3A_173 = arith.addf %add3A_172, %exp3A : vector<2048x1xf32>
    %div3A = arith.constant 1.000000e+00 : f32
    %div3A_174 = vector.broadcast %div3A : f32 to vector<2048x1xf32>
    %div3A_175 = arith.divf %div3A_174, %add3A_173 : vector<2048x1xf32>
    %sub3A_176 = arith.constant 1.000000e+00 : f32
    %sub3A_177 = vector.broadcast %sub3A_176 : f32 to vector<2048x1xf32>
    %sub3A_178 = arith.subf %sub3A_177, %div3A_175 : vector<2048x1xf32>
    %concatenate3A = tpu.concatenate %sub3A_178, %div3A_175 in 1 : vector<2048x1xf32>, vector<2048x1xf32> -> vector<2048x2xf32>
    %swap3A = arith.constant 0 : index
    %swap3A_179 = arith.constant 0 : index
    %swap3A_180 = vector.load %arg27[%swap3A, %swap3A_179] : memref<2048x2xf32, #tpu.memory_space<vmem>>, vector<2048x2xf32>
    tpu.vector_store %arg27[%swap3A, %swap3A_179], %concatenate3A {strides = array<i32>} : memref<2048x2xf32, #tpu.memory_space<vmem>>, vector<2048x2xf32>,
    %slice3A_181 = vector.extract_strided_slice %get3A_4 {offsets = [0, 4], sizes = [2048, 1], strides = [1, 1]} : vector<2048x8xf32> to vector<2048x1xf32>
    %get3A_182 = arith.constant 0 : index
    %get3A_183 = arith.constant 0 : index
    %get3A_184 = arith.constant 0 : index
    %get3A_185 = vector.load %arg3[%get3A_182, %get3A_183, %get3A_184] : memref<4x2048x8xf32, #tpu.memory_space<vmem>>, vector<1x2048x3xf32>
    %get3A_186 = vector.shape_cast %get3A_185 : vector<1x2048x3xf32> to vector<2048x3xf32>
    %mul3A = vector.broadcast %slice3A_181 : vector<2048x1xf32> to vector<2048x3xf32>
    %mul3A_187 = arith.mulf %mul3A, %get3A_186 : vector<2048x3xf32>
    %slice3A_188 = vector.extract_strided_slice %get3A_4 {offsets = [0, 5], sizes = [2048, 1], strides = [1, 1]} : vector<2048x8xf32> to vector<2048x1xf32>
    %get3A_189 = arith.constant 1 : index
    %get3A_190 = arith.constant 0 : index
    %get3A_191 = arith.constant 0 : index
    %get3A_192 = vector.load %arg3[%get3A_189, %get3A_190, %get3A_191] : memref<4x2048x8xf32, #tpu.memory_space<vmem>>, vector<1x2048x3xf32>
    %get3A_193 = vector.shape_cast %get3A_192 : vector<1x2048x3xf32> to vector<2048x3xf32>
    %mul3A_194 = vector.broadcast %slice3A_188 : vector<2048x1xf32> to vector<2048x3xf32>
    %mul3A_195 = arith.mulf %mul3A_194, %get3A_193 : vector<2048x3xf32>
    %add3A_196 = arith.addf %mul3A_187, %mul3A_195 : vector<2048x3xf32>
    %slice3A_197 = vector.extract_strided_slice %get3A_4 {offsets = [0, 6], sizes = [2048, 1], strides = [1, 1]} : vector<2048x8xf32> to vector<2048x1xf32>
    %get3A_198 = arith.constant 2 : index
    %get3A_199 = arith.constant 0 : index
    %get3A_200 = arith.constant 0 : index
    %get3A_201 = vector.load %arg3[%get3A_198, %get3A_199, %get3A_200] : memref<4x2048x8xf32, #tpu.memory_space<vmem>>, vector<1x2048x3xf32>
    %get3A_202 = vector.shape_cast %get3A_201 : vector<1x2048x3xf32> to vector<2048x3xf32>
    %mul3A_203 = vector.broadcast %slice3A_197 : vector<2048x1xf32> to vector<2048x3xf32>
    %mul3A_204 = arith.mulf %mul3A_203, %get3A_202 : vector<2048x3xf32>
    %add3A_205 = arith.addf %add3A_196, %mul3A_204 : vector<2048x3xf32>
    %slice3A_206 = vector.extract_strided_slice %get3A_4 {offsets = [0, 7], sizes = [2048, 1], strides = [1, 1]} : vector<2048x8xf32> to vector<2048x1xf32>
    %get3A_207 = arith.constant 3 : index
    %get3A_208 = arith.constant 0 : index
    %get3A_209 = arith.constant 0 : index
    %get3A_210 = vector.load %arg3[%get3A_207, %get3A_208, %get3A_209] : memref<4x2048x8xf32, #tpu.memory_space<vmem>>, vector<1x2048x3xf32>
    %get3A_211 = vector.shape_cast %get3A_210 : vector<1x2048x3xf32> to vector<2048x3xf32>
    %mul3A_212 = vector.broadcast %slice3A_206 : vector<2048x1xf32> to vector<2048x3xf32>
    %mul3A_213 = arith.mulf %mul3A_212, %get3A_211 : vector<2048x3xf32>
    %add3A_214 = arith.addf %add3A_205, %mul3A_213 : vector<2048x3xf32>
    %mul3A_215 = vector.broadcast %sub3A_178 : vector<2048x1xf32> to vector<2048x3xf32>
    %mul3A_216 = arith.mulf %mul3A_215, %add3A_90 : vector<2048x3xf32>
    %mul3A_217 = vector.broadcast %div3A_175 : vector<2048x1xf32> to vector<2048x3xf32>
    %mul3A_218 = arith.mulf %mul3A_217, %add3A_166 : vector<2048x3xf32>
    %add3A_219 = arith.addf %mul3A_216, %mul3A_218 : vector<2048x3xf32>
    %add3A_220 = arith.addf %add3A_219, %add3A_214 : vector<2048x3xf32>
    %swap3A_221 = arith.constant 0 : index
    %swap3A_222 = arith.constant 0 : index
    %swap3A_223 = vector.load %arg26[%swap3A_221, %swap3A_222] : memref<2048x3xf32, #tpu.memory_space<vmem>>, vector<2048x3xf32>
    tpu.vector_store %arg26[%swap3A_221, %swap3A_222], %add3A_220 {strides = array<i32>} : memref<2048x3xf32, #tpu.memory_space<vmem>>, vector<2048x3xf32>,
    return
  }
  func.func @transform_0(%arg0: i32) -> (i32, i32) {
    %c0_i32 = arith.constant 0 : i32
    %c0_i32_0 = arith.constant 0 : i32
    return %arg0, %c0_i32 : i32, i32
  }
  func.func @transform_1(%arg0: i32) -> (i32, i32) {
    %c0_i32 = arith.constant 0 : i32
    %c0_i32_0 = arith.constant 0 : i32
    return %arg0, %c0_i32 : i32, i32
  }
  func.func @transform_2(%arg0: i32) -> (i32, i32, i32) {
    %c0_i32 = arith.constant 0 : i32
    %c0_i32_0 = arith.constant 0 : i32
    %c0_i32_1 = arith.constant 0 : i32
    return %c0_i32, %arg0, %c0_i32_0 : i32, i32, i32
  }
  func.func @transform_3(%arg0: i32) -> (i32, i32) {
    %c0_i32 = arith.constant 0 : i32
    %c0_i32_0 = arith.constant 0 : i32
    %c0_i32_1 = arith.constant 0 : i32
    return %c0_i32, %c0_i32_0 : i32, i32
  }
  func.func @transform_4(%arg0: i32) -> (i32, i32) {
    %c0_i32 = arith.constant 0 : i32
    %c0_i32_0 = arith.constant 0 : i32
    %c0_i32_1 = arith.constant 0 : i32
    return %c0_i32, %c0_i32_0 : i32, i32
  }
  func.func @transform_5(%arg0: i32) -> (i32, i32) {
    %c0_i32 = arith.constant 0 : i32
    %c0_i32_0 = arith.constant 0 : i32
    %c0_i32_1 = arith.constant 0 : i32
    return %c0_i32, %c0_i32_0 : i32, i32
  }
  func.func @transform_6(%arg0: i32) -> (i32, i32) {
    %c0_i32 = arith.constant 0 : i32
    %c0_i32_0 = arith.constant 0 : i32
    %c0_i32_1 = arith.constant 0 : i32
    return %c0_i32, %c0_i32_0 : i32, i32
  }
  func.func @transform_7(%arg0: i32) -> (i32, i32) {
    %c0_i32 = arith.constant 0 : i32
    %c0_i32_0 = arith.constant 0 : i32
    %c0_i32_1 = arith.constant 0 : i32
    return %c0_i32, %c0_i32_0 : i32, i32
  }
  func.func @transform_8(%arg0: i32) -> (i32, i32) {
    %c0_i32 = arith.constant 0 : i32
    %c0_i32_0 = arith.constant 0 : i32
    %c0_i32_1 = arith.constant 0 : i32
    return %c0_i32, %c0_i32_0 : i32, i32
  }
  func.func @transform_9(%arg0: i32) -> (i32, i32) {
    %c0_i32 = arith.constant 0 : i32
    %c0_i32_0 = arith.constant 0 : i32
    %c0_i32_1 = arith.constant 0 : i32
    return %c0_i32, %c0_i32_0 : i32, i32
  }
  func.func @transform_10(%arg0: i32) -> (i32, i32) {
    %c0_i32 = arith.constant 0 : i32
    %c0_i32_0 = arith.constant 0 : i32
    %c0_i32_1 = arith.constant 0 : i32
    return %c0_i32, %c0_i32_0 : i32, i32
  }
  func.func @transform_11(%arg0: i32) -> (i32, i32) {
    %c0_i32 = arith.constant 0 : i32
    %c0_i32_0 = arith.constant 0 : i32
    %c0_i32_1 = arith.constant 0 : i32
    return %c0_i32, %c0_i32_0 : i32, i32
  }
  func.func @transform_12(%arg0: i32) -> (i32, i32) {
    %c0_i32 = arith.constant 0 : i32
    %c0_i32_0 = arith.constant 0 : i32
    %c0_i32_1 = arith.constant 0 : i32
    return %c0_i32, %c0_i32_0 : i32, i32
  }
  func.func @transform_13(%arg0: i32) -> (i32, i32) {
    %c0_i32 = arith.constant 0 : i32
    %c0_i32_0 = arith.constant 0 : i32
    %c0_i32_1 = arith.constant 0 : i32
    return %c0_i32, %c0_i32_0 : i32, i32
  }
  func.func @transform_14(%arg0: i32) -> (i32, i32) {
    %c0_i32 = arith.constant 0 : i32
    %c0_i32_0 = arith.constant 0 : i32
    %c0_i32_1 = arith.constant 0 : i32
    return %c0_i32, %c0_i32_0 : i32, i32
  }
  func.func @transform_15(%arg0: i32) -> (i32, i32) {
    %c0_i32 = arith.constant 0 : i32
    %c0_i32_0 = arith.constant 0 : i32
    %c0_i32_1 = arith.constant 0 : i32
    return %c0_i32, %c0_i32_0 : i32, i32
  }
  func.func @transform_16(%arg0: i32) -> (i32, i32) {
    %c0_i32 = arith.constant 0 : i32
    %c0_i32_0 = arith.constant 0 : i32
    %c0_i32_1 = arith.constant 0 : i32
    return %c0_i32, %c0_i32_0 : i32, i32
  }
  func.func @transform_17(%arg0: i32) -> (i32, i32) {
    %c0_i32 = arith.constant 0 : i32
    %c0_i32_0 = arith.constant 0 : i32
    %c0_i32_1 = arith.constant 0 : i32
    return %c0_i32, %c0_i32_0 : i32, i32
  }
  func.func @transform_18(%arg0: i32) -> (i32, i32) {
    %c0_i32 = arith.constant 0 : i32
    %c0_i32_0 = arith.constant 0 : i32
    %c0_i32_1 = arith.constant 0 : i32
    return %c0_i32, %c0_i32_0 : i32, i32
  }
  func.func @transform_19(%arg0: i32) -> (i32, i32) {
    %c0_i32 = arith.constant 0 : i32
    %c0_i32_0 = arith.constant 0 : i32
    %c0_i32_1 = arith.constant 0 : i32
    return %c0_i32, %c0_i32_0 : i32, i32
  }
  func.func @transform_20(%arg0: i32) -> (i32, i32) {
    %c0_i32 = arith.constant 0 : i32
    %c0_i32_0 = arith.constant 0 : i32
    %c0_i32_1 = arith.constant 0 : i32
    return %c0_i32, %c0_i32_0 : i32, i32
  }
  func.func @transform_21(%arg0: i32) -> (i32, i32) {
    %c0_i32 = arith.constant 0 : i32
    %c0_i32_0 = arith.constant 0 : i32
    %c0_i32_1 = arith.constant 0 : i32
    return %c0_i32, %c0_i32_0 : i32, i32
  }
  func.func @transform_22(%arg0: i32) -> (i32, i32) {
    %c0_i32 = arith.constant 0 : i32
    %c0_i32_0 = arith.constant 0 : i32
    %c0_i32_1 = arith.constant 0 : i32
    return %c0_i32, %c0_i32_0 : i32, i32
  }
  func.func @transform_23(%arg0: i32) -> (i32, i32) {
    %c0_i32 = arith.constant 0 : i32
    %c0_i32_0 = arith.constant 0 : i32
    %c0_i32_1 = arith.constant 0 : i32
    return %c0_i32, %c0_i32_0 : i32, i32
  }
  func.func @transform_24(%arg0: i32) -> (i32, i32) {
    %c0_i32 = arith.constant 0 : i32
    %c0_i32_0 = arith.constant 0 : i32
    %c0_i32_1 = arith.constant 0 : i32
    return %c0_i32, %c0_i32_0 : i32, i32
  }
  func.func @transform_25(%arg0: i32) -> (i32, i32) {
    %c0_i32 = arith.constant 0 : i32
    %c0_i32_0 = arith.constant 0 : i32
    return %arg0, %c0_i32 : i32, i32
  }
  func.func @transform_26(%arg0: i32) -> (i32, i32) {
    %c0_i32 = arith.constant 0 : i32
    %c0_i32_0 = arith.constant 0 : i32
    return %arg0, %c0_i32 : i32, i32
  }
}

</mosaic_0001>

<sc_bundles>
// kernel: kernel.5.cloned.1.call-start
scs
__scs_entry_jumppad:
0x0: {  	(pc) =	sbr.rel $0x88, $3  }
0x1: {  	(tag) =	ssettag $0x0;
	lr =	simm.s32 $0x1  }
0x2: {  	[smem:$0x3F82] =	sst lr;
	_ =	strace $0xD0000000  }
0x3: {  	_ = 	snop  }
0x4: {  	_ = 	snop  }
0x5: {  	_ = 	snop  }
0x6: {  	_ = 	snop  }
0x7: {  	_ = 	snop  }
__scs_overlays_trampoline_lowered:
0x8: {  	[smem:$0x3F91] =	sst s0  }
0x9: {  	[smem:$0x3F92] =	sst s1  }
0xa: {  	[smem:$0x3F93] =	sst s2  }
0xb: {  	[smem:$0x3F94] =	sst s3  }
0xc: {  	[smem:$0x3F95] =	sst s4  }
0xd: {  	[smem:$0x3F96] =	sst s5  }
0xe: {  	[smem:$0x3F97] =	sst s6  }
0xf: {  	[smem:$0x3F98] =	sst s7  }
0x10: {  	[smem:$0x3F99] =	sst s8  }
0x11: {  	[smem:$0x3F9A] =	sst s9;
	s0 =	simm.s32 @!p0 $0x0  }
0x12: {  	s1 =	sld [smem:$0x3F80];
	s0 =	simm.s32 @p0 $0x1  }
0x13: {  	[smem:$0x3F9B] =	sst s0;
	s0 =	simm.s32 @!p1 $0x0  }
0x14: {  	s2 =	sld [smem:$0x3F7F];
	s0 =	simm.s32 @p1 $0x1  }
0x15: {  	[smem:$0x3F9C] =	sst s0;
	s0 =	simm.s32 @!p2 $0x0  }
0x16: {  	s3 =	sld [smem:$0x3FDB];
	s0 =	simm.s32 @p2 $0x1  }
0x17: {  	s4 =	simm.s32 $0x1BF5;
	[smem:$0x3F9E] =	sst s0  }
0x18: {  	s0 =	sld [smem:$0x3F81];
	_ =	swait.ge [sflag:s4], $0x0  }
0x19: {  	s7 =	sld [smem:$0x3F82]  }
0x1a: {  	s8 =	sadd.s32 $0xFFFFE003, lr  }
0x1b: {  	s9 =	sadd.s32 $0xFFFFFEF7, lr;
	s5 =	simm.s32 $0xFFFFFFFF;
	p2 =	slt.u32 s8, $0xFFFFF086  }
0x1c: {  	p1 =	slt.u32 s9, $0xF7A;
	s5 =	simm.s32 @!p2 $0x0  }
0x1d: {  	s5 =	simm.s32 @p1 $0x1;
	p0 =	seq.s32 s7, s2  }
0x1e: {  	s7 =	smul.u32 @!p0 $0xF7A, s2;
	p2 =	seq.s32 @!p0 s5, $0x0  }
0x1f: {  	s9 =	smul.u32 $0xF7A, s1;
	s8 =	simm.s32 @!p0 $0x1BF5;
	p2 =	por !p2, p0  }
0x20: {  	[sflag:s8] =	ssyncset.s32 @!p0 $0xFFFFF086;
	s6 =	sadd.s32 @!p0 s3, s7;
	s7 =	simm.s32 @!p0 $0x108  }
0x21: {  	s3 =	sadd.s32 s3, s9;
	s6 =	sadd.s32 @!p0 $0x88, s6;
	s7 =	simm.s32 @p2 $0x1082  }
0x22: {  	[simem:s7], [sflag:s8] =	dma.local @!p0 [hbm:s6], $0xF7A  }
0x23: {  	s9 =	sor.u32 $0xD0000000, s2;
	s6 =	simm.s32 $0x108;
	_ =	swait.ge @!p0 [sflag:s8], $0x0  }
0x24: {  	s3 =	sadd.s32 $0x88, s3;
	s6 =	simm.s32 @!p1 $0x1082;
	[sflag:s4] =	ssyncset.s32 $0xFFFFF086  }
0x25: {  	[simem:s6], [sflag:s4] =	dma.local [hbm:s3], $0xF7A  }
0x26: {  	[smem:$0x3F82] =	sst s1;
	(tag) =	ssettag s2;
	_ =	strace s9  }
0x27: {  	s1 =	sld [smem:$0x3F92]  }
0x28: {  	s2 =	sld [smem:$0x3F93]  }
0x29: {  	s4 =	sld [smem:$0x3F95]  }
0x2a: {  	p0 =	seq.s32 s5, $0x0;
	s5 =	sld [smem:$0x3F96]  }
0x2b: {  	s6 =	sld [smem:$0x3F97]  }
0x2c: {  	s7 =	sld [smem:$0x3F98]  }
0x2d: {  	s3 =	simm.s32 $0x108;
	s8 =	sld [smem:$0x3F99]  }
0x2e: {  	s3 =	simm.s32 @!p0 $0x1082;
	s9 =	sld [smem:$0x3F9A]  }
0x2f: {  	lr =	sadd.s32 s0, s3;
	s0 =	sld [smem:$0x3F91]  }
0x30: {  	s3 =	sld [smem:$0x3F94]  }
0x31: {  	[smem:$0x3F9D] =	sst s10  }
0x32: {  	s10 =	sld [smem:$0x3F9B];
	_ =	sdelay $0x3  }
0x33: {  	p0 =	seq.s32 s10, $0x1;
	s10 =	sld [smem:$0x3F9D];
	_ =	sdelay $0x3  }
0x34: {  	[smem:$0x3F9D] =	sst s10  }
0x35: {  	s10 =	sld [smem:$0x3F9C];
	_ =	sdelay $0x3  }
0x36: {  	p1 =	seq.s32 s10, $0x1;
	s10 =	sld [smem:$0x3F9D];
	_ =	sdelay $0x3  }
0x37: {  	[smem:$0x3F9D] =	sst s10  }
0x38: {  	s10 =	sld [smem:$0x3F9E]  }
0x39: {  	_ = 	snop;
	(pc) =	sbr.ind lr, $3  }
0x3a: {  	_ = 	snop  }
0x3b: {  	_ = 	snop  }
0x3c: {  	p2 =	seq.s32 s10, $0x1;
	s10 =	sld [smem:$0x3F9D]  }
0x3d: {  	_ =	shalt  }
0x3e: {  	_ =	shalt  }
0x3f: {  	_ =	shalt  }
0x40: {  	_ =	shalt  }
0x41: {  	_ =	shalt  }
0x42: {  	_ =	shalt  }
0x43: {  	_ =	shalt  }
0x44: {  	_ =	shalt  }
0x45: {  	_ =	shalt  }
0x46: {  	_ =	shalt  }
0x47: {  	_ =	shalt  }
0x48: {  	_ =	shalt  }
0x49: {  	_ =	shalt  }
0x4a: {  	_ =	shalt  }
0x4b: {  	_ =	shalt  }
0x4c: {  	_ =	shalt  }
0x4d: {  	_ =	shalt  }
0x4e: {  	_ =	shalt  }
0x4f: {  	_ =	shalt  }
0x50: {  	_ =	shalt  }
0x51: {  	_ =	shalt  }
0x52: {  	_ =	shalt  }
0x53: {  	_ =	shalt  }
0x54: {  	_ =	shalt  }
0x55: {  	_ =	shalt  }
0x56: {  	_ =	shalt  }
0x57: {  	_ =	shalt  }
0x58: {  	_ =	shalt  }
0x59: {  	_ =	shalt  }
0x5a: {  	_ =	shalt  }
0x5b: {  	_ =	shalt  }
0x5c: {  	_ =	shalt  }
0x5d: {  	_ =	shalt  }
0x5e: {  	_ =	shalt  }
0x5f: {  	_ =	shalt  }
0x60: {  	_ =	shalt  }
0x61: {  	_ =	shalt  }
0x62: {  	_ =	shalt  }
0x63: {  	_ =	shalt  }
0x64: {  	_ =	shalt  }
0x65: {  	_ =	shalt  }
0x66: {  	_ =	shalt  }
0x67: {  	_ =	shalt  }
0x68: {  	_ =	shalt  }
0x69: {  	_ =	shalt  }
0x6a: {  	_ =	shalt  }
0x6b: {  	_ =	shalt  }
0x6c: {  	_ =	shalt  }
0x6d: {  	_ =	shalt  }
0x6e: {  	_ =	shalt  }
0x6f: {  	_ =	shalt  }
0x70: {  	_ =	shalt  }
0x71: {  	_ =	shalt  }
0x72: {  	_ =	shalt  }
0x73: {  	_ =	shalt  }
0x74: {  	_ =	shalt  }
0x75: {  	_ =	shalt  }
0x76: {  	_ =	shalt  }
0x77: {  	_ =	shalt  }
0x78: {  	_ =	shalt  }
0x79: {  	_ =	shalt  }
0x7a: {  	_ =	shalt  }
0x7b: {  	_ =	shalt  }
0x7c: {  	_ =	shalt  }
0x7d: {  	_ =	shalt  }
0x7e: {  	_ =	shalt  }
0x7f: {  	_ =	shalt  }
0x80: {  	_ =	shalt  }
0x81: {  	_ =	shalt  }
0x82: {  	_ =	shalt  }
0x83: {  	_ =	shalt  }
0x84: {  	_ =	shalt  }
0x85: {  	_ =	shalt  }
0x86: {  	_ =	shalt  }
0x87: {  	_ =	shalt  }
.Lfunc_end0:
.L_simem_size_0:
called_computation_lowered:
.L_overlay_start_0:
0x88: {  	s2 =	sld [smem:$0x3FD9]  }
0x89: {  	s3 =	sld [smem:$0x3FFE];
	_ =	sdelay $0x1  }
0x8a: {  	s1 =	srdreg.scid  }
0x8b: {  	s0 =	sand.u32 $0x1, s1  }
0x8c: {  	s16 =	sshll.u32 s0, $0xA;
	s2 =	sadd.s32 s3, s2  }
0x8d: {  	s2 =	sadd.s32 s2, s16  }
0x8e: {  	[smem:$0x3FA9] =	sst s2  }
0x8f: {  	_ = 	snop  }
0x90: {  	(tm) =	ssettm $0x1  }
0x91: {  	s17 =	sld [smem:$0x3FFB];
	_ =	sdelay $0x3  }
0x92: {  	_ =	strace s17  }
0x93: {  	s2 =	sld [smem:$0x3FFC];
	_ =	sdelay $0x3  }
0x94: {  	_ =	strace s2  }
0x95: {  	s2 =	sld [smem:$0x3FFD];
	_ =	sdelay $0x3  }
0x96: {  	_ =	strace s2  }
0x97: {  	_ =	strace $0x8FFFFFFF  }
0x98: {  	s18 =	sld [smem:$0x3FDB];
	_ =	sdelay $0x1  }
0x99: {  	s19 =	simm.s32 $_scs_section_size  }
0x9a: {  	s4 =	simm.s32 $_size__tile_overlayer_lowered;
	s5 =	simm.s32 $_tile_overlayer_lowered  }
0x9b: {  	s22 =	simm.s32 $0x1BFF;
	s21 =	sshll.u32 s5, $0x1;
	s2 =	sadd.s32 s19, s18  }
0x9c: {  	s6 =	simm.s32 $0x0;
	s20 =	sshll.u32 s4, $0x1;
	s4 =	sadd.s32 s21, s2  }
0x9d: {  	[timem:s6], [sflag:s22] =	dma.local [hbm:s4], s20  }
0x9e: {  	_ =	swait.ge [sflag:s22], s20  }
0x9f: {  	s3 =	ssub.s32 $0x0, s20;
	[sflag:s22] =	ssyncset.done $0x0  }
0xa0: {  	[sflag:s22] =	ssyncadd.s32 s3;
	_ =	sdelay $0x1  }
0xa1: {  	s23 =	simm.s32 $0x1B8B  }
0xa2: {  	_ =	swait.ge [sflag:s23], $0x1  }
0xa3: {  	[sflag:s23] =	ssyncset.done $0x0  }
0xa4: {  	s25 =	simm.s32 $0x1B8E;
	s24 =	sld [smem:$0x3FFE];
	[sflag:s23] =	ssyncadd.s32 $0xFFFFFFFF  }
0xa5: {  	s26 =	simm.s32 $execute0_lowered;
	[smem:$0x3FD2] =	sst s25  }
0xa6: {  	s4 =	sshll.u32 s26, $0x1;
	_ =	strace $0x80000046;
	[dreg:$0x1] =	wrdreg $0xFFFFFFFF  }
0xa7: {  	s28 =	simm.s32 $_size_execute0_lowered;
	s2 =	sadd.s32 s2, s4;
	[dreg:$0x0] =	wrdreg $0x0  }
0xa8: {  	s4 =	sshll.u32 s28, $0x1;
	[dreg:$0x2] =	wrdreg s2  }
0xa9: {  	[dreg:$0x3] =	wrdreg s4  }
0xaa: {  	[dreg:$0x4] =	wrdreg $0xC0  }
0xab: {  	_ =	task [dreg:s6], $0x5FFFF  }
0xac: {  	[dreg:$0x1] =	wrdreg $0xFFFFFFFF  }
0xad: {  	[dreg:$0x0] =	wrdreg $0x60  }
0xae: {  	[dreg:$0x2] =	wrdreg s24  }
0xaf: {  	[dreg:$0x3] =	wrdreg $0x9  }
0xb0: {  	_ =	task.clear_ibuf [dreg:s6], $0x4FFFF;
	_ =	strace $0x90000046  }
0xb1: {  	s29 =	simm.s32 $0x9;
	_ =	strace $0x80000048  }
0xb2: {  	_ =	swait.ge [sflag:s29], $0x1  }
0xb3: {  	[sflag:s29] =	ssyncadd.s32 $0xFFFFFFFF  }
0xb4: {  	_ =	strace $0x90000048  }
0xb5: {  	_ =	sfence  }
0xb6: {  	s30 =	sld [smem:$0x0];
	_ =	sdelay $0x2  }
0xb7: {  	s31 =	sshll.u32 s1, $0xD;
	s1 =	sshrl.u32 s1, $0x2  }
0xb8: {  	s3 =	sand.u32 $0x4000, s31;
	s1 =	sadd.s32 s1, s30  }
0xb9: {  	s0 =	sor.u32 s3, s0;
	s1 =	sshll.u32 s1, $0x11  }
0xba: {  	s0 =	sor.u32 s1, s0  }
0xbb: {  	s0 =	sadd.s32 $0x8F2B, s0  }
0xbc: {  	[sflag:s0] =	ssyncadd.remote.s32 $0x1  }
0xbd: {  	_ =	sfence.sel $0xFFFF  }
0xbe: {  	[dreg:$0x0] =	wrdreg $0xFFFFFFFF;
	(pc) =	sbr.abs _section_cstart, $3  }
0xbf: {  	[dreg:$0x1] =	wrdreg $0xFFFFFFFF  }
0xc0: {  	_ =	task.clear_ibuf [dreg:s6], $0x2FFFF;
	_ =	strace $0x9FFFFFFF  }
0xc1: {  	(tm) =	ssettm $0x7FFFFFFF  }
tec
execute0_lowered:
.L_overlay_start_1:
0x0: {  	(tag) =	ssettag $0x1  }
0x1: {  	s1 =	srdreg.scid;
	s0 =	stileid.u32  }
0x2: {  	s1 =	sand.u32 $0x1, s1;
	s2 =	sshll.u32 s0, $0x1  }
0x3: {  	s4 =	rddreg [dreg:$0x0];
	s3 =	sor.u32 s1, s2;
	s2 =	simm.s32 $0x0  }
0x4: {  	s8 =	simm.s32 $0x100;
	[smem:$0x7FF] =	sst s2  }
0x5: {  	s9 =	simm.s32 $0x5680;
	_ =	strace $0x80000047;
	[dreg:$0xd] =	wrdreg s8  }
0x6: {  	s10 =	simm.s32 $0x180;
	[dreg:$0xe] =	wrdreg s9  }
0x7: {  	s11 =	simm.s32 $0x7680;
	[dreg:$0xf] =	wrdreg s10  }
0x8: {  	s12 =	simm.s32 $0x200;
	[dreg:$0x10] =	wrdreg s11  }
0x9: {  	s13 =	simm.s32 $0x9680;
	[dreg:$0x11] =	wrdreg s12  }
0xa: {  	s14 =	simm.s32 $0x280;
	[dreg:$0x12] =	wrdreg s13  }
0xb: {  	s15 =	simm.s32 $0xB680;
	[dreg:$0x13] =	wrdreg s14  }
0xc: {  	s16 =	simm.s32 $0x300;
	[dreg:$0x14] =	wrdreg s15  }
0xd: {  	s17 =	simm.s32 $0xD680;
	[dreg:$0x15] =	wrdreg s16  }
0xe: {  	s18 =	simm.s32 $0x380;
	[dreg:$0x16] =	wrdreg s17  }
0xf: {  	s19 =	simm.s32 $0xF680;
	[dreg:$0x17] =	wrdreg s18  }
0x10: {  	s20 =	simm.s32 $0x400;
	[dreg:$0x18] =	wrdreg s19  }
0x11: {  	s21 =	simm.s32 $0x11680;
	[dreg:$0x19] =	wrdreg s20  }
0x12: {  	[dreg:$0x1a] =	wrdreg s21;
	s8 =	simm.s32 $0x14A80  }
0x13: {  	s9 =	simm.s32 $0x780;
	[smem:$0x7D5] =	sst s8  }
0x14: {  	s10 =	simm.s32 $0x14E80;
	[smem:$0x7D6] =	sst s9  }
0x15: {  	s11 =	simm.s32 $0x800;
	[smem:$0x7D7] =	sst s10  }
0x16: {  	s12 =	simm.s32 $0x15280;
	[smem:$0x7D8] =	sst s11  }
0x17: {  	s13 =	simm.s32 $0x880;
	[smem:$0x7D9] =	sst s12  }
0x18: {  	s14 =	simm.s32 $0x15680;
	[smem:$0x7DA] =	sst s13  }
0x19: {  	s15 =	simm.s32 $0x980;
	[smem:$0x7DB] =	sst s14  }
0x1a: {  	s16 =	simm.s32 $0x15E80;
	[smem:$0x7DC] =	sst s15  }
0x1b: {  	s17 =	simm.s32 $0xA00;
	[smem:$0x7DD] =	sst s16  }
0x1c: {  	s18 =	simm.s32 $0x16280;
	[smem:$0x7DE] =	sst s17  }
0x1d: {  	s19 =	simm.s32 $0xA80;
	[smem:$0x7DF] =	sst s18  }
0x1e: {  	s20 =	simm.s32 $0x16680;
	[smem:$0x7E0] =	sst s19  }
0x1f: {  	s21 =	simm.s32 $0xB00;
	[smem:$0x7E1] =	sst s20  }
0x20: {  	[smem:$0x7E2] =	sst s21;
	s8 =	simm.s32 $0xE00  }
0x21: {  	s9 =	simm.s32 $0x18280;
	[smem:$0x7EC] =	sst s8  }
0x22: {  	s10 =	simm.s32 $0xE80;
	[smem:$0x7ED] =	sst s9  }
0x23: {  	s11 =	simm.s32 $0x18680;
	[smem:$0x7EE] =	sst s10  }
0x24: {  	s12 =	simm.s32 $0xF00;
	[smem:$0x7EF] =	sst s11  }
0x25: {  	s13 =	simm.s32 $0x18A80;
	[smem:$0x7F0] =	sst s12  }
0x26: {  	s15 =	simm.s32 $0xF80;
	[smem:$0x7F1] =	sst s13  }
0x27: {  	s16 =	simm.s32 $0x18E80;
	[smem:$0x7F2] =	sst s15  }
0x28: {  	s17 =	simm.s32 $0x1000;
	[smem:$0x7F3] =	sst s16  }
0x29: {  	s5 =	smul.u32 $0x480, s3;
	s18 =	simm.s32 $0x19280;
	[smem:$0x7F4] =	sst s17  }
0x2a: {  	s3 =	smul.u32 $0x2400, s3;
	s19 =	simm.s32 $0x1080;
	[smem:$0x7F5] =	sst s18  }
0x2b: {  	s20 =	simm.s32 $0x19680;
	[smem:$0x7F6] =	sst s19  }
0x2c: {  	s7 =	sadd.s32 s3, s4;
	s21 =	simm.s32 $0x1100;
	[smem:$0x7F7] =	sst s20  }
0x2d: {  	s5 =	sshrl.u32 s5, $0x3;
	s25 =	sadd.s32 $0x8800, s7;
	[smem:$0x7F8] =	sst s21  }
0x2e: {  	s5 =	sadd.s32 s5, s4;
	s7 =	simm.s32 $0x3680;
	[dreg:$0x7] =	wrdreg s25  }
0x2f: {  	s6 =	sadd.s32 $0x2E00, s5;
	[dreg:$0xc] =	wrdreg s7  }
0x30: {  	s22 =	sadd.s32 $0x4000, s5;
	[dreg:$0x2] =	wrdreg s6  }
0x31: {  	s23 =	sadd.s32 $0x5200, s5;
	[dreg:$0x3] =	wrdreg s22  }
0x32: {  	s3 =	sshrl.u32 s3, $0x3;
	s24 =	sadd.s32 $0x6400, s5;
	[dreg:$0x4] =	wrdreg s23  }
0x33: {  	s3 =	sadd.s32 s3, s4;
	s5 =	sadd.s32 $0x7600, s5;
	[dreg:$0x5] =	wrdreg s24  }
0x34: {  	s26 =	sadd.s32 $0x50800, s3;
	[dreg:$0x6] =	wrdreg s5  }
0x35: {  	s0 =	sadd.s32 $0x59800, s3;
	[dreg:$0x8] =	wrdreg s26  }
0x36: {  	s25 =	simm.s32 $0x13E80;
	[dreg:$0x9] =	wrdreg s0  }
0x37: {  	s28 =	simm.s32 $0x1580;
	s7 =	simm.s32 $0x700;
	[dreg:$0x1e] =	wrdreg s25  }
0x38: {  	s29 =	simm.s32 $0x1BE80;
	s6 =	sadd.s32 $0x62800, s3;
	[smem:$0x7D4] =	sst s7  }
0x39: {  	s30 =	simm.s32 $0x1600;
	s3 =	sadd.s32 $0x6B800, s3;
	[dreg:$0xa] =	wrdreg s6  }
0x3a: {  	s31 =	simm.s32 $0x1C280;
	s22 =	simm.s32 $0x500;
	[dreg:$0xb] =	wrdreg s3  }
0x3b: {  	s1 =	ssub.s32 $0x2, s1;
	s23 =	simm.s32 $0x13A80;
	[dreg:$0x1b] =	wrdreg s22  }
0x3c: {  	s14 =	sshrl.u32 s1, $0x1;
	s24 =	simm.s32 $0x580;
	[dreg:$0x1c] =	wrdreg s23  }
0x3d: {  	s1 =	ssub.s32 s1, s14;
	s26 =	simm.s32 $0x600;
	[dreg:$0x1d] =	wrdreg s24  }
0x3e: {  	s8 =	simm.s32 $0x900;
	s0 =	simm.s32 $0x14280;
	[dreg:$0x1f] =	wrdreg s26  }
0x3f: {  	s9 =	simm.s32 $0xD80;
	s5 =	simm.s32 $0x680;
	[smem:$0x7D1] =	sst s0  }
0x40: {  	s10 =	simm.s32 $0x1200;
	s25 =	simm.s32 $0xC00;
	[smem:$0x7D2] =	sst s5  }
0x41: {  	s11 =	simm.s32 $0x80;
	s7 =	simm.s32 $0x17A80;
	[smem:$0x7E6] =	sst s25  }
0x42: {  	s12 =	simm.s32 $0x1680;
	s6 =	simm.s32 $0x14680;
	[smem:$0x7EB] =	sst s7  }
0x43: {  	s13 =	simm.s32 $0x13680;
	s22 =	simm.s32 $0x16A80;
	[smem:$0x7D3] =	sst s6  }
0x44: {  	s14 =	simm.s32 $0x15A80;
	s23 =	simm.s32 $0xB80;
	[smem:$0x7E3] =	sst s22  }
0x45: {  	s15 =	simm.s32 $0x17E80;
	s24 =	simm.s32 $0x16E80;
	[smem:$0x7E4] =	sst s23  }
0x46: {  	s16 =	simm.s32 $0x1A280;
	s26 =	simm.s32 $0x17280;
	[smem:$0x7E5] =	sst s24  }
0x47: {  	s20 =	simm.s32 $0x1AE80;
	s0 =	simm.s32 $0xC80;
	[smem:$0x7E7] =	sst s26  }
0x48: {  	s21 =	simm.s32 $0x1400;
	s5 =	simm.s32 $0x17680;
	[smem:$0x7E8] =	sst s0  }
0x49: {  	s3 =	sadd.s32 $0x98800, s4;
	s25 =	simm.s32 $0x1280;
	[smem:$0x7E9] =	sst s5  }
0x4a: {  	s4 =	sadd.s32 $0xE0800, s4;
	s6 =	simm.s32 $0xD00;
	[smem:$0x7FC] =	sst s25  }
0x4b: {  	s7 =	simm.s32 $0x480;
	s22 =	simm.s32 $0x19A80;
	[smem:$0x7EA] =	sst s6  }
0x4c: {  	s5 =	smax.u32 s1, $0x1;
	s23 =	simm.s32 $0x1180;
	[smem:$0x7F9] =	sst s22  }
0x4d: {  	s24 =	simm.s32 $0x19E80;
	s26 =	simm.s32 $0x1A680;
	[smem:$0x7FA] =	sst s23  }
0x4e: {  	s25 =	simm.s32 $0x1500;
	s1 =	simm.s32 $0x1;
	[smem:$0x7FB] =	sst s24  }
0x4f: {  	s6 =	simm.s32 $0x2;
	[smem:$0x7FD] =	sst s26;
	s22 =	simm.s32 $0x1B280  }
0x50: {  	s23 =	simm.s32 $0x1480;
	s24 =	simm.s32 $0x1B680;
	s26 =	simm.s32 $0x1BA80  }
.LBB2_1:
0x51: {  	s0 =	rddreg [dreg:$0x2]  }
0x52: {  	[tilespmem:s2], [sflag:$0x2] =	stream.linear.gather [hbm4b:s0+s2], $0x480, $0x38;
	[tilespmem:$0x1C680] =	vst v63  }
0x53: {  	_ =	swait.ge [sflag:s6], $0x480  }
0x54: {  	[sflag:s6] =	ssyncset.done $0x0  }
0x55: {  	s18 =	rddreg [dreg:$0x3];
	[sflag:s6] =	ssyncadd.s32 $0xFFFFFB80  }
0x56: {  	[tilespmem:s7], [sflag:$0x2] =	stream.linear.gather [hbm4b:s18+s2], $0x480, $0x38;
	[tilespmem:$0x1C680] =	vst v63  }
0x57: {  	_ =	swait.ge [sflag:s6], $0x480  }
0x58: {  	[sflag:s6] =	ssyncset.done $0x0  }
0x59: {  	s19 =	rddreg [dreg:$0x4];
	[sflag:s6] =	ssyncadd.s32 $0xFFFFFB80  }
0x5a: {  	[tilespmem:s8], [sflag:$0x2] =	stream.linear.gather [hbm4b:s19+s2], $0x480, $0x38;
	[tilespmem:$0x1C680] =	vst v63  }
0x5b: {  	_ =	swait.ge [sflag:s6], $0x480  }
0x5c: {  	[sflag:s6] =	ssyncset.done $0x0  }
0x5d: {  	s17 =	rddreg [dreg:$0x5];
	[sflag:s6] =	ssyncadd.s32 $0xFFFFFB80  }
0x5e: {  	[tilespmem:s9], [sflag:$0x2] =	stream.linear.gather [hbm4b:s17+s2], $0x480, $0x38;
	[tilespmem:$0x1C680] =	vst v63  }
0x5f: {  	_ =	swait.ge [sflag:s6], $0x480  }
0x60: {  	[sflag:s6] =	ssyncset.done $0x0  }
0x61: {  	s18 =	rddreg [dreg:$0x6];
	[sflag:s6] =	ssyncadd.s32 $0xFFFFFB80  }
0x62: {  	[tilespmem:s10], [sflag:$0x2] =	stream.linear.gather [hbm4b:s18+s2], $0x480, $0x38;
	[tilespmem:$0x1C680] =	vst v63  }
0x63: {  	_ =	swait.ge [sflag:s6], $0x480  }
0x64: {  	s19 =	rddreg [dreg:$0xc]  }
0x65: {  	[sflag:s6] =	ssyncset.done $0x0;
	s17 =	rddreg [dreg:$0xd]  }
0x66: {  	s18 =	rddreg [dreg:$0xe];
	[sflag:s6] =	ssyncadd.s32 $0xFFFFFB80  }
0x67: {  	[tilespmem:s12], [sflag:$0x1] =	stream.indirect.gather [hbm4b:s3+s11], $0x40, s2, s11, $0xb8;
	[tilespmem:$0x1C680] =	vst v63  }
0x68: {  	s0 =	rddreg [dreg:$0xf]  }
0x69: {  	[tilespmem:s19], [sflag:$0x1] =	stream.indirect.gather [hbm4b:s3+s11], $0x40, s11, s11, $0xb8;
	[tilespmem:$0x1C680] =	vst v63  }
0x6a: {  	s19 =	rddreg [dreg:$0x12]  }
0x6b: {  	[tilespmem:s18], [sflag:$0x1] =	stream.indirect.gather [hbm4b:s3+s11], $0x40, s17, s11, $0xb8;
	[tilespmem:$0x1C680] =	vst v63  }
0x6c: {  	s17 =	rddreg [dreg:$0x10]  }
0x6d: {  	s18 =	rddreg [dreg:$0x11]  }
0x6e: {  	[tilespmem:s17], [sflag:$0x1] =	stream.indirect.gather [hbm4b:s3+s11], $0x40, s0, s11, $0xb8;
	[tilespmem:$0x1C680] =	vst v63  }
0x6f: {  	s0 =	rddreg [dreg:$0x13]  }
0x70: {  	s17 =	rddreg [dreg:$0x14]  }
0x71: {  	[tilespmem:s19], [sflag:$0x1] =	stream.indirect.gather [hbm4b:s3+s11], $0x40, s18, s11, $0xb8;
	[tilespmem:$0x1C680] =	vst v63  }
0x72: {  	s18 =	rddreg [dreg:$0x15]  }
0x73: {  	s19 =	rddreg [dreg:$0x16]  }
0x74: {  	[tilespmem:s17], [sflag:$0x1] =	stream.indirect.gather [hbm4b:s3+s11], $0x40, s0, s11, $0xb8;
	[tilespmem:$0x1C680] =	vst v63  }
0x75: {  	s0 =	rddreg [dreg:$0x17]  }
0x76: {  	s17 =	rddreg [dreg:$0x18]  }
0x77: {  	[tilespmem:s19], [sflag:$0x1] =	stream.indirect.gather [hbm4b:s3+s11], $0x40, s18, s11, $0xb8;
	[tilespmem:$0x1C680] =	vst v63  }
0x78: {  	s18 =	rddreg [dreg:$0x19]  }
0x79: {  	s19 =	rddreg [dreg:$0x1a]  }
0x7a: {  	[tilespmem:s17], [sflag:$0x1] =	stream.indirect.gather [hbm4b:s3+s11], $0x40, s0, s11, $0xb8;
	[tilespmem:$0x1C680] =	vst v63  }
0x7b: {  	s0 =	rddreg [dreg:$0x1b]  }
0x7c: {  	s17 =	rddreg [dreg:$0x1c]  }
0x7d: {  	[tilespmem:s19], [sflag:$0x1] =	stream.indirect.gather [hbm4b:s3+s11], $0x40, s18, s11, $0xb8;
	[tilespmem:$0x1C680] =	vst v63  }
0x7e: {  	s18 =	rddreg [dreg:$0x1d]  }
0x7f: {  	[tilespmem:s13], [sflag:$0x1] =	stream.indirect.gather [hbm4b:s4+s11], $0x8, s7, s11, $0xb8;
	[tilespmem:$0x1C680] =	vst v63  }
0x80: {  	s19 =	rddreg [dreg:$0x1e]  }
0x81: {  	[tilespmem:s17], [sflag:$0x1] =	stream.indirect.gather [hbm4b:s4+s11], $0x8, s0, s11, $0xb8;
	[tilespmem:$0x1C680] =	vst v63  }
0x82: {  	s0 =	rddreg [dreg:$0x1f]  }
0x83: {  	s17 =	sld [smem:$0x7D1]  }
0x84: {  	[tilespmem:s19], [sflag:$0x1] =	stream.indirect.gather [hbm4b:s4+s11], $0x8, s18, s11, $0xb8;
	[tilespmem:$0x1C680] =	vst v63  }
0x85: {  	s18 =	sld [smem:$0x7D2]  }
0x86: {  	s19 =	sld [smem:$0x7D3]  }
0x87: {  	[tilespmem:s17], [sflag:$0x1] =	stream.indirect.gather [hbm4b:s4+s11], $0x8, s0, s11, $0xb8;
	[tilespmem:$0x1C680] =	vst v63  }
0x88: {  	s0 =	sld [smem:$0x7D4]  }
0x89: {  	s17 =	sld [smem:$0x7D5]  }
0x8a: {  	[tilespmem:s19], [sflag:$0x1] =	stream.indirect.gather [hbm4b:s4+s11], $0x8, s18, s11, $0xb8;
	[tilespmem:$0x1C680] =	vst v63  }
0x8b: {  	s18 =	sld [smem:$0x7D6]  }
0x8c: {  	s19 =	sld [smem:$0x7D7]  }
0x8d: {  	[tilespmem:s17], [sflag:$0x1] =	stream.indirect.gather [hbm4b:s4+s11], $0x8, s0, s11, $0xb8;
	[tilespmem:$0x1C680] =	vst v63  }
0x8e: {  	s0 =	sld [smem:$0x7D8]  }
0x8f: {  	s17 =	sld [smem:$0x7D9]  }
0x90: {  	[tilespmem:s19], [sflag:$0x1] =	stream.indirect.gather [hbm4b:s4+s11], $0x8, s18, s11, $0xb8;
	[tilespmem:$0x1C680] =	vst v63  }
0x91: {  	s18 =	sld [smem:$0x7DA]  }
0x92: {  	s19 =	sld [smem:$0x7DB]  }
0x93: {  	[tilespmem:s17], [sflag:$0x1] =	stream.indirect.gather [hbm4b:s4+s11], $0x8, s0, s11, $0xb8;
	[tilespmem:$0x1C680] =	vst v63  }
0x94: {  	s0 =	sld [smem:$0x7DC]  }
0x95: {  	s17 =	sld [smem:$0x7DD]  }
0x96: {  	[tilespmem:s19], [sflag:$0x1] =	stream.indirect.gather [hbm4b:s4+s11], $0x8, s18, s11, $0xb8;
	[tilespmem:$0x1C680] =	vst v63  }
0x97: {  	s18 =	sld [smem:$0x7DE]  }
0x98: {  	[tilespmem:s14], [sflag:$0x1] =	stream.indirect.gather [hbm4b:s4+s11], $0x8, s8, s11, $0xb8;
	[tilespmem:$0x1C680] =	vst v63  }
0x99: {  	s19 =	sld [smem:$0x7DF]  }
0x9a: {  	[tilespmem:s17], [sflag:$0x1] =	stream.indirect.gather [hbm4b:s4+s11], $0x8, s0, s11, $0xb8;
	[tilespmem:$0x1C680] =	vst v63  }
0x9b: {  	s0 =	sld [smem:$0x7E0]  }
0x9c: {  	s17 =	sld [smem:$0x7E1]  }
0x9d: {  	[tilespmem:s19], [sflag:$0x1] =	stream.indirect.gather [hbm4b:s4+s11], $0x8, s18, s11, $0xb8;
	[tilespmem:$0x1C680] =	vst v63  }
0x9e: {  	s18 =	sld [smem:$0x7E2]  }
0x9f: {  	s19 =	sld [smem:$0x7E3]  }
0xa0: {  	[tilespmem:s17], [sflag:$0x1] =	stream.indirect.gather [hbm4b:s4+s11], $0x8, s0, s11, $0xb8;
	[tilespmem:$0x1C680] =	vst v63  }
0xa1: {  	s0 =	sld [smem:$0x7E4]  }
0xa2: {  	s17 =	sld [smem:$0x7E5]  }
0xa3: {  	[tilespmem:s19], [sflag:$0x1] =	stream.indirect.gather [hbm4b:s4+s11], $0x8, s18, s11, $0xb8;
	[tilespmem:$0x1C680] =	vst v63  }
0xa4: {  	s18 =	sld [smem:$0x7E6]  }
0xa5: {  	s19 =	sld [smem:$0x7E7]  }
0xa6: {  	[tilespmem:s17], [sflag:$0x1] =	stream.indirect.gather [hbm4b:s4+s11], $0x8, s0, s11, $0xb8;
	[tilespmem:$0x1C680] =	vst v63  }
0xa7: {  	s0 =	sld [smem:$0x7E8]  }
0xa8: {  	s17 =	sld [smem:$0x7E9]  }
0xa9: {  	[tilespmem:s19], [sflag:$0x1] =	stream.indirect.gather [hbm4b:s4+s11], $0x8, s18, s11, $0xb8;
	[tilespmem:$0x1C680] =	vst v63  }
0xaa: {  	s18 =	sld [smem:$0x7EA]  }
0xab: {  	s19 =	sld [smem:$0x7EB]  }
0xac: {  	[tilespmem:s17], [sflag:$0x1] =	stream.indirect.gather [hbm4b:s4+s11], $0x8, s0, s11, $0xb8;
	[tilespmem:$0x1C680] =	vst v63  }
0xad: {  	s0 =	sld [smem:$0x7EC]  }
0xae: {  	s17 =	sld [smem:$0x7ED]  }
0xaf: {  	[tilespmem:s19], [sflag:$0x1] =	stream.indirect.gather [hbm4b:s4+s11], $0x8, s18, s11, $0xb8;
	[tilespmem:$0x1C680] =	vst v63  }
0xb0: {  	s18 =	sld [smem:$0x7EE]  }
0xb1: {  	[tilespmem:s15], [sflag:$0x1] =	stream.indirect.gather [hbm4b:s4+s11], $0x8, s9, s11, $0xb8;
	[tilespmem:$0x1C680] =	vst v63  }
0xb2: {  	s19 =	sld [smem:$0x7EF]  }
0xb3: {  	[tilespmem:s17], [sflag:$0x1] =	stream.indirect.gather [hbm4b:s4+s11], $0x8, s0, s11, $0xb8;
	[tilespmem:$0x1C680] =	vst v63  }
0xb4: {  	s0 =	sld [smem:$0x7F0]  }
0xb5: {  	s17 =	sld [smem:$0x7F1]  }
0xb6: {  	[tilespmem:s19], [sflag:$0x1] =	stream.indirect.gather [hbm4b:s4+s11], $0x8, s18, s11, $0xb8;
	[tilespmem:$0x1C680] =	vst v63  }
0xb7: {  	s18 =	sld [smem:$0x7F2]  }
0xb8: {  	s19 =	sld [smem:$0x7F3]  }
0xb9: {  	[tilespmem:s17], [sflag:$0x1] =	stream.indirect.gather [hbm4b:s4+s11], $0x8, s0, s11, $0xb8;
	[tilespmem:$0x1C680] =	vst v63  }
0xba: {  	s0 =	sld [smem:$0x7F4]  }
0xbb: {  	s17 =	sld [smem:$0x7F5]  }
0xbc: {  	[tilespmem:s19], [sflag:$0x1] =	stream.indirect.gather [hbm4b:s4+s11], $0x8, s18, s11, $0xb8;
	[tilespmem:$0x1C680] =	vst v63  }
0xbd: {  	s18 =	sld [smem:$0x7F6]  }
0xbe: {  	s19 =	sld [smem:$0x7F7]  }
0xbf: {  	[tilespmem:s17], [sflag:$0x1] =	stream.indirect.gather [hbm4b:s4+s11], $0x8, s0, s11, $0xb8;
	[tilespmem:$0x1C680] =	vst v63  }
0xc0: {  	s0 =	sld [smem:$0x7F8]  }
0xc1: {  	s17 =	sld [smem:$0x7F9]  }
0xc2: {  	[tilespmem:s19], [sflag:$0x1] =	stream.indirect.gather [hbm4b:s4+s11], $0x8, s18, s11, $0xb8;
	[tilespmem:$0x1C680] =	vst v63  }
0xc3: {  	s18 =	sld [smem:$0x7FA]  }
0xc4: {  	s19 =	sld [smem:$0x7FB]  }
0xc5: {  	[tilespmem:s17], [sflag:$0x1] =	stream.indirect.gather [hbm4b:s4+s11], $0x8, s0, s11, $0xb8;
	[tilespmem:$0x1C680] =	vst v63  }
0xc6: {  	_ = 	snop  }
0xc7: {  	[tilespmem:s19], [sflag:$0x1] =	stream.indirect.gather [hbm4b:s4+s11], $0x8, s18, s11, $0xb8;
	[tilespmem:$0x1C680] =	vst v63  }
0xc8: {  	s18 =	sld [smem:$0x7FC]  }
0xc9: {  	s19 =	sld [smem:$0x7FD]  }
0xca: {  	[tilespmem:s16], [sflag:$0x1] =	stream.indirect.gather [hbm4b:s4+s11], $0x8, s10, s11, $0xb8;
	[tilespmem:$0x1C680] =	vst v63  }
0xcb: {  	_ = 	snop  }
0xcc: {  	[tilespmem:s19], [sflag:$0x1] =	stream.indirect.gather [hbm4b:s4+s11], $0x8, s18, s11, $0xb8;
	[tilespmem:$0x1C680] =	vst v63  }
0xcd: {  	s18 =	simm.s32 $0x1300;
	s19 =	simm.s32 $0x1AA80  }
0xce: {  	[tilespmem:s19], [sflag:$0x1] =	stream.indirect.gather [hbm4b:s4+s11], $0x8, s18, s11, $0xb8;
	[tilespmem:$0x1C680] =	vst v63  }
0xcf: {  	s17 =	simm.s32 $0x1380  }
0xd0: {  	[tilespmem:s20], [sflag:$0x1] =	stream.indirect.gather [hbm4b:s4+s11], $0x8, s17, s11, $0xb8;
	[tilespmem:$0x1C680] =	vst v63  }
0xd1: {  	_ = 	snop  }
0xd2: {  	[tilespmem:s22], [sflag:$0x1] =	stream.indirect.gather [hbm4b:s4+s11], $0x8, s21, s11, $0xb8;
	[tilespmem:$0x1C680] =	vst v63  }
0xd3: {  	_ = 	snop  }
0xd4: {  	[tilespmem:s24], [sflag:$0x1] =	stream.indirect.gather [hbm4b:s4+s11], $0x8, s23, s11, $0xb8;
	[tilespmem:$0x1C680] =	vst v63  }
0xd5: {  	_ = 	snop  }
0xd6: {  	[tilespmem:s26], [sflag:$0x1] =	stream.indirect.gather [hbm4b:s4+s11], $0x8, s25, s11, $0xb8;
	[tilespmem:$0x1C680] =	vst v63  }
0xd7: {  	_ = 	snop  }
0xd8: {  	[tilespmem:s29], [sflag:$0x1] =	stream.indirect.gather [hbm4b:s4+s11], $0x8, s28, s11, $0xb8;
	[tilespmem:$0x1C680] =	vst v63  }
0xd9: {  	_ = 	snop  }
0xda: {  	[tilespmem:s31], [sflag:$0x1] =	stream.indirect.gather [hbm4b:s4+s11], $0x8, s30, s11, $0xb8;
	[tilespmem:$0x1C680] =	vst v63  }
0xdb: {  	_ =	swait.ge [sflag:s1], $0x2000  }
0xdc: {  	[sflag:s1] =	ssyncset.done $0x0  }
0xdd: {  	[sflag:s1] =	ssyncadd.s32 $0xFFFFE000  }
0xde: {  	_ =	swait.ge [sflag:s1], $0x2000  }
0xdf: {  	[sflag:s1] =	ssyncset.done $0x0  }
0xe0: {  	[sflag:s1] =	ssyncadd.s32 $0xFFFFE000  }
0xe1: {  	_ =	swait.ge [sflag:s1], $0x2000  }
0xe2: {  	[sflag:s1] =	ssyncset.done $0x0  }
0xe3: {  	[sflag:s1] =	ssyncadd.s32 $0xFFFFE000  }
0xe4: {  	_ =	swait.ge [sflag:s1], $0x2000  }
0xe5: {  	[sflag:s1] =	ssyncset.done $0x0  }
0xe6: {  	[sflag:s1] =	ssyncadd.s32 $0xFFFFE000  }
0xe7: {  	_ =	swait.ge [sflag:s1], $0x2000  }
0xe8: {  	[sflag:s1] =	ssyncset.done $0x0  }
0xe9: {  	[sflag:s1] =	ssyncadd.s32 $0xFFFFE000  }
0xea: {  	_ =	swait.ge [sflag:s1], $0x2000  }
0xeb: {  	[sflag:s1] =	ssyncset.done $0x0  }
0xec: {  	[sflag:s1] =	ssyncadd.s32 $0xFFFFE000  }
0xed: {  	_ =	swait.ge [sflag:s1], $0x2000  }
0xee: {  	[sflag:s1] =	ssyncset.done $0x0  }
0xef: {  	[sflag:s1] =	ssyncadd.s32 $0xFFFFE000  }
0xf0: {  	_ =	swait.ge [sflag:s1], $0x2000  }
0xf1: {  	[sflag:s1] =	ssyncset.done $0x0  }
0xf2: {  	[sflag:s1] =	ssyncadd.s32 $0xFFFFE000  }
0xf3: {  	_ =	swait.ge [sflag:s1], $0x2000  }
0xf4: {  	[sflag:s1] =	ssyncset.done $0x0  }
0xf5: {  	[sflag:s1] =	ssyncadd.s32 $0xFFFFE000  }
0xf6: {  	_ =	swait.ge [sflag:s1], $0x400  }
0xf7: {  	[sflag:s1] =	ssyncset.done $0x0  }
0xf8: {  	[sflag:s1] =	ssyncadd.s32 $0xFFFFFC00  }
0xf9: {  	_ =	swait.ge [sflag:s1], $0x400  }
0xfa: {  	[sflag:s1] =	ssyncset.done $0x0  }
0xfb: {  	[sflag:s1] =	ssyncadd.s32 $0xFFFFFC00  }
0xfc: {  	_ =	swait.ge [sflag:s1], $0x400  }
0xfd: {  	[sflag:s1] =	ssyncset.done $0x0  }
0xfe: {  	[sflag:s1] =	ssyncadd.s32 $0xFFFFFC00  }
0xff: {  	_ =	swait.ge [sflag:s1], $0x400  }
0x100: {  	[sflag:s1] =	ssyncset.done $0x0  }
0x101: {  	[sflag:s1] =	ssyncadd.s32 $0xFFFFFC00  }
0x102: {  	_ =	swait.ge [sflag:s1], $0x400  }
0x103: {  	[sflag:s1] =	ssyncset.done $0x0  }
0x104: {  	[sflag:s1] =	ssyncadd.s32 $0xFFFFFC00  }
0x105: {  	_ =	swait.ge [sflag:s1], $0x400  }
0x106: {  	[sflag:s1] =	ssyncset.done $0x0  }
0x107: {  	[sflag:s1] =	ssyncadd.s32 $0xFFFFFC00  }
0x108: {  	_ =	swait.ge [sflag:s1], $0x400  }
0x109: {  	[sflag:s1] =	ssyncset.done $0x0  }
0x10a: {  	[sflag:s1] =	ssyncadd.s32 $0xFFFFFC00  }
0x10b: {  	_ =	swait.ge [sflag:s1], $0x400  }
0x10c: {  	[sflag:s1] =	ssyncset.done $0x0  }
0x10d: {  	[sflag:s1] =	ssyncadd.s32 $0xFFFFFC00  }
0x10e: {  	_ =	swait.ge [sflag:s1], $0x400  }
0x10f: {  	[sflag:s1] =	ssyncset.done $0x0  }
0x110: {  	[sflag:s1] =	ssyncadd.s32 $0xFFFFFC00  }
0x111: {  	_ =	swait.ge [sflag:s1], $0x400  }
0x112: {  	[sflag:s1] =	ssyncset.done $0x0  }
0x113: {  	[sflag:s1] =	ssyncadd.s32 $0xFFFFFC00  }
0x114: {  	_ =	swait.ge [sflag:s1], $0x400  }
0x115: {  	[sflag:s1] =	ssyncset.done $0x0  }
0x116: {  	[sflag:s1] =	ssyncadd.s32 $0xFFFFFC00  }
0x117: {  	_ =	swait.ge [sflag:s1], $0x400  }
0x118: {  	[sflag:s1] =	ssyncset.done $0x0  }
0x119: {  	[sflag:s1] =	ssyncadd.s32 $0xFFFFFC00  }
0x11a: {  	_ =	swait.ge [sflag:s1], $0x400  }
0x11b: {  	[sflag:s1] =	ssyncset.done $0x0  }
0x11c: {  	[sflag:s1] =	ssyncadd.s32 $0xFFFFFC00  }
0x11d: {  	_ =	swait.ge [sflag:s1], $0x400  }
0x11e: {  	[sflag:s1] =	ssyncset.done $0x0  }
0x11f: {  	[sflag:s1] =	ssyncadd.s32 $0xFFFFFC00  }
0x120: {  	_ =	swait.ge [sflag:s1], $0x400  }
0x121: {  	[sflag:s1] =	ssyncset.done $0x0  }
0x122: {  	[sflag:s1] =	ssyncadd.s32 $0xFFFFFC00  }
0x123: {  	_ =	swait.ge [sflag:s1], $0x400  }
0x124: {  	[sflag:s1] =	ssyncset.done $0x0  }
0x125: {  	[sflag:s1] =	ssyncadd.s32 $0xFFFFFC00  }
0x126: {  	_ =	swait.ge [sflag:s1], $0x400  }
0x127: {  	[sflag:s1] =	ssyncset.done $0x0  }
0x128: {  	[sflag:s1] =	ssyncadd.s32 $0xFFFFFC00  }
0x129: {  	_ =	swait.ge [sflag:s1], $0x400  }
0x12a: {  	[sflag:s1] =	ssyncset.done $0x0  }
0x12b: {  	[sflag:s1] =	ssyncadd.s32 $0xFFFFFC00  }
0x12c: {  	_ =	swait.ge [sflag:s1], $0x400  }
0x12d: {  	[sflag:s1] =	ssyncset.done $0x0  }
0x12e: {  	[sflag:s1] =	ssyncadd.s32 $0xFFFFFC00  }
0x12f: {  	_ =	swait.ge [sflag:s1], $0x400  }
0x130: {  	[sflag:s1] =	ssyncset.done $0x0  }
0x131: {  	[sflag:s1] =	ssyncadd.s32 $0xFFFFFC00  }
0x132: {  	_ =	swait.ge [sflag:s1], $0x400  }
0x133: {  	[sflag:s1] =	ssyncset.done $0x0  }
0x134: {  	[sflag:s1] =	ssyncadd.s32 $0xFFFFFC00  }
0x135: {  	_ =	swait.ge [sflag:s1], $0x400  }
0x136: {  	[sflag:s1] =	ssyncset.done $0x0  }
0x137: {  	[sflag:s1] =	ssyncadd.s32 $0xFFFFFC00  }
0x138: {  	_ =	swait.ge [sflag:s1], $0x400  }
0x139: {  	[sflag:s1] =	ssyncset.done $0x0  }
0x13a: {  	[sflag:s1] =	ssyncadd.s32 $0xFFFFFC00  }
0x13b: {  	_ =	swait.ge [sflag:s1], $0x400  }
0x13c: {  	[sflag:s1] =	ssyncset.done $0x0  }
0x13d: {  	[sflag:s1] =	ssyncadd.s32 $0xFFFFFC00  }
0x13e: {  	_ =	swait.ge [sflag:s1], $0x400  }
0x13f: {  	[sflag:s1] =	ssyncset.done $0x0  }
0x140: {  	[sflag:s1] =	ssyncadd.s32 $0xFFFFFC00  }
0x141: {  	_ =	swait.ge [sflag:s1], $0x400  }
0x142: {  	[sflag:s1] =	ssyncset.done $0x0  }
0x143: {  	[sflag:s1] =	ssyncadd.s32 $0xFFFFFC00  }
0x144: {  	_ =	swait.ge [sflag:s1], $0x400  }
0x145: {  	[sflag:s1] =	ssyncset.done $0x0  }
0x146: {  	[sflag:s1] =	ssyncadd.s32 $0xFFFFFC00  }
0x147: {  	_ =	swait.ge [sflag:s1], $0x400  }
0x148: {  	[sflag:s1] =	ssyncset.done $0x0  }
0x149: {  	[sflag:s1] =	ssyncadd.s32 $0xFFFFFC00  }
0x14a: {  	_ =	swait.ge [sflag:s1], $0x400  }
0x14b: {  	[sflag:s1] =	ssyncset.done $0x0  }
0x14c: {  	[sflag:s1] =	ssyncadd.s32 $0xFFFFFC00  }
0x14d: {  	_ =	swait.ge [sflag:s1], $0x400  }
0x14e: {  	[sflag:s1] =	ssyncset.done $0x0  }
0x14f: {  	[sflag:s1] =	ssyncadd.s32 $0xFFFFFC00  }
0x150: {  	_ =	swait.ge [sflag:s1], $0x400  }
0x151: {  	[sflag:s1] =	ssyncset.done $0x0  }
0x152: {  	[sflag:s1] =	ssyncadd.s32 $0xFFFFFC00  }
0x153: {  	_ =	swait.ge [sflag:s1], $0x400  }
0x154: {  	[sflag:s1] =	ssyncset.done $0x0  }
0x155: {  	[sflag:s1] =	ssyncadd.s32 $0xFFFFFC00  }
0x156: {  	_ =	swait.ge [sflag:s1], $0x400  }
0x157: {  	[sflag:s1] =	ssyncset.done $0x0  }
0x158: {  	[sflag:s1] =	ssyncadd.s32 $0xFFFFFC00  }
0x159: {  	_ =	swait.ge [sflag:s1], $0x400  }
0x15a: {  	[sflag:s1] =	ssyncset.done $0x0  }
0x15b: {  	[sflag:s1] =	ssyncadd.s32 $0xFFFFFC00  }
0x15c: {  	_ =	swait.ge [sflag:s1], $0x400  }
0x15d: {  	[sflag:s1] =	ssyncset.done $0x0  }
0x15e: {  	[sflag:s1] =	ssyncadd.s32 $0xFFFFFC00  }
0x15f: {  	_ =	swait.ge [sflag:s1], $0x400  }
0x160: {  	[sflag:s1] =	ssyncset.done $0x0  }
0x161: {  	s18 =	rddreg [dreg:$0x7];
	[sflag:s1] =	ssyncadd.s32 $0xFFFFFC00  }
0x162: {  	[hbm4b:s18+s2] =	stream.linear.scatter [tilespmem:s12], [sflag:$0x2], $0x12000, $0x38;
	[tilespmem:$0x1C680] =	vst v63  }
0x163: {  	_ =	swait.ge [sflag:s6], $0x12000  }
0x164: {  	[sflag:s6] =	ssyncset.done $0x0  }
0x165: {  	s19 =	rddreg [dreg:$0x8];
	[sflag:s6] =	ssyncadd.s32 $0xFFFEE000  }
0x166: {  	[hbm4b:s19+s2] =	stream.linear.scatter [tilespmem:s13], [sflag:$0x2], $0x2400, $0x38;
	[tilespmem:$0x1C680] =	vst v63  }
0x167: {  	_ =	swait.ge [sflag:s6], $0x2400  }
0x168: {  	[sflag:s6] =	ssyncset.done $0x0  }
0x169: {  	s17 =	rddreg [dreg:$0x9];
	[sflag:s6] =	ssyncadd.s32 $0xFFFFDC00  }
0x16a: {  	[hbm4b:s17+s2] =	stream.linear.scatter [tilespmem:s14], [sflag:$0x2], $0x2400, $0x38;
	[tilespmem:$0x1C680] =	vst v63  }
0x16b: {  	_ =	swait.ge [sflag:s6], $0x2400  }
0x16c: {  	[sflag:s6] =	ssyncset.done $0x0  }
0x16d: {  	s18 =	rddreg [dreg:$0xa];
	[sflag:s6] =	ssyncadd.s32 $0xFFFFDC00  }
0x16e: {  	[hbm4b:s18+s2] =	stream.linear.scatter [tilespmem:s15], [sflag:$0x2], $0x2400, $0x38;
	[tilespmem:$0x1C680] =	vst v63  }
0x16f: {  	_ =	swait.ge [sflag:s6], $0x2400  }
0x170: {  	p0 =	sne.s32 s5, $0x1;
	[sflag:s6] =	ssyncset.done $0x0  }
.Ltmp0:
0x171: {  	s19 =	rddreg [dreg:$0xb];
	[sflag:s6] =	ssyncadd.s32 $0xFFFFDC00;
	(pc) =	sbr.rel @p0 .LBB2_1-.Ltmp0, $4  }
0x172: {  	[hbm4b:s19+s2] =	stream.linear.scatter [tilespmem:s16], [sflag:$0x2], $0x2400, $0x38;
	[tilespmem:$0x1C680] =	vst v63  }
0x173: {  	_ =	swait.ge [sflag:s6], $0x2400  }
0x174: {  	[sflag:s6] =	ssyncset.done $0x0  }
0x175: {  	s5 =	sadd.s32 $0xFFFFFFFF, s5;
	[sflag:s6] =	ssyncadd.s32 $0xFFFFDC00  }
0x176: {  	_ =	sfence.sel $0x180000  }
0x177: {  	[bflag:$0x0] =	sbarrier.arrive $0xFFFF  }
0x178: {  	_ =	strace $0x90000047  }
0x179: {  	s0 =	stileid.u32;
	[bflag:$0x2] =	sbarrier.arrive $0xFFFF  }
0x17a: {  	p0 =	sne.s32 s0, $0x0;
	s0 =	rddreg [dreg:$0x1]  }
0x17b: {  	s0 =	sadd.s32 @!p0 $0x100000, s0  }
0x17c: {  	[sflag:s0] =	ssyncadd.tile.s32 @!p0 $0x1;
	_ =	shalt  }
.Lfunc_end2:
_tile_overlayer_lowered:
.L_overlay_start_2:
0x17d: {  	(tag) =	ssettag $0x2  }
0x17e: {  	s0 =	rddreg [dreg:$0x0];
	s2 =	stileid.u32  }
0x17f: {  	s1 =	rddreg [dreg:$0x1];
	p0 =	sne.s32 s2, $0x0  }
0x180: {  	s3 =	rddreg [dreg:$0x2];
	[bflag:$0x3] =	sbarrier.arrive $0xFFFF;
	s2 =	simm.s32 @!p0 $0x1C02  }
0x181: {  	[timem:s3], [sflag:s2] =	dma.local @!p0 [hbm:s0], s1  }
0x182: {  	s0 =	simm.s32 @!p0 $0x2  }
0x183: {  	_ =	swait.ge @!p0 [sflag:s0], s1  }
0x184: {  	s1 =	ssub.s32 @!p0 $0x0, s1;
	[sflag:s0] =	ssyncset.done @!p0 $0x0  }
0x185: {  	[sflag:s0] =	ssyncadd.s32 @!p0 s1  }
0x186: {  	[bflag:$0x3] =	sbarrier.arrive $0xFFFF  }
0x187: {  	_ =	shalt  }

</sc_bundles>
